<compile_context>
chip_gen: v7x
topology: tpu7x:2x2x1
jax: 0.10.2.dev20260603
libtpu: 0.0.44.dev20260713+nightly
codegen_flags: <defaults>
</compile_context>

<pallas_src>
import functools

import jax
import jax.numpy as jnp
import numpy as np
from jax import lax
from jax.experimental import pallas as pl
from jax.experimental.pallas import tpu as pltpu
from jax.experimental.pallas import tpu_sc as plsc

_N_BINS = 15
_N_ROWS = 65536
_N_COLS = 1000

_SC_ROWS = 28672
_TC_ROWS = _N_ROWS - _SC_ROWS

_NC = 2
_NS = 16
_NW = _NC * _NS
_ROWS_PER_W = _SC_ROWS // _NW
_B = 32
_SLABS = _ROWS_PER_W // _B
_GROUPS = _B // 16
_PITCH = 1009
_CH = 4

_TR = 512
_TW = 4
_TC_GRID = _TC_ROWS // (_TR * _TW)
_TC_BLK0 = _SC_ROWS // _TR


def _sc_body(logits_hbm, labels_hbm, out_hbm, slab_v, lab_v, acc_v, flat_v,
             sems):
    wid = lax.axis_index("s") * _NC + lax.axis_index("c")
    base = wid * _ROWS_PER_W

    for q in range(3 * (_N_BINS + 1)):
        acc_v[q] = jnp.zeros((16,), jnp.float32)

    lane = lax.broadcasted_iota(jnp.int32, (16,), 0)
    step_f = np.float32(1.0) / np.float32(_N_BINS)
    zero = jnp.zeros((16,), jnp.float32)
    one = jnp.ones((16,), jnp.float32)
    neg_inf = jnp.full((16,), -jnp.inf, jnp.float32)
    lane_pitch = lane * _PITCH

    def _copy(t, b):
        row0 = base + t * _B
        log_cp = pltpu.make_async_copy(
            logits_hbm.at[pl.ds(row0, _B), :],
            slab_v.at[b],
            sems.at[b, 0])
        lab_cp = pltpu.make_async_copy(
            labels_hbm.at[pl.ds(row0, _B)],
            lab_v.at[b],
            sems.at[b, 1])
        return log_cp, lab_cp

    c0a, c0b = _copy(0, 0)
    c0a.start()
    c0b.start()

    _CSTARTS = [16 * c for c in range(62)] + [984]

    def slab_loop(t, carry):
        b = lax.rem(t, 2)

        @pl.when(t + 1 < _SLABS)
        def _prefetch():
            ca, cb = _copy(t + 1, 1 - b)
            ca.start()
            cb.start()

        ca, cb = _copy(t, b)
        ca.wait()
        cb.wait()

        @plsc.parallel_loop(0, _B, 1, unroll=4)
        def _repitch(r):
            rp = r * _PITCH
            for cs in _CSTARTS:
                flat_v[pl.ds(rp + cs, 16)] = slab_v[b, r, pl.ds(cs, 16)]

        for g in range(_GROUPS):
            gbase = g * 16 * _PITCH
            init = (tuple(zero for _ in range(_CH)),
                    tuple(neg_inf for _ in range(_CH)),
                    tuple(lane_pitch + (gbase + u) for u in range(_CH)))

            @plsc.parallel_loop(0, _N_COLS // _CH, 1, unroll=4, carry=init)
            def col_result(j, c):
                ss = list(c[0])
                mm = list(c[1])
                aa = list(c[2])
                for u in range(_CH):
                    v = plsc.load_gather(flat_v, [aa[u]])
                    ss[u] = ss[u] + jnp.exp(v)
                    mm[u] = jnp.maximum(mm[u], v)
                    aa[u] = aa[u] + _CH
                return (tuple(ss), tuple(mm), tuple(aa))

            ss, mm, _ = col_result
            ss, mm = list(ss), list(mm)
            s_vec = (ss[0] + ss[1]) + (ss[2] + ss[3])
            m_vec = jnp.maximum(jnp.maximum(mm[0], mm[1]),
                                jnp.maximum(mm[2], mm[3]))

            conf = jnp.exp(m_vec) / s_vec
            labs = lab_v[b, pl.ds(g * 16, 16)]
            l_lab = plsc.load_gather(flat_v, [lane_pitch + (labs + gbase)])
            accf = jnp.where(l_lab == m_vec, one, zero)

            for i in range(_N_BINS):
                lo = np.float32(i) * step_f
                hi = np.float32(i + 1) * step_f
                in_i = jnp.logical_and(conf > lo, conf <= hi)
                plsc.addupdate(acc_v.at[i], jnp.where(in_i, one, zero))
                plsc.addupdate(acc_v.at[16 + i], jnp.where(in_i, conf, zero))
                plsc.addupdate(acc_v.at[32 + i], jnp.where(in_i, accf, zero))
        return carry

    lax.fori_loop(0, _SLABS, slab_loop, 0)
    pltpu.sync_copy(acc_v, out_hbm.at[wid])


def _tc_slab_stats(l, lab):
    m = jnp.max(l, axis=1, keepdims=True)
    e = jnp.exp(l - m)
    s = jnp.sum(e, axis=1, keepdims=True)
    conf = 1.0 / s
    idx = lax.broadcasted_iota(jnp.int32, l.shape, 1)
    l_at_lab = jnp.max(jnp.where(idx == lab, l, -jnp.inf), axis=1,
                       keepdims=True)
    accf = (l_at_lab == m).astype(jnp.float32)
    return conf, accf


def _tc_bin_partials(conf, accf):
    step_f = jnp.float32(1.0) / jnp.float32(_N_BINS)
    k = lax.broadcasted_iota(jnp.int32, (1, _N_BINS + 1), 1).astype(jnp.float32)
    lo = k * step_f
    hi = jnp.where(k >= _N_BINS, jnp.float32(jnp.inf), (k + 1.0) * step_f)
    onehot = jnp.logical_and(conf > lo, conf <= hi).astype(jnp.float32)
    cnt_p = jnp.sum(onehot, axis=0, keepdims=True)
    conf_p = jnp.sum(onehot * conf, axis=0, keepdims=True)
    acc_p = jnp.sum(onehot * accf, axis=0, keepdims=True)
    return cnt_p, conf_p, acc_p


def _tc_body(*refs):
    logits_refs = refs[:_TW]
    labels_refs = refs[_TW:2 * _TW]
    out_ref = refs[2 * _TW]
    acc_ref = refs[2 * _TW + 1]
    step = pl.program_id(0)

    @pl.when(step == 0)
    def _init():
        acc_ref[...] = jnp.zeros_like(acc_ref)

    cnt_t = jnp.zeros((1, _N_BINS + 1), jnp.float32)
    conf_t = jnp.zeros((1, _N_BINS + 1), jnp.float32)
    acc_t = jnp.zeros((1, _N_BINS + 1), jnp.float32)
    for w in range(_TW):
        conf, accf = _tc_slab_stats(logits_refs[w][...], labels_refs[w][0])
        cnt_p, conf_p, acc_p = _tc_bin_partials(conf, accf)
        cnt_t += cnt_p
        conf_t += conf_p
        acc_t += acc_p
    acc_ref[0:1, :] += cnt_t
    acc_ref[1:2, :] += conf_t
    acc_ref[2:3, :] += acc_t

    @pl.when(step == _TC_GRID - 1)
    def _final():
        out_ref[...] = acc_ref[...]


def kernel(logits, labels):
    labels_i = labels.astype(jnp.int32)

    mesh = plsc.VectorSubcoreMesh(core_axis_name="c", subcore_axis_name="s")
    sc_partials = pl.kernel(
        _sc_body,
        out_type=jax.ShapeDtypeStruct((_NW, 3 * (_N_BINS + 1), 16),
                                      jnp.float32),
        mesh=mesh,
        scratch_types=[
            pltpu.VMEM((2, _B, _N_COLS), jnp.float32),
            pltpu.VMEM((2, _B), jnp.int32),
            pltpu.VMEM((3 * (_N_BINS + 1), 16), jnp.float32),
            pltpu.VMEM((_B * _PITCH + 16,), jnp.float32),
            pltpu.SemaphoreType.DMA((2, 2)),
        ],
        compiler_params=pltpu.CompilerParams(needs_layout_passes=False),
    )(logits, labels_i)

    labels3 = labels_i.reshape(_N_ROWS // _TR, _TR, 1)
    in_specs = (
        [pl.BlockSpec(
            (_TR, _N_COLS),
            functools.partial(lambda i, w: (_TC_BLK0 + _TW * i + w, 0), w=w))
         for w in range(_TW)]
        + [pl.BlockSpec(
            (1, _TR, 1),
            functools.partial(lambda i, w: (_TC_BLK0 + _TW * i + w, 0, 0), w=w))
           for w in range(_TW)]
    )
    tc_partials = pl.pallas_call(
        _tc_body,
        grid=(_TC_GRID,),
        in_specs=in_specs,
        out_specs=pl.BlockSpec((8, _N_BINS + 1), lambda i: (0, 0)),
        out_shape=jax.ShapeDtypeStruct((8, _N_BINS + 1), jnp.float32),
        scratch_shapes=[pltpu.VMEM((8, _N_BINS + 1), jnp.float32)],
    )(*([logits] * _TW), *([labels3] * _TW))

    s_sc = jnp.sum(sc_partials, axis=(0, 2))
    cnt = s_sc[0:_N_BINS] + tc_partials[0, :_N_BINS]
    conf_s = s_sc[16:16 + _N_BINS] + tc_partials[1, :_N_BINS]
    acc_s = s_sc[32:32 + _N_BINS] + tc_partials[2, :_N_BINS]
    cnt_safe = jnp.maximum(cnt, 1.0)
    prop = cnt / _N_ROWS
    contrib = jnp.abs(conf_s / cnt_safe - acc_s / cnt_safe) * prop
    ece = jnp.sum(jnp.where(prop > 0, contrib, 0.0))
    return ece.reshape(1)

# --- scband reference (transcript-rebuilt; emitter-appended) ---
"""Pipeline reference for scband-eceloss-154618823082 (READ-ONLY COPY).

The authoritative reference and input builder live on the scoring server;
editing this copy changes nothing except your own understanding.
"""

import jax, jax.numpy as jnp
import numpy as np

N_BINS = 15

def setup_inputs(seed: int = 0) -> dict:
    key = jax.random.key(seed)
    k1, k2 = jax.random.split(key)
    logits = jax.random.normal(k1, (65536, 1000), dtype=jnp.float32)
    labels = jax.random.randint(k2, (65536,), 0, 1000, dtype=jnp.int64)
    return {"logits": logits, "labels": labels}

def reference(logits, labels):
    softmaxes = jax.nn.softmax(logits, axis=1)
    confidences = jnp.max(softmaxes, axis=1)
    predictions = jnp.argmax(softmaxes, axis=1)
    accuracies = (predictions == labels).astype(jnp.float32)
    bin_boundaries = jnp.linspace(0.0, 1.0, N_BINS + 1)
    bin_lowers = bin_boundaries[:-1]
    bin_uppers = bin_boundaries[1:]
    ece = jnp.zeros((1,), dtype=logits.dtype)
    n = confidences.shape[0]
    for i in range(N_BINS):
        lo = bin_lowers[i]
        up = bin_uppers[i]
        in_bin = jnp.logical_and(confidences > lo, confidences <= up)
        in_bin_f = in_bin.astype(jnp.float32)
        prop_in_bin = jnp.mean(in_bin_f)
        cnt = jnp.sum(in_bin_f)
        cnt_safe = jnp.maximum(cnt, 1.0)
        accuracy_in_bin = jnp.sum(accuracies * in_bin_f) / cnt_safe
        avg_confidence_in_bin = jnp.sum(confidences * in_bin_f) / cnt_safe
        contrib = jnp.abs(avg_confidence_in_bin - accuracy_in_bin) * prop_in_bin
        ece = ece + jnp.where(prop_in_bin > 0, contrib, 0.0)
    return ece

if __name__ == "__main__":
    import jax
    _d = setup_inputs()
    print(jax.jit(kernel)(*tuple(_d.values())))

</pallas_src>

<mosaic_0001>
#map = affine_map<(d0, d1) -> (0, 0)>
#map1 = affine_map<(d0, d1) -> (0)>
#map2 = affine_map<(d0, d1) -> (0, 0, 0)>
module attributes {stable_mosaic.version = 14 : i64} {
  func.func @_sc_body(%arg0: i32, %arg1: i32, %arg2: memref<65536x1000xf32, #tpu.memory_space<hbm>>, %arg3: memref<65536xi32, #tpu.memory_space<hbm>>, %arg4: memref<32x48x16xf32, #tpu.memory_space<hbm>>, %arg5: memref<2x32x1000xf32, #tpu.memory_space<vmem>>, %arg6: memref<2x32xi32, #tpu.memory_space<vmem>>, %arg7: memref<48x16xf32, #tpu.memory_space<vmem>>, %arg8: memref<32304xf32, #tpu.memory_space<vmem>>, %arg9: memref<2x2x!tpu.dma_semaphore, #tpu.memory_space<semaphore_mem>>) attributes {dimension_semantics = [#tpu.dimension_semantics<core_parallel>, #tpu.dimension_semantics<subcore_parallel>], iteration_bounds = array<i64: 2, 16>, scalar_prefetch = 0 : i64, scratch_operands = 5 : i64, tpu.core_type = #tpu.core_type<sc_vector_subcore>, window_params = [{transform_indices = #map}, {transform_indices = #map1}, {transform_indices = #map2}]} {
    %mul3A = arith.constant 2 : i32
    %mul3A_0 = arith.muli %arg1, %mul3A : i32
    %add3A = arith.addi %mul3A_0, %arg0 : i32
    %mul3A_1 = arith.constant 896 : i32
    %mul3A_2 = arith.muli %add3A, %mul3A_1 : i32
    %broadcast_in_dim3A = arith.constant 0.000000e+00 : f32
    %broadcast_in_dim3A_3 = vector.broadcast %broadcast_in_dim3A : f32 to vector<16xf32>
    %swap3A = arith.constant 0 : i32
    %swap3A_4 = arith.index_cast %swap3A : i32 to index
    %swap3A_5 = arith.constant 0 : index
    %swap3A_6 = tpu.vector_load %arg7[%swap3A_4, %swap3A_5] {strides = array<i32>} : memref<48x16xf32, #tpu.memory_space<vmem>>, vector<16xf32>,
    tpu.vector_store %arg7[%swap3A_4, %swap3A_5], %broadcast_in_dim3A_3 {strides = array<i32>} : memref<48x16xf32, #tpu.memory_space<vmem>>, vector<16xf32>,
    %broadcast_in_dim3A_7 = arith.constant 0.000000e+00 : f32
    %broadcast_in_dim3A_8 = vector.broadcast %broadcast_in_dim3A_7 : f32 to vector<16xf32>
    %swap3A_9 = arith.constant 1 : i32
    %swap3A_10 = arith.index_cast %swap3A_9 : i32 to index
    %swap3A_11 = arith.constant 0 : index
    %swap3A_12 = tpu.vector_load %arg7[%swap3A_10, %swap3A_11] {strides = array<i32>} : memref<48x16xf32, #tpu.memory_space<vmem>>, vector<16xf32>,
    tpu.vector_store %arg7[%swap3A_10, %swap3A_11], %broadcast_in_dim3A_8 {strides = array<i32>} : memref<48x16xf32, #tpu.memory_space<vmem>>, vector<16xf32>,
    %broadcast_in_dim3A_13 = arith.constant 0.000000e+00 : f32
    %broadcast_in_dim3A_14 = vector.broadcast %broadcast_in_dim3A_13 : f32 to vector<16xf32>
    %swap3A_15 = arith.constant 2 : i32
    %swap3A_16 = arith.index_cast %swap3A_15 : i32 to index
    %swap3A_17 = arith.constant 0 : index
    %swap3A_18 = tpu.vector_load %arg7[%swap3A_16, %swap3A_17] {strides = array<i32>} : memref<48x16xf32, #tpu.memory_space<vmem>>, vector<16xf32>,
    tpu.vector_store %arg7[%swap3A_16, %swap3A_17], %broadcast_in_dim3A_14 {strides = array<i32>} : memref<48x16xf32, #tpu.memory_space<vmem>>, vector<16xf32>,
    %broadcast_in_dim3A_19 = arith.constant 0.000000e+00 : f32
    %broadcast_in_dim3A_20 = vector.broadcast %broadcast_in_dim3A_19 : f32 to vector<16xf32>
    %swap3A_21 = arith.constant 3 : i32
    %swap3A_22 = arith.index_cast %swap3A_21 : i32 to index
    %swap3A_23 = arith.constant 0 : index
    %swap3A_24 = tpu.vector_load %arg7[%swap3A_22, %swap3A_23] {strides = array<i32>} : memref<48x16xf32, #tpu.memory_space<vmem>>, vector<16xf32>,
    tpu.vector_store %arg7[%swap3A_22, %swap3A_23], %broadcast_in_dim3A_20 {strides = array<i32>} : memref<48x16xf32, #tpu.memory_space<vmem>>, vector<16xf32>,
    %broadcast_in_dim3A_25 = arith.constant 0.000000e+00 : f32
    %broadcast_in_dim3A_26 = vector.broadcast %broadcast_in_dim3A_25 : f32 to vector<16xf32>
    %swap3A_27 = arith.constant 4 : i32
    %swap3A_28 = arith.index_cast %swap3A_27 : i32 to index
    %swap3A_29 = arith.constant 0 : index
    %swap3A_30 = tpu.vector_load %arg7[%swap3A_28, %swap3A_29] {strides = array<i32>} : memref<48x16xf32, #tpu.memory_space<vmem>>, vector<16xf32>,
    tpu.vector_store %arg7[%swap3A_28, %swap3A_29], %broadcast_in_dim3A_26 {strides = array<i32>} : memref<48x16xf32, #tpu.memory_space<vmem>>, vector<16xf32>,
    %broadcast_in_dim3A_31 = arith.constant 0.000000e+00 : f32
    %broadcast_in_dim3A_32 = vector.broadcast %broadcast_in_dim3A_31 : f32 to vector<16xf32>
    %swap3A_33 = arith.constant 5 : i32
    %swap3A_34 = arith.index_cast %swap3A_33 : i32 to index
    %swap3A_35 = arith.constant 0 : index
    %swap3A_36 = tpu.vector_load %arg7[%swap3A_34, %swap3A_35] {strides = array<i32>} : memref<48x16xf32, #tpu.memory_space<vmem>>, vector<16xf32>,
    tpu.vector_store %arg7[%swap3A_34, %swap3A_35], %broadcast_in_dim3A_32 {strides = array<i32>} : memref<48x16xf32, #tpu.memory_space<vmem>>, vector<16xf32>,
    %broadcast_in_dim3A_37 = arith.constant 0.000000e+00 : f32
    %broadcast_in_dim3A_38 = vector.broadcast %broadcast_in_dim3A_37 : f32 to vector<16xf32>
    %swap3A_39 = arith.constant 6 : i32
    %swap3A_40 = arith.index_cast %swap3A_39 : i32 to index
    %swap3A_41 = arith.constant 0 : index
    %swap3A_42 = tpu.vector_load %arg7[%swap3A_40, %swap3A_41] {strides = array<i32>} : memref<48x16xf32, #tpu.memory_space<vmem>>, vector<16xf32>,
    tpu.vector_store %arg7[%swap3A_40, %swap3A_41], %broadcast_in_dim3A_38 {strides = array<i32>} : memref<48x16xf32, #tpu.memory_space<vmem>>, vector<16xf32>,
    %broadcast_in_dim3A_43 = arith.constant 0.000000e+00 : f32
    %broadcast_in_dim3A_44 = vector.broadcast %broadcast_in_dim3A_43 : f32 to vector<16xf32>
    %swap3A_45 = arith.constant 7 : i32
    %swap3A_46 = arith.index_cast %swap3A_45 : i32 to index
    %swap3A_47 = arith.constant 0 : index
    %swap3A_48 = tpu.vector_load %arg7[%swap3A_46, %swap3A_47] {strides = array<i32>} : memref<48x16xf32, #tpu.memory_space<vmem>>, vector<16xf32>,
    tpu.vector_store %arg7[%swap3A_46, %swap3A_47], %broadcast_in_dim3A_44 {strides = array<i32>} : memref<48x16xf32, #tpu.memory_space<vmem>>, vector<16xf32>,
    %broadcast_in_dim3A_49 = arith.constant 0.000000e+00 : f32
    %broadcast_in_dim3A_50 = vector.broadcast %broadcast_in_dim3A_49 : f32 to vector<16xf32>
    %swap3A_51 = arith.constant 8 : i32
    %swap3A_52 = arith.index_cast %swap3A_51 : i32 to index
    %swap3A_53 = arith.constant 0 : index
    %swap3A_54 = tpu.vector_load %arg7[%swap3A_52, %swap3A_53] {strides = array<i32>} : memref<48x16xf32, #tpu.memory_space<vmem>>, vector<16xf32>,
    tpu.vector_store %arg7[%swap3A_52, %swap3A_53], %broadcast_in_dim3A_50 {strides = array<i32>} : memref<48x16xf32, #tpu.memory_space<vmem>>, vector<16xf32>,
    %broadcast_in_dim3A_55 = arith.constant 0.000000e+00 : f32
    %broadcast_in_dim3A_56 = vector.broadcast %broadcast_in_dim3A_55 : f32 to vector<16xf32>
    %swap3A_57 = arith.constant 9 : i32
    %swap3A_58 = arith.index_cast %swap3A_57 : i32 to index
    %swap3A_59 = arith.constant 0 : index
    %swap3A_60 = tpu.vector_load %arg7[%swap3A_58, %swap3A_59] {strides = array<i32>} : memref<48x16xf32, #tpu.memory_space<vmem>>, vector<16xf32>,
    tpu.vector_store %arg7[%swap3A_58, %swap3A_59], %broadcast_in_dim3A_56 {strides = array<i32>} : memref<48x16xf32, #tpu.memory_space<vmem>>, vector<16xf32>,
    %broadcast_in_dim3A_61 = arith.constant 0.000000e+00 : f32
    %broadcast_in_dim3A_62 = vector.broadcast %broadcast_in_dim3A_61 : f32 to vector<16xf32>
    %swap3A_63 = arith.constant 10 : i32
    %swap3A_64 = arith.index_cast %swap3A_63 : i32 to index
    %swap3A_65 = arith.constant 0 : index
    %swap3A_66 = tpu.vector_load %arg7[%swap3A_64, %swap3A_65] {strides = array<i32>} : memref<48x16xf32, #tpu.memory_space<vmem>>, vector<16xf32>,
    tpu.vector_store %arg7[%swap3A_64, %swap3A_65], %broadcast_in_dim3A_62 {strides = array<i32>} : memref<48x16xf32, #tpu.memory_space<vmem>>, vector<16xf32>,
    %broadcast_in_dim3A_67 = arith.constant 0.000000e+00 : f32
    %broadcast_in_dim3A_68 = vector.broadcast %broadcast_in_dim3A_67 : f32 to vector<16xf32>
    %swap3A_69 = arith.constant 11 : i32
    %swap3A_70 = arith.index_cast %swap3A_69 : i32 to index
    %swap3A_71 = arith.constant 0 : index
    %swap3A_72 = tpu.vector_load %arg7[%swap3A_70, %swap3A_71] {strides = array<i32>} : memref<48x16xf32, #tpu.memory_space<vmem>>, vector<16xf32>,
    tpu.vector_store %arg7[%swap3A_70, %swap3A_71], %broadcast_in_dim3A_68 {strides = array<i32>} : memref<48x16xf32, #tpu.memory_space<vmem>>, vector<16xf32>,
    %broadcast_in_dim3A_73 = arith.constant 0.000000e+00 : f32
    %broadcast_in_dim3A_74 = vector.broadcast %broadcast_in_dim3A_73 : f32 to vector<16xf32>
    %swap3A_75 = arith.constant 12 : i32
    %swap3A_76 = arith.index_cast %swap3A_75 : i32 to index
    %swap3A_77 = arith.constant 0 : index
    %swap3A_78 = tpu.vector_load %arg7[%swap3A_76, %swap3A_77] {strides = array<i32>} : memref<48x16xf32, #tpu.memory_space<vmem>>, vector<16xf32>,
    tpu.vector_store %arg7[%swap3A_76, %swap3A_77], %broadcast_in_dim3A_74 {strides = array<i32>} : memref<48x16xf32, #tpu.memory_space<vmem>>, vector<16xf32>,
    %broadcast_in_dim3A_79 = arith.constant 0.000000e+00 : f32
    %broadcast_in_dim3A_80 = vector.broadcast %broadcast_in_dim3A_79 : f32 to vector<16xf32>
    %swap3A_81 = arith.constant 13 : i32
    %swap3A_82 = arith.index_cast %swap3A_81 : i32 to index
    %swap3A_83 = arith.constant 0 : index
    %swap3A_84 = tpu.vector_load %arg7[%swap3A_82, %swap3A_83] {strides = array<i32>} : memref<48x16xf32, #tpu.memory_space<vmem>>, vector<16xf32>,
    tpu.vector_store %arg7[%swap3A_82, %swap3A_83], %broadcast_in_dim3A_80 {strides = array<i32>} : memref<48x16xf32, #tpu.memory_space<vmem>>, vector<16xf32>,
    %broadcast_in_dim3A_85 = arith.constant 0.000000e+00 : f32
    %broadcast_in_dim3A_86 = vector.broadcast %broadcast_in_dim3A_85 : f32 to vector<16xf32>
    %swap3A_87 = arith.constant 14 : i32
    %swap3A_88 = arith.index_cast %swap3A_87 : i32 to index
    %swap3A_89 = arith.constant 0 : index
    %swap3A_90 = tpu.vector_load %arg7[%swap3A_88, %swap3A_89] {strides = array<i32>} : memref<48x16xf32, #tpu.memory_space<vmem>>, vector<16xf32>,
    tpu.vector_store %arg7[%swap3A_88, %swap3A_89], %broadcast_in_dim3A_86 {strides = array<i32>} : memref<48x16xf32, #tpu.memory_space<vmem>>, vector<16xf32>,
    %broadcast_in_dim3A_91 = arith.constant 0.000000e+00 : f32
    %broadcast_in_dim3A_92 = vector.broadcast %broadcast_in_dim3A_91 : f32 to vector<16xf32>
    %swap3A_93 = arith.constant 15 : i32
    %swap3A_94 = arith.index_cast %swap3A_93 : i32 to index
    %swap3A_95 = arith.constant 0 : index
    %swap3A_96 = tpu.vector_load %arg7[%swap3A_94, %swap3A_95] {strides = array<i32>} : memref<48x16xf32, #tpu.memory_space<vmem>>, vector<16xf32>,
    tpu.vector_store %arg7[%swap3A_94, %swap3A_95], %broadcast_in_dim3A_92 {strides = array<i32>} : memref<48x16xf32, #tpu.memory_space<vmem>>, vector<16xf32>,
    %broadcast_in_dim3A_97 = arith.constant 0.000000e+00 : f32
    %broadcast_in_dim3A_98 = vector.broadcast %broadcast_in_dim3A_97 : f32 to vector<16xf32>
    %swap3A_99 = arith.constant 16 : i32
    %swap3A_100 = arith.index_cast %swap3A_99 : i32 to index
    %swap3A_101 = arith.constant 0 : index
    %swap3A_102 = tpu.vector_load %arg7[%swap3A_100, %swap3A_101] {strides = array<i32>} : memref<48x16xf32, #tpu.memory_space<vmem>>, vector<16xf32>,
    tpu.vector_store %arg7[%swap3A_100, %swap3A_101], %broadcast_in_dim3A_98 {strides = array<i32>} : memref<48x16xf32, #tpu.memory_space<vmem>>, vector<16xf32>,
    %broadcast_in_dim3A_103 = arith.constant 0.000000e+00 : f32
    %broadcast_in_dim3A_104 = vector.broadcast %broadcast_in_dim3A_103 : f32 to vector<16xf32>
    %swap3A_105 = arith.constant 17 : i32
    %swap3A_106 = arith.index_cast %swap3A_105 : i32 to index
    %swap3A_107 = arith.constant 0 : index
    %swap3A_108 = tpu.vector_load %arg7[%swap3A_106, %swap3A_107] {strides = array<i32>} : memref<48x16xf32, #tpu.memory_space<vmem>>, vector<16xf32>,
    tpu.vector_store %arg7[%swap3A_106, %swap3A_107], %broadcast_in_dim3A_104 {strides = array<i32>} : memref<48x16xf32, #tpu.memory_space<vmem>>, vector<16xf32>,
    %broadcast_in_dim3A_109 = arith.constant 0.000000e+00 : f32
    %broadcast_in_dim3A_110 = vector.broadcast %broadcast_in_dim3A_109 : f32 to vector<16xf32>
    %swap3A_111 = arith.constant 18 : i32
    %swap3A_112 = arith.index_cast %swap3A_111 : i32 to index
    %swap3A_113 = arith.constant 0 : index
    %swap3A_114 = tpu.vector_load %arg7[%swap3A_112, %swap3A_113] {strides = array<i32>} : memref<48x16xf32, #tpu.memory_space<vmem>>, vector<16xf32>,
    tpu.vector_store %arg7[%swap3A_112, %swap3A_113], %broadcast_in_dim3A_110 {strides = array<i32>} : memref<48x16xf32, #tpu.memory_space<vmem>>, vector<16xf32>,
    %broadcast_in_dim3A_115 = arith.constant 0.000000e+00 : f32
    %broadcast_in_dim3A_116 = vector.broadcast %broadcast_in_dim3A_115 : f32 to vector<16xf32>
    %swap3A_117 = arith.constant 19 : i32
    %swap3A_118 = arith.index_cast %swap3A_117 : i32 to index
    %swap3A_119 = arith.constant 0 : index
    %swap3A_120 = tpu.vector_load %arg7[%swap3A_118, %swap3A_119] {strides = array<i32>} : memref<48x16xf32, #tpu.memory_space<vmem>>, vector<16xf32>,
    tpu.vector_store %arg7[%swap3A_118, %swap3A_119], %broadcast_in_dim3A_116 {strides = array<i32>} : memref<48x16xf32, #tpu.memory_space<vmem>>, vector<16xf32>,
    %broadcast_in_dim3A_121 = arith.constant 0.000000e+00 : f32
    %broadcast_in_dim3A_122 = vector.broadcast %broadcast_in_dim3A_121 : f32 to vector<16xf32>
    %swap3A_123 = arith.constant 20 : i32
    %swap3A_124 = arith.index_cast %swap3A_123 : i32 to index
    %swap3A_125 = arith.constant 0 : index
    %swap3A_126 = tpu.vector_load %arg7[%swap3A_124, %swap3A_125] {strides = array<i32>} : memref<48x16xf32, #tpu.memory_space<vmem>>, vector<16xf32>,
    tpu.vector_store %arg7[%swap3A_124, %swap3A_125], %broadcast_in_dim3A_122 {strides = array<i32>} : memref<48x16xf32, #tpu.memory_space<vmem>>, vector<16xf32>,
    %broadcast_in_dim3A_127 = arith.constant 0.000000e+00 : f32
    %broadcast_in_dim3A_128 = vector.broadcast %broadcast_in_dim3A_127 : f32 to vector<16xf32>
    %swap3A_129 = arith.constant 21 : i32
    %swap3A_130 = arith.index_cast %swap3A_129 : i32 to index
    %swap3A_131 = arith.constant 0 : index
    %swap3A_132 = tpu.vector_load %arg7[%swap3A_130, %swap3A_131] {strides = array<i32>} : memref<48x16xf32, #tpu.memory_space<vmem>>, vector<16xf32>,
    tpu.vector_store %arg7[%swap3A_130, %swap3A_131], %broadcast_in_dim3A_128 {strides = array<i32>} : memref<48x16xf32, #tpu.memory_space<vmem>>, vector<16xf32>,
    %broadcast_in_dim3A_133 = arith.constant 0.000000e+00 : f32
    %broadcast_in_dim3A_134 = vector.broadcast %broadcast_in_dim3A_133 : f32 to vector<16xf32>
    %swap3A_135 = arith.constant 22 : i32
    %swap3A_136 = arith.index_cast %swap3A_135 : i32 to index
    %swap3A_137 = arith.constant 0 : index
    %swap3A_138 = tpu.vector_load %arg7[%swap3A_136, %swap3A_137] {strides = array<i32>} : memref<48x16xf32, #tpu.memory_space<vmem>>, vector<16xf32>,
    tpu.vector_store %arg7[%swap3A_136, %swap3A_137], %broadcast_in_dim3A_134 {strides = array<i32>} : memref<48x16xf32, #tpu.memory_space<vmem>>, vector<16xf32>,
    %broadcast_in_dim3A_139 = arith.constant 0.000000e+00 : f32
    %broadcast_in_dim3A_140 = vector.broadcast %broadcast_in_dim3A_139 : f32 to vector<16xf32>
    %swap3A_141 = arith.constant 23 : i32
    %swap3A_142 = arith.index_cast %swap3A_141 : i32 to index
    %swap3A_143 = arith.constant 0 : index
    %swap3A_144 = tpu.vector_load %arg7[%swap3A_142, %swap3A_143] {strides = array<i32>} : memref<48x16xf32, #tpu.memory_space<vmem>>, vector<16xf32>,
    tpu.vector_store %arg7[%swap3A_142, %swap3A_143], %broadcast_in_dim3A_140 {strides = array<i32>} : memref<48x16xf32, #tpu.memory_space<vmem>>, vector<16xf32>,
    %broadcast_in_dim3A_145 = arith.constant 0.000000e+00 : f32
    %broadcast_in_dim3A_146 = vector.broadcast %broadcast_in_dim3A_145 : f32 to vector<16xf32>
    %swap3A_147 = arith.constant 24 : i32
    %swap3A_148 = arith.index_cast %swap3A_147 : i32 to index
    %swap3A_149 = arith.constant 0 : index
    %swap3A_150 = tpu.vector_load %arg7[%swap3A_148, %swap3A_149] {strides = array<i32>} : memref<48x16xf32, #tpu.memory_space<vmem>>, vector<16xf32>,
    tpu.vector_store %arg7[%swap3A_148, %swap3A_149], %broadcast_in_dim3A_146 {strides = array<i32>} : memref<48x16xf32, #tpu.memory_space<vmem>>, vector<16xf32>,
    %broadcast_in_dim3A_151 = arith.constant 0.000000e+00 : f32
    %broadcast_in_dim3A_152 = vector.broadcast %broadcast_in_dim3A_151 : f32 to vector<16xf32>
    %swap3A_153 = arith.constant 25 : i32
    %swap3A_154 = arith.index_cast %swap3A_153 : i32 to index
    %swap3A_155 = arith.constant 0 : index
    %swap3A_156 = tpu.vector_load %arg7[%swap3A_154, %swap3A_155] {strides = array<i32>} : memref<48x16xf32, #tpu.memory_space<vmem>>, vector<16xf32>,
    tpu.vector_store %arg7[%swap3A_154, %swap3A_155], %broadcast_in_dim3A_152 {strides = array<i32>} : memref<48x16xf32, #tpu.memory_space<vmem>>, vector<16xf32>,
    %broadcast_in_dim3A_157 = arith.constant 0.000000e+00 : f32
    %broadcast_in_dim3A_158 = vector.broadcast %broadcast_in_dim3A_157 : f32 to vector<16xf32>
    %swap3A_159 = arith.constant 26 : i32
    %swap3A_160 = arith.index_cast %swap3A_159 : i32 to index
    %swap3A_161 = arith.constant 0 : index
    %swap3A_162 = tpu.vector_load %arg7[%swap3A_160, %swap3A_161] {strides = array<i32>} : memref<48x16xf32, #tpu.memory_space<vmem>>, vector<16xf32>,
    tpu.vector_store %arg7[%swap3A_160, %swap3A_161], %broadcast_in_dim3A_158 {strides = array<i32>} : memref<48x16xf32, #tpu.memory_space<vmem>>, vector<16xf32>,
    %broadcast_in_dim3A_163 = arith.constant 0.000000e+00 : f32
    %broadcast_in_dim3A_164 = vector.broadcast %broadcast_in_dim3A_163 : f32 to vector<16xf32>
    %swap3A_165 = arith.constant 27 : i32
    %swap3A_166 = arith.index_cast %swap3A_165 : i32 to index
    %swap3A_167 = arith.constant 0 : index
    %swap3A_168 = tpu.vector_load %arg7[%swap3A_166, %swap3A_167] {strides = array<i32>} : memref<48x16xf32, #tpu.memory_space<vmem>>, vector<16xf32>,
    tpu.vector_store %arg7[%swap3A_166, %swap3A_167], %broadcast_in_dim3A_164 {strides = array<i32>} : memref<48x16xf32, #tpu.memory_space<vmem>>, vector<16xf32>,
    %broadcast_in_dim3A_169 = arith.constant 0.000000e+00 : f32
    %broadcast_in_dim3A_170 = vector.broadcast %broadcast_in_dim3A_169 : f32 to vector<16xf32>
    %swap3A_171 = arith.constant 28 : i32
    %swap3A_172 = arith.index_cast %swap3A_171 : i32 to index
    %swap3A_173 = arith.constant 0 : index
    %swap3A_174 = tpu.vector_load %arg7[%swap3A_172, %swap3A_173] {strides = array<i32>} : memref<48x16xf32, #tpu.memory_space<vmem>>, vector<16xf32>,
    tpu.vector_store %arg7[%swap3A_172, %swap3A_173], %broadcast_in_dim3A_170 {strides = array<i32>} : memref<48x16xf32, #tpu.memory_space<vmem>>, vector<16xf32>,
    %broadcast_in_dim3A_175 = arith.constant 0.000000e+00 : f32
    %broadcast_in_dim3A_176 = vector.broadcast %broadcast_in_dim3A_175 : f32 to vector<16xf32>
    %swap3A_177 = arith.constant 29 : i32
    %swap3A_178 = arith.index_cast %swap3A_177 : i32 to index
    %swap3A_179 = arith.constant 0 : index
    %swap3A_180 = tpu.vector_load %arg7[%swap3A_178, %swap3A_179] {strides = array<i32>} : memref<48x16xf32, #tpu.memory_space<vmem>>, vector<16xf32>,
    tpu.vector_store %arg7[%swap3A_178, %swap3A_179], %broadcast_in_dim3A_176 {strides = array<i32>} : memref<48x16xf32, #tpu.memory_space<vmem>>, vector<16xf32>,
    %broadcast_in_dim3A_181 = arith.constant 0.000000e+00 : f32
    %broadcast_in_dim3A_182 = vector.broadcast %broadcast_in_dim3A_181 : f32 to vector<16xf32>
    %swap3A_183 = arith.constant 30 : i32
    %swap3A_184 = arith.index_cast %swap3A_183 : i32 to index
    %swap3A_185 = arith.constant 0 : index
    %swap3A_186 = tpu.vector_load %arg7[%swap3A_184, %swap3A_185] {strides = array<i32>} : memref<48x16xf32, #tpu.memory_space<vmem>>, vector<16xf32>,
    tpu.vector_store %arg7[%swap3A_184, %swap3A_185], %broadcast_in_dim3A_182 {strides = array<i32>} : memref<48x16xf32, #tpu.memory_space<vmem>>, vector<16xf32>,
    %broadcast_in_dim3A_187 = arith.constant 0.000000e+00 : f32
    %broadcast_in_dim3A_188 = vector.broadcast %broadcast_in_dim3A_187 : f32 to vector<16xf32>
    %swap3A_189 = arith.constant 31 : i32
    %swap3A_190 = arith.index_cast %swap3A_189 : i32 to index
    %swap3A_191 = arith.constant 0 : index
    %swap3A_192 = tpu.vector_load %arg7[%swap3A_190, %swap3A_191] {strides = array<i32>} : memref<48x16xf32, #tpu.memory_space<vmem>>, vector<16xf32>,
    tpu.vector_store %arg7[%swap3A_190, %swap3A_191], %broadcast_in_dim3A_188 {strides = array<i32>} : memref<48x16xf32, #tpu.memory_space<vmem>>, vector<16xf32>,
    %broadcast_in_dim3A_193 = arith.constant 0.000000e+00 : f32
    %broadcast_in_dim3A_194 = vector.broadcast %broadcast_in_dim3A_193 : f32 to vector<16xf32>
    %swap3A_195 = arith.constant 32 : i32
    %swap3A_196 = arith.index_cast %swap3A_195 : i32 to index
    %swap3A_197 = arith.constant 0 : index
    %swap3A_198 = tpu.vector_load %arg7[%swap3A_196, %swap3A_197] {strides = array<i32>} : memref<48x16xf32, #tpu.memory_space<vmem>>, vector<16xf32>,
    tpu.vector_store %arg7[%swap3A_196, %swap3A_197], %broadcast_in_dim3A_194 {strides = array<i32>} : memref<48x16xf32, #tpu.memory_space<vmem>>, vector<16xf32>,
    %broadcast_in_dim3A_199 = arith.constant 0.000000e+00 : f32
    %broadcast_in_dim3A_200 = vector.broadcast %broadcast_in_dim3A_199 : f32 to vector<16xf32>
    %swap3A_201 = arith.constant 33 : i32
    %swap3A_202 = arith.index_cast %swap3A_201 : i32 to index
    %swap3A_203 = arith.constant 0 : index
    %swap3A_204 = tpu.vector_load %arg7[%swap3A_202, %swap3A_203] {strides = array<i32>} : memref<48x16xf32, #tpu.memory_space<vmem>>, vector<16xf32>,
    tpu.vector_store %arg7[%swap3A_202, %swap3A_203], %broadcast_in_dim3A_200 {strides = array<i32>} : memref<48x16xf32, #tpu.memory_space<vmem>>, vector<16xf32>,
    %broadcast_in_dim3A_205 = arith.constant 0.000000e+00 : f32
    %broadcast_in_dim3A_206 = vector.broadcast %broadcast_in_dim3A_205 : f32 to vector<16xf32>
    %swap3A_207 = arith.constant 34 : i32
    %swap3A_208 = arith.index_cast %swap3A_207 : i32 to index
    %swap3A_209 = arith.constant 0 : index
    %swap3A_210 = tpu.vector_load %arg7[%swap3A_208, %swap3A_209] {strides = array<i32>} : memref<48x16xf32, #tpu.memory_space<vmem>>, vector<16xf32>,
    tpu.vector_store %arg7[%swap3A_208, %swap3A_209], %broadcast_in_dim3A_206 {strides = array<i32>} : memref<48x16xf32, #tpu.memory_space<vmem>>, vector<16xf32>,
    %broadcast_in_dim3A_211 = arith.constant 0.000000e+00 : f32
    %broadcast_in_dim3A_212 = vector.broadcast %broadcast_in_dim3A_211 : f32 to vector<16xf32>
    %swap3A_213 = arith.constant 35 : i32
    %swap3A_214 = arith.index_cast %swap3A_213 : i32 to index
    %swap3A_215 = arith.constant 0 : index
    %swap3A_216 = tpu.vector_load %arg7[%swap3A_214, %swap3A_215] {strides = array<i32>} : memref<48x16xf32, #tpu.memory_space<vmem>>, vector<16xf32>,
    tpu.vector_store %arg7[%swap3A_214, %swap3A_215], %broadcast_in_dim3A_212 {strides = array<i32>} : memref<48x16xf32, #tpu.memory_space<vmem>>, vector<16xf32>,
    %broadcast_in_dim3A_217 = arith.constant 0.000000e+00 : f32
    %broadcast_in_dim3A_218 = vector.broadcast %broadcast_in_dim3A_217 : f32 to vector<16xf32>
    %swap3A_219 = arith.constant 36 : i32
    %swap3A_220 = arith.index_cast %swap3A_219 : i32 to index
    %swap3A_221 = arith.constant 0 : index
    %swap3A_222 = tpu.vector_load %arg7[%swap3A_220, %swap3A_221] {strides = array<i32>} : memref<48x16xf32, #tpu.memory_space<vmem>>, vector<16xf32>,
    tpu.vector_store %arg7[%swap3A_220, %swap3A_221], %broadcast_in_dim3A_218 {strides = array<i32>} : memref<48x16xf32, #tpu.memory_space<vmem>>, vector<16xf32>,
    %broadcast_in_dim3A_223 = arith.constant 0.000000e+00 : f32
    %broadcast_in_dim3A_224 = vector.broadcast %broadcast_in_dim3A_223 : f32 to vector<16xf32>
    %swap3A_225 = arith.constant 37 : i32
    %swap3A_226 = arith.index_cast %swap3A_225 : i32 to index
    %swap3A_227 = arith.constant 0 : index
    %swap3A_228 = tpu.vector_load %arg7[%swap3A_226, %swap3A_227] {strides = array<i32>} : memref<48x16xf32, #tpu.memory_space<vmem>>, vector<16xf32>,
    tpu.vector_store %arg7[%swap3A_226, %swap3A_227], %broadcast_in_dim3A_224 {strides = array<i32>} : memref<48x16xf32, #tpu.memory_space<vmem>>, vector<16xf32>,
    %broadcast_in_dim3A_229 = arith.constant 0.000000e+00 : f32
    %broadcast_in_dim3A_230 = vector.broadcast %broadcast_in_dim3A_229 : f32 to vector<16xf32>
    %swap3A_231 = arith.constant 38 : i32
    %swap3A_232 = arith.index_cast %swap3A_231 : i32 to index
    %swap3A_233 = arith.constant 0 : index
    %swap3A_234 = tpu.vector_load %arg7[%swap3A_232, %swap3A_233] {strides = array<i32>} : memref<48x16xf32, #tpu.memory_space<vmem>>, vector<16xf32>,
    tpu.vector_store %arg7[%swap3A_232, %swap3A_233], %broadcast_in_dim3A_230 {strides = array<i32>} : memref<48x16xf32, #tpu.memory_space<vmem>>, vector<16xf32>,
    %broadcast_in_dim3A_235 = arith.constant 0.000000e+00 : f32
    %broadcast_in_dim3A_236 = vector.broadcast %broadcast_in_dim3A_235 : f32 to vector<16xf32>
    %swap3A_237 = arith.constant 39 : i32
    %swap3A_238 = arith.index_cast %swap3A_237 : i32 to index
    %swap3A_239 = arith.constant 0 : index
    %swap3A_240 = tpu.vector_load %arg7[%swap3A_238, %swap3A_239] {strides = array<i32>} : memref<48x16xf32, #tpu.memory_space<vmem>>, vector<16xf32>,
    tpu.vector_store %arg7[%swap3A_238, %swap3A_239], %broadcast_in_dim3A_236 {strides = array<i32>} : memref<48x16xf32, #tpu.memory_space<vmem>>, vector<16xf32>,
    %broadcast_in_dim3A_241 = arith.constant 0.000000e+00 : f32
    %broadcast_in_dim3A_242 = vector.broadcast %broadcast_in_dim3A_241 : f32 to vector<16xf32>
    %swap3A_243 = arith.constant 40 : i32
    %swap3A_244 = arith.index_cast %swap3A_243 : i32 to index
    %swap3A_245 = arith.constant 0 : index
    %swap3A_246 = tpu.vector_load %arg7[%swap3A_244, %swap3A_245] {strides = array<i32>} : memref<48x16xf32, #tpu.memory_space<vmem>>, vector<16xf32>,
    tpu.vector_store %arg7[%swap3A_244, %swap3A_245], %broadcast_in_dim3A_242 {strides = array<i32>} : memref<48x16xf32, #tpu.memory_space<vmem>>, vector<16xf32>,
    %broadcast_in_dim3A_247 = arith.constant 0.000000e+00 : f32
    %broadcast_in_dim3A_248 = vector.broadcast %broadcast_in_dim3A_247 : f32 to vector<16xf32>
    %swap3A_249 = arith.constant 41 : i32
    %swap3A_250 = arith.index_cast %swap3A_249 : i32 to index
    %swap3A_251 = arith.constant 0 : index
    %swap3A_252 = tpu.vector_load %arg7[%swap3A_250, %swap3A_251] {strides = array<i32>} : memref<48x16xf32, #tpu.memory_space<vmem>>, vector<16xf32>,
    tpu.vector_store %arg7[%swap3A_250, %swap3A_251], %broadcast_in_dim3A_248 {strides = array<i32>} : memref<48x16xf32, #tpu.memory_space<vmem>>, vector<16xf32>,
    %broadcast_in_dim3A_253 = arith.constant 0.000000e+00 : f32
    %broadcast_in_dim3A_254 = vector.broadcast %broadcast_in_dim3A_253 : f32 to vector<16xf32>
    %swap3A_255 = arith.constant 42 : i32
    %swap3A_256 = arith.index_cast %swap3A_255 : i32 to index
    %swap3A_257 = arith.constant 0 : index
    %swap3A_258 = tpu.vector_load %arg7[%swap3A_256, %swap3A_257] {strides = array<i32>} : memref<48x16xf32, #tpu.memory_space<vmem>>, vector<16xf32>,
    tpu.vector_store %arg7[%swap3A_256, %swap3A_257], %broadcast_in_dim3A_254 {strides = array<i32>} : memref<48x16xf32, #tpu.memory_space<vmem>>, vector<16xf32>,
    %broadcast_in_dim3A_259 = arith.constant 0.000000e+00 : f32
    %broadcast_in_dim3A_260 = vector.broadcast %broadcast_in_dim3A_259 : f32 to vector<16xf32>
    %swap3A_261 = arith.constant 43 : i32
    %swap3A_262 = arith.index_cast %swap3A_261 : i32 to index
    %swap3A_263 = arith.constant 0 : index
    %swap3A_264 = tpu.vector_load %arg7[%swap3A_262, %swap3A_263] {strides = array<i32>} : memref<48x16xf32, #tpu.memory_space<vmem>>, vector<16xf32>,
    tpu.vector_store %arg7[%swap3A_262, %swap3A_263], %broadcast_in_dim3A_260 {strides = array<i32>} : memref<48x16xf32, #tpu.memory_space<vmem>>, vector<16xf32>,
    %broadcast_in_dim3A_265 = arith.constant 0.000000e+00 : f32
    %broadcast_in_dim3A_266 = vector.broadcast %broadcast_in_dim3A_265 : f32 to vector<16xf32>
    %swap3A_267 = arith.constant 44 : i32
    %swap3A_268 = arith.index_cast %swap3A_267 : i32 to index
    %swap3A_269 = arith.constant 0 : index
    %swap3A_270 = tpu.vector_load %arg7[%swap3A_268, %swap3A_269] {strides = array<i32>} : memref<48x16xf32, #tpu.memory_space<vmem>>, vector<16xf32>,
    tpu.vector_store %arg7[%swap3A_268, %swap3A_269], %broadcast_in_dim3A_266 {strides = array<i32>} : memref<48x16xf32, #tpu.memory_space<vmem>>, vector<16xf32>,
    %broadcast_in_dim3A_271 = arith.constant 0.000000e+00 : f32
    %broadcast_in_dim3A_272 = vector.broadcast %broadcast_in_dim3A_271 : f32 to vector<16xf32>
    %swap3A_273 = arith.constant 45 : i32
    %swap3A_274 = arith.index_cast %swap3A_273 : i32 to index
    %swap3A_275 = arith.constant 0 : index
    %swap3A_276 = tpu.vector_load %arg7[%swap3A_274, %swap3A_275] {strides = array<i32>} : memref<48x16xf32, #tpu.memory_space<vmem>>, vector<16xf32>,
    tpu.vector_store %arg7[%swap3A_274, %swap3A_275], %broadcast_in_dim3A_272 {strides = array<i32>} : memref<48x16xf32, #tpu.memory_space<vmem>>, vector<16xf32>,
    %broadcast_in_dim3A_277 = arith.constant 0.000000e+00 : f32
    %broadcast_in_dim3A_278 = vector.broadcast %broadcast_in_dim3A_277 : f32 to vector<16xf32>
    %swap3A_279 = arith.constant 46 : i32
    %swap3A_280 = arith.index_cast %swap3A_279 : i32 to index
    %swap3A_281 = arith.constant 0 : index
    %swap3A_282 = tpu.vector_load %arg7[%swap3A_280, %swap3A_281] {strides = array<i32>} : memref<48x16xf32, #tpu.memory_space<vmem>>, vector<16xf32>,
    tpu.vector_store %arg7[%swap3A_280, %swap3A_281], %broadcast_in_dim3A_278 {strides = array<i32>} : memref<48x16xf32, #tpu.memory_space<vmem>>, vector<16xf32>,
    %broadcast_in_dim3A_283 = arith.constant 0.000000e+00 : f32
    %broadcast_in_dim3A_284 = vector.broadcast %broadcast_in_dim3A_283 : f32 to vector<16xf32>
    %swap3A_285 = arith.constant 47 : i32
    %swap3A_286 = arith.index_cast %swap3A_285 : i32 to index
    %swap3A_287 = arith.constant 0 : index
    %swap3A_288 = tpu.vector_load %arg7[%swap3A_286, %swap3A_287] {strides = array<i32>} : memref<48x16xf32, #tpu.memory_space<vmem>>, vector<16xf32>,
    tpu.vector_store %arg7[%swap3A_286, %swap3A_287], %broadcast_in_dim3A_284 {strides = array<i32>} : memref<48x16xf32, #tpu.memory_space<vmem>>, vector<16xf32>,
    %iota3A = tpu.iota {dimensions = array<i32: 0>} : vector<16xi32>
    %broadcast_in_dim3A_289 = arith.constant 0.000000e+00 : f32
    %broadcast_in_dim3A_290 = vector.broadcast %broadcast_in_dim3A_289 : f32 to vector<16xf32>
    %broadcast_in_dim3A_291 = arith.constant 1.000000e+00 : f32
    %broadcast_in_dim3A_292 = vector.broadcast %broadcast_in_dim3A_291 : f32 to vector<16xf32>
    %broadcast_in_dim3A_293 = arith.constant 0xFF800000 : f32
    %broadcast_in_dim3A_294 = vector.broadcast %broadcast_in_dim3A_293 : f32 to vector<16xf32>
    %mul3A_295 = arith.constant 1009 : i32
    %mul3A_296 = vector.broadcast %mul3A_295 : i32 to vector<16xi32>
    %mul3A_297 = arith.muli %iota3A, %mul3A_296 : vector<16xi32>
    %add3A_298 = arith.constant 0 : i32
    %add3A_299 = arith.addi %mul3A_2, %add3A_298 : i32
    %dma_start3A = arith.constant 0 : i32
    %dma_start3A_300 = arith.constant 0 : i32
    %dma_start3A_301 = arith.constant 0 : i32
    %dma_start3A_302 = arith.constant 0 : i32
    %dma_start3A_303 = arith.constant 0 : i32
    %dma_start3A_304 = tpu.memref_slice %arg5[%dma_start3A, %dma_start3A_302, %dma_start3A_303] : memref<2x32x1000xf32, #tpu.memory_space<vmem>> -> memref<1x32x1000xf32, #tpu.memory_space<vmem>>
    %dma_start3A_305 = tpu.memref_squeeze %dma_start3A_304 : memref<1x32x1000xf32, #tpu.memory_space<vmem>> -> memref<32x1000xf32, #tpu.memory_space<vmem>>
    %dma_start3A_306 = arith.constant 0 : i32
    %dma_start3A_307 = tpu.memref_slice %arg2[%add3A_299, %dma_start3A_306] : memref<65536x1000xf32, #tpu.memory_space<hbm>> -> memref<32x1000xf32, #tpu.memory_space<hbm>>
    %dma_start3A_308 = tpu.memref_slice %arg9[%dma_start3A_300, %dma_start3A_301] : memref<2x2x!tpu.dma_semaphore, #tpu.memory_space<semaphore_mem>> -> memref<1x1x!tpu.dma_semaphore, #tpu.memory_space<semaphore_mem>>
    %dma_start3A_309 = tpu.memref_squeeze %dma_start3A_308 : memref<1x1x!tpu.dma_semaphore, #tpu.memory_space<semaphore_mem>> -> memref<!tpu.dma_semaphore, #tpu.memory_space<semaphore_mem>>
    %dma_start3A_310 = arith.constant 0 : i32
    %dma_start3A_311 = arith.constant 0 : i32
    %dma_start3A_312 = tpu.memref_slice %arg5[%dma_start3A, %dma_start3A_310, %dma_start3A_311] : memref<2x32x1000xf32, #tpu.memory_space<vmem>> -> memref<1x32x1000xf32, #tpu.memory_space<vmem>>
    %dma_start3A_313 = tpu.memref_squeeze %dma_start3A_312 : memref<1x32x1000xf32, #tpu.memory_space<vmem>> -> memref<32x1000xf32, #tpu.memory_space<vmem>>
    %dma_start3A_314 = arith.constant 0 : i32
    %dma_start3A_315 = tpu.memref_slice %arg2[%add3A_299, %dma_start3A_314] : memref<65536x1000xf32, #tpu.memory_space<hbm>> -> memref<32x1000xf32, #tpu.memory_space<hbm>>
    tpu.enqueue_dma source(%dma_start3A_315 : memref<32x1000xf32, #tpu.memory_space<hbm>>) target(%dma_start3A_313 : memref<32x1000xf32, #tpu.memory_space<vmem>>) target_semaphore(%dma_start3A_309 : memref<!tpu.dma_semaphore, #tpu.memory_space<semaphore_mem>>)
    %dma_start3A_316 = arith.constant 0 : i32
    %dma_start3A_317 = arith.constant 0 : i32
    %dma_start3A_318 = arith.constant 1 : i32
    %dma_start3A_319 = arith.constant 0 : i32
    %dma_start3A_320 = tpu.memref_slice %arg6[%dma_start3A_316, %dma_start3A_319] : memref<2x32xi32, #tpu.memory_space<vmem>> -> memref<1x32xi32, #tpu.memory_space<vmem>>
    %dma_start3A_321 = tpu.memref_squeeze %dma_start3A_320 : memref<1x32xi32, #tpu.memory_space<vmem>> -> memref<32xi32, #tpu.memory_space<vmem>>
    %dma_start3A_322 = tpu.memref_slice %arg3[%add3A_299] : memref<65536xi32, #tpu.memory_space<hbm>> -> memref<32xi32, #tpu.memory_space<hbm>>
    %dma_start3A_323 = tpu.memref_slice %arg9[%dma_start3A_317, %dma_start3A_318] : memref<2x2x!tpu.dma_semaphore, #tpu.memory_space<semaphore_mem>> -> memref<1x1x!tpu.dma_semaphore, #tpu.memory_space<semaphore_mem>>
    %dma_start3A_324 = tpu.memref_squeeze %dma_start3A_323 : memref<1x1x!tpu.dma_semaphore, #tpu.memory_space<semaphore_mem>> -> memref<!tpu.dma_semaphore, #tpu.memory_space<semaphore_mem>>
    %dma_start3A_325 = arith.constant 0 : i32
    %dma_start3A_326 = tpu.memref_slice %arg6[%dma_start3A_316, %dma_start3A_325] : memref<2x32xi32, #tpu.memory_space<vmem>> -> memref<1x32xi32, #tpu.memory_space<vmem>>
    %dma_start3A_327 = tpu.memref_squeeze %dma_start3A_326 : memref<1x32xi32, #tpu.memory_space<vmem>> -> memref<32xi32, #tpu.memory_space<vmem>>
    %dma_start3A_328 = tpu.memref_slice %arg3[%add3A_299] : memref<65536xi32, #tpu.memory_space<hbm>> -> memref<32xi32, #tpu.memory_space<hbm>>
    tpu.enqueue_dma source(%dma_start3A_328 : memref<32xi32, #tpu.memory_space<hbm>>) target(%dma_start3A_327 : memref<32xi32, #tpu.memory_space<vmem>>) target_semaphore(%dma_start3A_324 : memref<!tpu.dma_semaphore, #tpu.memory_space<semaphore_mem>>)
    %scan3A = arith.constant 0 : i32
    %scan3A_329 = arith.constant 0 : i32
    %scan3A_330 = arith.constant 28 : i32
    %scan3A_331 = arith.addi %scan3A_329, %scan3A_330 : i32
    %scan3A_332 = arith.constant 1 : i32
    scf.for %scan3A_334 = %scan3A_329 to %scan3A_331 step %scan3A_332  : i32 {
      %rem3A = arith.constant 2 : i32
      %rem3A_335 = arith.remsi %scan3A_334, %rem3A : i32
      %add3A_336 = arith.constant 1 : i32
      %add3A_337 = arith.addi %scan3A_334, %add3A_336 : i32
      %lt3A = arith.constant 28 : i32
      %lt3A_338 = arith.cmpi slt, %add3A_337, %lt3A : i32
      %convert_element_type3A = arith.extui %lt3A_338 : i1 to i32
      %cond3A = arith.constant 0 : i32
      %cond3A_339 = arith.cmpi ne, %convert_element_type3A, %cond3A : i32
      scf.if %cond3A_339 {
        %add3A_1088 = arith.constant 1 : i32
        %add3A_1089 = arith.addi %scan3A_334, %add3A_1088 : i32
        %sub3A = arith.constant 1 : i32
        %sub3A_1090 = arith.subi %sub3A, %rem3A_335 : i32
        %mul3A_1091 = arith.constant 32 : i32
        %mul3A_1092 = arith.muli %add3A_1089, %mul3A_1091 : i32
        %add3A_1093 = arith.addi %mul3A_2, %mul3A_1092 : i32
        %dma_start3A_1094 = arith.constant 0 : i32
        %dma_start3A_1095 = arith.constant 0 : i32
        %dma_start3A_1096 = arith.constant 0 : i32
        %dma_start3A_1097 = tpu.memref_slice %arg5[%sub3A_1090, %dma_start3A_1095, %dma_start3A_1096] : memref<2x32x1000xf32, #tpu.memory_space<vmem>> -> memref<1x32x1000xf32, #tpu.memory_space<vmem>>
        %dma_start3A_1098 = tpu.memref_squeeze %dma_start3A_1097 : memref<1x32x1000xf32, #tpu.memory_space<vmem>> -> memref<32x1000xf32, #tpu.memory_space<vmem>>
        %dma_start3A_1099 = arith.constant 0 : i32
        %dma_start3A_1100 = tpu.memref_slice %arg2[%add3A_1093, %dma_start3A_1099] : memref<65536x1000xf32, #tpu.memory_space<hbm>> -> memref<32x1000xf32, #tpu.memory_space<hbm>>
        %dma_start3A_1101 = tpu.memref_slice %arg9[%sub3A_1090, %dma_start3A_1094] : memref<2x2x!tpu.dma_semaphore, #tpu.memory_space<semaphore_mem>> -> memref<1x1x!tpu.dma_semaphore, #tpu.memory_space<semaphore_mem>>
        %dma_start3A_1102 = tpu.memref_squeeze %dma_start3A_1101 : memref<1x1x!tpu.dma_semaphore, #tpu.memory_space<semaphore_mem>> -> memref<!tpu.dma_semaphore, #tpu.memory_space<semaphore_mem>>
        %dma_start3A_1103 = arith.constant 0 : i32
        %dma_start3A_1104 = arith.constant 0 : i32
        %dma_start3A_1105 = tpu.memref_slice %arg5[%sub3A_1090, %dma_start3A_1103, %dma_start3A_1104] : memref<2x32x1000xf32, #tpu.memory_space<vmem>> -> memref<1x32x1000xf32, #tpu.memory_space<vmem>>
        %dma_start3A_1106 = tpu.memref_squeeze %dma_start3A_1105 : memref<1x32x1000xf32, #tpu.memory_space<vmem>> -> memref<32x1000xf32, #tpu.memory_space<vmem>>
        %dma_start3A_1107 = arith.constant 0 : i32
        %dma_start3A_1108 = tpu.memref_slice %arg2[%add3A_1093, %dma_start3A_1107] : memref<65536x1000xf32, #tpu.memory_space<hbm>> -> memref<32x1000xf32, #tpu.memory_space<hbm>>
        tpu.enqueue_dma source(%dma_start3A_1108 : memref<32x1000xf32, #tpu.memory_space<hbm>>) target(%dma_start3A_1106 : memref<32x1000xf32, #tpu.memory_space<vmem>>) target_semaphore(%dma_start3A_1102 : memref<!tpu.dma_semaphore, #tpu.memory_space<semaphore_mem>>)
        %dma_start3A_1109 = arith.constant 1 : i32
        %dma_start3A_1110 = arith.constant 0 : i32
        %dma_start3A_1111 = tpu.memref_slice %arg6[%sub3A_1090, %dma_start3A_1110] : memref<2x32xi32, #tpu.memory_space<vmem>> -> memref<1x32xi32, #tpu.memory_space<vmem>>
        %dma_start3A_1112 = tpu.memref_squeeze %dma_start3A_1111 : memref<1x32xi32, #tpu.memory_space<vmem>> -> memref<32xi32, #tpu.memory_space<vmem>>
        %dma_start3A_1113 = tpu.memref_slice %arg3[%add3A_1093] : memref<65536xi32, #tpu.memory_space<hbm>> -> memref<32xi32, #tpu.memory_space<hbm>>
        %dma_start3A_1114 = tpu.memref_slice %arg9[%sub3A_1090, %dma_start3A_1109] : memref<2x2x!tpu.dma_semaphore, #tpu.memory_space<semaphore_mem>> -> memref<1x1x!tpu.dma_semaphore, #tpu.memory_space<semaphore_mem>>
        %dma_start3A_1115 = tpu.memref_squeeze %dma_start3A_1114 : memref<1x1x!tpu.dma_semaphore, #tpu.memory_space<semaphore_mem>> -> memref<!tpu.dma_semaphore, #tpu.memory_space<semaphore_mem>>
        %dma_start3A_1116 = arith.constant 0 : i32
        %dma_start3A_1117 = tpu.memref_slice %arg6[%sub3A_1090, %dma_start3A_1116] : memref<2x32xi32, #tpu.memory_space<vmem>> -> memref<1x32xi32, #tpu.memory_space<vmem>>
        %dma_start3A_1118 = tpu.memref_squeeze %dma_start3A_1117 : memref<1x32xi32, #tpu.memory_space<vmem>> -> memref<32xi32, #tpu.memory_space<vmem>>
        %dma_start3A_1119 = tpu.memref_slice %arg3[%add3A_1093] : memref<65536xi32, #tpu.memory_space<hbm>> -> memref<32xi32, #tpu.memory_space<hbm>>
        tpu.enqueue_dma source(%dma_start3A_1119 : memref<32xi32, #tpu.memory_space<hbm>>) target(%dma_start3A_1118 : memref<32xi32, #tpu.memory_space<vmem>>) target_semaphore(%dma_start3A_1115 : memref<!tpu.dma_semaphore, #tpu.memory_space<semaphore_mem>>)
      } else {
      }
      %mul3A_340 = arith.constant 32 : i32
      %mul3A_341 = arith.muli %scan3A_334, %mul3A_340 : i32
      %add3A_342 = arith.addi %mul3A_2, %mul3A_341 : i32
      %dma_wait3A = arith.constant 0 : i32
      %dma_wait3A_343 = arith.constant 0 : i32
      %dma_wait3A_344 = arith.constant 0 : i32
      %dma_wait3A_345 = tpu.memref_slice %arg5[%rem3A_335, %dma_wait3A_343, %dma_wait3A_344] : memref<2x32x1000xf32, #tpu.memory_space<vmem>> -> memref<1x32x1000xf32, #tpu.memory_space<vmem>>
      %dma_wait3A_346 = tpu.memref_squeeze %dma_wait3A_345 : memref<1x32x1000xf32, #tpu.memory_space<vmem>> -> memref<32x1000xf32, #tpu.memory_space<vmem>>
      %dma_wait3A_347 = arith.constant 0 : i32
      %dma_wait3A_348 = tpu.memref_slice %arg2[%add3A_342, %dma_wait3A_347] : memref<65536x1000xf32, #tpu.memory_space<hbm>> -> memref<32x1000xf32, #tpu.memory_space<hbm>>
      %dma_wait3A_349 = tpu.memref_slice %arg9[%rem3A_335, %dma_wait3A] : memref<2x2x!tpu.dma_semaphore, #tpu.memory_space<semaphore_mem>> -> memref<1x1x!tpu.dma_semaphore, #tpu.memory_space<semaphore_mem>>
      %dma_wait3A_350 = tpu.memref_squeeze %dma_wait3A_349 : memref<1x1x!tpu.dma_semaphore, #tpu.memory_space<semaphore_mem>> -> memref<!tpu.dma_semaphore, #tpu.memory_space<semaphore_mem>>
      %dma_wait3A_351 = arith.constant 0 : i32
      %dma_wait3A_352 = arith.constant 0 : i32
      %dma_wait3A_353 = tpu.memref_slice %arg5[%rem3A_335, %dma_wait3A_351, %dma_wait3A_352] : memref<2x32x1000xf32, #tpu.memory_space<vmem>> -> memref<1x32x1000xf32, #tpu.memory_space<vmem>>
      %dma_wait3A_354 = tpu.memref_squeeze %dma_wait3A_353 : memref<1x32x1000xf32, #tpu.memory_space<vmem>> -> memref<32x1000xf32, #tpu.memory_space<vmem>>
      %dma_wait3A_355 = arith.constant 0 : i32
      %dma_wait3A_356 = tpu.memref_slice %arg2[%add3A_342, %dma_wait3A_355] : memref<65536x1000xf32, #tpu.memory_space<hbm>> -> memref<32x1000xf32, #tpu.memory_space<hbm>>
      tpu.wait_dma2 semaphore(%dma_wait3A_350 : memref<!tpu.dma_semaphore, #tpu.memory_space<semaphore_mem>>) src(%dma_wait3A_356 : memref<32x1000xf32, #tpu.memory_space<hbm>>) dst(%dma_wait3A_354 : memref<32x1000xf32, #tpu.memory_space<vmem>>)
      %dma_wait3A_357 = arith.constant 1 : i32
      %dma_wait3A_358 = arith.constant 0 : i32
      %dma_wait3A_359 = tpu.memref_slice %arg6[%rem3A_335, %dma_wait3A_358] : memref<2x32xi32, #tpu.memory_space<vmem>> -> memref<1x32xi32, #tpu.memory_space<vmem>>
      %dma_wait3A_360 = tpu.memref_squeeze %dma_wait3A_359 : memref<1x32xi32, #tpu.memory_space<vmem>> -> memref<32xi32, #tpu.memory_space<vmem>>
      %dma_wait3A_361 = tpu.memref_slice %arg3[%add3A_342] : memref<65536xi32, #tpu.memory_space<hbm>> -> memref<32xi32, #tpu.memory_space<hbm>>
      %dma_wait3A_362 = tpu.memref_slice %arg9[%rem3A_335, %dma_wait3A_357] : memref<2x2x!tpu.dma_semaphore, #tpu.memory_space<semaphore_mem>> -> memref<1x1x!tpu.dma_semaphore, #tpu.memory_space<semaphore_mem>>
      %dma_wait3A_363 = tpu.memref_squeeze %dma_wait3A_362 : memref<1x1x!tpu.dma_semaphore, #tpu.memory_space<semaphore_mem>> -> memref<!tpu.dma_semaphore, #tpu.memory_space<semaphore_mem>>
      %dma_wait3A_364 = arith.constant 0 : i32
      %dma_wait3A_365 = tpu.memref_slice %arg6[%rem3A_335, %dma_wait3A_364] : memref<2x32xi32, #tpu.memory_space<vmem>> -> memref<1x32xi32, #tpu.memory_space<vmem>>
      %dma_wait3A_366 = tpu.memref_squeeze %dma_wait3A_365 : memref<1x32xi32, #tpu.memory_space<vmem>> -> memref<32xi32, #tpu.memory_space<vmem>>
      %dma_wait3A_367 = tpu.memref_slice %arg3[%add3A_342] : memref<65536xi32, #tpu.memory_space<hbm>> -> memref<32xi32, #tpu.memory_space<hbm>>
      tpu.wait_dma2 semaphore(%dma_wait3A_363 : memref<!tpu.dma_semaphore, #tpu.memory_space<semaphore_mem>>) src(%dma_wait3A_367 : memref<32xi32, #tpu.memory_space<hbm>>) dst(%dma_wait3A_366 : memref<32xi32, #tpu.memory_space<vmem>>)
      %parallel_loop3A = arith.constant 0 : i32
      %parallel_loop3A_368 = arith.constant 32 : i32
      %parallel_loop3A_369 = arith.constant 1 : i32
      scf.for %parallel_loop3A_1088 = %parallel_loop3A to %parallel_loop3A_368 step %parallel_loop3A_369  : i32 {
        %parallel_loop3A_1089 = arith.constant 1009 : i32
        %parallel_loop3A_1090 = arith.muli %parallel_loop3A_1088, %parallel_loop3A_1089 : i32
        %parallel_loop3A_1091 = arith.index_cast %rem3A_335 : i32 to index
        %parallel_loop3A_1092 = arith.index_cast %parallel_loop3A_1088 : i32 to index
        %parallel_loop3A_1093 = arith.constant 0 : index
        %parallel_loop3A_1094 = tpu.vector_load %arg5[%parallel_loop3A_1091, %parallel_loop3A_1092, %parallel_loop3A_1093] {strides = array<i32>} : memref<2x32x1000xf32, #tpu.memory_space<vmem>>, vector<16xf32>,
        %parallel_loop3A_1095 = arith.constant 0 : i32
        %parallel_loop3A_1096 = arith.addi %parallel_loop3A_1090, %parallel_loop3A_1095 : i32
        %parallel_loop3A_1097 = arith.index_cast %parallel_loop3A_1096 : i32 to index
        %parallel_loop3A_1098 = tpu.vector_load %arg8[%parallel_loop3A_1097] {strides = array<i32>} : memref<32304xf32, #tpu.memory_space<vmem>>, vector<16xf32>,
        tpu.vector_store %arg8[%parallel_loop3A_1097], %parallel_loop3A_1094 {strides = array<i32>} : memref<32304xf32, #tpu.memory_space<vmem>>, vector<16xf32>,
        %parallel_loop3A_1099 = arith.index_cast %rem3A_335 : i32 to index
        %parallel_loop3A_1100 = arith.index_cast %parallel_loop3A_1088 : i32 to index
        %parallel_loop3A_1101 = arith.constant 16 : index
        %parallel_loop3A_1102 = tpu.vector_load %arg5[%parallel_loop3A_1099, %parallel_loop3A_1100, %parallel_loop3A_1101] {strides = array<i32>} : memref<2x32x1000xf32, #tpu.memory_space<vmem>>, vector<16xf32>,
        %parallel_loop3A_1103 = arith.constant 16 : i32
        %parallel_loop3A_1104 = arith.addi %parallel_loop3A_1090, %parallel_loop3A_1103 : i32
        %parallel_loop3A_1105 = arith.index_cast %parallel_loop3A_1104 : i32 to index
        %parallel_loop3A_1106 = tpu.vector_load %arg8[%parallel_loop3A_1105] {strides = array<i32>} : memref<32304xf32, #tpu.memory_space<vmem>>, vector<16xf32>,
        tpu.vector_store %arg8[%parallel_loop3A_1105], %parallel_loop3A_1102 {strides = array<i32>} : memref<32304xf32, #tpu.memory_space<vmem>>, vector<16xf32>,
        %parallel_loop3A_1107 = arith.index_cast %rem3A_335 : i32 to index
        %parallel_loop3A_1108 = arith.index_cast %parallel_loop3A_1088 : i32 to index
        %parallel_loop3A_1109 = arith.constant 32 : index
        %parallel_loop3A_1110 = tpu.vector_load %arg5[%parallel_loop3A_1107, %parallel_loop3A_1108, %parallel_loop3A_1109] {strides = array<i32>} : memref<2x32x1000xf32, #tpu.memory_space<vmem>>, vector<16xf32>,
        %parallel_loop3A_1111 = arith.constant 32 : i32
        %parallel_loop3A_1112 = arith.addi %parallel_loop3A_1090, %parallel_loop3A_1111 : i32
        %parallel_loop3A_1113 = arith.index_cast %parallel_loop3A_1112 : i32 to index
        %parallel_loop3A_1114 = tpu.vector_load %arg8[%parallel_loop3A_1113] {strides = array<i32>} : memref<32304xf32, #tpu.memory_space<vmem>>, vector<16xf32>,
        tpu.vector_store %arg8[%parallel_loop3A_1113], %parallel_loop3A_1110 {strides = array<i32>} : memref<32304xf32, #tpu.memory_space<vmem>>, vector<16xf32>,
        %parallel_loop3A_1115 = arith.index_cast %rem3A_335 : i32 to index
        %parallel_loop3A_1116 = arith.index_cast %parallel_loop3A_1088 : i32 to index
        %parallel_loop3A_1117 = arith.constant 48 : index
        %parallel_loop3A_1118 = tpu.vector_load %arg5[%parallel_loop3A_1115, %parallel_loop3A_1116, %parallel_loop3A_1117] {strides = array<i32>} : memref<2x32x1000xf32, #tpu.memory_space<vmem>>, vector<16xf32>,
        %parallel_loop3A_1119 = arith.constant 48 : i32
        %parallel_loop3A_1120 = arith.addi %parallel_loop3A_1090, %parallel_loop3A_1119 : i32
        %parallel_loop3A_1121 = arith.index_cast %parallel_loop3A_1120 : i32 to index
        %parallel_loop3A_1122 = tpu.vector_load %arg8[%parallel_loop3A_1121] {strides = array<i32>} : memref<32304xf32, #tpu.memory_space<vmem>>, vector<16xf32>,
        tpu.vector_store %arg8[%parallel_loop3A_1121], %parallel_loop3A_1118 {strides = array<i32>} : memref<32304xf32, #tpu.memory_space<vmem>>, vector<16xf32>,
        %parallel_loop3A_1123 = arith.index_cast %rem3A_335 : i32 to index
        %parallel_loop3A_1124 = arith.index_cast %parallel_loop3A_1088 : i32 to index
        %parallel_loop3A_1125 = arith.constant 64 : index
        %parallel_loop3A_1126 = tpu.vector_load %arg5[%parallel_loop3A_1123, %parallel_loop3A_1124, %parallel_loop3A_1125] {strides = array<i32>} : memref<2x32x1000xf32, #tpu.memory_space<vmem>>, vector<16xf32>,
        %parallel_loop3A_1127 = arith.constant 64 : i32
        %parallel_loop3A_1128 = arith.addi %parallel_loop3A_1090, %parallel_loop3A_1127 : i32
        %parallel_loop3A_1129 = arith.index_cast %parallel_loop3A_1128 : i32 to index
        %parallel_loop3A_1130 = tpu.vector_load %arg8[%parallel_loop3A_1129] {strides = array<i32>} : memref<32304xf32, #tpu.memory_space<vmem>>, vector<16xf32>,
        tpu.vector_store %arg8[%parallel_loop3A_1129], %parallel_loop3A_1126 {strides = array<i32>} : memref<32304xf32, #tpu.memory_space<vmem>>, vector<16xf32>,
        %parallel_loop3A_1131 = arith.index_cast %rem3A_335 : i32 to index
        %parallel_loop3A_1132 = arith.index_cast %parallel_loop3A_1088 : i32 to index
        %parallel_loop3A_1133 = arith.constant 80 : index
        %parallel_loop3A_1134 = tpu.vector_load %arg5[%parallel_loop3A_1131, %parallel_loop3A_1132, %parallel_loop3A_1133] {strides = array<i32>} : memref<2x32x1000xf32, #tpu.memory_space<vmem>>, vector<16xf32>,
        %parallel_loop3A_1135 = arith.constant 80 : i32
        %parallel_loop3A_1136 = arith.addi %parallel_loop3A_1090, %parallel_loop3A_1135 : i32
        %parallel_loop3A_1137 = arith.index_cast %parallel_loop3A_1136 : i32 to index
        %parallel_loop3A_1138 = tpu.vector_load %arg8[%parallel_loop3A_1137] {strides = array<i32>} : memref<32304xf32, #tpu.memory_space<vmem>>, vector<16xf32>,
        tpu.vector_store %arg8[%parallel_loop3A_1137], %parallel_loop3A_1134 {strides = array<i32>} : memref<32304xf32, #tpu.memory_space<vmem>>, vector<16xf32>,
        %parallel_loop3A_1139 = arith.index_cast %rem3A_335 : i32 to index
        %parallel_loop3A_1140 = arith.index_cast %parallel_loop3A_1088 : i32 to index
        %parallel_loop3A_1141 = arith.constant 96 : index
        %parallel_loop3A_1142 = tpu.vector_load %arg5[%parallel_loop3A_1139, %parallel_loop3A_1140, %parallel_loop3A_1141] {strides = array<i32>} : memref<2x32x1000xf32, #tpu.memory_space<vmem>>, vector<16xf32>,
        %parallel_loop3A_1143 = arith.constant 96 : i32
        %parallel_loop3A_1144 = arith.addi %parallel_loop3A_1090, %parallel_loop3A_1143 : i32
        %parallel_loop3A_1145 = arith.index_cast %parallel_loop3A_1144 : i32 to index
        %parallel_loop3A_1146 = tpu.vector_load %arg8[%parallel_loop3A_1145] {strides = array<i32>} : memref<32304xf32, #tpu.memory_space<vmem>>, vector<16xf32>,
        tpu.vector_store %arg8[%parallel_loop3A_1145], %parallel_loop3A_1142 {strides = array<i32>} : memref<32304xf32, #tpu.memory_space<vmem>>, vector<16xf32>,
        %parallel_loop3A_1147 = arith.index_cast %rem3A_335 : i32 to index
        %parallel_loop3A_1148 = arith.index_cast %parallel_loop3A_1088 : i32 to index
        %parallel_loop3A_1149 = arith.constant 112 : index
        %parallel_loop3A_1150 = tpu.vector_load %arg5[%parallel_loop3A_1147, %parallel_loop3A_1148, %parallel_loop3A_1149] {strides = array<i32>} : memref<2x32x1000xf32, #tpu.memory_space<vmem>>, vector<16xf32>,
        %parallel_loop3A_1151 = arith.constant 112 : i32
        %parallel_loop3A_1152 = arith.addi %parallel_loop3A_1090, %parallel_loop3A_1151 : i32
        %parallel_loop3A_1153 = arith.index_cast %parallel_loop3A_1152 : i32 to index
        %parallel_loop3A_1154 = tpu.vector_load %arg8[%parallel_loop3A_1153] {strides = array<i32>} : memref<32304xf32, #tpu.memory_space<vmem>>, vector<16xf32>,
        tpu.vector_store %arg8[%parallel_loop3A_1153], %parallel_loop3A_1150 {strides = array<i32>} : memref<32304xf32, #tpu.memory_space<vmem>>, vector<16xf32>,
        %parallel_loop3A_1155 = arith.index_cast %rem3A_335 : i32 to index
        %parallel_loop3A_1156 = arith.index_cast %parallel_loop3A_1088 : i32 to index
        %parallel_loop3A_1157 = arith.constant 128 : index
        %parallel_loop3A_1158 = tpu.vector_load %arg5[%parallel_loop3A_1155, %parallel_loop3A_1156, %parallel_loop3A_1157] {strides = array<i32>} : memref<2x32x1000xf32, #tpu.memory_space<vmem>>, vector<16xf32>,
        %parallel_loop3A_1159 = arith.constant 128 : i32
        %parallel_loop3A_1160 = arith.addi %parallel_loop3A_1090, %parallel_loop3A_1159 : i32
        %parallel_loop3A_1161 = arith.index_cast %parallel_loop3A_1160 : i32 to index
        %parallel_loop3A_1162 = tpu.vector_load %arg8[%parallel_loop3A_1161] {strides = array<i32>} : memref<32304xf32, #tpu.memory_space<vmem>>, vector<16xf32>,
        tpu.vector_store %arg8[%parallel_loop3A_1161], %parallel_loop3A_1158 {strides = array<i32>} : memref<32304xf32, #tpu.memory_space<vmem>>, vector<16xf32>,
        %parallel_loop3A_1163 = arith.index_cast %rem3A_335 : i32 to index
        %parallel_loop3A_1164 = arith.index_cast %parallel_loop3A_1088 : i32 to index
        %parallel_loop3A_1165 = arith.constant 144 : index
        %parallel_loop3A_1166 = tpu.vector_load %arg5[%parallel_loop3A_1163, %parallel_loop3A_1164, %parallel_loop3A_1165] {strides = array<i32>} : memref<2x32x1000xf32, #tpu.memory_space<vmem>>, vector<16xf32>,
        %parallel_loop3A_1167 = arith.constant 144 : i32
        %parallel_loop3A_1168 = arith.addi %parallel_loop3A_1090, %parallel_loop3A_1167 : i32
        %parallel_loop3A_1169 = arith.index_cast %parallel_loop3A_1168 : i32 to index
        %parallel_loop3A_1170 = tpu.vector_load %arg8[%parallel_loop3A_1169] {strides = array<i32>} : memref<32304xf32, #tpu.memory_space<vmem>>, vector<16xf32>,
        tpu.vector_store %arg8[%parallel_loop3A_1169], %parallel_loop3A_1166 {strides = array<i32>} : memref<32304xf32, #tpu.memory_space<vmem>>, vector<16xf32>,
        %parallel_loop3A_1171 = arith.index_cast %rem3A_335 : i32 to index
        %parallel_loop3A_1172 = arith.index_cast %parallel_loop3A_1088 : i32 to index
        %parallel_loop3A_1173 = arith.constant 160 : index
        %parallel_loop3A_1174 = tpu.vector_load %arg5[%parallel_loop3A_1171, %parallel_loop3A_1172, %parallel_loop3A_1173] {strides = array<i32>} : memref<2x32x1000xf32, #tpu.memory_space<vmem>>, vector<16xf32>,
        %parallel_loop3A_1175 = arith.constant 160 : i32
        %parallel_loop3A_1176 = arith.addi %parallel_loop3A_1090, %parallel_loop3A_1175 : i32
        %parallel_loop3A_1177 = arith.index_cast %parallel_loop3A_1176 : i32 to index
        %parallel_loop3A_1178 = tpu.vector_load %arg8[%parallel_loop3A_1177] {strides = array<i32>} : memref<32304xf32, #tpu.memory_space<vmem>>, vector<16xf32>,
        tpu.vector_store %arg8[%parallel_loop3A_1177], %parallel_loop3A_1174 {strides = array<i32>} : memref<32304xf32, #tpu.memory_space<vmem>>, vector<16xf32>,
        %parallel_loop3A_1179 = arith.index_cast %rem3A_335 : i32 to index
        %parallel_loop3A_1180 = arith.index_cast %parallel_loop3A_1088 : i32 to index
        %parallel_loop3A_1181 = arith.constant 176 : index
        %parallel_loop3A_1182 = tpu.vector_load %arg5[%parallel_loop3A_1179, %parallel_loop3A_1180, %parallel_loop3A_1181] {strides = array<i32>} : memref<2x32x1000xf32, #tpu.memory_space<vmem>>, vector<16xf32>,
        %parallel_loop3A_1183 = arith.constant 176 : i32
        %parallel_loop3A_1184 = arith.addi %parallel_loop3A_1090, %parallel_loop3A_1183 : i32
        %parallel_loop3A_1185 = arith.index_cast %parallel_loop3A_1184 : i32 to index
        %parallel_loop3A_1186 = tpu.vector_load %arg8[%parallel_loop3A_1185] {strides = array<i32>} : memref<32304xf32, #tpu.memory_space<vmem>>, vector<16xf32>,
        tpu.vector_store %arg8[%parallel_loop3A_1185], %parallel_loop3A_1182 {strides = array<i32>} : memref<32304xf32, #tpu.memory_space<vmem>>, vector<16xf32>,
        %parallel_loop3A_1187 = arith.index_cast %rem3A_335 : i32 to index
        %parallel_loop3A_1188 = arith.index_cast %parallel_loop3A_1088 : i32 to index
        %parallel_loop3A_1189 = arith.constant 192 : index
        %parallel_loop3A_1190 = tpu.vector_load %arg5[%parallel_loop3A_1187, %parallel_loop3A_1188, %parallel_loop3A_1189] {strides = array<i32>} : memref<2x32x1000xf32, #tpu.memory_space<vmem>>, vector<16xf32>,
        %parallel_loop3A_1191 = arith.constant 192 : i32
        %parallel_loop3A_1192 = arith.addi %parallel_loop3A_1090, %parallel_loop3A_1191 : i32
        %parallel_loop3A_1193 = arith.index_cast %parallel_loop3A_1192 : i32 to index
        %parallel_loop3A_1194 = tpu.vector_load %arg8[%parallel_loop3A_1193] {strides = array<i32>} : memref<32304xf32, #tpu.memory_space<vmem>>, vector<16xf32>,
        tpu.vector_store %arg8[%parallel_loop3A_1193], %parallel_loop3A_1190 {strides = array<i32>} : memref<32304xf32, #tpu.memory_space<vmem>>, vector<16xf32>,
        %parallel_loop3A_1195 = arith.index_cast %rem3A_335 : i32 to index
        %parallel_loop3A_1196 = arith.index_cast %parallel_loop3A_1088 : i32 to index
        %parallel_loop3A_1197 = arith.constant 208 : index
        %parallel_loop3A_1198 = tpu.vector_load %arg5[%parallel_loop3A_1195, %parallel_loop3A_1196, %parallel_loop3A_1197] {strides = array<i32>} : memref<2x32x1000xf32, #tpu.memory_space<vmem>>, vector<16xf32>,
        %parallel_loop3A_1199 = arith.constant 208 : i32
        %parallel_loop3A_1200 = arith.addi %parallel_loop3A_1090, %parallel_loop3A_1199 : i32
        %parallel_loop3A_1201 = arith.index_cast %parallel_loop3A_1200 : i32 to index
        %parallel_loop3A_1202 = tpu.vector_load %arg8[%parallel_loop3A_1201] {strides = array<i32>} : memref<32304xf32, #tpu.memory_space<vmem>>, vector<16xf32>,
        tpu.vector_store %arg8[%parallel_loop3A_1201], %parallel_loop3A_1198 {strides = array<i32>} : memref<32304xf32, #tpu.memory_space<vmem>>, vector<16xf32>,
        %parallel_loop3A_1203 = arith.index_cast %rem3A_335 : i32 to index
        %parallel_loop3A_1204 = arith.index_cast %parallel_loop3A_1088 : i32 to index
        %parallel_loop3A_1205 = arith.constant 224 : index
        %parallel_loop3A_1206 = tpu.vector_load %arg5[%parallel_loop3A_1203, %parallel_loop3A_1204, %parallel_loop3A_1205] {strides = array<i32>} : memref<2x32x1000xf32, #tpu.memory_space<vmem>>, vector<16xf32>,
        %parallel_loop3A_1207 = arith.constant 224 : i32
        %parallel_loop3A_1208 = arith.addi %parallel_loop3A_1090, %parallel_loop3A_1207 : i32
        %parallel_loop3A_1209 = arith.index_cast %parallel_loop3A_1208 : i32 to index
        %parallel_loop3A_1210 = tpu.vector_load %arg8[%parallel_loop3A_1209] {strides = array<i32>} : memref<32304xf32, #tpu.memory_space<vmem>>, vector<16xf32>,
        tpu.vector_store %arg8[%parallel_loop3A_1209], %parallel_loop3A_1206 {strides = array<i32>} : memref<32304xf32, #tpu.memory_space<vmem>>, vector<16xf32>,
        %parallel_loop3A_1211 = arith.index_cast %rem3A_335 : i32 to index
        %parallel_loop3A_1212 = arith.index_cast %parallel_loop3A_1088 : i32 to index
        %parallel_loop3A_1213 = arith.constant 240 : index
        %parallel_loop3A_1214 = tpu.vector_load %arg5[%parallel_loop3A_1211, %parallel_loop3A_1212, %parallel_loop3A_1213] {strides = array<i32>} : memref<2x32x1000xf32, #tpu.memory_space<vmem>>, vector<16xf32>,
        %parallel_loop3A_1215 = arith.constant 240 : i32
        %parallel_loop3A_1216 = arith.addi %parallel_loop3A_1090, %parallel_loop3A_1215 : i32
        %parallel_loop3A_1217 = arith.index_cast %parallel_loop3A_1216 : i32 to index
        %parallel_loop3A_1218 = tpu.vector_load %arg8[%parallel_loop3A_1217] {strides = array<i32>} : memref<32304xf32, #tpu.memory_space<vmem>>, vector<16xf32>,
        tpu.vector_store %arg8[%parallel_loop3A_1217], %parallel_loop3A_1214 {strides = array<i32>} : memref<32304xf32, #tpu.memory_space<vmem>>, vector<16xf32>,
        %parallel_loop3A_1219 = arith.index_cast %rem3A_335 : i32 to index
        %parallel_loop3A_1220 = arith.index_cast %parallel_loop3A_1088 : i32 to index
        %parallel_loop3A_1221 = arith.constant 256 : index
        %parallel_loop3A_1222 = tpu.vector_load %arg5[%parallel_loop3A_1219, %parallel_loop3A_1220, %parallel_loop3A_1221] {strides = array<i32>} : memref<2x32x1000xf32, #tpu.memory_space<vmem>>, vector<16xf32>,
        %parallel_loop3A_1223 = arith.constant 256 : i32
        %parallel_loop3A_1224 = arith.addi %parallel_loop3A_1090, %parallel_loop3A_1223 : i32
        %parallel_loop3A_1225 = arith.index_cast %parallel_loop3A_1224 : i32 to index
        %parallel_loop3A_1226 = tpu.vector_load %arg8[%parallel_loop3A_1225] {strides = array<i32>} : memref<32304xf32, #tpu.memory_space<vmem>>, vector<16xf32>,
        tpu.vector_store %arg8[%parallel_loop3A_1225], %parallel_loop3A_1222 {strides = array<i32>} : memref<32304xf32, #tpu.memory_space<vmem>>, vector<16xf32>,
        %parallel_loop3A_1227 = arith.index_cast %rem3A_335 : i32 to index
        %parallel_loop3A_1228 = arith.index_cast %parallel_loop3A_1088 : i32 to index
        %parallel_loop3A_1229 = arith.constant 272 : index
        %parallel_loop3A_1230 = tpu.vector_load %arg5[%parallel_loop3A_1227, %parallel_loop3A_1228, %parallel_loop3A_1229] {strides = array<i32>} : memref<2x32x1000xf32, #tpu.memory_space<vmem>>, vector<16xf32>,
        %parallel_loop3A_1231 = arith.constant 272 : i32
        %parallel_loop3A_1232 = arith.addi %parallel_loop3A_1090, %parallel_loop3A_1231 : i32
        %parallel_loop3A_1233 = arith.index_cast %parallel_loop3A_1232 : i32 to index
        %parallel_loop3A_1234 = tpu.vector_load %arg8[%parallel_loop3A_1233] {strides = array<i32>} : memref<32304xf32, #tpu.memory_space<vmem>>, vector<16xf32>,
        tpu.vector_store %arg8[%parallel_loop3A_1233], %parallel_loop3A_1230 {strides = array<i32>} : memref<32304xf32, #tpu.memory_space<vmem>>, vector<16xf32>,
        %parallel_loop3A_1235 = arith.index_cast %rem3A_335 : i32 to index
        %parallel_loop3A_1236 = arith.index_cast %parallel_loop3A_1088 : i32 to index
        %parallel_loop3A_1237 = arith.constant 288 : index
        %parallel_loop3A_1238 = tpu.vector_load %arg5[%parallel_loop3A_1235, %parallel_loop3A_1236, %parallel_loop3A_1237] {strides = array<i32>} : memref<2x32x1000xf32, #tpu.memory_space<vmem>>, vector<16xf32>,
        %parallel_loop3A_1239 = arith.constant 288 : i32
        %parallel_loop3A_1240 = arith.addi %parallel_loop3A_1090, %parallel_loop3A_1239 : i32
        %parallel_loop3A_1241 = arith.index_cast %parallel_loop3A_1240 : i32 to index
        %parallel_loop3A_1242 = tpu.vector_load %arg8[%parallel_loop3A_1241] {strides = array<i32>} : memref<32304xf32, #tpu.memory_space<vmem>>, vector<16xf32>,
        tpu.vector_store %arg8[%parallel_loop3A_1241], %parallel_loop3A_1238 {strides = array<i32>} : memref<32304xf32, #tpu.memory_space<vmem>>, vector<16xf32>,
        %parallel_loop3A_1243 = arith.index_cast %rem3A_335 : i32 to index
        %parallel_loop3A_1244 = arith.index_cast %parallel_loop3A_1088 : i32 to index
        %parallel_loop3A_1245 = arith.constant 304 : index
        %parallel_loop3A_1246 = tpu.vector_load %arg5[%parallel_loop3A_1243, %parallel_loop3A_1244, %parallel_loop3A_1245] {strides = array<i32>} : memref<2x32x1000xf32, #tpu.memory_space<vmem>>, vector<16xf32>,
        %parallel_loop3A_1247 = arith.constant 304 : i32
        %parallel_loop3A_1248 = arith.addi %parallel_loop3A_1090, %parallel_loop3A_1247 : i32
        %parallel_loop3A_1249 = arith.index_cast %parallel_loop3A_1248 : i32 to index
        %parallel_loop3A_1250 = tpu.vector_load %arg8[%parallel_loop3A_1249] {strides = array<i32>} : memref<32304xf32, #tpu.memory_space<vmem>>, vector<16xf32>,
        tpu.vector_store %arg8[%parallel_loop3A_1249], %parallel_loop3A_1246 {strides = array<i32>} : memref<32304xf32, #tpu.memory_space<vmem>>, vector<16xf32>,
        %parallel_loop3A_1251 = arith.index_cast %rem3A_335 : i32 to index
        %parallel_loop3A_1252 = arith.index_cast %parallel_loop3A_1088 : i32 to index
        %parallel_loop3A_1253 = arith.constant 320 : index
        %parallel_loop3A_1254 = tpu.vector_load %arg5[%parallel_loop3A_1251, %parallel_loop3A_1252, %parallel_loop3A_1253] {strides = array<i32>} : memref<2x32x1000xf32, #tpu.memory_space<vmem>>, vector<16xf32>,
        %parallel_loop3A_1255 = arith.constant 320 : i32
        %parallel_loop3A_1256 = arith.addi %parallel_loop3A_1090, %parallel_loop3A_1255 : i32
        %parallel_loop3A_1257 = arith.index_cast %parallel_loop3A_1256 : i32 to index
        %parallel_loop3A_1258 = tpu.vector_load %arg8[%parallel_loop3A_1257] {strides = array<i32>} : memref<32304xf32, #tpu.memory_space<vmem>>, vector<16xf32>,
        tpu.vector_store %arg8[%parallel_loop3A_1257], %parallel_loop3A_1254 {strides = array<i32>} : memref<32304xf32, #tpu.memory_space<vmem>>, vector<16xf32>,
        %parallel_loop3A_1259 = arith.index_cast %rem3A_335 : i32 to index
        %parallel_loop3A_1260 = arith.index_cast %parallel_loop3A_1088 : i32 to index
        %parallel_loop3A_1261 = arith.constant 336 : index
        %parallel_loop3A_1262 = tpu.vector_load %arg5[%parallel_loop3A_1259, %parallel_loop3A_1260, %parallel_loop3A_1261] {strides = array<i32>} : memref<2x32x1000xf32, #tpu.memory_space<vmem>>, vector<16xf32>,
        %parallel_loop3A_1263 = arith.constant 336 : i32
        %parallel_loop3A_1264 = arith.addi %parallel_loop3A_1090, %parallel_loop3A_1263 : i32
        %parallel_loop3A_1265 = arith.index_cast %parallel_loop3A_1264 : i32 to index
        %parallel_loop3A_1266 = tpu.vector_load %arg8[%parallel_loop3A_1265] {strides = array<i32>} : memref<32304xf32, #tpu.memory_space<vmem>>, vector<16xf32>,
        tpu.vector_store %arg8[%parallel_loop3A_1265], %parallel_loop3A_1262 {strides = array<i32>} : memref<32304xf32, #tpu.memory_space<vmem>>, vector<16xf32>,
        %parallel_loop3A_1267 = arith.index_cast %rem3A_335 : i32 to index
        %parallel_loop3A_1268 = arith.index_cast %parallel_loop3A_1088 : i32 to index
        %parallel_loop3A_1269 = arith.constant 352 : index
        %parallel_loop3A_1270 = tpu.vector_load %arg5[%parallel_loop3A_1267, %parallel_loop3A_1268, %parallel_loop3A_1269] {strides = array<i32>} : memref<2x32x1000xf32, #tpu.memory_space<vmem>>, vector<16xf32>,
        %parallel_loop3A_1271 = arith.constant 352 : i32
        %parallel_loop3A_1272 = arith.addi %parallel_loop3A_1090, %parallel_loop3A_1271 : i32
        %parallel_loop3A_1273 = arith.index_cast %parallel_loop3A_1272 : i32 to index
        %parallel_loop3A_1274 = tpu.vector_load %arg8[%parallel_loop3A_1273] {strides = array<i32>} : memref<32304xf32, #tpu.memory_space<vmem>>, vector<16xf32>,
        tpu.vector_store %arg8[%parallel_loop3A_1273], %parallel_loop3A_1270 {strides = array<i32>} : memref<32304xf32, #tpu.memory_space<vmem>>, vector<16xf32>,
        %parallel_loop3A_1275 = arith.index_cast %rem3A_335 : i32 to index
        %parallel_loop3A_1276 = arith.index_cast %parallel_loop3A_1088 : i32 to index
        %parallel_loop3A_1277 = arith.constant 368 : index
        %parallel_loop3A_1278 = tpu.vector_load %arg5[%parallel_loop3A_1275, %parallel_loop3A_1276, %parallel_loop3A_1277] {strides = array<i32>} : memref<2x32x1000xf32, #tpu.memory_space<vmem>>, vector<16xf32>,
        %parallel_loop3A_1279 = arith.constant 368 : i32
        %parallel_loop3A_1280 = arith.addi %parallel_loop3A_1090, %parallel_loop3A_1279 : i32
        %parallel_loop3A_1281 = arith.index_cast %parallel_loop3A_1280 : i32 to index
        %parallel_loop3A_1282 = tpu.vector_load %arg8[%parallel_loop3A_1281] {strides = array<i32>} : memref<32304xf32, #tpu.memory_space<vmem>>, vector<16xf32>,
        tpu.vector_store %arg8[%parallel_loop3A_1281], %parallel_loop3A_1278 {strides = array<i32>} : memref<32304xf32, #tpu.memory_space<vmem>>, vector<16xf32>,
        %parallel_loop3A_1283 = arith.index_cast %rem3A_335 : i32 to index
        %parallel_loop3A_1284 = arith.index_cast %parallel_loop3A_1088 : i32 to index
        %parallel_loop3A_1285 = arith.constant 384 : index
        %parallel_loop3A_1286 = tpu.vector_load %arg5[%parallel_loop3A_1283, %parallel_loop3A_1284, %parallel_loop3A_1285] {strides = array<i32>} : memref<2x32x1000xf32, #tpu.memory_space<vmem>>, vector<16xf32>,
        %parallel_loop3A_1287 = arith.constant 384 : i32
        %parallel_loop3A_1288 = arith.addi %parallel_loop3A_1090, %parallel_loop3A_1287 : i32
        %parallel_loop3A_1289 = arith.index_cast %parallel_loop3A_1288 : i32 to index
        %parallel_loop3A_1290 = tpu.vector_load %arg8[%parallel_loop3A_1289] {strides = array<i32>} : memref<32304xf32, #tpu.memory_space<vmem>>, vector<16xf32>,
        tpu.vector_store %arg8[%parallel_loop3A_1289], %parallel_loop3A_1286 {strides = array<i32>} : memref<32304xf32, #tpu.memory_space<vmem>>, vector<16xf32>,
        %parallel_loop3A_1291 = arith.index_cast %rem3A_335 : i32 to index
        %parallel_loop3A_1292 = arith.index_cast %parallel_loop3A_1088 : i32 to index
        %parallel_loop3A_1293 = arith.constant 400 : index
        %parallel_loop3A_1294 = tpu.vector_load %arg5[%parallel_loop3A_1291, %parallel_loop3A_1292, %parallel_loop3A_1293] {strides = array<i32>} : memref<2x32x1000xf32, #tpu.memory_space<vmem>>, vector<16xf32>,
        %parallel_loop3A_1295 = arith.constant 400 : i32
        %parallel_loop3A_1296 = arith.addi %parallel_loop3A_1090, %parallel_loop3A_1295 : i32
        %parallel_loop3A_1297 = arith.index_cast %parallel_loop3A_1296 : i32 to index
        %parallel_loop3A_1298 = tpu.vector_load %arg8[%parallel_loop3A_1297] {strides = array<i32>} : memref<32304xf32, #tpu.memory_space<vmem>>, vector<16xf32>,
        tpu.vector_store %arg8[%parallel_loop3A_1297], %parallel_loop3A_1294 {strides = array<i32>} : memref<32304xf32, #tpu.memory_space<vmem>>, vector<16xf32>,
        %parallel_loop3A_1299 = arith.index_cast %rem3A_335 : i32 to index
        %parallel_loop3A_1300 = arith.index_cast %parallel_loop3A_1088 : i32 to index
        %parallel_loop3A_1301 = arith.constant 416 : index
        %parallel_loop3A_1302 = tpu.vector_load %arg5[%parallel_loop3A_1299, %parallel_loop3A_1300, %parallel_loop3A_1301] {strides = array<i32>} : memref<2x32x1000xf32, #tpu.memory_space<vmem>>, vector<16xf32>,
        %parallel_loop3A_1303 = arith.constant 416 : i32
        %parallel_loop3A_1304 = arith.addi %parallel_loop3A_1090, %parallel_loop3A_1303 : i32
        %parallel_loop3A_1305 = arith.index_cast %parallel_loop3A_1304 : i32 to index
        %parallel_loop3A_1306 = tpu.vector_load %arg8[%parallel_loop3A_1305] {strides = array<i32>} : memref<32304xf32, #tpu.memory_space<vmem>>, vector<16xf32>,
        tpu.vector_store %arg8[%parallel_loop3A_1305], %parallel_loop3A_1302 {strides = array<i32>} : memref<32304xf32, #tpu.memory_space<vmem>>, vector<16xf32>,
        %parallel_loop3A_1307 = arith.index_cast %rem3A_335 : i32 to index
        %parallel_loop3A_1308 = arith.index_cast %parallel_loop3A_1088 : i32 to index
        %parallel_loop3A_1309 = arith.constant 432 : index
        %parallel_loop3A_1310 = tpu.vector_load %arg5[%parallel_loop3A_1307, %parallel_loop3A_1308, %parallel_loop3A_1309] {strides = array<i32>} : memref<2x32x1000xf32, #tpu.memory_space<vmem>>, vector<16xf32>,
        %parallel_loop3A_1311 = arith.constant 432 : i32
        %parallel_loop3A_1312 = arith.addi %parallel_loop3A_1090, %parallel_loop3A_1311 : i32
        %parallel_loop3A_1313 = arith.index_cast %parallel_loop3A_1312 : i32 to index
        %parallel_loop3A_1314 = tpu.vector_load %arg8[%parallel_loop3A_1313] {strides = array<i32>} : memref<32304xf32, #tpu.memory_space<vmem>>, vector<16xf32>,
        tpu.vector_store %arg8[%parallel_loop3A_1313], %parallel_loop3A_1310 {strides = array<i32>} : memref<32304xf32, #tpu.memory_space<vmem>>, vector<16xf32>,
        %parallel_loop3A_1315 = arith.index_cast %rem3A_335 : i32 to index
        %parallel_loop3A_1316 = arith.index_cast %parallel_loop3A_1088 : i32 to index
        %parallel_loop3A_1317 = arith.constant 448 : index
        %parallel_loop3A_1318 = tpu.vector_load %arg5[%parallel_loop3A_1315, %parallel_loop3A_1316, %parallel_loop3A_1317] {strides = array<i32>} : memref<2x32x1000xf32, #tpu.memory_space<vmem>>, vector<16xf32>,
        %parallel_loop3A_1319 = arith.constant 448 : i32
        %parallel_loop3A_1320 = arith.addi %parallel_loop3A_1090, %parallel_loop3A_1319 : i32
        %parallel_loop3A_1321 = arith.index_cast %parallel_loop3A_1320 : i32 to index
        %parallel_loop3A_1322 = tpu.vector_load %arg8[%parallel_loop3A_1321] {strides = array<i32>} : memref<32304xf32, #tpu.memory_space<vmem>>, vector<16xf32>,
        tpu.vector_store %arg8[%parallel_loop3A_1321], %parallel_loop3A_1318 {strides = array<i32>} : memref<32304xf32, #tpu.memory_space<vmem>>, vector<16xf32>,
        %parallel_loop3A_1323 = arith.index_cast %rem3A_335 : i32 to index
        %parallel_loop3A_1324 = arith.index_cast %parallel_loop3A_1088 : i32 to index
        %parallel_loop3A_1325 = arith.constant 464 : index
        %parallel_loop3A_1326 = tpu.vector_load %arg5[%parallel_loop3A_1323, %parallel_loop3A_1324, %parallel_loop3A_1325] {strides = array<i32>} : memref<2x32x1000xf32, #tpu.memory_space<vmem>>, vector<16xf32>,
        %parallel_loop3A_1327 = arith.constant 464 : i32
        %parallel_loop3A_1328 = arith.addi %parallel_loop3A_1090, %parallel_loop3A_1327 : i32
        %parallel_loop3A_1329 = arith.index_cast %parallel_loop3A_1328 : i32 to index
        %parallel_loop3A_1330 = tpu.vector_load %arg8[%parallel_loop3A_1329] {strides = array<i32>} : memref<32304xf32, #tpu.memory_space<vmem>>, vector<16xf32>,
        tpu.vector_store %arg8[%parallel_loop3A_1329], %parallel_loop3A_1326 {strides = array<i32>} : memref<32304xf32, #tpu.memory_space<vmem>>, vector<16xf32>,
        %parallel_loop3A_1331 = arith.index_cast %rem3A_335 : i32 to index
        %parallel_loop3A_1332 = arith.index_cast %parallel_loop3A_1088 : i32 to index
        %parallel_loop3A_1333 = arith.constant 480 : index
        %parallel_loop3A_1334 = tpu.vector_load %arg5[%parallel_loop3A_1331, %parallel_loop3A_1332, %parallel_loop3A_1333] {strides = array<i32>} : memref<2x32x1000xf32, #tpu.memory_space<vmem>>, vector<16xf32>,
        %parallel_loop3A_1335 = arith.constant 480 : i32
        %parallel_loop3A_1336 = arith.addi %parallel_loop3A_1090, %parallel_loop3A_1335 : i32
        %parallel_loop3A_1337 = arith.index_cast %parallel_loop3A_1336 : i32 to index
        %parallel_loop3A_1338 = tpu.vector_load %arg8[%parallel_loop3A_1337] {strides = array<i32>} : memref<32304xf32, #tpu.memory_space<vmem>>, vector<16xf32>,
        tpu.vector_store %arg8[%parallel_loop3A_1337], %parallel_loop3A_1334 {strides = array<i32>} : memref<32304xf32, #tpu.memory_space<vmem>>, vector<16xf32>,
        %parallel_loop3A_1339 = arith.index_cast %rem3A_335 : i32 to index
        %parallel_loop3A_1340 = arith.index_cast %parallel_loop3A_1088 : i32 to index
        %parallel_loop3A_1341 = arith.constant 496 : index
        %parallel_loop3A_1342 = tpu.vector_load %arg5[%parallel_loop3A_1339, %parallel_loop3A_1340, %parallel_loop3A_1341] {strides = array<i32>} : memref<2x32x1000xf32, #tpu.memory_space<vmem>>, vector<16xf32>,
        %parallel_loop3A_1343 = arith.constant 496 : i32
        %parallel_loop3A_1344 = arith.addi %parallel_loop3A_1090, %parallel_loop3A_1343 : i32
        %parallel_loop3A_1345 = arith.index_cast %parallel_loop3A_1344 : i32 to index
        %parallel_loop3A_1346 = tpu.vector_load %arg8[%parallel_loop3A_1345] {strides = array<i32>} : memref<32304xf32, #tpu.memory_space<vmem>>, vector<16xf32>,
        tpu.vector_store %arg8[%parallel_loop3A_1345], %parallel_loop3A_1342 {strides = array<i32>} : memref<32304xf32, #tpu.memory_space<vmem>>, vector<16xf32>,
        %parallel_loop3A_1347 = arith.index_cast %rem3A_335 : i32 to index
        %parallel_loop3A_1348 = arith.index_cast %parallel_loop3A_1088 : i32 to index
        %parallel_loop3A_1349 = arith.constant 512 : index
        %parallel_loop3A_1350 = tpu.vector_load %arg5[%parallel_loop3A_1347, %parallel_loop3A_1348, %parallel_loop3A_1349] {strides = array<i32>} : memref<2x32x1000xf32, #tpu.memory_space<vmem>>, vector<16xf32>,
        %parallel_loop3A_1351 = arith.constant 512 : i32
        %parallel_loop3A_1352 = arith.addi %parallel_loop3A_1090, %parallel_loop3A_1351 : i32
        %parallel_loop3A_1353 = arith.index_cast %parallel_loop3A_1352 : i32 to index
        %parallel_loop3A_1354 = tpu.vector_load %arg8[%parallel_loop3A_1353] {strides = array<i32>} : memref<32304xf32, #tpu.memory_space<vmem>>, vector<16xf32>,
        tpu.vector_store %arg8[%parallel_loop3A_1353], %parallel_loop3A_1350 {strides = array<i32>} : memref<32304xf32, #tpu.memory_space<vmem>>, vector<16xf32>,
        %parallel_loop3A_1355 = arith.index_cast %rem3A_335 : i32 to index
        %parallel_loop3A_1356 = arith.index_cast %parallel_loop3A_1088 : i32 to index
        %parallel_loop3A_1357 = arith.constant 528 : index
        %parallel_loop3A_1358 = tpu.vector_load %arg5[%parallel_loop3A_1355, %parallel_loop3A_1356, %parallel_loop3A_1357] {strides = array<i32>} : memref<2x32x1000xf32, #tpu.memory_space<vmem>>, vector<16xf32>,
        %parallel_loop3A_1359 = arith.constant 528 : i32
        %parallel_loop3A_1360 = arith.addi %parallel_loop3A_1090, %parallel_loop3A_1359 : i32
        %parallel_loop3A_1361 = arith.index_cast %parallel_loop3A_1360 : i32 to index
        %parallel_loop3A_1362 = tpu.vector_load %arg8[%parallel_loop3A_1361] {strides = array<i32>} : memref<32304xf32, #tpu.memory_space<vmem>>, vector<16xf32>,
        tpu.vector_store %arg8[%parallel_loop3A_1361], %parallel_loop3A_1358 {strides = array<i32>} : memref<32304xf32, #tpu.memory_space<vmem>>, vector<16xf32>,
        %parallel_loop3A_1363 = arith.index_cast %rem3A_335 : i32 to index
        %parallel_loop3A_1364 = arith.index_cast %parallel_loop3A_1088 : i32 to index
        %parallel_loop3A_1365 = arith.constant 544 : index
        %parallel_loop3A_1366 = tpu.vector_load %arg5[%parallel_loop3A_1363, %parallel_loop3A_1364, %parallel_loop3A_1365] {strides = array<i32>} : memref<2x32x1000xf32, #tpu.memory_space<vmem>>, vector<16xf32>,
        %parallel_loop3A_1367 = arith.constant 544 : i32
        %parallel_loop3A_1368 = arith.addi %parallel_loop3A_1090, %parallel_loop3A_1367 : i32
        %parallel_loop3A_1369 = arith.index_cast %parallel_loop3A_1368 : i32 to index
        %parallel_loop3A_1370 = tpu.vector_load %arg8[%parallel_loop3A_1369] {strides = array<i32>} : memref<32304xf32, #tpu.memory_space<vmem>>, vector<16xf32>,
        tpu.vector_store %arg8[%parallel_loop3A_1369], %parallel_loop3A_1366 {strides = array<i32>} : memref<32304xf32, #tpu.memory_space<vmem>>, vector<16xf32>,
        %parallel_loop3A_1371 = arith.index_cast %rem3A_335 : i32 to index
        %parallel_loop3A_1372 = arith.index_cast %parallel_loop3A_1088 : i32 to index
        %parallel_loop3A_1373 = arith.constant 560 : index
        %parallel_loop3A_1374 = tpu.vector_load %arg5[%parallel_loop3A_1371, %parallel_loop3A_1372, %parallel_loop3A_1373] {strides = array<i32>} : memref<2x32x1000xf32, #tpu.memory_space<vmem>>, vector<16xf32>,
        %parallel_loop3A_1375 = arith.constant 560 : i32
        %parallel_loop3A_1376 = arith.addi %parallel_loop3A_1090, %parallel_loop3A_1375 : i32
        %parallel_loop3A_1377 = arith.index_cast %parallel_loop3A_1376 : i32 to index
        %parallel_loop3A_1378 = tpu.vector_load %arg8[%parallel_loop3A_1377] {strides = array<i32>} : memref<32304xf32, #tpu.memory_space<vmem>>, vector<16xf32>,
        tpu.vector_store %arg8[%parallel_loop3A_1377], %parallel_loop3A_1374 {strides = array<i32>} : memref<32304xf32, #tpu.memory_space<vmem>>, vector<16xf32>,
        %parallel_loop3A_1379 = arith.index_cast %rem3A_335 : i32 to index
        %parallel_loop3A_1380 = arith.index_cast %parallel_loop3A_1088 : i32 to index
        %parallel_loop3A_1381 = arith.constant 576 : index
        %parallel_loop3A_1382 = tpu.vector_load %arg5[%parallel_loop3A_1379, %parallel_loop3A_1380, %parallel_loop3A_1381] {strides = array<i32>} : memref<2x32x1000xf32, #tpu.memory_space<vmem>>, vector<16xf32>,
        %parallel_loop3A_1383 = arith.constant 576 : i32
        %parallel_loop3A_1384 = arith.addi %parallel_loop3A_1090, %parallel_loop3A_1383 : i32
        %parallel_loop3A_1385 = arith.index_cast %parallel_loop3A_1384 : i32 to index
        %parallel_loop3A_1386 = tpu.vector_load %arg8[%parallel_loop3A_1385] {strides = array<i32>} : memref<32304xf32, #tpu.memory_space<vmem>>, vector<16xf32>,
        tpu.vector_store %arg8[%parallel_loop3A_1385], %parallel_loop3A_1382 {strides = array<i32>} : memref<32304xf32, #tpu.memory_space<vmem>>, vector<16xf32>,
        %parallel_loop3A_1387 = arith.index_cast %rem3A_335 : i32 to index
        %parallel_loop3A_1388 = arith.index_cast %parallel_loop3A_1088 : i32 to index
        %parallel_loop3A_1389 = arith.constant 592 : index
        %parallel_loop3A_1390 = tpu.vector_load %arg5[%parallel_loop3A_1387, %parallel_loop3A_1388, %parallel_loop3A_1389] {strides = array<i32>} : memref<2x32x1000xf32, #tpu.memory_space<vmem>>, vector<16xf32>,
        %parallel_loop3A_1391 = arith.constant 592 : i32
        %parallel_loop3A_1392 = arith.addi %parallel_loop3A_1090, %parallel_loop3A_1391 : i32
        %parallel_loop3A_1393 = arith.index_cast %parallel_loop3A_1392 : i32 to index
        %parallel_loop3A_1394 = tpu.vector_load %arg8[%parallel_loop3A_1393] {strides = array<i32>} : memref<32304xf32, #tpu.memory_space<vmem>>, vector<16xf32>,
        tpu.vector_store %arg8[%parallel_loop3A_1393], %parallel_loop3A_1390 {strides = array<i32>} : memref<32304xf32, #tpu.memory_space<vmem>>, vector<16xf32>,
        %parallel_loop3A_1395 = arith.index_cast %rem3A_335 : i32 to index
        %parallel_loop3A_1396 = arith.index_cast %parallel_loop3A_1088 : i32 to index
        %parallel_loop3A_1397 = arith.constant 608 : index
        %parallel_loop3A_1398 = tpu.vector_load %arg5[%parallel_loop3A_1395, %parallel_loop3A_1396, %parallel_loop3A_1397] {strides = array<i32>} : memref<2x32x1000xf32, #tpu.memory_space<vmem>>, vector<16xf32>,
        %parallel_loop3A_1399 = arith.constant 608 : i32
        %parallel_loop3A_1400 = arith.addi %parallel_loop3A_1090, %parallel_loop3A_1399 : i32
        %parallel_loop3A_1401 = arith.index_cast %parallel_loop3A_1400 : i32 to index
        %parallel_loop3A_1402 = tpu.vector_load %arg8[%parallel_loop3A_1401] {strides = array<i32>} : memref<32304xf32, #tpu.memory_space<vmem>>, vector<16xf32>,
        tpu.vector_store %arg8[%parallel_loop3A_1401], %parallel_loop3A_1398 {strides = array<i32>} : memref<32304xf32, #tpu.memory_space<vmem>>, vector<16xf32>,
        %parallel_loop3A_1403 = arith.index_cast %rem3A_335 : i32 to index
        %parallel_loop3A_1404 = arith.index_cast %parallel_loop3A_1088 : i32 to index
        %parallel_loop3A_1405 = arith.constant 624 : index
        %parallel_loop3A_1406 = tpu.vector_load %arg5[%parallel_loop3A_1403, %parallel_loop3A_1404, %parallel_loop3A_1405] {strides = array<i32>} : memref<2x32x1000xf32, #tpu.memory_space<vmem>>, vector<16xf32>,
        %parallel_loop3A_1407 = arith.constant 624 : i32
        %parallel_loop3A_1408 = arith.addi %parallel_loop3A_1090, %parallel_loop3A_1407 : i32
        %parallel_loop3A_1409 = arith.index_cast %parallel_loop3A_1408 : i32 to index
        %parallel_loop3A_1410 = tpu.vector_load %arg8[%parallel_loop3A_1409] {strides = array<i32>} : memref<32304xf32, #tpu.memory_space<vmem>>, vector<16xf32>,
        tpu.vector_store %arg8[%parallel_loop3A_1409], %parallel_loop3A_1406 {strides = array<i32>} : memref<32304xf32, #tpu.memory_space<vmem>>, vector<16xf32>,
        %parallel_loop3A_1411 = arith.index_cast %rem3A_335 : i32 to index
        %parallel_loop3A_1412 = arith.index_cast %parallel_loop3A_1088 : i32 to index
        %parallel_loop3A_1413 = arith.constant 640 : index
        %parallel_loop3A_1414 = tpu.vector_load %arg5[%parallel_loop3A_1411, %parallel_loop3A_1412, %parallel_loop3A_1413] {strides = array<i32>} : memref<2x32x1000xf32, #tpu.memory_space<vmem>>, vector<16xf32>,
        %parallel_loop3A_1415 = arith.constant 640 : i32
        %parallel_loop3A_1416 = arith.addi %parallel_loop3A_1090, %parallel_loop3A_1415 : i32
        %parallel_loop3A_1417 = arith.index_cast %parallel_loop3A_1416 : i32 to index
        %parallel_loop3A_1418 = tpu.vector_load %arg8[%parallel_loop3A_1417] {strides = array<i32>} : memref<32304xf32, #tpu.memory_space<vmem>>, vector<16xf32>,
        tpu.vector_store %arg8[%parallel_loop3A_1417], %parallel_loop3A_1414 {strides = array<i32>} : memref<32304xf32, #tpu.memory_space<vmem>>, vector<16xf32>,
        %parallel_loop3A_1419 = arith.index_cast %rem3A_335 : i32 to index
        %parallel_loop3A_1420 = arith.index_cast %parallel_loop3A_1088 : i32 to index
        %parallel_loop3A_1421 = arith.constant 656 : index
        %parallel_loop3A_1422 = tpu.vector_load %arg5[%parallel_loop3A_1419, %parallel_loop3A_1420, %parallel_loop3A_1421] {strides = array<i32>} : memref<2x32x1000xf32, #tpu.memory_space<vmem>>, vector<16xf32>,
        %parallel_loop3A_1423 = arith.constant 656 : i32
        %parallel_loop3A_1424 = arith.addi %parallel_loop3A_1090, %parallel_loop3A_1423 : i32
        %parallel_loop3A_1425 = arith.index_cast %parallel_loop3A_1424 : i32 to index
        %parallel_loop3A_1426 = tpu.vector_load %arg8[%parallel_loop3A_1425] {strides = array<i32>} : memref<32304xf32, #tpu.memory_space<vmem>>, vector<16xf32>,
        tpu.vector_store %arg8[%parallel_loop3A_1425], %parallel_loop3A_1422 {strides = array<i32>} : memref<32304xf32, #tpu.memory_space<vmem>>, vector<16xf32>,
        %parallel_loop3A_1427 = arith.index_cast %rem3A_335 : i32 to index
        %parallel_loop3A_1428 = arith.index_cast %parallel_loop3A_1088 : i32 to index
        %parallel_loop3A_1429 = arith.constant 672 : index
        %parallel_loop3A_1430 = tpu.vector_load %arg5[%parallel_loop3A_1427, %parallel_loop3A_1428, %parallel_loop3A_1429] {strides = array<i32>} : memref<2x32x1000xf32, #tpu.memory_space<vmem>>, vector<16xf32>,
        %parallel_loop3A_1431 = arith.constant 672 : i32
        %parallel_loop3A_1432 = arith.addi %parallel_loop3A_1090, %parallel_loop3A_1431 : i32
        %parallel_loop3A_1433 = arith.index_cast %parallel_loop3A_1432 : i32 to index
        %parallel_loop3A_1434 = tpu.vector_load %arg8[%parallel_loop3A_1433] {strides = array<i32>} : memref<32304xf32, #tpu.memory_space<vmem>>, vector<16xf32>,
        tpu.vector_store %arg8[%parallel_loop3A_1433], %parallel_loop3A_1430 {strides = array<i32>} : memref<32304xf32, #tpu.memory_space<vmem>>, vector<16xf32>,
        %parallel_loop3A_1435 = arith.index_cast %rem3A_335 : i32 to index
        %parallel_loop3A_1436 = arith.index_cast %parallel_loop3A_1088 : i32 to index
        %parallel_loop3A_1437 = arith.constant 688 : index
        %parallel_loop3A_1438 = tpu.vector_load %arg5[%parallel_loop3A_1435, %parallel_loop3A_1436, %parallel_loop3A_1437] {strides = array<i32>} : memref<2x32x1000xf32, #tpu.memory_space<vmem>>, vector<16xf32>,
        %parallel_loop3A_1439 = arith.constant 688 : i32
        %parallel_loop3A_1440 = arith.addi %parallel_loop3A_1090, %parallel_loop3A_1439 : i32
        %parallel_loop3A_1441 = arith.index_cast %parallel_loop3A_1440 : i32 to index
        %parallel_loop3A_1442 = tpu.vector_load %arg8[%parallel_loop3A_1441] {strides = array<i32>} : memref<32304xf32, #tpu.memory_space<vmem>>, vector<16xf32>,
        tpu.vector_store %arg8[%parallel_loop3A_1441], %parallel_loop3A_1438 {strides = array<i32>} : memref<32304xf32, #tpu.memory_space<vmem>>, vector<16xf32>,
        %parallel_loop3A_1443 = arith.index_cast %rem3A_335 : i32 to index
        %parallel_loop3A_1444 = arith.index_cast %parallel_loop3A_1088 : i32 to index
        %parallel_loop3A_1445 = arith.constant 704 : index
        %parallel_loop3A_1446 = tpu.vector_load %arg5[%parallel_loop3A_1443, %parallel_loop3A_1444, %parallel_loop3A_1445] {strides = array<i32>} : memref<2x32x1000xf32, #tpu.memory_space<vmem>>, vector<16xf32>,
        %parallel_loop3A_1447 = arith.constant 704 : i32
        %parallel_loop3A_1448 = arith.addi %parallel_loop3A_1090, %parallel_loop3A_1447 : i32
        %parallel_loop3A_1449 = arith.index_cast %parallel_loop3A_1448 : i32 to index
        %parallel_loop3A_1450 = tpu.vector_load %arg8[%parallel_loop3A_1449] {strides = array<i32>} : memref<32304xf32, #tpu.memory_space<vmem>>, vector<16xf32>,
        tpu.vector_store %arg8[%parallel_loop3A_1449], %parallel_loop3A_1446 {strides = array<i32>} : memref<32304xf32, #tpu.memory_space<vmem>>, vector<16xf32>,
        %parallel_loop3A_1451 = arith.index_cast %rem3A_335 : i32 to index
        %parallel_loop3A_1452 = arith.index_cast %parallel_loop3A_1088 : i32 to index
        %parallel_loop3A_1453 = arith.constant 720 : index
        %parallel_loop3A_1454 = tpu.vector_load %arg5[%parallel_loop3A_1451, %parallel_loop3A_1452, %parallel_loop3A_1453] {strides = array<i32>} : memref<2x32x1000xf32, #tpu.memory_space<vmem>>, vector<16xf32>,
        %parallel_loop3A_1455 = arith.constant 720 : i32
        %parallel_loop3A_1456 = arith.addi %parallel_loop3A_1090, %parallel_loop3A_1455 : i32
        %parallel_loop3A_1457 = arith.index_cast %parallel_loop3A_1456 : i32 to index
        %parallel_loop3A_1458 = tpu.vector_load %arg8[%parallel_loop3A_1457] {strides = array<i32>} : memref<32304xf32, #tpu.memory_space<vmem>>, vector<16xf32>,
        tpu.vector_store %arg8[%parallel_loop3A_1457], %parallel_loop3A_1454 {strides = array<i32>} : memref<32304xf32, #tpu.memory_space<vmem>>, vector<16xf32>,
        %parallel_loop3A_1459 = arith.index_cast %rem3A_335 : i32 to index
        %parallel_loop3A_1460 = arith.index_cast %parallel_loop3A_1088 : i32 to index
        %parallel_loop3A_1461 = arith.constant 736 : index
        %parallel_loop3A_1462 = tpu.vector_load %arg5[%parallel_loop3A_1459, %parallel_loop3A_1460, %parallel_loop3A_1461] {strides = array<i32>} : memref<2x32x1000xf32, #tpu.memory_space<vmem>>, vector<16xf32>,
        %parallel_loop3A_1463 = arith.constant 736 : i32
        %parallel_loop3A_1464 = arith.addi %parallel_loop3A_1090, %parallel_loop3A_1463 : i32
        %parallel_loop3A_1465 = arith.index_cast %parallel_loop3A_1464 : i32 to index
        %parallel_loop3A_1466 = tpu.vector_load %arg8[%parallel_loop3A_1465] {strides = array<i32>} : memref<32304xf32, #tpu.memory_space<vmem>>, vector<16xf32>,
        tpu.vector_store %arg8[%parallel_loop3A_1465], %parallel_loop3A_1462 {strides = array<i32>} : memref<32304xf32, #tpu.memory_space<vmem>>, vector<16xf32>,
        %parallel_loop3A_1467 = arith.index_cast %rem3A_335 : i32 to index
        %parallel_loop3A_1468 = arith.index_cast %parallel_loop3A_1088 : i32 to index
        %parallel_loop3A_1469 = arith.constant 752 : index
        %parallel_loop3A_1470 = tpu.vector_load %arg5[%parallel_loop3A_1467, %parallel_loop3A_1468, %parallel_loop3A_1469] {strides = array<i32>} : memref<2x32x1000xf32, #tpu.memory_space<vmem>>, vector<16xf32>,
        %parallel_loop3A_1471 = arith.constant 752 : i32
        %parallel_loop3A_1472 = arith.addi %parallel_loop3A_1090, %parallel_loop3A_1471 : i32
        %parallel_loop3A_1473 = arith.index_cast %parallel_loop3A_1472 : i32 to index
        %parallel_loop3A_1474 = tpu.vector_load %arg8[%parallel_loop3A_1473] {strides = array<i32>} : memref<32304xf32, #tpu.memory_space<vmem>>, vector<16xf32>,
        tpu.vector_store %arg8[%parallel_loop3A_1473], %parallel_loop3A_1470 {strides = array<i32>} : memref<32304xf32, #tpu.memory_space<vmem>>, vector<16xf32>,
        %parallel_loop3A_1475 = arith.index_cast %rem3A_335 : i32 to index
        %parallel_loop3A_1476 = arith.index_cast %parallel_loop3A_1088 : i32 to index
        %parallel_loop3A_1477 = arith.constant 768 : index
        %parallel_loop3A_1478 = tpu.vector_load %arg5[%parallel_loop3A_1475, %parallel_loop3A_1476, %parallel_loop3A_1477] {strides = array<i32>} : memref<2x32x1000xf32, #tpu.memory_space<vmem>>, vector<16xf32>,
        %parallel_loop3A_1479 = arith.constant 768 : i32
        %parallel_loop3A_1480 = arith.addi %parallel_loop3A_1090, %parallel_loop3A_1479 : i32
        %parallel_loop3A_1481 = arith.index_cast %parallel_loop3A_1480 : i32 to index
        %parallel_loop3A_1482 = tpu.vector_load %arg8[%parallel_loop3A_1481] {strides = array<i32>} : memref<32304xf32, #tpu.memory_space<vmem>>, vector<16xf32>,
        tpu.vector_store %arg8[%parallel_loop3A_1481], %parallel_loop3A_1478 {strides = array<i32>} : memref<32304xf32, #tpu.memory_space<vmem>>, vector<16xf32>,
        %parallel_loop3A_1483 = arith.index_cast %rem3A_335 : i32 to index
        %parallel_loop3A_1484 = arith.index_cast %parallel_loop3A_1088 : i32 to index
        %parallel_loop3A_1485 = arith.constant 784 : index
        %parallel_loop3A_1486 = tpu.vector_load %arg5[%parallel_loop3A_1483, %parallel_loop3A_1484, %parallel_loop3A_1485] {strides = array<i32>} : memref<2x32x1000xf32, #tpu.memory_space<vmem>>, vector<16xf32>,
        %parallel_loop3A_1487 = arith.constant 784 : i32
        %parallel_loop3A_1488 = arith.addi %parallel_loop3A_1090, %parallel_loop3A_1487 : i32
        %parallel_loop3A_1489 = arith.index_cast %parallel_loop3A_1488 : i32 to index
        %parallel_loop3A_1490 = tpu.vector_load %arg8[%parallel_loop3A_1489] {strides = array<i32>} : memref<32304xf32, #tpu.memory_space<vmem>>, vector<16xf32>,
        tpu.vector_store %arg8[%parallel_loop3A_1489], %parallel_loop3A_1486 {strides = array<i32>} : memref<32304xf32, #tpu.memory_space<vmem>>, vector<16xf32>,
        %parallel_loop3A_1491 = arith.index_cast %rem3A_335 : i32 to index
        %parallel_loop3A_1492 = arith.index_cast %parallel_loop3A_1088 : i32 to index
        %parallel_loop3A_1493 = arith.constant 800 : index
        %parallel_loop3A_1494 = tpu.vector_load %arg5[%parallel_loop3A_1491, %parallel_loop3A_1492, %parallel_loop3A_1493] {strides = array<i32>} : memref<2x32x1000xf32, #tpu.memory_space<vmem>>, vector<16xf32>,
        %parallel_loop3A_1495 = arith.constant 800 : i32
        %parallel_loop3A_1496 = arith.addi %parallel_loop3A_1090, %parallel_loop3A_1495 : i32
        %parallel_loop3A_1497 = arith.index_cast %parallel_loop3A_1496 : i32 to index
        %parallel_loop3A_1498 = tpu.vector_load %arg8[%parallel_loop3A_1497] {strides = array<i32>} : memref<32304xf32, #tpu.memory_space<vmem>>, vector<16xf32>,
        tpu.vector_store %arg8[%parallel_loop3A_1497], %parallel_loop3A_1494 {strides = array<i32>} : memref<32304xf32, #tpu.memory_space<vmem>>, vector<16xf32>,
        %parallel_loop3A_1499 = arith.index_cast %rem3A_335 : i32 to index
        %parallel_loop3A_1500 = arith.index_cast %parallel_loop3A_1088 : i32 to index
        %parallel_loop3A_1501 = arith.constant 816 : index
        %parallel_loop3A_1502 = tpu.vector_load %arg5[%parallel_loop3A_1499, %parallel_loop3A_1500, %parallel_loop3A_1501] {strides = array<i32>} : memref<2x32x1000xf32, #tpu.memory_space<vmem>>, vector<16xf32>,
        %parallel_loop3A_1503 = arith.constant 816 : i32
        %parallel_loop3A_1504 = arith.addi %parallel_loop3A_1090, %parallel_loop3A_1503 : i32
        %parallel_loop3A_1505 = arith.index_cast %parallel_loop3A_1504 : i32 to index
        %parallel_loop3A_1506 = tpu.vector_load %arg8[%parallel_loop3A_1505] {strides = array<i32>} : memref<32304xf32, #tpu.memory_space<vmem>>, vector<16xf32>,
        tpu.vector_store %arg8[%parallel_loop3A_1505], %parallel_loop3A_1502 {strides = array<i32>} : memref<32304xf32, #tpu.memory_space<vmem>>, vector<16xf32>,
        %parallel_loop3A_1507 = arith.index_cast %rem3A_335 : i32 to index
        %parallel_loop3A_1508 = arith.index_cast %parallel_loop3A_1088 : i32 to index
        %parallel_loop3A_1509 = arith.constant 832 : index
        %parallel_loop3A_1510 = tpu.vector_load %arg5[%parallel_loop3A_1507, %parallel_loop3A_1508, %parallel_loop3A_1509] {strides = array<i32>} : memref<2x32x1000xf32, #tpu.memory_space<vmem>>, vector<16xf32>,
        %parallel_loop3A_1511 = arith.constant 832 : i32
        %parallel_loop3A_1512 = arith.addi %parallel_loop3A_1090, %parallel_loop3A_1511 : i32
        %parallel_loop3A_1513 = arith.index_cast %parallel_loop3A_1512 : i32 to index
        %parallel_loop3A_1514 = tpu.vector_load %arg8[%parallel_loop3A_1513] {strides = array<i32>} : memref<32304xf32, #tpu.memory_space<vmem>>, vector<16xf32>,
        tpu.vector_store %arg8[%parallel_loop3A_1513], %parallel_loop3A_1510 {strides = array<i32>} : memref<32304xf32, #tpu.memory_space<vmem>>, vector<16xf32>,
        %parallel_loop3A_1515 = arith.index_cast %rem3A_335 : i32 to index
        %parallel_loop3A_1516 = arith.index_cast %parallel_loop3A_1088 : i32 to index
        %parallel_loop3A_1517 = arith.constant 848 : index
        %parallel_loop3A_1518 = tpu.vector_load %arg5[%parallel_loop3A_1515, %parallel_loop3A_1516, %parallel_loop3A_1517] {strides = array<i32>} : memref<2x32x1000xf32, #tpu.memory_space<vmem>>, vector<16xf32>,
        %parallel_loop3A_1519 = arith.constant 848 : i32
        %parallel_loop3A_1520 = arith.addi %parallel_loop3A_1090, %parallel_loop3A_1519 : i32
        %parallel_loop3A_1521 = arith.index_cast %parallel_loop3A_1520 : i32 to index
        %parallel_loop3A_1522 = tpu.vector_load %arg8[%parallel_loop3A_1521] {strides = array<i32>} : memref<32304xf32, #tpu.memory_space<vmem>>, vector<16xf32>,
        tpu.vector_store %arg8[%parallel_loop3A_1521], %parallel_loop3A_1518 {strides = array<i32>} : memref<32304xf32, #tpu.memory_space<vmem>>, vector<16xf32>,
        %parallel_loop3A_1523 = arith.index_cast %rem3A_335 : i32 to index
        %parallel_loop3A_1524 = arith.index_cast %parallel_loop3A_1088 : i32 to index
        %parallel_loop3A_1525 = arith.constant 864 : index
        %parallel_loop3A_1526 = tpu.vector_load %arg5[%parallel_loop3A_1523, %parallel_loop3A_1524, %parallel_loop3A_1525] {strides = array<i32>} : memref<2x32x1000xf32, #tpu.memory_space<vmem>>, vector<16xf32>,
        %parallel_loop3A_1527 = arith.constant 864 : i32
        %parallel_loop3A_1528 = arith.addi %parallel_loop3A_1090, %parallel_loop3A_1527 : i32
        %parallel_loop3A_1529 = arith.index_cast %parallel_loop3A_1528 : i32 to index
        %parallel_loop3A_1530 = tpu.vector_load %arg8[%parallel_loop3A_1529] {strides = array<i32>} : memref<32304xf32, #tpu.memory_space<vmem>>, vector<16xf32>,
        tpu.vector_store %arg8[%parallel_loop3A_1529], %parallel_loop3A_1526 {strides = array<i32>} : memref<32304xf32, #tpu.memory_space<vmem>>, vector<16xf32>,
        %parallel_loop3A_1531 = arith.index_cast %rem3A_335 : i32 to index
        %parallel_loop3A_1532 = arith.index_cast %parallel_loop3A_1088 : i32 to index
        %parallel_loop3A_1533 = arith.constant 880 : index
        %parallel_loop3A_1534 = tpu.vector_load %arg5[%parallel_loop3A_1531, %parallel_loop3A_1532, %parallel_loop3A_1533] {strides = array<i32>} : memref<2x32x1000xf32, #tpu.memory_space<vmem>>, vector<16xf32>,
        %parallel_loop3A_1535 = arith.constant 880 : i32
        %parallel_loop3A_1536 = arith.addi %parallel_loop3A_1090, %parallel_loop3A_1535 : i32
        %parallel_loop3A_1537 = arith.index_cast %parallel_loop3A_1536 : i32 to index
        %parallel_loop3A_1538 = tpu.vector_load %arg8[%parallel_loop3A_1537] {strides = array<i32>} : memref<32304xf32, #tpu.memory_space<vmem>>, vector<16xf32>,
        tpu.vector_store %arg8[%parallel_loop3A_1537], %parallel_loop3A_1534 {strides = array<i32>} : memref<32304xf32, #tpu.memory_space<vmem>>, vector<16xf32>,
        %parallel_loop3A_1539 = arith.index_cast %rem3A_335 : i32 to index
        %parallel_loop3A_1540 = arith.index_cast %parallel_loop3A_1088 : i32 to index
        %parallel_loop3A_1541 = arith.constant 896 : index
        %parallel_loop3A_1542 = tpu.vector_load %arg5[%parallel_loop3A_1539, %parallel_loop3A_1540, %parallel_loop3A_1541] {strides = array<i32>} : memref<2x32x1000xf32, #tpu.memory_space<vmem>>, vector<16xf32>,
        %parallel_loop3A_1543 = arith.constant 896 : i32
        %parallel_loop3A_1544 = arith.addi %parallel_loop3A_1090, %parallel_loop3A_1543 : i32
        %parallel_loop3A_1545 = arith.index_cast %parallel_loop3A_1544 : i32 to index
        %parallel_loop3A_1546 = tpu.vector_load %arg8[%parallel_loop3A_1545] {strides = array<i32>} : memref<32304xf32, #tpu.memory_space<vmem>>, vector<16xf32>,
        tpu.vector_store %arg8[%parallel_loop3A_1545], %parallel_loop3A_1542 {strides = array<i32>} : memref<32304xf32, #tpu.memory_space<vmem>>, vector<16xf32>,
        %parallel_loop3A_1547 = arith.index_cast %rem3A_335 : i32 to index
        %parallel_loop3A_1548 = arith.index_cast %parallel_loop3A_1088 : i32 to index
        %parallel_loop3A_1549 = arith.constant 912 : index
        %parallel_loop3A_1550 = tpu.vector_load %arg5[%parallel_loop3A_1547, %parallel_loop3A_1548, %parallel_loop3A_1549] {strides = array<i32>} : memref<2x32x1000xf32, #tpu.memory_space<vmem>>, vector<16xf32>,
        %parallel_loop3A_1551 = arith.constant 912 : i32
        %parallel_loop3A_1552 = arith.addi %parallel_loop3A_1090, %parallel_loop3A_1551 : i32
        %parallel_loop3A_1553 = arith.index_cast %parallel_loop3A_1552 : i32 to index
        %parallel_loop3A_1554 = tpu.vector_load %arg8[%parallel_loop3A_1553] {strides = array<i32>} : memref<32304xf32, #tpu.memory_space<vmem>>, vector<16xf32>,
        tpu.vector_store %arg8[%parallel_loop3A_1553], %parallel_loop3A_1550 {strides = array<i32>} : memref<32304xf32, #tpu.memory_space<vmem>>, vector<16xf32>,
        %parallel_loop3A_1555 = arith.index_cast %rem3A_335 : i32 to index
        %parallel_loop3A_1556 = arith.index_cast %parallel_loop3A_1088 : i32 to index
        %parallel_loop3A_1557 = arith.constant 928 : index
        %parallel_loop3A_1558 = tpu.vector_load %arg5[%parallel_loop3A_1555, %parallel_loop3A_1556, %parallel_loop3A_1557] {strides = array<i32>} : memref<2x32x1000xf32, #tpu.memory_space<vmem>>, vector<16xf32>,
        %parallel_loop3A_1559 = arith.constant 928 : i32
        %parallel_loop3A_1560 = arith.addi %parallel_loop3A_1090, %parallel_loop3A_1559 : i32
        %parallel_loop3A_1561 = arith.index_cast %parallel_loop3A_1560 : i32 to index
        %parallel_loop3A_1562 = tpu.vector_load %arg8[%parallel_loop3A_1561] {strides = array<i32>} : memref<32304xf32, #tpu.memory_space<vmem>>, vector<16xf32>,
        tpu.vector_store %arg8[%parallel_loop3A_1561], %parallel_loop3A_1558 {strides = array<i32>} : memref<32304xf32, #tpu.memory_space<vmem>>, vector<16xf32>,
        %parallel_loop3A_1563 = arith.index_cast %rem3A_335 : i32 to index
        %parallel_loop3A_1564 = arith.index_cast %parallel_loop3A_1088 : i32 to index
        %parallel_loop3A_1565 = arith.constant 944 : index
        %parallel_loop3A_1566 = tpu.vector_load %arg5[%parallel_loop3A_1563, %parallel_loop3A_1564, %parallel_loop3A_1565] {strides = array<i32>} : memref<2x32x1000xf32, #tpu.memory_space<vmem>>, vector<16xf32>,
        %parallel_loop3A_1567 = arith.constant 944 : i32
        %parallel_loop3A_1568 = arith.addi %parallel_loop3A_1090, %parallel_loop3A_1567 : i32
        %parallel_loop3A_1569 = arith.index_cast %parallel_loop3A_1568 : i32 to index
        %parallel_loop3A_1570 = tpu.vector_load %arg8[%parallel_loop3A_1569] {strides = array<i32>} : memref<32304xf32, #tpu.memory_space<vmem>>, vector<16xf32>,
        tpu.vector_store %arg8[%parallel_loop3A_1569], %parallel_loop3A_1566 {strides = array<i32>} : memref<32304xf32, #tpu.memory_space<vmem>>, vector<16xf32>,
        %parallel_loop3A_1571 = arith.index_cast %rem3A_335 : i32 to index
        %parallel_loop3A_1572 = arith.index_cast %parallel_loop3A_1088 : i32 to index
        %parallel_loop3A_1573 = arith.constant 960 : index
        %parallel_loop3A_1574 = tpu.vector_load %arg5[%parallel_loop3A_1571, %parallel_loop3A_1572, %parallel_loop3A_1573] {strides = array<i32>} : memref<2x32x1000xf32, #tpu.memory_space<vmem>>, vector<16xf32>,
        %parallel_loop3A_1575 = arith.constant 960 : i32
        %parallel_loop3A_1576 = arith.addi %parallel_loop3A_1090, %parallel_loop3A_1575 : i32
        %parallel_loop3A_1577 = arith.index_cast %parallel_loop3A_1576 : i32 to index
        %parallel_loop3A_1578 = tpu.vector_load %arg8[%parallel_loop3A_1577] {strides = array<i32>} : memref<32304xf32, #tpu.memory_space<vmem>>, vector<16xf32>,
        tpu.vector_store %arg8[%parallel_loop3A_1577], %parallel_loop3A_1574 {strides = array<i32>} : memref<32304xf32, #tpu.memory_space<vmem>>, vector<16xf32>,
        %parallel_loop3A_1579 = arith.index_cast %rem3A_335 : i32 to index
        %parallel_loop3A_1580 = arith.index_cast %parallel_loop3A_1088 : i32 to index
        %parallel_loop3A_1581 = arith.constant 976 : index
        %parallel_loop3A_1582 = tpu.vector_load %arg5[%parallel_loop3A_1579, %parallel_loop3A_1580, %parallel_loop3A_1581] {strides = array<i32>} : memref<2x32x1000xf32, #tpu.memory_space<vmem>>, vector<16xf32>,
        %parallel_loop3A_1583 = arith.constant 976 : i32
        %parallel_loop3A_1584 = arith.addi %parallel_loop3A_1090, %parallel_loop3A_1583 : i32
        %parallel_loop3A_1585 = arith.index_cast %parallel_loop3A_1584 : i32 to index
        %parallel_loop3A_1586 = tpu.vector_load %arg8[%parallel_loop3A_1585] {strides = array<i32>} : memref<32304xf32, #tpu.memory_space<vmem>>, vector<16xf32>,
        tpu.vector_store %arg8[%parallel_loop3A_1585], %parallel_loop3A_1582 {strides = array<i32>} : memref<32304xf32, #tpu.memory_space<vmem>>, vector<16xf32>,
        %parallel_loop3A_1587 = arith.index_cast %rem3A_335 : i32 to index
        %parallel_loop3A_1588 = arith.index_cast %parallel_loop3A_1088 : i32 to index
        %parallel_loop3A_1589 = arith.constant 984 : index
        %parallel_loop3A_1590 = tpu.vector_load %arg5[%parallel_loop3A_1587, %parallel_loop3A_1588, %parallel_loop3A_1589] {strides = array<i32>} : memref<2x32x1000xf32, #tpu.memory_space<vmem>>, vector<16xf32>,
        %parallel_loop3A_1591 = arith.constant 984 : i32
        %parallel_loop3A_1592 = arith.addi %parallel_loop3A_1090, %parallel_loop3A_1591 : i32
        %parallel_loop3A_1593 = arith.index_cast %parallel_loop3A_1592 : i32 to index
        %parallel_loop3A_1594 = tpu.vector_load %arg8[%parallel_loop3A_1593] {strides = array<i32>} : memref<32304xf32, #tpu.memory_space<vmem>>, vector<16xf32>,
        tpu.vector_store %arg8[%parallel_loop3A_1593], %parallel_loop3A_1590 {strides = array<i32>} : memref<32304xf32, #tpu.memory_space<vmem>>, vector<16xf32>,
      } {sc.loop_unroll_factor = 4 : i64, sc.parallel_access}
      %add3A_370 = arith.constant 0 : i32
      %add3A_371 = vector.broadcast %add3A_370 : i32 to vector<16xi32>
      %add3A_372 = arith.addi %mul3A_297, %add3A_371 : vector<16xi32>
      %add3A_373 = arith.constant 1 : i32
      %add3A_374 = vector.broadcast %add3A_373 : i32 to vector<16xi32>
      %add3A_375 = arith.addi %mul3A_297, %add3A_374 : vector<16xi32>
      %add3A_376 = arith.constant 2 : i32
      %add3A_377 = vector.broadcast %add3A_376 : i32 to vector<16xi32>
      %add3A_378 = arith.addi %mul3A_297, %add3A_377 : vector<16xi32>
      %add3A_379 = arith.constant 3 : i32
      %add3A_380 = vector.broadcast %add3A_379 : i32 to vector<16xi32>
      %add3A_381 = arith.addi %mul3A_297, %add3A_380 : vector<16xi32>
      %parallel_loop3A_382 = arith.constant 0 : i32
      %parallel_loop3A_383 = arith.constant 250 : i32
      %parallel_loop3A_384 = arith.constant 1 : i32
      %parallel_loop3A_385:12 = scf.for %parallel_loop3A_1088 = %parallel_loop3A_382 to %parallel_loop3A_383 step %parallel_loop3A_384 iter_args(%parallel_loop3A_1089 = %broadcast_in_dim3A_290, %parallel_loop3A_1090 = %broadcast_in_dim3A_290, %parallel_loop3A_1091 = %broadcast_in_dim3A_290, %parallel_loop3A_1092 = %broadcast_in_dim3A_290, %parallel_loop3A_1093 = %broadcast_in_dim3A_294, %parallel_loop3A_1094 = %broadcast_in_dim3A_294, %parallel_loop3A_1095 = %broadcast_in_dim3A_294, %parallel_loop3A_1096 = %broadcast_in_dim3A_294, %parallel_loop3A_1097 = %add3A_372, %parallel_loop3A_1098 = %add3A_375, %parallel_loop3A_1099 = %add3A_378, %parallel_loop3A_1100 = %add3A_381) -> (vector<16xf32>, vector<16xf32>, vector<16xf32>, vector<16xf32>, vector<16xf32>, vector<16xf32>, vector<16xf32>, vector<16xf32>, vector<16xi32>, vector<16xi32>, vector<16xi32>, vector<16xi32>)  : i32 {
        %parallel_loop3A_1101 = tpu.vector_load_idx %arg8[%parallel_loop3A_1097] : memref<32304xf32, #tpu.memory_space<vmem>>[vector<16xi32>], vector<16xf32>,
        %parallel_loop3A_1102 = math.exp %parallel_loop3A_1101 : vector<16xf32>
        %parallel_loop3A_1103 = arith.addf %parallel_loop3A_1089, %parallel_loop3A_1102 : vector<16xf32>
        %parallel_loop3A_1104 = arith.maximumf %parallel_loop3A_1093, %parallel_loop3A_1101 : vector<16xf32>
        %parallel_loop3A_1105 = arith.constant 4 : i32
        %parallel_loop3A_1106 = vector.broadcast %parallel_loop3A_1105 : i32 to vector<16xi32>
        %parallel_loop3A_1107 = arith.addi %parallel_loop3A_1097, %parallel_loop3A_1106 : vector<16xi32>
        %parallel_loop3A_1108 = tpu.vector_load_idx %arg8[%parallel_loop3A_1098] : memref<32304xf32, #tpu.memory_space<vmem>>[vector<16xi32>], vector<16xf32>,
        %parallel_loop3A_1109 = math.exp %parallel_loop3A_1108 : vector<16xf32>
        %parallel_loop3A_1110 = arith.addf %parallel_loop3A_1090, %parallel_loop3A_1109 : vector<16xf32>
        %parallel_loop3A_1111 = arith.maximumf %parallel_loop3A_1094, %parallel_loop3A_1108 : vector<16xf32>
        %parallel_loop3A_1112 = arith.constant 4 : i32
        %parallel_loop3A_1113 = vector.broadcast %parallel_loop3A_1112 : i32 to vector<16xi32>
        %parallel_loop3A_1114 = arith.addi %parallel_loop3A_1098, %parallel_loop3A_1113 : vector<16xi32>
        %parallel_loop3A_1115 = tpu.vector_load_idx %arg8[%parallel_loop3A_1099] : memref<32304xf32, #tpu.memory_space<vmem>>[vector<16xi32>], vector<16xf32>,
        %parallel_loop3A_1116 = math.exp %parallel_loop3A_1115 : vector<16xf32>
        %parallel_loop3A_1117 = arith.addf %parallel_loop3A_1091, %parallel_loop3A_1116 : vector<16xf32>
        %parallel_loop3A_1118 = arith.maximumf %parallel_loop3A_1095, %parallel_loop3A_1115 : vector<16xf32>
        %parallel_loop3A_1119 = arith.constant 4 : i32
        %parallel_loop3A_1120 = vector.broadcast %parallel_loop3A_1119 : i32 to vector<16xi32>
        %parallel_loop3A_1121 = arith.addi %parallel_loop3A_1099, %parallel_loop3A_1120 : vector<16xi32>
        %parallel_loop3A_1122 = tpu.vector_load_idx %arg8[%parallel_loop3A_1100] : memref<32304xf32, #tpu.memory_space<vmem>>[vector<16xi32>], vector<16xf32>,
        %parallel_loop3A_1123 = math.exp %parallel_loop3A_1122 : vector<16xf32>
        %parallel_loop3A_1124 = arith.addf %parallel_loop3A_1092, %parallel_loop3A_1123 : vector<16xf32>
        %parallel_loop3A_1125 = arith.maximumf %parallel_loop3A_1096, %parallel_loop3A_1122 : vector<16xf32>
        %parallel_loop3A_1126 = arith.constant 4 : i32
        %parallel_loop3A_1127 = vector.broadcast %parallel_loop3A_1126 : i32 to vector<16xi32>
        %parallel_loop3A_1128 = arith.addi %parallel_loop3A_1100, %parallel_loop3A_1127 : vector<16xi32>
        scf.yield %parallel_loop3A_1103, %parallel_loop3A_1110, %parallel_loop3A_1117, %parallel_loop3A_1124, %parallel_loop3A_1104, %parallel_loop3A_1111, %parallel_loop3A_1118, %parallel_loop3A_1125, %parallel_loop3A_1107, %parallel_loop3A_1114, %parallel_loop3A_1121, %parallel_loop3A_1128 : vector<16xf32>, vector<16xf32>, vector<16xf32>, vector<16xf32>, vector<16xf32>, vector<16xf32>, vector<16xf32>, vector<16xf32>, vector<16xi32>, vector<16xi32>, vector<16xi32>, vector<16xi32>
      } {sc.loop_unroll_factor = 4 : i64, sc.parallel_access}
      %add3A_386 = arith.addf %parallel_loop3A_385#0, %parallel_loop3A_385#1 : vector<16xf32>
      %add3A_387 = arith.addf %parallel_loop3A_385#2, %parallel_loop3A_385#3 : vector<16xf32>
      %add3A_388 = arith.addf %add3A_386, %add3A_387 : vector<16xf32>
      %max3A = arith.maximumf %parallel_loop3A_385#4, %parallel_loop3A_385#5 : vector<16xf32>
      %max3A_389 = arith.maximumf %parallel_loop3A_385#6, %parallel_loop3A_385#7 : vector<16xf32>
      %max3A_390 = arith.maximumf %max3A, %max3A_389 : vector<16xf32>
      %exp3A = math.exp %max3A_390 : vector<16xf32>
      %div3A = arith.divf %exp3A, %add3A_388 : vector<16xf32>
      %get3A = arith.index_cast %rem3A_335 : i32 to index
      %get3A_391 = arith.constant 0 : index
      %get3A_392 = tpu.vector_load %arg6[%get3A, %get3A_391] {strides = array<i32>} : memref<2x32xi32, #tpu.memory_space<vmem>>, vector<16xi32>,
      %add3A_393 = arith.constant 0 : i32
      %add3A_394 = vector.broadcast %add3A_393 : i32 to vector<16xi32>
      %add3A_395 = arith.addi %get3A_392, %add3A_394 : vector<16xi32>
      %add3A_396 = arith.addi %mul3A_297, %add3A_395 : vector<16xi32>
      %gather3A = tpu.vector_load_idx %arg8[%add3A_396] : memref<32304xf32, #tpu.memory_space<vmem>>[vector<16xi32>], vector<16xf32>,
      %eq3A = arith.cmpf oeq, %gather3A, %max3A_390 : vector<16xf32>
      %select_n3A = arith.select %eq3A, %broadcast_in_dim3A_292, %broadcast_in_dim3A_290 : vector<16xi1>, vector<16xf32>
      %gt3A = arith.constant 0.000000e+00 : f32
      %gt3A_397 = vector.broadcast %gt3A : f32 to vector<16xf32>
      %gt3A_398 = arith.cmpf ogt, %div3A, %gt3A_397 : vector<16xf32>
      %le3A = arith.constant 0.0666666701 : f32
      %le3A_399 = vector.broadcast %le3A : f32 to vector<16xf32>
      %le3A_400 = arith.cmpf ole, %div3A, %le3A_399 : vector<16xf32>
      %and3A = arith.andi %gt3A_398, %le3A_400 : vector<16xi1>
      %select_n3A_401 = arith.select %and3A, %broadcast_in_dim3A_292, %broadcast_in_dim3A_290 : vector<16xi1>, vector<16xf32>
      %swap3A_402 = arith.constant 0 : i32
      %swap3A_403 = arith.index_cast %swap3A_402 : i32 to index
      %swap3A_404 = arith.constant 0 : index
      %swap3A_405 = tpu.vector_load %arg7[%swap3A_403, %swap3A_404] {strides = array<i32>} : memref<48x16xf32, #tpu.memory_space<vmem>>, vector<16xf32>,
      tpu.vector_store %arg7[%swap3A_403, %swap3A_404], %select_n3A_401 {add = true, strides = array<i32>} : memref<48x16xf32, #tpu.memory_space<vmem>>, vector<16xf32>,
      %select_n3A_406 = arith.select %and3A, %div3A, %broadcast_in_dim3A_290 : vector<16xi1>, vector<16xf32>
      %swap3A_407 = arith.constant 16 : i32
      %swap3A_408 = arith.index_cast %swap3A_407 : i32 to index
      %swap3A_409 = arith.constant 0 : index
      %swap3A_410 = tpu.vector_load %arg7[%swap3A_408, %swap3A_409] {strides = array<i32>} : memref<48x16xf32, #tpu.memory_space<vmem>>, vector<16xf32>,
      tpu.vector_store %arg7[%swap3A_408, %swap3A_409], %select_n3A_406 {add = true, strides = array<i32>} : memref<48x16xf32, #tpu.memory_space<vmem>>, vector<16xf32>,
      %select_n3A_411 = arith.select %and3A, %select_n3A, %broadcast_in_dim3A_290 : vector<16xi1>, vector<16xf32>
      %swap3A_412 = arith.constant 32 : i32
      %swap3A_413 = arith.index_cast %swap3A_412 : i32 to index
      %swap3A_414 = arith.constant 0 : index
      %swap3A_415 = tpu.vector_load %arg7[%swap3A_413, %swap3A_414] {strides = array<i32>} : memref<48x16xf32, #tpu.memory_space<vmem>>, vector<16xf32>,
      tpu.vector_store %arg7[%swap3A_413, %swap3A_414], %select_n3A_411 {add = true, strides = array<i32>} : memref<48x16xf32, #tpu.memory_space<vmem>>, vector<16xf32>,
      %gt3A_416 = arith.constant 0.0666666701 : f32
      %gt3A_417 = vector.broadcast %gt3A_416 : f32 to vector<16xf32>
      %gt3A_418 = arith.cmpf ogt, %div3A, %gt3A_417 : vector<16xf32>
      %le3A_419 = arith.constant 0.13333334 : f32
      %le3A_420 = vector.broadcast %le3A_419 : f32 to vector<16xf32>
      %le3A_421 = arith.cmpf ole, %div3A, %le3A_420 : vector<16xf32>
      %and3A_422 = arith.andi %gt3A_418, %le3A_421 : vector<16xi1>
      %select_n3A_423 = arith.select %and3A_422, %broadcast_in_dim3A_292, %broadcast_in_dim3A_290 : vector<16xi1>, vector<16xf32>
      %swap3A_424 = arith.constant 1 : i32
      %swap3A_425 = arith.index_cast %swap3A_424 : i32 to index
      %swap3A_426 = arith.constant 0 : index
      %swap3A_427 = tpu.vector_load %arg7[%swap3A_425, %swap3A_426] {strides = array<i32>} : memref<48x16xf32, #tpu.memory_space<vmem>>, vector<16xf32>,
      tpu.vector_store %arg7[%swap3A_425, %swap3A_426], %select_n3A_423 {add = true, strides = array<i32>} : memref<48x16xf32, #tpu.memory_space<vmem>>, vector<16xf32>,
      %select_n3A_428 = arith.select %and3A_422, %div3A, %broadcast_in_dim3A_290 : vector<16xi1>, vector<16xf32>
      %swap3A_429 = arith.constant 17 : i32
      %swap3A_430 = arith.index_cast %swap3A_429 : i32 to index
      %swap3A_431 = arith.constant 0 : index
      %swap3A_432 = tpu.vector_load %arg7[%swap3A_430, %swap3A_431] {strides = array<i32>} : memref<48x16xf32, #tpu.memory_space<vmem>>, vector<16xf32>,
      tpu.vector_store %arg7[%swap3A_430, %swap3A_431], %select_n3A_428 {add = true, strides = array<i32>} : memref<48x16xf32, #tpu.memory_space<vmem>>, vector<16xf32>,
      %select_n3A_433 = arith.select %and3A_422, %select_n3A, %broadcast_in_dim3A_290 : vector<16xi1>, vector<16xf32>
      %swap3A_434 = arith.constant 33 : i32
      %swap3A_435 = arith.index_cast %swap3A_434 : i32 to index
      %swap3A_436 = arith.constant 0 : index
      %swap3A_437 = tpu.vector_load %arg7[%swap3A_435, %swap3A_436] {strides = array<i32>} : memref<48x16xf32, #tpu.memory_space<vmem>>, vector<16xf32>,
      tpu.vector_store %arg7[%swap3A_435, %swap3A_436], %select_n3A_433 {add = true, strides = array<i32>} : memref<48x16xf32, #tpu.memory_space<vmem>>, vector<16xf32>,
      %gt3A_438 = arith.constant 0.13333334 : f32
      %gt3A_439 = vector.broadcast %gt3A_438 : f32 to vector<16xf32>
      %gt3A_440 = arith.cmpf ogt, %div3A, %gt3A_439 : vector<16xf32>
      %le3A_441 = arith.constant 0.200000018 : f32
      %le3A_442 = vector.broadcast %le3A_441 : f32 to vector<16xf32>
      %le3A_443 = arith.cmpf ole, %div3A, %le3A_442 : vector<16xf32>
      %and3A_444 = arith.andi %gt3A_440, %le3A_443 : vector<16xi1>
      %select_n3A_445 = arith.select %and3A_444, %broadcast_in_dim3A_292, %broadcast_in_dim3A_290 : vector<16xi1>, vector<16xf32>
      %swap3A_446 = arith.constant 2 : i32
      %swap3A_447 = arith.index_cast %swap3A_446 : i32 to index
      %swap3A_448 = arith.constant 0 : index
      %swap3A_449 = tpu.vector_load %arg7[%swap3A_447, %swap3A_448] {strides = array<i32>} : memref<48x16xf32, #tpu.memory_space<vmem>>, vector<16xf32>,
      tpu.vector_store %arg7[%swap3A_447, %swap3A_448], %select_n3A_445 {add = true, strides = array<i32>} : memref<48x16xf32, #tpu.memory_space<vmem>>, vector<16xf32>,
      %select_n3A_450 = arith.select %and3A_444, %div3A, %broadcast_in_dim3A_290 : vector<16xi1>, vector<16xf32>
      %swap3A_451 = arith.constant 18 : i32
      %swap3A_452 = arith.index_cast %swap3A_451 : i32 to index
      %swap3A_453 = arith.constant 0 : index
      %swap3A_454 = tpu.vector_load %arg7[%swap3A_452, %swap3A_453] {strides = array<i32>} : memref<48x16xf32, #tpu.memory_space<vmem>>, vector<16xf32>,
      tpu.vector_store %arg7[%swap3A_452, %swap3A_453], %select_n3A_450 {add = true, strides = array<i32>} : memref<48x16xf32, #tpu.memory_space<vmem>>, vector<16xf32>,
      %select_n3A_455 = arith.select %and3A_444, %select_n3A, %broadcast_in_dim3A_290 : vector<16xi1>, vector<16xf32>
      %swap3A_456 = arith.constant 34 : i32
      %swap3A_457 = arith.index_cast %swap3A_456 : i32 to index
      %swap3A_458 = arith.constant 0 : index
      %swap3A_459 = tpu.vector_load %arg7[%swap3A_457, %swap3A_458] {strides = array<i32>} : memref<48x16xf32, #tpu.memory_space<vmem>>, vector<16xf32>,
      tpu.vector_store %arg7[%swap3A_457, %swap3A_458], %select_n3A_455 {add = true, strides = array<i32>} : memref<48x16xf32, #tpu.memory_space<vmem>>, vector<16xf32>,
      %gt3A_460 = arith.constant 0.200000018 : f32
      %gt3A_461 = vector.broadcast %gt3A_460 : f32 to vector<16xf32>
      %gt3A_462 = arith.cmpf ogt, %div3A, %gt3A_461 : vector<16xf32>
      %le3A_463 = arith.constant 0.266666681 : f32
      %le3A_464 = vector.broadcast %le3A_463 : f32 to vector<16xf32>
      %le3A_465 = arith.cmpf ole, %div3A, %le3A_464 : vector<16xf32>
      %and3A_466 = arith.andi %gt3A_462, %le3A_465 : vector<16xi1>
      %select_n3A_467 = arith.select %and3A_466, %broadcast_in_dim3A_292, %broadcast_in_dim3A_290 : vector<16xi1>, vector<16xf32>
      %swap3A_468 = arith.constant 3 : i32
      %swap3A_469 = arith.index_cast %swap3A_468 : i32 to index
      %swap3A_470 = arith.constant 0 : index
      %swap3A_471 = tpu.vector_load %arg7[%swap3A_469, %swap3A_470] {strides = array<i32>} : memref<48x16xf32, #tpu.memory_space<vmem>>, vector<16xf32>,
      tpu.vector_store %arg7[%swap3A_469, %swap3A_470], %select_n3A_467 {add = true, strides = array<i32>} : memref<48x16xf32, #tpu.memory_space<vmem>>, vector<16xf32>,
      %select_n3A_472 = arith.select %and3A_466, %div3A, %broadcast_in_dim3A_290 : vector<16xi1>, vector<16xf32>
      %swap3A_473 = arith.constant 19 : i32
      %swap3A_474 = arith.index_cast %swap3A_473 : i32 to index
      %swap3A_475 = arith.constant 0 : index
      %swap3A_476 = tpu.vector_load %arg7[%swap3A_474, %swap3A_475] {strides = array<i32>} : memref<48x16xf32, #tpu.memory_space<vmem>>, vector<16xf32>,
      tpu.vector_store %arg7[%swap3A_474, %swap3A_475], %select_n3A_472 {add = true, strides = array<i32>} : memref<48x16xf32, #tpu.memory_space<vmem>>, vector<16xf32>,
      %select_n3A_477 = arith.select %and3A_466, %select_n3A, %broadcast_in_dim3A_290 : vector<16xi1>, vector<16xf32>
      %swap3A_478 = arith.constant 35 : i32
      %swap3A_479 = arith.index_cast %swap3A_478 : i32 to index
      %swap3A_480 = arith.constant 0 : index
      %swap3A_481 = tpu.vector_load %arg7[%swap3A_479, %swap3A_480] {strides = array<i32>} : memref<48x16xf32, #tpu.memory_space<vmem>>, vector<16xf32>,
      tpu.vector_store %arg7[%swap3A_479, %swap3A_480], %select_n3A_477 {add = true, strides = array<i32>} : memref<48x16xf32, #tpu.memory_space<vmem>>, vector<16xf32>,
      %gt3A_482 = arith.constant 0.266666681 : f32
      %gt3A_483 = vector.broadcast %gt3A_482 : f32 to vector<16xf32>
      %gt3A_484 = arith.cmpf ogt, %div3A, %gt3A_483 : vector<16xf32>
      %le3A_485 = arith.constant 0.333333343 : f32
      %le3A_486 = vector.broadcast %le3A_485 : f32 to vector<16xf32>
      %le3A_487 = arith.cmpf ole, %div3A, %le3A_486 : vector<16xf32>
      %and3A_488 = arith.andi %gt3A_484, %le3A_487 : vector<16xi1>
      %select_n3A_489 = arith.select %and3A_488, %broadcast_in_dim3A_292, %broadcast_in_dim3A_290 : vector<16xi1>, vector<16xf32>
      %swap3A_490 = arith.constant 4 : i32
      %swap3A_491 = arith.index_cast %swap3A_490 : i32 to index
      %swap3A_492 = arith.constant 0 : index
      %swap3A_493 = tpu.vector_load %arg7[%swap3A_491, %swap3A_492] {strides = array<i32>} : memref<48x16xf32, #tpu.memory_space<vmem>>, vector<16xf32>,
      tpu.vector_store %arg7[%swap3A_491, %swap3A_492], %select_n3A_489 {add = true, strides = array<i32>} : memref<48x16xf32, #tpu.memory_space<vmem>>, vector<16xf32>,
      %select_n3A_494 = arith.select %and3A_488, %div3A, %broadcast_in_dim3A_290 : vector<16xi1>, vector<16xf32>
      %swap3A_495 = arith.constant 20 : i32
      %swap3A_496 = arith.index_cast %swap3A_495 : i32 to index
      %swap3A_497 = arith.constant 0 : index
      %swap3A_498 = tpu.vector_load %arg7[%swap3A_496, %swap3A_497] {strides = array<i32>} : memref<48x16xf32, #tpu.memory_space<vmem>>, vector<16xf32>,
      tpu.vector_store %arg7[%swap3A_496, %swap3A_497], %select_n3A_494 {add = true, strides = array<i32>} : memref<48x16xf32, #tpu.memory_space<vmem>>, vector<16xf32>,
      %select_n3A_499 = arith.select %and3A_488, %select_n3A, %broadcast_in_dim3A_290 : vector<16xi1>, vector<16xf32>
      %swap3A_500 = arith.constant 36 : i32
      %swap3A_501 = arith.index_cast %swap3A_500 : i32 to index
      %swap3A_502 = arith.constant 0 : index
      %swap3A_503 = tpu.vector_load %arg7[%swap3A_501, %swap3A_502] {strides = array<i32>} : memref<48x16xf32, #tpu.memory_space<vmem>>, vector<16xf32>,
      tpu.vector_store %arg7[%swap3A_501, %swap3A_502], %select_n3A_499 {add = true, strides = array<i32>} : memref<48x16xf32, #tpu.memory_space<vmem>>, vector<16xf32>,
      %gt3A_504 = arith.constant 0.333333343 : f32
      %gt3A_505 = vector.broadcast %gt3A_504 : f32 to vector<16xf32>
      %gt3A_506 = arith.cmpf ogt, %div3A, %gt3A_505 : vector<16xf32>
      %le3A_507 = arith.constant 0.400000036 : f32
      %le3A_508 = vector.broadcast %le3A_507 : f32 to vector<16xf32>
      %le3A_509 = arith.cmpf ole, %div3A, %le3A_508 : vector<16xf32>
      %and3A_510 = arith.andi %gt3A_506, %le3A_509 : vector<16xi1>
      %select_n3A_511 = arith.select %and3A_510, %broadcast_in_dim3A_292, %broadcast_in_dim3A_290 : vector<16xi1>, vector<16xf32>
      %swap3A_512 = arith.constant 5 : i32
      %swap3A_513 = arith.index_cast %swap3A_512 : i32 to index
      %swap3A_514 = arith.constant 0 : index
      %swap3A_515 = tpu.vector_load %arg7[%swap3A_513, %swap3A_514] {strides = array<i32>} : memref<48x16xf32, #tpu.memory_space<vmem>>, vector<16xf32>,
      tpu.vector_store %arg7[%swap3A_513, %swap3A_514], %select_n3A_511 {add = true, strides = array<i32>} : memref<48x16xf32, #tpu.memory_space<vmem>>, vector<16xf32>,
      %select_n3A_516 = arith.select %and3A_510, %div3A, %broadcast_in_dim3A_290 : vector<16xi1>, vector<16xf32>
      %swap3A_517 = arith.constant 21 : i32
      %swap3A_518 = arith.index_cast %swap3A_517 : i32 to index
      %swap3A_519 = arith.constant 0 : index
      %swap3A_520 = tpu.vector_load %arg7[%swap3A_518, %swap3A_519] {strides = array<i32>} : memref<48x16xf32, #tpu.memory_space<vmem>>, vector<16xf32>,
      tpu.vector_store %arg7[%swap3A_518, %swap3A_519], %select_n3A_516 {add = true, strides = array<i32>} : memref<48x16xf32, #tpu.memory_space<vmem>>, vector<16xf32>,
      %select_n3A_521 = arith.select %and3A_510, %select_n3A, %broadcast_in_dim3A_290 : vector<16xi1>, vector<16xf32>
      %swap3A_522 = arith.constant 37 : i32
      %swap3A_523 = arith.index_cast %swap3A_522 : i32 to index
      %swap3A_524 = arith.constant 0 : index
      %swap3A_525 = tpu.vector_load %arg7[%swap3A_523, %swap3A_524] {strides = array<i32>} : memref<48x16xf32, #tpu.memory_space<vmem>>, vector<16xf32>,
      tpu.vector_store %arg7[%swap3A_523, %swap3A_524], %select_n3A_521 {add = true, strides = array<i32>} : memref<48x16xf32, #tpu.memory_space<vmem>>, vector<16xf32>,
      %gt3A_526 = arith.constant 0.400000036 : f32
      %gt3A_527 = vector.broadcast %gt3A_526 : f32 to vector<16xf32>
      %gt3A_528 = arith.cmpf ogt, %div3A, %gt3A_527 : vector<16xf32>
      %le3A_529 = arith.constant 0.466666698 : f32
      %le3A_530 = vector.broadcast %le3A_529 : f32 to vector<16xf32>
      %le3A_531 = arith.cmpf ole, %div3A, %le3A_530 : vector<16xf32>
      %and3A_532 = arith.andi %gt3A_528, %le3A_531 : vector<16xi1>
      %select_n3A_533 = arith.select %and3A_532, %broadcast_in_dim3A_292, %broadcast_in_dim3A_290 : vector<16xi1>, vector<16xf32>
      %swap3A_534 = arith.constant 6 : i32
      %swap3A_535 = arith.index_cast %swap3A_534 : i32 to index
      %swap3A_536 = arith.constant 0 : index
      %swap3A_537 = tpu.vector_load %arg7[%swap3A_535, %swap3A_536] {strides = array<i32>} : memref<48x16xf32, #tpu.memory_space<vmem>>, vector<16xf32>,
      tpu.vector_store %arg7[%swap3A_535, %swap3A_536], %select_n3A_533 {add = true, strides = array<i32>} : memref<48x16xf32, #tpu.memory_space<vmem>>, vector<16xf32>,
      %select_n3A_538 = arith.select %and3A_532, %div3A, %broadcast_in_dim3A_290 : vector<16xi1>, vector<16xf32>
      %swap3A_539 = arith.constant 22 : i32
      %swap3A_540 = arith.index_cast %swap3A_539 : i32 to index
      %swap3A_541 = arith.constant 0 : index
      %swap3A_542 = tpu.vector_load %arg7[%swap3A_540, %swap3A_541] {strides = array<i32>} : memref<48x16xf32, #tpu.memory_space<vmem>>, vector<16xf32>,
      tpu.vector_store %arg7[%swap3A_540, %swap3A_541], %select_n3A_538 {add = true, strides = array<i32>} : memref<48x16xf32, #tpu.memory_space<vmem>>, vector<16xf32>,
      %select_n3A_543 = arith.select %and3A_532, %select_n3A, %broadcast_in_dim3A_290 : vector<16xi1>, vector<16xf32>
      %swap3A_544 = arith.constant 38 : i32
      %swap3A_545 = arith.index_cast %swap3A_544 : i32 to index
      %swap3A_546 = arith.constant 0 : index
      %swap3A_547 = tpu.vector_load %arg7[%swap3A_545, %swap3A_546] {strides = array<i32>} : memref<48x16xf32, #tpu.memory_space<vmem>>, vector<16xf32>,
      tpu.vector_store %arg7[%swap3A_545, %swap3A_546], %select_n3A_543 {add = true, strides = array<i32>} : memref<48x16xf32, #tpu.memory_space<vmem>>, vector<16xf32>,
      %gt3A_548 = arith.constant 0.466666698 : f32
      %gt3A_549 = vector.broadcast %gt3A_548 : f32 to vector<16xf32>
      %gt3A_550 = arith.cmpf ogt, %div3A, %gt3A_549 : vector<16xf32>
      %le3A_551 = arith.constant 0.533333361 : f32
      %le3A_552 = vector.broadcast %le3A_551 : f32 to vector<16xf32>
      %le3A_553 = arith.cmpf ole, %div3A, %le3A_552 : vector<16xf32>
      %and3A_554 = arith.andi %gt3A_550, %le3A_553 : vector<16xi1>
      %select_n3A_555 = arith.select %and3A_554, %broadcast_in_dim3A_292, %broadcast_in_dim3A_290 : vector<16xi1>, vector<16xf32>
      %swap3A_556 = arith.constant 7 : i32
      %swap3A_557 = arith.index_cast %swap3A_556 : i32 to index
      %swap3A_558 = arith.constant 0 : index
      %swap3A_559 = tpu.vector_load %arg7[%swap3A_557, %swap3A_558] {strides = array<i32>} : memref<48x16xf32, #tpu.memory_space<vmem>>, vector<16xf32>,
      tpu.vector_store %arg7[%swap3A_557, %swap3A_558], %select_n3A_555 {add = true, strides = array<i32>} : memref<48x16xf32, #tpu.memory_space<vmem>>, vector<16xf32>,
      %select_n3A_560 = arith.select %and3A_554, %div3A, %broadcast_in_dim3A_290 : vector<16xi1>, vector<16xf32>
      %swap3A_561 = arith.constant 23 : i32
      %swap3A_562 = arith.index_cast %swap3A_561 : i32 to index
      %swap3A_563 = arith.constant 0 : index
      %swap3A_564 = tpu.vector_load %arg7[%swap3A_562, %swap3A_563] {strides = array<i32>} : memref<48x16xf32, #tpu.memory_space<vmem>>, vector<16xf32>,
      tpu.vector_store %arg7[%swap3A_562, %swap3A_563], %select_n3A_560 {add = true, strides = array<i32>} : memref<48x16xf32, #tpu.memory_space<vmem>>, vector<16xf32>,
      %select_n3A_565 = arith.select %and3A_554, %select_n3A, %broadcast_in_dim3A_290 : vector<16xi1>, vector<16xf32>
      %swap3A_566 = arith.constant 39 : i32
      %swap3A_567 = arith.index_cast %swap3A_566 : i32 to index
      %swap3A_568 = arith.constant 0 : index
      %swap3A_569 = tpu.vector_load %arg7[%swap3A_567, %swap3A_568] {strides = array<i32>} : memref<48x16xf32, #tpu.memory_space<vmem>>, vector<16xf32>,
      tpu.vector_store %arg7[%swap3A_567, %swap3A_568], %select_n3A_565 {add = true, strides = array<i32>} : memref<48x16xf32, #tpu.memory_space<vmem>>, vector<16xf32>,
      %gt3A_570 = arith.constant 0.533333361 : f32
      %gt3A_571 = vector.broadcast %gt3A_570 : f32 to vector<16xf32>
      %gt3A_572 = arith.cmpf ogt, %div3A, %gt3A_571 : vector<16xf32>
      %le3A_573 = arith.constant 6.000000e-01 : f32
      %le3A_574 = vector.broadcast %le3A_573 : f32 to vector<16xf32>
      %le3A_575 = arith.cmpf ole, %div3A, %le3A_574 : vector<16xf32>
      %and3A_576 = arith.andi %gt3A_572, %le3A_575 : vector<16xi1>
      %select_n3A_577 = arith.select %and3A_576, %broadcast_in_dim3A_292, %broadcast_in_dim3A_290 : vector<16xi1>, vector<16xf32>
      %swap3A_578 = arith.constant 8 : i32
      %swap3A_579 = arith.index_cast %swap3A_578 : i32 to index
      %swap3A_580 = arith.constant 0 : index
      %swap3A_581 = tpu.vector_load %arg7[%swap3A_579, %swap3A_580] {strides = array<i32>} : memref<48x16xf32, #tpu.memory_space<vmem>>, vector<16xf32>,
      tpu.vector_store %arg7[%swap3A_579, %swap3A_580], %select_n3A_577 {add = true, strides = array<i32>} : memref<48x16xf32, #tpu.memory_space<vmem>>, vector<16xf32>,
      %select_n3A_582 = arith.select %and3A_576, %div3A, %broadcast_in_dim3A_290 : vector<16xi1>, vector<16xf32>
      %swap3A_583 = arith.constant 24 : i32
      %swap3A_584 = arith.index_cast %swap3A_583 : i32 to index
      %swap3A_585 = arith.constant 0 : index
      %swap3A_586 = tpu.vector_load %arg7[%swap3A_584, %swap3A_585] {strides = array<i32>} : memref<48x16xf32, #tpu.memory_space<vmem>>, vector<16xf32>,
      tpu.vector_store %arg7[%swap3A_584, %swap3A_585], %select_n3A_582 {add = true, strides = array<i32>} : memref<48x16xf32, #tpu.memory_space<vmem>>, vector<16xf32>,
      %select_n3A_587 = arith.select %and3A_576, %select_n3A, %broadcast_in_dim3A_290 : vector<16xi1>, vector<16xf32>
      %swap3A_588 = arith.constant 40 : i32
      %swap3A_589 = arith.index_cast %swap3A_588 : i32 to index
      %swap3A_590 = arith.constant 0 : index
      %swap3A_591 = tpu.vector_load %arg7[%swap3A_589, %swap3A_590] {strides = array<i32>} : memref<48x16xf32, #tpu.memory_space<vmem>>, vector<16xf32>,
      tpu.vector_store %arg7[%swap3A_589, %swap3A_590], %select_n3A_587 {add = true, strides = array<i32>} : memref<48x16xf32, #tpu.memory_space<vmem>>, vector<16xf32>,
      %gt3A_592 = arith.constant 6.000000e-01 : f32
      %gt3A_593 = vector.broadcast %gt3A_592 : f32 to vector<16xf32>
      %gt3A_594 = arith.cmpf ogt, %div3A, %gt3A_593 : vector<16xf32>
      %le3A_595 = arith.constant 0.666666686 : f32
      %le3A_596 = vector.broadcast %le3A_595 : f32 to vector<16xf32>
      %le3A_597 = arith.cmpf ole, %div3A, %le3A_596 : vector<16xf32>
      %and3A_598 = arith.andi %gt3A_594, %le3A_597 : vector<16xi1>
      %select_n3A_599 = arith.select %and3A_598, %broadcast_in_dim3A_292, %broadcast_in_dim3A_290 : vector<16xi1>, vector<16xf32>
      %swap3A_600 = arith.constant 9 : i32
      %swap3A_601 = arith.index_cast %swap3A_600 : i32 to index
      %swap3A_602 = arith.constant 0 : index
      %swap3A_603 = tpu.vector_load %arg7[%swap3A_601, %swap3A_602] {strides = array<i32>} : memref<48x16xf32, #tpu.memory_space<vmem>>, vector<16xf32>,
      tpu.vector_store %arg7[%swap3A_601, %swap3A_602], %select_n3A_599 {add = true, strides = array<i32>} : memref<48x16xf32, #tpu.memory_space<vmem>>, vector<16xf32>,
      %select_n3A_604 = arith.select %and3A_598, %div3A, %broadcast_in_dim3A_290 : vector<16xi1>, vector<16xf32>
      %swap3A_605 = arith.constant 25 : i32
      %swap3A_606 = arith.index_cast %swap3A_605 : i32 to index
      %swap3A_607 = arith.constant 0 : index
      %swap3A_608 = tpu.vector_load %arg7[%swap3A_606, %swap3A_607] {strides = array<i32>} : memref<48x16xf32, #tpu.memory_space<vmem>>, vector<16xf32>,
      tpu.vector_store %arg7[%swap3A_606, %swap3A_607], %select_n3A_604 {add = true, strides = array<i32>} : memref<48x16xf32, #tpu.memory_space<vmem>>, vector<16xf32>,
      %select_n3A_609 = arith.select %and3A_598, %select_n3A, %broadcast_in_dim3A_290 : vector<16xi1>, vector<16xf32>
      %swap3A_610 = arith.constant 41 : i32
      %swap3A_611 = arith.index_cast %swap3A_610 : i32 to index
      %swap3A_612 = arith.constant 0 : index
      %swap3A_613 = tpu.vector_load %arg7[%swap3A_611, %swap3A_612] {strides = array<i32>} : memref<48x16xf32, #tpu.memory_space<vmem>>, vector<16xf32>,
      tpu.vector_store %arg7[%swap3A_611, %swap3A_612], %select_n3A_609 {add = true, strides = array<i32>} : memref<48x16xf32, #tpu.memory_space<vmem>>, vector<16xf32>,
      %gt3A_614 = arith.constant 0.666666686 : f32
      %gt3A_615 = vector.broadcast %gt3A_614 : f32 to vector<16xf32>
      %gt3A_616 = arith.cmpf ogt, %div3A, %gt3A_615 : vector<16xf32>
      %le3A_617 = arith.constant 0.733333349 : f32
      %le3A_618 = vector.broadcast %le3A_617 : f32 to vector<16xf32>
      %le3A_619 = arith.cmpf ole, %div3A, %le3A_618 : vector<16xf32>
      %and3A_620 = arith.andi %gt3A_616, %le3A_619 : vector<16xi1>
      %select_n3A_621 = arith.select %and3A_620, %broadcast_in_dim3A_292, %broadcast_in_dim3A_290 : vector<16xi1>, vector<16xf32>
      %swap3A_622 = arith.constant 10 : i32
      %swap3A_623 = arith.index_cast %swap3A_622 : i32 to index
      %swap3A_624 = arith.constant 0 : index
      %swap3A_625 = tpu.vector_load %arg7[%swap3A_623, %swap3A_624] {strides = array<i32>} : memref<48x16xf32, #tpu.memory_space<vmem>>, vector<16xf32>,
      tpu.vector_store %arg7[%swap3A_623, %swap3A_624], %select_n3A_621 {add = true, strides = array<i32>} : memref<48x16xf32, #tpu.memory_space<vmem>>, vector<16xf32>,
      %select_n3A_626 = arith.select %and3A_620, %div3A, %broadcast_in_dim3A_290 : vector<16xi1>, vector<16xf32>
      %swap3A_627 = arith.constant 26 : i32
      %swap3A_628 = arith.index_cast %swap3A_627 : i32 to index
      %swap3A_629 = arith.constant 0 : index
      %swap3A_630 = tpu.vector_load %arg7[%swap3A_628, %swap3A_629] {strides = array<i32>} : memref<48x16xf32, #tpu.memory_space<vmem>>, vector<16xf32>,
      tpu.vector_store %arg7[%swap3A_628, %swap3A_629], %select_n3A_626 {add = true, strides = array<i32>} : memref<48x16xf32, #tpu.memory_space<vmem>>, vector<16xf32>,
      %select_n3A_631 = arith.select %and3A_620, %select_n3A, %broadcast_in_dim3A_290 : vector<16xi1>, vector<16xf32>
      %swap3A_632 = arith.constant 42 : i32
      %swap3A_633 = arith.index_cast %swap3A_632 : i32 to index
      %swap3A_634 = arith.constant 0 : index
      %swap3A_635 = tpu.vector_load %arg7[%swap3A_633, %swap3A_634] {strides = array<i32>} : memref<48x16xf32, #tpu.memory_space<vmem>>, vector<16xf32>,
      tpu.vector_store %arg7[%swap3A_633, %swap3A_634], %select_n3A_631 {add = true, strides = array<i32>} : memref<48x16xf32, #tpu.memory_space<vmem>>, vector<16xf32>,
      %gt3A_636 = arith.constant 0.733333349 : f32
      %gt3A_637 = vector.broadcast %gt3A_636 : f32 to vector<16xf32>
      %gt3A_638 = arith.cmpf ogt, %div3A, %gt3A_637 : vector<16xf32>
      %le3A_639 = arith.constant 0.800000071 : f32
      %le3A_640 = vector.broadcast %le3A_639 : f32 to vector<16xf32>
      %le3A_641 = arith.cmpf ole, %div3A, %le3A_640 : vector<16xf32>
      %and3A_642 = arith.andi %gt3A_638, %le3A_641 : vector<16xi1>
      %select_n3A_643 = arith.select %and3A_642, %broadcast_in_dim3A_292, %broadcast_in_dim3A_290 : vector<16xi1>, vector<16xf32>
      %swap3A_644 = arith.constant 11 : i32
      %swap3A_645 = arith.index_cast %swap3A_644 : i32 to index
      %swap3A_646 = arith.constant 0 : index
      %swap3A_647 = tpu.vector_load %arg7[%swap3A_645, %swap3A_646] {strides = array<i32>} : memref<48x16xf32, #tpu.memory_space<vmem>>, vector<16xf32>,
      tpu.vector_store %arg7[%swap3A_645, %swap3A_646], %select_n3A_643 {add = true, strides = array<i32>} : memref<48x16xf32, #tpu.memory_space<vmem>>, vector<16xf32>,
      %select_n3A_648 = arith.select %and3A_642, %div3A, %broadcast_in_dim3A_290 : vector<16xi1>, vector<16xf32>
      %swap3A_649 = arith.constant 27 : i32
      %swap3A_650 = arith.index_cast %swap3A_649 : i32 to index
      %swap3A_651 = arith.constant 0 : index
      %swap3A_652 = tpu.vector_load %arg7[%swap3A_650, %swap3A_651] {strides = array<i32>} : memref<48x16xf32, #tpu.memory_space<vmem>>, vector<16xf32>,
      tpu.vector_store %arg7[%swap3A_650, %swap3A_651], %select_n3A_648 {add = true, strides = array<i32>} : memref<48x16xf32, #tpu.memory_space<vmem>>, vector<16xf32>,
      %select_n3A_653 = arith.select %and3A_642, %select_n3A, %broadcast_in_dim3A_290 : vector<16xi1>, vector<16xf32>
      %swap3A_654 = arith.constant 43 : i32
      %swap3A_655 = arith.index_cast %swap3A_654 : i32 to index
      %swap3A_656 = arith.constant 0 : index
      %swap3A_657 = tpu.vector_load %arg7[%swap3A_655, %swap3A_656] {strides = array<i32>} : memref<48x16xf32, #tpu.memory_space<vmem>>, vector<16xf32>,
      tpu.vector_store %arg7[%swap3A_655, %swap3A_656], %select_n3A_653 {add = true, strides = array<i32>} : memref<48x16xf32, #tpu.memory_space<vmem>>, vector<16xf32>,
      %gt3A_658 = arith.constant 0.800000071 : f32
      %gt3A_659 = vector.broadcast %gt3A_658 : f32 to vector<16xf32>
      %gt3A_660 = arith.cmpf ogt, %div3A, %gt3A_659 : vector<16xf32>
      %le3A_661 = arith.constant 0.866666734 : f32
      %le3A_662 = vector.broadcast %le3A_661 : f32 to vector<16xf32>
      %le3A_663 = arith.cmpf ole, %div3A, %le3A_662 : vector<16xf32>
      %and3A_664 = arith.andi %gt3A_660, %le3A_663 : vector<16xi1>
      %select_n3A_665 = arith.select %and3A_664, %broadcast_in_dim3A_292, %broadcast_in_dim3A_290 : vector<16xi1>, vector<16xf32>
      %swap3A_666 = arith.constant 12 : i32
      %swap3A_667 = arith.index_cast %swap3A_666 : i32 to index
      %swap3A_668 = arith.constant 0 : index
      %swap3A_669 = tpu.vector_load %arg7[%swap3A_667, %swap3A_668] {strides = array<i32>} : memref<48x16xf32, #tpu.memory_space<vmem>>, vector<16xf32>,
      tpu.vector_store %arg7[%swap3A_667, %swap3A_668], %select_n3A_665 {add = true, strides = array<i32>} : memref<48x16xf32, #tpu.memory_space<vmem>>, vector<16xf32>,
      %select_n3A_670 = arith.select %and3A_664, %div3A, %broadcast_in_dim3A_290 : vector<16xi1>, vector<16xf32>
      %swap3A_671 = arith.constant 28 : i32
      %swap3A_672 = arith.index_cast %swap3A_671 : i32 to index
      %swap3A_673 = arith.constant 0 : index
      %swap3A_674 = tpu.vector_load %arg7[%swap3A_672, %swap3A_673] {strides = array<i32>} : memref<48x16xf32, #tpu.memory_space<vmem>>, vector<16xf32>,
      tpu.vector_store %arg7[%swap3A_672, %swap3A_673], %select_n3A_670 {add = true, strides = array<i32>} : memref<48x16xf32, #tpu.memory_space<vmem>>, vector<16xf32>,
      %select_n3A_675 = arith.select %and3A_664, %select_n3A, %broadcast_in_dim3A_290 : vector<16xi1>, vector<16xf32>
      %swap3A_676 = arith.constant 44 : i32
      %swap3A_677 = arith.index_cast %swap3A_676 : i32 to index
      %swap3A_678 = arith.constant 0 : index
      %swap3A_679 = tpu.vector_load %arg7[%swap3A_677, %swap3A_678] {strides = array<i32>} : memref<48x16xf32, #tpu.memory_space<vmem>>, vector<16xf32>,
      tpu.vector_store %arg7[%swap3A_677, %swap3A_678], %select_n3A_675 {add = true, strides = array<i32>} : memref<48x16xf32, #tpu.memory_space<vmem>>, vector<16xf32>,
      %gt3A_680 = arith.constant 0.866666734 : f32
      %gt3A_681 = vector.broadcast %gt3A_680 : f32 to vector<16xf32>
      %gt3A_682 = arith.cmpf ogt, %div3A, %gt3A_681 : vector<16xf32>
      %le3A_683 = arith.constant 0.933333396 : f32
      %le3A_684 = vector.broadcast %le3A_683 : f32 to vector<16xf32>
      %le3A_685 = arith.cmpf ole, %div3A, %le3A_684 : vector<16xf32>
      %and3A_686 = arith.andi %gt3A_682, %le3A_685 : vector<16xi1>
      %select_n3A_687 = arith.select %and3A_686, %broadcast_in_dim3A_292, %broadcast_in_dim3A_290 : vector<16xi1>, vector<16xf32>
      %swap3A_688 = arith.constant 13 : i32
      %swap3A_689 = arith.index_cast %swap3A_688 : i32 to index
      %swap3A_690 = arith.constant 0 : index
      %swap3A_691 = tpu.vector_load %arg7[%swap3A_689, %swap3A_690] {strides = array<i32>} : memref<48x16xf32, #tpu.memory_space<vmem>>, vector<16xf32>,
      tpu.vector_store %arg7[%swap3A_689, %swap3A_690], %select_n3A_687 {add = true, strides = array<i32>} : memref<48x16xf32, #tpu.memory_space<vmem>>, vector<16xf32>,
      %select_n3A_692 = arith.select %and3A_686, %div3A, %broadcast_in_dim3A_290 : vector<16xi1>, vector<16xf32>
      %swap3A_693 = arith.constant 29 : i32
      %swap3A_694 = arith.index_cast %swap3A_693 : i32 to index
      %swap3A_695 = arith.constant 0 : index
      %swap3A_696 = tpu.vector_load %arg7[%swap3A_694, %swap3A_695] {strides = array<i32>} : memref<48x16xf32, #tpu.memory_space<vmem>>, vector<16xf32>,
      tpu.vector_store %arg7[%swap3A_694, %swap3A_695], %select_n3A_692 {add = true, strides = array<i32>} : memref<48x16xf32, #tpu.memory_space<vmem>>, vector<16xf32>,
      %select_n3A_697 = arith.select %and3A_686, %select_n3A, %broadcast_in_dim3A_290 : vector<16xi1>, vector<16xf32>
      %swap3A_698 = arith.constant 45 : i32
      %swap3A_699 = arith.index_cast %swap3A_698 : i32 to index
      %swap3A_700 = arith.constant 0 : index
      %swap3A_701 = tpu.vector_load %arg7[%swap3A_699, %swap3A_700] {strides = array<i32>} : memref<48x16xf32, #tpu.memory_space<vmem>>, vector<16xf32>,
      tpu.vector_store %arg7[%swap3A_699, %swap3A_700], %select_n3A_697 {add = true, strides = array<i32>} : memref<48x16xf32, #tpu.memory_space<vmem>>, vector<16xf32>,
      %gt3A_702 = arith.constant 0.933333396 : f32
      %gt3A_703 = vector.broadcast %gt3A_702 : f32 to vector<16xf32>
      %gt3A_704 = arith.cmpf ogt, %div3A, %gt3A_703 : vector<16xf32>
      %le3A_705 = arith.constant 1.000000e+00 : f32
      %le3A_706 = vector.broadcast %le3A_705 : f32 to vector<16xf32>
      %le3A_707 = arith.cmpf ole, %div3A, %le3A_706 : vector<16xf32>
      %and3A_708 = arith.andi %gt3A_704, %le3A_707 : vector<16xi1>
      %select_n3A_709 = arith.select %and3A_708, %broadcast_in_dim3A_292, %broadcast_in_dim3A_290 : vector<16xi1>, vector<16xf32>
      %swap3A_710 = arith.constant 14 : i32
      %swap3A_711 = arith.index_cast %swap3A_710 : i32 to index
      %swap3A_712 = arith.constant 0 : index
      %swap3A_713 = tpu.vector_load %arg7[%swap3A_711, %swap3A_712] {strides = array<i32>} : memref<48x16xf32, #tpu.memory_space<vmem>>, vector<16xf32>,
      tpu.vector_store %arg7[%swap3A_711, %swap3A_712], %select_n3A_709 {add = true, strides = array<i32>} : memref<48x16xf32, #tpu.memory_space<vmem>>, vector<16xf32>,
      %select_n3A_714 = arith.select %and3A_708, %div3A, %broadcast_in_dim3A_290 : vector<16xi1>, vector<16xf32>
      %swap3A_715 = arith.constant 30 : i32
      %swap3A_716 = arith.index_cast %swap3A_715 : i32 to index
      %swap3A_717 = arith.constant 0 : index
      %swap3A_718 = tpu.vector_load %arg7[%swap3A_716, %swap3A_717] {strides = array<i32>} : memref<48x16xf32, #tpu.memory_space<vmem>>, vector<16xf32>,
      tpu.vector_store %arg7[%swap3A_716, %swap3A_717], %select_n3A_714 {add = true, strides = array<i32>} : memref<48x16xf32, #tpu.memory_space<vmem>>, vector<16xf32>,
      %select_n3A_719 = arith.select %and3A_708, %select_n3A, %broadcast_in_dim3A_290 : vector<16xi1>, vector<16xf32>
      %swap3A_720 = arith.constant 46 : i32
      %swap3A_721 = arith.index_cast %swap3A_720 : i32 to index
      %swap3A_722 = arith.constant 0 : index
      %swap3A_723 = tpu.vector_load %arg7[%swap3A_721, %swap3A_722] {strides = array<i32>} : memref<48x16xf32, #tpu.memory_space<vmem>>, vector<16xf32>,
      tpu.vector_store %arg7[%swap3A_721, %swap3A_722], %select_n3A_719 {add = true, strides = array<i32>} : memref<48x16xf32, #tpu.memory_space<vmem>>, vector<16xf32>,
      %add3A_724 = arith.constant 16144 : i32
      %add3A_725 = vector.broadcast %add3A_724 : i32 to vector<16xi32>
      %add3A_726 = arith.addi %mul3A_297, %add3A_725 : vector<16xi32>
      %add3A_727 = arith.constant 16145 : i32
      %add3A_728 = vector.broadcast %add3A_727 : i32 to vector<16xi32>
      %add3A_729 = arith.addi %mul3A_297, %add3A_728 : vector<16xi32>
      %add3A_730 = arith.constant 16146 : i32
      %add3A_731 = vector.broadcast %add3A_730 : i32 to vector<16xi32>
      %add3A_732 = arith.addi %mul3A_297, %add3A_731 : vector<16xi32>
      %add3A_733 = arith.constant 16147 : i32
      %add3A_734 = vector.broadcast %add3A_733 : i32 to vector<16xi32>
      %add3A_735 = arith.addi %mul3A_297, %add3A_734 : vector<16xi32>
      %parallel_loop3A_736 = arith.constant 0 : i32
      %parallel_loop3A_737 = arith.constant 250 : i32
      %parallel_loop3A_738 = arith.constant 1 : i32
      %parallel_loop3A_739:12 = scf.for %parallel_loop3A_1088 = %parallel_loop3A_736 to %parallel_loop3A_737 step %parallel_loop3A_738 iter_args(%parallel_loop3A_1089 = %broadcast_in_dim3A_290, %parallel_loop3A_1090 = %broadcast_in_dim3A_290, %parallel_loop3A_1091 = %broadcast_in_dim3A_290, %parallel_loop3A_1092 = %broadcast_in_dim3A_290, %parallel_loop3A_1093 = %broadcast_in_dim3A_294, %parallel_loop3A_1094 = %broadcast_in_dim3A_294, %parallel_loop3A_1095 = %broadcast_in_dim3A_294, %parallel_loop3A_1096 = %broadcast_in_dim3A_294, %parallel_loop3A_1097 = %add3A_726, %parallel_loop3A_1098 = %add3A_729, %parallel_loop3A_1099 = %add3A_732, %parallel_loop3A_1100 = %add3A_735) -> (vector<16xf32>, vector<16xf32>, vector<16xf32>, vector<16xf32>, vector<16xf32>, vector<16xf32>, vector<16xf32>, vector<16xf32>, vector<16xi32>, vector<16xi32>, vector<16xi32>, vector<16xi32>)  : i32 {
        %parallel_loop3A_1101 = tpu.vector_load_idx %arg8[%parallel_loop3A_1097] : memref<32304xf32, #tpu.memory_space<vmem>>[vector<16xi32>], vector<16xf32>,
        %parallel_loop3A_1102 = math.exp %parallel_loop3A_1101 : vector<16xf32>
        %parallel_loop3A_1103 = arith.addf %parallel_loop3A_1089, %parallel_loop3A_1102 : vector<16xf32>
        %parallel_loop3A_1104 = arith.maximumf %parallel_loop3A_1093, %parallel_loop3A_1101 : vector<16xf32>
        %parallel_loop3A_1105 = arith.constant 4 : i32
        %parallel_loop3A_1106 = vector.broadcast %parallel_loop3A_1105 : i32 to vector<16xi32>
        %parallel_loop3A_1107 = arith.addi %parallel_loop3A_1097, %parallel_loop3A_1106 : vector<16xi32>
        %parallel_loop3A_1108 = tpu.vector_load_idx %arg8[%parallel_loop3A_1098] : memref<32304xf32, #tpu.memory_space<vmem>>[vector<16xi32>], vector<16xf32>,
        %parallel_loop3A_1109 = math.exp %parallel_loop3A_1108 : vector<16xf32>
        %parallel_loop3A_1110 = arith.addf %parallel_loop3A_1090, %parallel_loop3A_1109 : vector<16xf32>
        %parallel_loop3A_1111 = arith.maximumf %parallel_loop3A_1094, %parallel_loop3A_1108 : vector<16xf32>
        %parallel_loop3A_1112 = arith.constant 4 : i32
        %parallel_loop3A_1113 = vector.broadcast %parallel_loop3A_1112 : i32 to vector<16xi32>
        %parallel_loop3A_1114 = arith.addi %parallel_loop3A_1098, %parallel_loop3A_1113 : vector<16xi32>
        %parallel_loop3A_1115 = tpu.vector_load_idx %arg8[%parallel_loop3A_1099] : memref<32304xf32, #tpu.memory_space<vmem>>[vector<16xi32>], vector<16xf32>,
        %parallel_loop3A_1116 = math.exp %parallel_loop3A_1115 : vector<16xf32>
        %parallel_loop3A_1117 = arith.addf %parallel_loop3A_1091, %parallel_loop3A_1116 : vector<16xf32>
        %parallel_loop3A_1118 = arith.maximumf %parallel_loop3A_1095, %parallel_loop3A_1115 : vector<16xf32>
        %parallel_loop3A_1119 = arith.constant 4 : i32
        %parallel_loop3A_1120 = vector.broadcast %parallel_loop3A_1119 : i32 to vector<16xi32>
        %parallel_loop3A_1121 = arith.addi %parallel_loop3A_1099, %parallel_loop3A_1120 : vector<16xi32>
        %parallel_loop3A_1122 = tpu.vector_load_idx %arg8[%parallel_loop3A_1100] : memref<32304xf32, #tpu.memory_space<vmem>>[vector<16xi32>], vector<16xf32>,
        %parallel_loop3A_1123 = math.exp %parallel_loop3A_1122 : vector<16xf32>
        %parallel_loop3A_1124 = arith.addf %parallel_loop3A_1092, %parallel_loop3A_1123 : vector<16xf32>
        %parallel_loop3A_1125 = arith.maximumf %parallel_loop3A_1096, %parallel_loop3A_1122 : vector<16xf32>
        %parallel_loop3A_1126 = arith.constant 4 : i32
        %parallel_loop3A_1127 = vector.broadcast %parallel_loop3A_1126 : i32 to vector<16xi32>
        %parallel_loop3A_1128 = arith.addi %parallel_loop3A_1100, %parallel_loop3A_1127 : vector<16xi32>
        scf.yield %parallel_loop3A_1103, %parallel_loop3A_1110, %parallel_loop3A_1117, %parallel_loop3A_1124, %parallel_loop3A_1104, %parallel_loop3A_1111, %parallel_loop3A_1118, %parallel_loop3A_1125, %parallel_loop3A_1107, %parallel_loop3A_1114, %parallel_loop3A_1121, %parallel_loop3A_1128 : vector<16xf32>, vector<16xf32>, vector<16xf32>, vector<16xf32>, vector<16xf32>, vector<16xf32>, vector<16xf32>, vector<16xf32>, vector<16xi32>, vector<16xi32>, vector<16xi32>, vector<16xi32>
      } {sc.loop_unroll_factor = 4 : i64, sc.parallel_access}
      %add3A_740 = arith.addf %parallel_loop3A_739#0, %parallel_loop3A_739#1 : vector<16xf32>
      %add3A_741 = arith.addf %parallel_loop3A_739#2, %parallel_loop3A_739#3 : vector<16xf32>
      %add3A_742 = arith.addf %add3A_740, %add3A_741 : vector<16xf32>
      %max3A_743 = arith.maximumf %parallel_loop3A_739#4, %parallel_loop3A_739#5 : vector<16xf32>
      %max3A_744 = arith.maximumf %parallel_loop3A_739#6, %parallel_loop3A_739#7 : vector<16xf32>
      %max3A_745 = arith.maximumf %max3A_743, %max3A_744 : vector<16xf32>
      %exp3A_746 = math.exp %max3A_745 : vector<16xf32>
      %div3A_747 = arith.divf %exp3A_746, %add3A_742 : vector<16xf32>
      %get3A_748 = arith.index_cast %rem3A_335 : i32 to index
      %get3A_749 = arith.constant 16 : index
      %get3A_750 = tpu.vector_load %arg6[%get3A_748, %get3A_749] {strides = array<i32>} : memref<2x32xi32, #tpu.memory_space<vmem>>, vector<16xi32>,
      %add3A_751 = arith.constant 16144 : i32
      %add3A_752 = vector.broadcast %add3A_751 : i32 to vector<16xi32>
      %add3A_753 = arith.addi %get3A_750, %add3A_752 : vector<16xi32>
      %add3A_754 = arith.addi %mul3A_297, %add3A_753 : vector<16xi32>
      %gather3A_755 = tpu.vector_load_idx %arg8[%add3A_754] : memref<32304xf32, #tpu.memory_space<vmem>>[vector<16xi32>], vector<16xf32>,
      %eq3A_756 = arith.cmpf oeq, %gather3A_755, %max3A_745 : vector<16xf32>
      %select_n3A_757 = arith.select %eq3A_756, %broadcast_in_dim3A_292, %broadcast_in_dim3A_290 : vector<16xi1>, vector<16xf32>
      %gt3A_758 = arith.constant 0.000000e+00 : f32
      %gt3A_759 = vector.broadcast %gt3A_758 : f32 to vector<16xf32>
      %gt3A_760 = arith.cmpf ogt, %div3A_747, %gt3A_759 : vector<16xf32>
      %le3A_761 = arith.constant 0.0666666701 : f32
      %le3A_762 = vector.broadcast %le3A_761 : f32 to vector<16xf32>
      %le3A_763 = arith.cmpf ole, %div3A_747, %le3A_762 : vector<16xf32>
      %and3A_764 = arith.andi %gt3A_760, %le3A_763 : vector<16xi1>
      %select_n3A_765 = arith.select %and3A_764, %broadcast_in_dim3A_292, %broadcast_in_dim3A_290 : vector<16xi1>, vector<16xf32>
      %swap3A_766 = arith.constant 0 : i32
      %swap3A_767 = arith.index_cast %swap3A_766 : i32 to index
      %swap3A_768 = arith.constant 0 : index
      %swap3A_769 = tpu.vector_load %arg7[%swap3A_767, %swap3A_768] {strides = array<i32>} : memref<48x16xf32, #tpu.memory_space<vmem>>, vector<16xf32>,
      tpu.vector_store %arg7[%swap3A_767, %swap3A_768], %select_n3A_765 {add = true, strides = array<i32>} : memref<48x16xf32, #tpu.memory_space<vmem>>, vector<16xf32>,
      %select_n3A_770 = arith.select %and3A_764, %div3A_747, %broadcast_in_dim3A_290 : vector<16xi1>, vector<16xf32>
      %swap3A_771 = arith.constant 16 : i32
      %swap3A_772 = arith.index_cast %swap3A_771 : i32 to index
      %swap3A_773 = arith.constant 0 : index
      %swap3A_774 = tpu.vector_load %arg7[%swap3A_772, %swap3A_773] {strides = array<i32>} : memref<48x16xf32, #tpu.memory_space<vmem>>, vector<16xf32>,
      tpu.vector_store %arg7[%swap3A_772, %swap3A_773], %select_n3A_770 {add = true, strides = array<i32>} : memref<48x16xf32, #tpu.memory_space<vmem>>, vector<16xf32>,
      %select_n3A_775 = arith.select %and3A_764, %select_n3A_757, %broadcast_in_dim3A_290 : vector<16xi1>, vector<16xf32>
      %swap3A_776 = arith.constant 32 : i32
      %swap3A_777 = arith.index_cast %swap3A_776 : i32 to index
      %swap3A_778 = arith.constant 0 : index
      %swap3A_779 = tpu.vector_load %arg7[%swap3A_777, %swap3A_778] {strides = array<i32>} : memref<48x16xf32, #tpu.memory_space<vmem>>, vector<16xf32>,
      tpu.vector_store %arg7[%swap3A_777, %swap3A_778], %select_n3A_775 {add = true, strides = array<i32>} : memref<48x16xf32, #tpu.memory_space<vmem>>, vector<16xf32>,
      %gt3A_780 = arith.constant 0.0666666701 : f32
      %gt3A_781 = vector.broadcast %gt3A_780 : f32 to vector<16xf32>
      %gt3A_782 = arith.cmpf ogt, %div3A_747, %gt3A_781 : vector<16xf32>
      %le3A_783 = arith.constant 0.13333334 : f32
      %le3A_784 = vector.broadcast %le3A_783 : f32 to vector<16xf32>
      %le3A_785 = arith.cmpf ole, %div3A_747, %le3A_784 : vector<16xf32>
      %and3A_786 = arith.andi %gt3A_782, %le3A_785 : vector<16xi1>
      %select_n3A_787 = arith.select %and3A_786, %broadcast_in_dim3A_292, %broadcast_in_dim3A_290 : vector<16xi1>, vector<16xf32>
      %swap3A_788 = arith.constant 1 : i32
      %swap3A_789 = arith.index_cast %swap3A_788 : i32 to index
      %swap3A_790 = arith.constant 0 : index
      %swap3A_791 = tpu.vector_load %arg7[%swap3A_789, %swap3A_790] {strides = array<i32>} : memref<48x16xf32, #tpu.memory_space<vmem>>, vector<16xf32>,
      tpu.vector_store %arg7[%swap3A_789, %swap3A_790], %select_n3A_787 {add = true, strides = array<i32>} : memref<48x16xf32, #tpu.memory_space<vmem>>, vector<16xf32>,
      %select_n3A_792 = arith.select %and3A_786, %div3A_747, %broadcast_in_dim3A_290 : vector<16xi1>, vector<16xf32>
      %swap3A_793 = arith.constant 17 : i32
      %swap3A_794 = arith.index_cast %swap3A_793 : i32 to index
      %swap3A_795 = arith.constant 0 : index
      %swap3A_796 = tpu.vector_load %arg7[%swap3A_794, %swap3A_795] {strides = array<i32>} : memref<48x16xf32, #tpu.memory_space<vmem>>, vector<16xf32>,
      tpu.vector_store %arg7[%swap3A_794, %swap3A_795], %select_n3A_792 {add = true, strides = array<i32>} : memref<48x16xf32, #tpu.memory_space<vmem>>, vector<16xf32>,
      %select_n3A_797 = arith.select %and3A_786, %select_n3A_757, %broadcast_in_dim3A_290 : vector<16xi1>, vector<16xf32>
      %swap3A_798 = arith.constant 33 : i32
      %swap3A_799 = arith.index_cast %swap3A_798 : i32 to index
      %swap3A_800 = arith.constant 0 : index
      %swap3A_801 = tpu.vector_load %arg7[%swap3A_799, %swap3A_800] {strides = array<i32>} : memref<48x16xf32, #tpu.memory_space<vmem>>, vector<16xf32>,
      tpu.vector_store %arg7[%swap3A_799, %swap3A_800], %select_n3A_797 {add = true, strides = array<i32>} : memref<48x16xf32, #tpu.memory_space<vmem>>, vector<16xf32>,
      %gt3A_802 = arith.constant 0.13333334 : f32
      %gt3A_803 = vector.broadcast %gt3A_802 : f32 to vector<16xf32>
      %gt3A_804 = arith.cmpf ogt, %div3A_747, %gt3A_803 : vector<16xf32>
      %le3A_805 = arith.constant 0.200000018 : f32
      %le3A_806 = vector.broadcast %le3A_805 : f32 to vector<16xf32>
      %le3A_807 = arith.cmpf ole, %div3A_747, %le3A_806 : vector<16xf32>
      %and3A_808 = arith.andi %gt3A_804, %le3A_807 : vector<16xi1>
      %select_n3A_809 = arith.select %and3A_808, %broadcast_in_dim3A_292, %broadcast_in_dim3A_290 : vector<16xi1>, vector<16xf32>
      %swap3A_810 = arith.constant 2 : i32
      %swap3A_811 = arith.index_cast %swap3A_810 : i32 to index
      %swap3A_812 = arith.constant 0 : index
      %swap3A_813 = tpu.vector_load %arg7[%swap3A_811, %swap3A_812] {strides = array<i32>} : memref<48x16xf32, #tpu.memory_space<vmem>>, vector<16xf32>,
      tpu.vector_store %arg7[%swap3A_811, %swap3A_812], %select_n3A_809 {add = true, strides = array<i32>} : memref<48x16xf32, #tpu.memory_space<vmem>>, vector<16xf32>,
      %select_n3A_814 = arith.select %and3A_808, %div3A_747, %broadcast_in_dim3A_290 : vector<16xi1>, vector<16xf32>
      %swap3A_815 = arith.constant 18 : i32
      %swap3A_816 = arith.index_cast %swap3A_815 : i32 to index
      %swap3A_817 = arith.constant 0 : index
      %swap3A_818 = tpu.vector_load %arg7[%swap3A_816, %swap3A_817] {strides = array<i32>} : memref<48x16xf32, #tpu.memory_space<vmem>>, vector<16xf32>,
      tpu.vector_store %arg7[%swap3A_816, %swap3A_817], %select_n3A_814 {add = true, strides = array<i32>} : memref<48x16xf32, #tpu.memory_space<vmem>>, vector<16xf32>,
      %select_n3A_819 = arith.select %and3A_808, %select_n3A_757, %broadcast_in_dim3A_290 : vector<16xi1>, vector<16xf32>
      %swap3A_820 = arith.constant 34 : i32
      %swap3A_821 = arith.index_cast %swap3A_820 : i32 to index
      %swap3A_822 = arith.constant 0 : index
      %swap3A_823 = tpu.vector_load %arg7[%swap3A_821, %swap3A_822] {strides = array<i32>} : memref<48x16xf32, #tpu.memory_space<vmem>>, vector<16xf32>,
      tpu.vector_store %arg7[%swap3A_821, %swap3A_822], %select_n3A_819 {add = true, strides = array<i32>} : memref<48x16xf32, #tpu.memory_space<vmem>>, vector<16xf32>,
      %gt3A_824 = arith.constant 0.200000018 : f32
      %gt3A_825 = vector.broadcast %gt3A_824 : f32 to vector<16xf32>
      %gt3A_826 = arith.cmpf ogt, %div3A_747, %gt3A_825 : vector<16xf32>
      %le3A_827 = arith.constant 0.266666681 : f32
      %le3A_828 = vector.broadcast %le3A_827 : f32 to vector<16xf32>
      %le3A_829 = arith.cmpf ole, %div3A_747, %le3A_828 : vector<16xf32>
      %and3A_830 = arith.andi %gt3A_826, %le3A_829 : vector<16xi1>
      %select_n3A_831 = arith.select %and3A_830, %broadcast_in_dim3A_292, %broadcast_in_dim3A_290 : vector<16xi1>, vector<16xf32>
      %swap3A_832 = arith.constant 3 : i32
      %swap3A_833 = arith.index_cast %swap3A_832 : i32 to index
      %swap3A_834 = arith.constant 0 : index
      %swap3A_835 = tpu.vector_load %arg7[%swap3A_833, %swap3A_834] {strides = array<i32>} : memref<48x16xf32, #tpu.memory_space<vmem>>, vector<16xf32>,
      tpu.vector_store %arg7[%swap3A_833, %swap3A_834], %select_n3A_831 {add = true, strides = array<i32>} : memref<48x16xf32, #tpu.memory_space<vmem>>, vector<16xf32>,
      %select_n3A_836 = arith.select %and3A_830, %div3A_747, %broadcast_in_dim3A_290 : vector<16xi1>, vector<16xf32>
      %swap3A_837 = arith.constant 19 : i32
      %swap3A_838 = arith.index_cast %swap3A_837 : i32 to index
      %swap3A_839 = arith.constant 0 : index
      %swap3A_840 = tpu.vector_load %arg7[%swap3A_838, %swap3A_839] {strides = array<i32>} : memref<48x16xf32, #tpu.memory_space<vmem>>, vector<16xf32>,
      tpu.vector_store %arg7[%swap3A_838, %swap3A_839], %select_n3A_836 {add = true, strides = array<i32>} : memref<48x16xf32, #tpu.memory_space<vmem>>, vector<16xf32>,
      %select_n3A_841 = arith.select %and3A_830, %select_n3A_757, %broadcast_in_dim3A_290 : vector<16xi1>, vector<16xf32>
      %swap3A_842 = arith.constant 35 : i32
      %swap3A_843 = arith.index_cast %swap3A_842 : i32 to index
      %swap3A_844 = arith.constant 0 : index
      %swap3A_845 = tpu.vector_load %arg7[%swap3A_843, %swap3A_844] {strides = array<i32>} : memref<48x16xf32, #tpu.memory_space<vmem>>, vector<16xf32>,
      tpu.vector_store %arg7[%swap3A_843, %swap3A_844], %select_n3A_841 {add = true, strides = array<i32>} : memref<48x16xf32, #tpu.memory_space<vmem>>, vector<16xf32>,
      %gt3A_846 = arith.constant 0.266666681 : f32
      %gt3A_847 = vector.broadcast %gt3A_846 : f32 to vector<16xf32>
      %gt3A_848 = arith.cmpf ogt, %div3A_747, %gt3A_847 : vector<16xf32>
      %le3A_849 = arith.constant 0.333333343 : f32
      %le3A_850 = vector.broadcast %le3A_849 : f32 to vector<16xf32>
      %le3A_851 = arith.cmpf ole, %div3A_747, %le3A_850 : vector<16xf32>
      %and3A_852 = arith.andi %gt3A_848, %le3A_851 : vector<16xi1>
      %select_n3A_853 = arith.select %and3A_852, %broadcast_in_dim3A_292, %broadcast_in_dim3A_290 : vector<16xi1>, vector<16xf32>
      %swap3A_854 = arith.constant 4 : i32
      %swap3A_855 = arith.index_cast %swap3A_854 : i32 to index
      %swap3A_856 = arith.constant 0 : index
      %swap3A_857 = tpu.vector_load %arg7[%swap3A_855, %swap3A_856] {strides = array<i32>} : memref<48x16xf32, #tpu.memory_space<vmem>>, vector<16xf32>,
      tpu.vector_store %arg7[%swap3A_855, %swap3A_856], %select_n3A_853 {add = true, strides = array<i32>} : memref<48x16xf32, #tpu.memory_space<vmem>>, vector<16xf32>,
      %select_n3A_858 = arith.select %and3A_852, %div3A_747, %broadcast_in_dim3A_290 : vector<16xi1>, vector<16xf32>
      %swap3A_859 = arith.constant 20 : i32
      %swap3A_860 = arith.index_cast %swap3A_859 : i32 to index
      %swap3A_861 = arith.constant 0 : index
      %swap3A_862 = tpu.vector_load %arg7[%swap3A_860, %swap3A_861] {strides = array<i32>} : memref<48x16xf32, #tpu.memory_space<vmem>>, vector<16xf32>,
      tpu.vector_store %arg7[%swap3A_860, %swap3A_861], %select_n3A_858 {add = true, strides = array<i32>} : memref<48x16xf32, #tpu.memory_space<vmem>>, vector<16xf32>,
      %select_n3A_863 = arith.select %and3A_852, %select_n3A_757, %broadcast_in_dim3A_290 : vector<16xi1>, vector<16xf32>
      %swap3A_864 = arith.constant 36 : i32
      %swap3A_865 = arith.index_cast %swap3A_864 : i32 to index
      %swap3A_866 = arith.constant 0 : index
      %swap3A_867 = tpu.vector_load %arg7[%swap3A_865, %swap3A_866] {strides = array<i32>} : memref<48x16xf32, #tpu.memory_space<vmem>>, vector<16xf32>,
      tpu.vector_store %arg7[%swap3A_865, %swap3A_866], %select_n3A_863 {add = true, strides = array<i32>} : memref<48x16xf32, #tpu.memory_space<vmem>>, vector<16xf32>,
      %gt3A_868 = arith.constant 0.333333343 : f32
      %gt3A_869 = vector.broadcast %gt3A_868 : f32 to vector<16xf32>
      %gt3A_870 = arith.cmpf ogt, %div3A_747, %gt3A_869 : vector<16xf32>
      %le3A_871 = arith.constant 0.400000036 : f32
      %le3A_872 = vector.broadcast %le3A_871 : f32 to vector<16xf32>
      %le3A_873 = arith.cmpf ole, %div3A_747, %le3A_872 : vector<16xf32>
      %and3A_874 = arith.andi %gt3A_870, %le3A_873 : vector<16xi1>
      %select_n3A_875 = arith.select %and3A_874, %broadcast_in_dim3A_292, %broadcast_in_dim3A_290 : vector<16xi1>, vector<16xf32>
      %swap3A_876 = arith.constant 5 : i32
      %swap3A_877 = arith.index_cast %swap3A_876 : i32 to index
      %swap3A_878 = arith.constant 0 : index
      %swap3A_879 = tpu.vector_load %arg7[%swap3A_877, %swap3A_878] {strides = array<i32>} : memref<48x16xf32, #tpu.memory_space<vmem>>, vector<16xf32>,
      tpu.vector_store %arg7[%swap3A_877, %swap3A_878], %select_n3A_875 {add = true, strides = array<i32>} : memref<48x16xf32, #tpu.memory_space<vmem>>, vector<16xf32>,
      %select_n3A_880 = arith.select %and3A_874, %div3A_747, %broadcast_in_dim3A_290 : vector<16xi1>, vector<16xf32>
      %swap3A_881 = arith.constant 21 : i32
      %swap3A_882 = arith.index_cast %swap3A_881 : i32 to index
      %swap3A_883 = arith.constant 0 : index
      %swap3A_884 = tpu.vector_load %arg7[%swap3A_882, %swap3A_883] {strides = array<i32>} : memref<48x16xf32, #tpu.memory_space<vmem>>, vector<16xf32>,
      tpu.vector_store %arg7[%swap3A_882, %swap3A_883], %select_n3A_880 {add = true, strides = array<i32>} : memref<48x16xf32, #tpu.memory_space<vmem>>, vector<16xf32>,
      %select_n3A_885 = arith.select %and3A_874, %select_n3A_757, %broadcast_in_dim3A_290 : vector<16xi1>, vector<16xf32>
      %swap3A_886 = arith.constant 37 : i32
      %swap3A_887 = arith.index_cast %swap3A_886 : i32 to index
      %swap3A_888 = arith.constant 0 : index
      %swap3A_889 = tpu.vector_load %arg7[%swap3A_887, %swap3A_888] {strides = array<i32>} : memref<48x16xf32, #tpu.memory_space<vmem>>, vector<16xf32>,
      tpu.vector_store %arg7[%swap3A_887, %swap3A_888], %select_n3A_885 {add = true, strides = array<i32>} : memref<48x16xf32, #tpu.memory_space<vmem>>, vector<16xf32>,
      %gt3A_890 = arith.constant 0.400000036 : f32
      %gt3A_891 = vector.broadcast %gt3A_890 : f32 to vector<16xf32>
      %gt3A_892 = arith.cmpf ogt, %div3A_747, %gt3A_891 : vector<16xf32>
      %le3A_893 = arith.constant 0.466666698 : f32
      %le3A_894 = vector.broadcast %le3A_893 : f32 to vector<16xf32>
      %le3A_895 = arith.cmpf ole, %div3A_747, %le3A_894 : vector<16xf32>
      %and3A_896 = arith.andi %gt3A_892, %le3A_895 : vector<16xi1>
      %select_n3A_897 = arith.select %and3A_896, %broadcast_in_dim3A_292, %broadcast_in_dim3A_290 : vector<16xi1>, vector<16xf32>
      %swap3A_898 = arith.constant 6 : i32
      %swap3A_899 = arith.index_cast %swap3A_898 : i32 to index
      %swap3A_900 = arith.constant 0 : index
      %swap3A_901 = tpu.vector_load %arg7[%swap3A_899, %swap3A_900] {strides = array<i32>} : memref<48x16xf32, #tpu.memory_space<vmem>>, vector<16xf32>,
      tpu.vector_store %arg7[%swap3A_899, %swap3A_900], %select_n3A_897 {add = true, strides = array<i32>} : memref<48x16xf32, #tpu.memory_space<vmem>>, vector<16xf32>,
      %select_n3A_902 = arith.select %and3A_896, %div3A_747, %broadcast_in_dim3A_290 : vector<16xi1>, vector<16xf32>
      %swap3A_903 = arith.constant 22 : i32
      %swap3A_904 = arith.index_cast %swap3A_903 : i32 to index
      %swap3A_905 = arith.constant 0 : index
      %swap3A_906 = tpu.vector_load %arg7[%swap3A_904, %swap3A_905] {strides = array<i32>} : memref<48x16xf32, #tpu.memory_space<vmem>>, vector<16xf32>,
      tpu.vector_store %arg7[%swap3A_904, %swap3A_905], %select_n3A_902 {add = true, strides = array<i32>} : memref<48x16xf32, #tpu.memory_space<vmem>>, vector<16xf32>,
      %select_n3A_907 = arith.select %and3A_896, %select_n3A_757, %broadcast_in_dim3A_290 : vector<16xi1>, vector<16xf32>
      %swap3A_908 = arith.constant 38 : i32
      %swap3A_909 = arith.index_cast %swap3A_908 : i32 to index
      %swap3A_910 = arith.constant 0 : index
      %swap3A_911 = tpu.vector_load %arg7[%swap3A_909, %swap3A_910] {strides = array<i32>} : memref<48x16xf32, #tpu.memory_space<vmem>>, vector<16xf32>,
      tpu.vector_store %arg7[%swap3A_909, %swap3A_910], %select_n3A_907 {add = true, strides = array<i32>} : memref<48x16xf32, #tpu.memory_space<vmem>>, vector<16xf32>,
      %gt3A_912 = arith.constant 0.466666698 : f32
      %gt3A_913 = vector.broadcast %gt3A_912 : f32 to vector<16xf32>
      %gt3A_914 = arith.cmpf ogt, %div3A_747, %gt3A_913 : vector<16xf32>
      %le3A_915 = arith.constant 0.533333361 : f32
      %le3A_916 = vector.broadcast %le3A_915 : f32 to vector<16xf32>
      %le3A_917 = arith.cmpf ole, %div3A_747, %le3A_916 : vector<16xf32>
      %and3A_918 = arith.andi %gt3A_914, %le3A_917 : vector<16xi1>
      %select_n3A_919 = arith.select %and3A_918, %broadcast_in_dim3A_292, %broadcast_in_dim3A_290 : vector<16xi1>, vector<16xf32>
      %swap3A_920 = arith.constant 7 : i32
      %swap3A_921 = arith.index_cast %swap3A_920 : i32 to index
      %swap3A_922 = arith.constant 0 : index
      %swap3A_923 = tpu.vector_load %arg7[%swap3A_921, %swap3A_922] {strides = array<i32>} : memref<48x16xf32, #tpu.memory_space<vmem>>, vector<16xf32>,
      tpu.vector_store %arg7[%swap3A_921, %swap3A_922], %select_n3A_919 {add = true, strides = array<i32>} : memref<48x16xf32, #tpu.memory_space<vmem>>, vector<16xf32>,
      %select_n3A_924 = arith.select %and3A_918, %div3A_747, %broadcast_in_dim3A_290 : vector<16xi1>, vector<16xf32>
      %swap3A_925 = arith.constant 23 : i32
      %swap3A_926 = arith.index_cast %swap3A_925 : i32 to index
      %swap3A_927 = arith.constant 0 : index
      %swap3A_928 = tpu.vector_load %arg7[%swap3A_926, %swap3A_927] {strides = array<i32>} : memref<48x16xf32, #tpu.memory_space<vmem>>, vector<16xf32>,
      tpu.vector_store %arg7[%swap3A_926, %swap3A_927], %select_n3A_924 {add = true, strides = array<i32>} : memref<48x16xf32, #tpu.memory_space<vmem>>, vector<16xf32>,
      %select_n3A_929 = arith.select %and3A_918, %select_n3A_757, %broadcast_in_dim3A_290 : vector<16xi1>, vector<16xf32>
      %swap3A_930 = arith.constant 39 : i32
      %swap3A_931 = arith.index_cast %swap3A_930 : i32 to index
      %swap3A_932 = arith.constant 0 : index
      %swap3A_933 = tpu.vector_load %arg7[%swap3A_931, %swap3A_932] {strides = array<i32>} : memref<48x16xf32, #tpu.memory_space<vmem>>, vector<16xf32>,
      tpu.vector_store %arg7[%swap3A_931, %swap3A_932], %select_n3A_929 {add = true, strides = array<i32>} : memref<48x16xf32, #tpu.memory_space<vmem>>, vector<16xf32>,
      %gt3A_934 = arith.constant 0.533333361 : f32
      %gt3A_935 = vector.broadcast %gt3A_934 : f32 to vector<16xf32>
      %gt3A_936 = arith.cmpf ogt, %div3A_747, %gt3A_935 : vector<16xf32>
      %le3A_937 = arith.constant 6.000000e-01 : f32
      %le3A_938 = vector.broadcast %le3A_937 : f32 to vector<16xf32>
      %le3A_939 = arith.cmpf ole, %div3A_747, %le3A_938 : vector<16xf32>
      %and3A_940 = arith.andi %gt3A_936, %le3A_939 : vector<16xi1>
      %select_n3A_941 = arith.select %and3A_940, %broadcast_in_dim3A_292, %broadcast_in_dim3A_290 : vector<16xi1>, vector<16xf32>
      %swap3A_942 = arith.constant 8 : i32
      %swap3A_943 = arith.index_cast %swap3A_942 : i32 to index
      %swap3A_944 = arith.constant 0 : index
      %swap3A_945 = tpu.vector_load %arg7[%swap3A_943, %swap3A_944] {strides = array<i32>} : memref<48x16xf32, #tpu.memory_space<vmem>>, vector<16xf32>,
      tpu.vector_store %arg7[%swap3A_943, %swap3A_944], %select_n3A_941 {add = true, strides = array<i32>} : memref<48x16xf32, #tpu.memory_space<vmem>>, vector<16xf32>,
      %select_n3A_946 = arith.select %and3A_940, %div3A_747, %broadcast_in_dim3A_290 : vector<16xi1>, vector<16xf32>
      %swap3A_947 = arith.constant 24 : i32
      %swap3A_948 = arith.index_cast %swap3A_947 : i32 to index
      %swap3A_949 = arith.constant 0 : index
      %swap3A_950 = tpu.vector_load %arg7[%swap3A_948, %swap3A_949] {strides = array<i32>} : memref<48x16xf32, #tpu.memory_space<vmem>>, vector<16xf32>,
      tpu.vector_store %arg7[%swap3A_948, %swap3A_949], %select_n3A_946 {add = true, strides = array<i32>} : memref<48x16xf32, #tpu.memory_space<vmem>>, vector<16xf32>,
      %select_n3A_951 = arith.select %and3A_940, %select_n3A_757, %broadcast_in_dim3A_290 : vector<16xi1>, vector<16xf32>
      %swap3A_952 = arith.constant 40 : i32
      %swap3A_953 = arith.index_cast %swap3A_952 : i32 to index
      %swap3A_954 = arith.constant 0 : index
      %swap3A_955 = tpu.vector_load %arg7[%swap3A_953, %swap3A_954] {strides = array<i32>} : memref<48x16xf32, #tpu.memory_space<vmem>>, vector<16xf32>,
      tpu.vector_store %arg7[%swap3A_953, %swap3A_954], %select_n3A_951 {add = true, strides = array<i32>} : memref<48x16xf32, #tpu.memory_space<vmem>>, vector<16xf32>,
      %gt3A_956 = arith.constant 6.000000e-01 : f32
      %gt3A_957 = vector.broadcast %gt3A_956 : f32 to vector<16xf32>
      %gt3A_958 = arith.cmpf ogt, %div3A_747, %gt3A_957 : vector<16xf32>
      %le3A_959 = arith.constant 0.666666686 : f32
      %le3A_960 = vector.broadcast %le3A_959 : f32 to vector<16xf32>
      %le3A_961 = arith.cmpf ole, %div3A_747, %le3A_960 : vector<16xf32>
      %and3A_962 = arith.andi %gt3A_958, %le3A_961 : vector<16xi1>
      %select_n3A_963 = arith.select %and3A_962, %broadcast_in_dim3A_292, %broadcast_in_dim3A_290 : vector<16xi1>, vector<16xf32>
      %swap3A_964 = arith.constant 9 : i32
      %swap3A_965 = arith.index_cast %swap3A_964 : i32 to index
      %swap3A_966 = arith.constant 0 : index
      %swap3A_967 = tpu.vector_load %arg7[%swap3A_965, %swap3A_966] {strides = array<i32>} : memref<48x16xf32, #tpu.memory_space<vmem>>, vector<16xf32>,
      tpu.vector_store %arg7[%swap3A_965, %swap3A_966], %select_n3A_963 {add = true, strides = array<i32>} : memref<48x16xf32, #tpu.memory_space<vmem>>, vector<16xf32>,
      %select_n3A_968 = arith.select %and3A_962, %div3A_747, %broadcast_in_dim3A_290 : vector<16xi1>, vector<16xf32>
      %swap3A_969 = arith.constant 25 : i32
      %swap3A_970 = arith.index_cast %swap3A_969 : i32 to index
      %swap3A_971 = arith.constant 0 : index
      %swap3A_972 = tpu.vector_load %arg7[%swap3A_970, %swap3A_971] {strides = array<i32>} : memref<48x16xf32, #tpu.memory_space<vmem>>, vector<16xf32>,
      tpu.vector_store %arg7[%swap3A_970, %swap3A_971], %select_n3A_968 {add = true, strides = array<i32>} : memref<48x16xf32, #tpu.memory_space<vmem>>, vector<16xf32>,
      %select_n3A_973 = arith.select %and3A_962, %select_n3A_757, %broadcast_in_dim3A_290 : vector<16xi1>, vector<16xf32>
      %swap3A_974 = arith.constant 41 : i32
      %swap3A_975 = arith.index_cast %swap3A_974 : i32 to index
      %swap3A_976 = arith.constant 0 : index
      %swap3A_977 = tpu.vector_load %arg7[%swap3A_975, %swap3A_976] {strides = array<i32>} : memref<48x16xf32, #tpu.memory_space<vmem>>, vector<16xf32>,
      tpu.vector_store %arg7[%swap3A_975, %swap3A_976], %select_n3A_973 {add = true, strides = array<i32>} : memref<48x16xf32, #tpu.memory_space<vmem>>, vector<16xf32>,
      %gt3A_978 = arith.constant 0.666666686 : f32
      %gt3A_979 = vector.broadcast %gt3A_978 : f32 to vector<16xf32>
      %gt3A_980 = arith.cmpf ogt, %div3A_747, %gt3A_979 : vector<16xf32>
      %le3A_981 = arith.constant 0.733333349 : f32
      %le3A_982 = vector.broadcast %le3A_981 : f32 to vector<16xf32>
      %le3A_983 = arith.cmpf ole, %div3A_747, %le3A_982 : vector<16xf32>
      %and3A_984 = arith.andi %gt3A_980, %le3A_983 : vector<16xi1>
      %select_n3A_985 = arith.select %and3A_984, %broadcast_in_dim3A_292, %broadcast_in_dim3A_290 : vector<16xi1>, vector<16xf32>
      %swap3A_986 = arith.constant 10 : i32
      %swap3A_987 = arith.index_cast %swap3A_986 : i32 to index
      %swap3A_988 = arith.constant 0 : index
      %swap3A_989 = tpu.vector_load %arg7[%swap3A_987, %swap3A_988] {strides = array<i32>} : memref<48x16xf32, #tpu.memory_space<vmem>>, vector<16xf32>,
      tpu.vector_store %arg7[%swap3A_987, %swap3A_988], %select_n3A_985 {add = true, strides = array<i32>} : memref<48x16xf32, #tpu.memory_space<vmem>>, vector<16xf32>,
      %select_n3A_990 = arith.select %and3A_984, %div3A_747, %broadcast_in_dim3A_290 : vector<16xi1>, vector<16xf32>
      %swap3A_991 = arith.constant 26 : i32
      %swap3A_992 = arith.index_cast %swap3A_991 : i32 to index
      %swap3A_993 = arith.constant 0 : index
      %swap3A_994 = tpu.vector_load %arg7[%swap3A_992, %swap3A_993] {strides = array<i32>} : memref<48x16xf32, #tpu.memory_space<vmem>>, vector<16xf32>,
      tpu.vector_store %arg7[%swap3A_992, %swap3A_993], %select_n3A_990 {add = true, strides = array<i32>} : memref<48x16xf32, #tpu.memory_space<vmem>>, vector<16xf32>,
      %select_n3A_995 = arith.select %and3A_984, %select_n3A_757, %broadcast_in_dim3A_290 : vector<16xi1>, vector<16xf32>
      %swap3A_996 = arith.constant 42 : i32
      %swap3A_997 = arith.index_cast %swap3A_996 : i32 to index
      %swap3A_998 = arith.constant 0 : index
      %swap3A_999 = tpu.vector_load %arg7[%swap3A_997, %swap3A_998] {strides = array<i32>} : memref<48x16xf32, #tpu.memory_space<vmem>>, vector<16xf32>,
      tpu.vector_store %arg7[%swap3A_997, %swap3A_998], %select_n3A_995 {add = true, strides = array<i32>} : memref<48x16xf32, #tpu.memory_space<vmem>>, vector<16xf32>,
      %gt3A_1000 = arith.constant 0.733333349 : f32
      %gt3A_1001 = vector.broadcast %gt3A_1000 : f32 to vector<16xf32>
      %gt3A_1002 = arith.cmpf ogt, %div3A_747, %gt3A_1001 : vector<16xf32>
      %le3A_1003 = arith.constant 0.800000071 : f32
      %le3A_1004 = vector.broadcast %le3A_1003 : f32 to vector<16xf32>
      %le3A_1005 = arith.cmpf ole, %div3A_747, %le3A_1004 : vector<16xf32>
      %and3A_1006 = arith.andi %gt3A_1002, %le3A_1005 : vector<16xi1>
      %select_n3A_1007 = arith.select %and3A_1006, %broadcast_in_dim3A_292, %broadcast_in_dim3A_290 : vector<16xi1>, vector<16xf32>
      %swap3A_1008 = arith.constant 11 : i32
      %swap3A_1009 = arith.index_cast %swap3A_1008 : i32 to index
      %swap3A_1010 = arith.constant 0 : index
      %swap3A_1011 = tpu.vector_load %arg7[%swap3A_1009, %swap3A_1010] {strides = array<i32>} : memref<48x16xf32, #tpu.memory_space<vmem>>, vector<16xf32>,
      tpu.vector_store %arg7[%swap3A_1009, %swap3A_1010], %select_n3A_1007 {add = true, strides = array<i32>} : memref<48x16xf32, #tpu.memory_space<vmem>>, vector<16xf32>,
      %select_n3A_1012 = arith.select %and3A_1006, %div3A_747, %broadcast_in_dim3A_290 : vector<16xi1>, vector<16xf32>
      %swap3A_1013 = arith.constant 27 : i32
      %swap3A_1014 = arith.index_cast %swap3A_1013 : i32 to index
      %swap3A_1015 = arith.constant 0 : index
      %swap3A_1016 = tpu.vector_load %arg7[%swap3A_1014, %swap3A_1015] {strides = array<i32>} : memref<48x16xf32, #tpu.memory_space<vmem>>, vector<16xf32>,
      tpu.vector_store %arg7[%swap3A_1014, %swap3A_1015], %select_n3A_1012 {add = true, strides = array<i32>} : memref<48x16xf32, #tpu.memory_space<vmem>>, vector<16xf32>,
      %select_n3A_1017 = arith.select %and3A_1006, %select_n3A_757, %broadcast_in_dim3A_290 : vector<16xi1>, vector<16xf32>
      %swap3A_1018 = arith.constant 43 : i32
      %swap3A_1019 = arith.index_cast %swap3A_1018 : i32 to index
      %swap3A_1020 = arith.constant 0 : index
      %swap3A_1021 = tpu.vector_load %arg7[%swap3A_1019, %swap3A_1020] {strides = array<i32>} : memref<48x16xf32, #tpu.memory_space<vmem>>, vector<16xf32>,
      tpu.vector_store %arg7[%swap3A_1019, %swap3A_1020], %select_n3A_1017 {add = true, strides = array<i32>} : memref<48x16xf32, #tpu.memory_space<vmem>>, vector<16xf32>,
      %gt3A_1022 = arith.constant 0.800000071 : f32
      %gt3A_1023 = vector.broadcast %gt3A_1022 : f32 to vector<16xf32>
      %gt3A_1024 = arith.cmpf ogt, %div3A_747, %gt3A_1023 : vector<16xf32>
      %le3A_1025 = arith.constant 0.866666734 : f32
      %le3A_1026 = vector.broadcast %le3A_1025 : f32 to vector<16xf32>
      %le3A_1027 = arith.cmpf ole, %div3A_747, %le3A_1026 : vector<16xf32>
      %and3A_1028 = arith.andi %gt3A_1024, %le3A_1027 : vector<16xi1>
      %select_n3A_1029 = arith.select %and3A_1028, %broadcast_in_dim3A_292, %broadcast_in_dim3A_290 : vector<16xi1>, vector<16xf32>
      %swap3A_1030 = arith.constant 12 : i32
      %swap3A_1031 = arith.index_cast %swap3A_1030 : i32 to index
      %swap3A_1032 = arith.constant 0 : index
      %swap3A_1033 = tpu.vector_load %arg7[%swap3A_1031, %swap3A_1032] {strides = array<i32>} : memref<48x16xf32, #tpu.memory_space<vmem>>, vector<16xf32>,
      tpu.vector_store %arg7[%swap3A_1031, %swap3A_1032], %select_n3A_1029 {add = true, strides = array<i32>} : memref<48x16xf32, #tpu.memory_space<vmem>>, vector<16xf32>,
      %select_n3A_1034 = arith.select %and3A_1028, %div3A_747, %broadcast_in_dim3A_290 : vector<16xi1>, vector<16xf32>
      %swap3A_1035 = arith.constant 28 : i32
      %swap3A_1036 = arith.index_cast %swap3A_1035 : i32 to index
      %swap3A_1037 = arith.constant 0 : index
      %swap3A_1038 = tpu.vector_load %arg7[%swap3A_1036, %swap3A_1037] {strides = array<i32>} : memref<48x16xf32, #tpu.memory_space<vmem>>, vector<16xf32>,
      tpu.vector_store %arg7[%swap3A_1036, %swap3A_1037], %select_n3A_1034 {add = true, strides = array<i32>} : memref<48x16xf32, #tpu.memory_space<vmem>>, vector<16xf32>,
      %select_n3A_1039 = arith.select %and3A_1028, %select_n3A_757, %broadcast_in_dim3A_290 : vector<16xi1>, vector<16xf32>
      %swap3A_1040 = arith.constant 44 : i32
      %swap3A_1041 = arith.index_cast %swap3A_1040 : i32 to index
      %swap3A_1042 = arith.constant 0 : index
      %swap3A_1043 = tpu.vector_load %arg7[%swap3A_1041, %swap3A_1042] {strides = array<i32>} : memref<48x16xf32, #tpu.memory_space<vmem>>, vector<16xf32>,
      tpu.vector_store %arg7[%swap3A_1041, %swap3A_1042], %select_n3A_1039 {add = true, strides = array<i32>} : memref<48x16xf32, #tpu.memory_space<vmem>>, vector<16xf32>,
      %gt3A_1044 = arith.constant 0.866666734 : f32
      %gt3A_1045 = vector.broadcast %gt3A_1044 : f32 to vector<16xf32>
      %gt3A_1046 = arith.cmpf ogt, %div3A_747, %gt3A_1045 : vector<16xf32>
      %le3A_1047 = arith.constant 0.933333396 : f32
      %le3A_1048 = vector.broadcast %le3A_1047 : f32 to vector<16xf32>
      %le3A_1049 = arith.cmpf ole, %div3A_747, %le3A_1048 : vector<16xf32>
      %and3A_1050 = arith.andi %gt3A_1046, %le3A_1049 : vector<16xi1>
      %select_n3A_1051 = arith.select %and3A_1050, %broadcast_in_dim3A_292, %broadcast_in_dim3A_290 : vector<16xi1>, vector<16xf32>
      %swap3A_1052 = arith.constant 13 : i32
      %swap3A_1053 = arith.index_cast %swap3A_1052 : i32 to index
      %swap3A_1054 = arith.constant 0 : index
      %swap3A_1055 = tpu.vector_load %arg7[%swap3A_1053, %swap3A_1054] {strides = array<i32>} : memref<48x16xf32, #tpu.memory_space<vmem>>, vector<16xf32>,
      tpu.vector_store %arg7[%swap3A_1053, %swap3A_1054], %select_n3A_1051 {add = true, strides = array<i32>} : memref<48x16xf32, #tpu.memory_space<vmem>>, vector<16xf32>,
      %select_n3A_1056 = arith.select %and3A_1050, %div3A_747, %broadcast_in_dim3A_290 : vector<16xi1>, vector<16xf32>
      %swap3A_1057 = arith.constant 29 : i32
      %swap3A_1058 = arith.index_cast %swap3A_1057 : i32 to index
      %swap3A_1059 = arith.constant 0 : index
      %swap3A_1060 = tpu.vector_load %arg7[%swap3A_1058, %swap3A_1059] {strides = array<i32>} : memref<48x16xf32, #tpu.memory_space<vmem>>, vector<16xf32>,
      tpu.vector_store %arg7[%swap3A_1058, %swap3A_1059], %select_n3A_1056 {add = true, strides = array<i32>} : memref<48x16xf32, #tpu.memory_space<vmem>>, vector<16xf32>,
      %select_n3A_1061 = arith.select %and3A_1050, %select_n3A_757, %broadcast_in_dim3A_290 : vector<16xi1>, vector<16xf32>
      %swap3A_1062 = arith.constant 45 : i32
      %swap3A_1063 = arith.index_cast %swap3A_1062 : i32 to index
      %swap3A_1064 = arith.constant 0 : index
      %swap3A_1065 = tpu.vector_load %arg7[%swap3A_1063, %swap3A_1064] {strides = array<i32>} : memref<48x16xf32, #tpu.memory_space<vmem>>, vector<16xf32>,
      tpu.vector_store %arg7[%swap3A_1063, %swap3A_1064], %select_n3A_1061 {add = true, strides = array<i32>} : memref<48x16xf32, #tpu.memory_space<vmem>>, vector<16xf32>,
      %gt3A_1066 = arith.constant 0.933333396 : f32
      %gt3A_1067 = vector.broadcast %gt3A_1066 : f32 to vector<16xf32>
      %gt3A_1068 = arith.cmpf ogt, %div3A_747, %gt3A_1067 : vector<16xf32>
      %le3A_1069 = arith.constant 1.000000e+00 : f32
      %le3A_1070 = vector.broadcast %le3A_1069 : f32 to vector<16xf32>
      %le3A_1071 = arith.cmpf ole, %div3A_747, %le3A_1070 : vector<16xf32>
      %and3A_1072 = arith.andi %gt3A_1068, %le3A_1071 : vector<16xi1>
      %select_n3A_1073 = arith.select %and3A_1072, %broadcast_in_dim3A_292, %broadcast_in_dim3A_290 : vector<16xi1>, vector<16xf32>
      %swap3A_1074 = arith.constant 14 : i32
      %swap3A_1075 = arith.index_cast %swap3A_1074 : i32 to index
      %swap3A_1076 = arith.constant 0 : index
      %swap3A_1077 = tpu.vector_load %arg7[%swap3A_1075, %swap3A_1076] {strides = array<i32>} : memref<48x16xf32, #tpu.memory_space<vmem>>, vector<16xf32>,
      tpu.vector_store %arg7[%swap3A_1075, %swap3A_1076], %select_n3A_1073 {add = true, strides = array<i32>} : memref<48x16xf32, #tpu.memory_space<vmem>>, vector<16xf32>,
      %select_n3A_1078 = arith.select %and3A_1072, %div3A_747, %broadcast_in_dim3A_290 : vector<16xi1>, vector<16xf32>
      %swap3A_1079 = arith.constant 30 : i32
      %swap3A_1080 = arith.index_cast %swap3A_1079 : i32 to index
      %swap3A_1081 = arith.constant 0 : index
      %swap3A_1082 = tpu.vector_load %arg7[%swap3A_1080, %swap3A_1081] {strides = array<i32>} : memref<48x16xf32, #tpu.memory_space<vmem>>, vector<16xf32>,
      tpu.vector_store %arg7[%swap3A_1080, %swap3A_1081], %select_n3A_1078 {add = true, strides = array<i32>} : memref<48x16xf32, #tpu.memory_space<vmem>>, vector<16xf32>,
      %select_n3A_1083 = arith.select %and3A_1072, %select_n3A_757, %broadcast_in_dim3A_290 : vector<16xi1>, vector<16xf32>
      %swap3A_1084 = arith.constant 46 : i32
      %swap3A_1085 = arith.index_cast %swap3A_1084 : i32 to index
      %swap3A_1086 = arith.constant 0 : index
      %swap3A_1087 = tpu.vector_load %arg7[%swap3A_1085, %swap3A_1086] {strides = array<i32>} : memref<48x16xf32, #tpu.memory_space<vmem>>, vector<16xf32>,
      tpu.vector_store %arg7[%swap3A_1085, %swap3A_1086], %select_n3A_1083 {add = true, strides = array<i32>} : memref<48x16xf32, #tpu.memory_space<vmem>>, vector<16xf32>,
    }
    %scan3A_333 = arith.constant 28 : i32
    "tpu.region"() ({
      %run_scoped3A = tpu.sem_alloc : memref<!tpu.dma_semaphore, #tpu.memory_space<semaphore_mem>>
      %dma_start3A_334 = arith.constant 0 : i32
      %dma_start3A_335 = arith.constant 0 : i32
      %dma_start3A_336 = tpu.memref_slice %arg4[%add3A, %dma_start3A_334, %dma_start3A_335] : memref<32x48x16xf32, #tpu.memory_space<hbm>> -> memref<1x48x16xf32, #tpu.memory_space<hbm>>
      %dma_start3A_337 = tpu.memref_squeeze %dma_start3A_336 : memref<1x48x16xf32, #tpu.memory_space<hbm>> -> memref<48x16xf32, #tpu.memory_space<hbm>>
      %dma_start3A_338 = arith.constant 0 : i32
      %dma_start3A_339 = arith.constant 0 : i32
      %dma_start3A_340 = tpu.memref_slice %arg4[%add3A, %dma_start3A_338, %dma_start3A_339] : memref<32x48x16xf32, #tpu.memory_space<hbm>> -> memref<1x48x16xf32, #tpu.memory_space<hbm>>
      %dma_start3A_341 = tpu.memref_squeeze %dma_start3A_340 : memref<1x48x16xf32, #tpu.memory_space<hbm>> -> memref<48x16xf32, #tpu.memory_space<hbm>>
      tpu.enqueue_dma source(%arg7 : memref<48x16xf32, #tpu.memory_space<vmem>>) target(%dma_start3A_341 : memref<48x16xf32, #tpu.memory_space<hbm>>) target_semaphore(%run_scoped3A : memref<!tpu.dma_semaphore, #tpu.memory_space<semaphore_mem>>)
      %dma_wait3A = arith.constant 0 : i32
      %dma_wait3A_342 = arith.constant 0 : i32
      %dma_wait3A_343 = tpu.memref_slice %arg4[%add3A, %dma_wait3A, %dma_wait3A_342] : memref<32x48x16xf32, #tpu.memory_space<hbm>> -> memref<1x48x16xf32, #tpu.memory_space<hbm>>
      %dma_wait3A_344 = tpu.memref_squeeze %dma_wait3A_343 : memref<1x48x16xf32, #tpu.memory_space<hbm>> -> memref<48x16xf32, #tpu.memory_space<hbm>>
      %dma_wait3A_345 = arith.constant 0 : i32
      %dma_wait3A_346 = arith.constant 0 : i32
      %dma_wait3A_347 = tpu.memref_slice %arg4[%add3A, %dma_wait3A_345, %dma_wait3A_346] : memref<32x48x16xf32, #tpu.memory_space<hbm>> -> memref<1x48x16xf32, #tpu.memory_space<hbm>>
      %dma_wait3A_348 = tpu.memref_squeeze %dma_wait3A_347 : memref<1x48x16xf32, #tpu.memory_space<hbm>> -> memref<48x16xf32, #tpu.memory_space<hbm>>
      tpu.wait_dma2 semaphore(%run_scoped3A : memref<!tpu.dma_semaphore, #tpu.memory_space<semaphore_mem>>) src(%arg7 : memref<48x16xf32, #tpu.memory_space<vmem>>) dst(%dma_wait3A_348 : memref<48x16xf32, #tpu.memory_space<hbm>>)
      tpu.yield
    }) : () -> ()
    return
  }
}

module attributes {stable_mosaic.version = 14 : i64} {
  func.func @_tc_body(%arg0: i32, %arg1: memref<512x1000xf32, #tpu.memory_space<vmem>>, %arg2: memref<512x1000xf32, #tpu.memory_space<vmem>>, %arg3: memref<512x1000xf32, #tpu.memory_space<vmem>>, %arg4: memref<512x1000xf32, #tpu.memory_space<vmem>>, %arg5: memref<1x512x1xi32, #tpu.memory_space<vmem>>, %arg6: memref<1x512x1xi32, #tpu.memory_space<vmem>>, %arg7: memref<1x512x1xi32, #tpu.memory_space<vmem>>, %arg8: memref<1x512x1xi32, #tpu.memory_space<vmem>>, %arg9: memref<8x16xf32, #tpu.memory_space<vmem>>, %arg10: memref<8x16xf32, #tpu.memory_space<vmem>>) attributes {dimension_semantics = [#tpu.dimension_semantics<arbitrary>], iteration_bounds = array<i64: 18>, scalar_prefetch = 0 : i64, scratch_operands = 1 : i64, tpu.core_type = #tpu.core_type<tc>, window_params = [{transform_indices = @transform_0, window_bounds = array<i64: 512, 1000>}, {transform_indices = @transform_1, window_bounds = array<i64: 512, 1000>}, {transform_indices = @transform_2, window_bounds = array<i64: 512, 1000>}, {transform_indices = @transform_3, window_bounds = array<i64: 512, 1000>}, {transform_indices = @transform_4, window_bounds = array<i64: 1, 512, 1>}, {transform_indices = @transform_5, window_bounds = array<i64: 1, 512, 1>}, {transform_indices = @transform_6, window_bounds = array<i64: 1, 512, 1>}, {transform_indices = @transform_7, window_bounds = array<i64: 1, 512, 1>}, {pipeline_mode = #tpu.pipeline_mode<synchronous>, transform_indices = @transform_8, window_bounds = array<i64: 8, 16>}]} {
    %eq3A = arith.constant 0 : i32
    %eq3A_0 = arith.cmpi eq, %arg0, %eq3A : i32
    %convert_element_type3A = arith.extui %eq3A_0 : i1 to i32
    %cond3A = arith.constant 0 : i32
    %cond3A_1 = arith.cmpi ne, %convert_element_type3A, %cond3A : i32
    scf.if %cond3A_1 {
      %broadcast_in_dim3A_317 = arith.constant 0.000000e+00 : f32
      %broadcast_in_dim3A_318 = vector.broadcast %broadcast_in_dim3A_317 : f32 to vector<8x16xf32>
      %swap3A_319 = arith.constant 0 : index
      %swap3A_320 = arith.constant 0 : index
      %swap3A_321 = vector.load %arg10[%swap3A_319, %swap3A_320] : memref<8x16xf32, #tpu.memory_space<vmem>>, vector<8x16xf32>
      tpu.vector_store %arg10[%swap3A_319, %swap3A_320], %broadcast_in_dim3A_318 {strides = array<i32>} : memref<8x16xf32, #tpu.memory_space<vmem>>, vector<8x16xf32>,
    } else {
    }
    %broadcast_in_dim3A = arith.constant 0.000000e+00 : f32
    %broadcast_in_dim3A_2 = vector.broadcast %broadcast_in_dim3A : f32 to vector<1x16xf32>
    %broadcast_in_dim3A_3 = arith.constant 0.000000e+00 : f32
    %broadcast_in_dim3A_4 = vector.broadcast %broadcast_in_dim3A_3 : f32 to vector<1x16xf32>
    %broadcast_in_dim3A_5 = arith.constant 0.000000e+00 : f32
    %broadcast_in_dim3A_6 = vector.broadcast %broadcast_in_dim3A_5 : f32 to vector<1x16xf32>
    %get3A = arith.constant 0 : index
    %get3A_7 = arith.constant 0 : index
    %get3A_8 = vector.load %arg1[%get3A, %get3A_7] : memref<512x1000xf32, #tpu.memory_space<vmem>>, vector<512x1000xf32>
    %get3A_9 = arith.constant 0 : index
    %get3A_10 = arith.constant 0 : index
    %get3A_11 = arith.constant 0 : index
    %get3A_12 = vector.load %arg5[%get3A_9, %get3A_10, %get3A_11] : memref<1x512x1xi32, #tpu.memory_space<vmem>>, vector<1x512x1xi32>
    %get3A_13 = vector.shape_cast %get3A_12 : vector<1x512x1xi32> to vector<512x1xi32>
    %reduce_max3A = arith.constant dense<0xFF800000> : vector<512xf32>
    %reduce_max3A_14 = vector.multi_reduction <maximumf>, %get3A_8, %reduce_max3A [1] : vector<512x1000xf32> to vector<512xf32>
    %broadcast_in_dim3A_15 = vector.shape_cast %reduce_max3A_14 : vector<512xf32> to vector<512x1xf32>
    %sub3A = vector.broadcast %broadcast_in_dim3A_15 : vector<512x1xf32> to vector<512x1000xf32>
    %sub3A_16 = arith.subf %get3A_8, %sub3A : vector<512x1000xf32>
    %exp3A = math.exp %sub3A_16 : vector<512x1000xf32>
    %reduce_sum3A = arith.constant dense<0.000000e+00> : vector<512xf32>
    %reduce_sum3A_17 = vector.multi_reduction <add>, %exp3A, %reduce_sum3A [1] : vector<512x1000xf32> to vector<512xf32>
    %broadcast_in_dim3A_18 = vector.shape_cast %reduce_sum3A_17 : vector<512xf32> to vector<512x1xf32>
    %div3A = arith.constant 1.000000e+00 : f32
    %div3A_19 = vector.broadcast %div3A : f32 to vector<512x1xf32>
    %div3A_20 = arith.divf %div3A_19, %broadcast_in_dim3A_18 : vector<512x1xf32>
    %iota3A = tpu.iota {dimensions = array<i32: 1>} : vector<512x1000xi32>
    %eq3A_21 = vector.broadcast %get3A_13 : vector<512x1xi32> to vector<512x1000xi32>
    %eq3A_22 = arith.cmpi eq, %iota3A, %eq3A_21 : vector<512x1000xi32>
    %jit3A = arith.constant 0xFF800000 : f32
    %broadcast_in_dim3A_23 = vector.broadcast %jit3A : f32 to vector<512x1000xf32>
    %select_n3A = arith.select %eq3A_22, %get3A_8, %broadcast_in_dim3A_23 : vector<512x1000xi1>, vector<512x1000xf32>
    %reduce_max3A_24 = arith.constant dense<0xFF800000> : vector<512xf32>
    %reduce_max3A_25 = vector.multi_reduction <maximumf>, %select_n3A, %reduce_max3A_24 [1] : vector<512x1000xf32> to vector<512xf32>
    %broadcast_in_dim3A_26 = vector.shape_cast %reduce_max3A_25 : vector<512xf32> to vector<512x1xf32>
    %eq3A_27 = arith.cmpf oeq, %broadcast_in_dim3A_26, %broadcast_in_dim3A_15 : vector<512x1xf32>
    %convert_element_type3A_28 = arith.extui %eq3A_27 : vector<512x1xi1> to vector<512x1xi32>
    %convert_element_type3A_29 = arith.sitofp %convert_element_type3A_28 : vector<512x1xi32> to vector<512x1xf32>
    %div3A_30 = arith.constant 1.000000e+00 : f32
    %div3A_31 = arith.constant 1.500000e+01 : f32
    %div3A_32 = arith.divf %div3A_30, %div3A_31 : f32
    %iota3A_33 = tpu.iota {dimensions = array<i32: 1>} : vector<1x16xi32>
    %convert_element_type3A_34 = arith.sitofp %iota3A_33 : vector<1x16xi32> to vector<1x16xf32>
    %mul3A = vector.broadcast %div3A_32 : f32 to vector<1x16xf32>
    %mul3A_35 = arith.mulf %convert_element_type3A_34, %mul3A : vector<1x16xf32>
    %ge3A = arith.constant 1.500000e+01 : f32
    %ge3A_36 = vector.broadcast %ge3A : f32 to vector<1x16xf32>
    %ge3A_37 = arith.cmpf oge, %convert_element_type3A_34, %ge3A_36 : vector<1x16xf32>
    %add3A = arith.constant 1.000000e+00 : f32
    %add3A_38 = vector.broadcast %add3A : f32 to vector<1x16xf32>
    %add3A_39 = arith.addf %convert_element_type3A_34, %add3A_38 : vector<1x16xf32>
    %mul3A_40 = vector.broadcast %div3A_32 : f32 to vector<1x16xf32>
    %mul3A_41 = arith.mulf %add3A_39, %mul3A_40 : vector<1x16xf32>
    %jit3A_42 = arith.constant 0x7F800000 : f32
    %broadcast_in_dim3A_43 = vector.broadcast %jit3A_42 : f32 to vector<1x16xf32>
    %select_n3A_44 = arith.select %ge3A_37, %broadcast_in_dim3A_43, %mul3A_41 : vector<1x16xi1>, vector<1x16xf32>
    %gt3A = vector.broadcast %div3A_20 : vector<512x1xf32> to vector<512x16xf32>
    %gt3A_45 = vector.broadcast %mul3A_35 : vector<1x16xf32> to vector<512x16xf32>
    %gt3A_46 = arith.cmpf ogt, %gt3A, %gt3A_45 : vector<512x16xf32>
    %le3A = vector.broadcast %div3A_20 : vector<512x1xf32> to vector<512x16xf32>
    %le3A_47 = vector.broadcast %select_n3A_44 : vector<1x16xf32> to vector<512x16xf32>
    %le3A_48 = arith.cmpf ole, %le3A, %le3A_47 : vector<512x16xf32>
    %and3A = arith.andi %gt3A_46, %le3A_48 : vector<512x16xi1>
    %convert_element_type3A_49 = arith.extui %and3A : vector<512x16xi1> to vector<512x16xi32>
    %convert_element_type3A_50 = arith.sitofp %convert_element_type3A_49 : vector<512x16xi32> to vector<512x16xf32>
    %reduce_sum3A_51 = arith.constant dense<0.000000e+00> : vector<16xf32>
    %reduce_sum3A_52 = vector.multi_reduction <add>, %convert_element_type3A_50, %reduce_sum3A_51 [0] : vector<512x16xf32> to vector<16xf32>
    %broadcast_in_dim3A_53 = vector.shape_cast %reduce_sum3A_52 : vector<16xf32> to vector<1x16xf32>
    %mul3A_54 = vector.broadcast %div3A_20 : vector<512x1xf32> to vector<512x16xf32>
    %mul3A_55 = arith.mulf %convert_element_type3A_50, %mul3A_54 : vector<512x16xf32>
    %reduce_sum3A_56 = arith.constant dense<0.000000e+00> : vector<16xf32>
    %reduce_sum3A_57 = vector.multi_reduction <add>, %mul3A_55, %reduce_sum3A_56 [0] : vector<512x16xf32> to vector<16xf32>
    %broadcast_in_dim3A_58 = vector.shape_cast %reduce_sum3A_57 : vector<16xf32> to vector<1x16xf32>
    %mul3A_59 = vector.broadcast %convert_element_type3A_29 : vector<512x1xf32> to vector<512x16xf32>
    %mul3A_60 = arith.mulf %convert_element_type3A_50, %mul3A_59 : vector<512x16xf32>
    %reduce_sum3A_61 = arith.constant dense<0.000000e+00> : vector<16xf32>
    %reduce_sum3A_62 = vector.multi_reduction <add>, %mul3A_60, %reduce_sum3A_61 [0] : vector<512x16xf32> to vector<16xf32>
    %broadcast_in_dim3A_63 = vector.shape_cast %reduce_sum3A_62 : vector<16xf32> to vector<1x16xf32>
    %add3A_64 = arith.addf %broadcast_in_dim3A_2, %broadcast_in_dim3A_53 : vector<1x16xf32>
    %add3A_65 = arith.addf %broadcast_in_dim3A_4, %broadcast_in_dim3A_58 : vector<1x16xf32>
    %add3A_66 = arith.addf %broadcast_in_dim3A_6, %broadcast_in_dim3A_63 : vector<1x16xf32>
    %get3A_67 = arith.constant 0 : index
    %get3A_68 = arith.constant 0 : index
    %get3A_69 = vector.load %arg2[%get3A_67, %get3A_68] : memref<512x1000xf32, #tpu.memory_space<vmem>>, vector<512x1000xf32>
    %get3A_70 = arith.constant 0 : index
    %get3A_71 = arith.constant 0 : index
    %get3A_72 = arith.constant 0 : index
    %get3A_73 = vector.load %arg6[%get3A_70, %get3A_71, %get3A_72] : memref<1x512x1xi32, #tpu.memory_space<vmem>>, vector<1x512x1xi32>
    %get3A_74 = vector.shape_cast %get3A_73 : vector<1x512x1xi32> to vector<512x1xi32>
    %reduce_max3A_75 = arith.constant dense<0xFF800000> : vector<512xf32>
    %reduce_max3A_76 = vector.multi_reduction <maximumf>, %get3A_69, %reduce_max3A_75 [1] : vector<512x1000xf32> to vector<512xf32>
    %broadcast_in_dim3A_77 = vector.shape_cast %reduce_max3A_76 : vector<512xf32> to vector<512x1xf32>
    %sub3A_78 = vector.broadcast %broadcast_in_dim3A_77 : vector<512x1xf32> to vector<512x1000xf32>
    %sub3A_79 = arith.subf %get3A_69, %sub3A_78 : vector<512x1000xf32>
    %exp3A_80 = math.exp %sub3A_79 : vector<512x1000xf32>
    %reduce_sum3A_81 = arith.constant dense<0.000000e+00> : vector<512xf32>
    %reduce_sum3A_82 = vector.multi_reduction <add>, %exp3A_80, %reduce_sum3A_81 [1] : vector<512x1000xf32> to vector<512xf32>
    %broadcast_in_dim3A_83 = vector.shape_cast %reduce_sum3A_82 : vector<512xf32> to vector<512x1xf32>
    %div3A_84 = arith.constant 1.000000e+00 : f32
    %div3A_85 = vector.broadcast %div3A_84 : f32 to vector<512x1xf32>
    %div3A_86 = arith.divf %div3A_85, %broadcast_in_dim3A_83 : vector<512x1xf32>
    %iota3A_87 = tpu.iota {dimensions = array<i32: 1>} : vector<512x1000xi32>
    %eq3A_88 = vector.broadcast %get3A_74 : vector<512x1xi32> to vector<512x1000xi32>
    %eq3A_89 = arith.cmpi eq, %iota3A_87, %eq3A_88 : vector<512x1000xi32>
    %jit3A_90 = arith.constant 0xFF800000 : f32
    %broadcast_in_dim3A_91 = vector.broadcast %jit3A_90 : f32 to vector<512x1000xf32>
    %select_n3A_92 = arith.select %eq3A_89, %get3A_69, %broadcast_in_dim3A_91 : vector<512x1000xi1>, vector<512x1000xf32>
    %reduce_max3A_93 = arith.constant dense<0xFF800000> : vector<512xf32>
    %reduce_max3A_94 = vector.multi_reduction <maximumf>, %select_n3A_92, %reduce_max3A_93 [1] : vector<512x1000xf32> to vector<512xf32>
    %broadcast_in_dim3A_95 = vector.shape_cast %reduce_max3A_94 : vector<512xf32> to vector<512x1xf32>
    %eq3A_96 = arith.cmpf oeq, %broadcast_in_dim3A_95, %broadcast_in_dim3A_77 : vector<512x1xf32>
    %convert_element_type3A_97 = arith.extui %eq3A_96 : vector<512x1xi1> to vector<512x1xi32>
    %convert_element_type3A_98 = arith.sitofp %convert_element_type3A_97 : vector<512x1xi32> to vector<512x1xf32>
    %div3A_99 = arith.constant 1.000000e+00 : f32
    %div3A_100 = arith.constant 1.500000e+01 : f32
    %div3A_101 = arith.divf %div3A_99, %div3A_100 : f32
    %iota3A_102 = tpu.iota {dimensions = array<i32: 1>} : vector<1x16xi32>
    %convert_element_type3A_103 = arith.sitofp %iota3A_102 : vector<1x16xi32> to vector<1x16xf32>
    %mul3A_104 = vector.broadcast %div3A_101 : f32 to vector<1x16xf32>
    %mul3A_105 = arith.mulf %convert_element_type3A_103, %mul3A_104 : vector<1x16xf32>
    %ge3A_106 = arith.constant 1.500000e+01 : f32
    %ge3A_107 = vector.broadcast %ge3A_106 : f32 to vector<1x16xf32>
    %ge3A_108 = arith.cmpf oge, %convert_element_type3A_103, %ge3A_107 : vector<1x16xf32>
    %add3A_109 = arith.constant 1.000000e+00 : f32
    %add3A_110 = vector.broadcast %add3A_109 : f32 to vector<1x16xf32>
    %add3A_111 = arith.addf %convert_element_type3A_103, %add3A_110 : vector<1x16xf32>
    %mul3A_112 = vector.broadcast %div3A_101 : f32 to vector<1x16xf32>
    %mul3A_113 = arith.mulf %add3A_111, %mul3A_112 : vector<1x16xf32>
    %jit3A_114 = arith.constant 0x7F800000 : f32
    %broadcast_in_dim3A_115 = vector.broadcast %jit3A_114 : f32 to vector<1x16xf32>
    %select_n3A_116 = arith.select %ge3A_108, %broadcast_in_dim3A_115, %mul3A_113 : vector<1x16xi1>, vector<1x16xf32>
    %gt3A_117 = vector.broadcast %div3A_86 : vector<512x1xf32> to vector<512x16xf32>
    %gt3A_118 = vector.broadcast %mul3A_105 : vector<1x16xf32> to vector<512x16xf32>
    %gt3A_119 = arith.cmpf ogt, %gt3A_117, %gt3A_118 : vector<512x16xf32>
    %le3A_120 = vector.broadcast %div3A_86 : vector<512x1xf32> to vector<512x16xf32>
    %le3A_121 = vector.broadcast %select_n3A_116 : vector<1x16xf32> to vector<512x16xf32>
    %le3A_122 = arith.cmpf ole, %le3A_120, %le3A_121 : vector<512x16xf32>
    %and3A_123 = arith.andi %gt3A_119, %le3A_122 : vector<512x16xi1>
    %convert_element_type3A_124 = arith.extui %and3A_123 : vector<512x16xi1> to vector<512x16xi32>
    %convert_element_type3A_125 = arith.sitofp %convert_element_type3A_124 : vector<512x16xi32> to vector<512x16xf32>
    %reduce_sum3A_126 = arith.constant dense<0.000000e+00> : vector<16xf32>
    %reduce_sum3A_127 = vector.multi_reduction <add>, %convert_element_type3A_125, %reduce_sum3A_126 [0] : vector<512x16xf32> to vector<16xf32>
    %broadcast_in_dim3A_128 = vector.shape_cast %reduce_sum3A_127 : vector<16xf32> to vector<1x16xf32>
    %mul3A_129 = vector.broadcast %div3A_86 : vector<512x1xf32> to vector<512x16xf32>
    %mul3A_130 = arith.mulf %convert_element_type3A_125, %mul3A_129 : vector<512x16xf32>
    %reduce_sum3A_131 = arith.constant dense<0.000000e+00> : vector<16xf32>
    %reduce_sum3A_132 = vector.multi_reduction <add>, %mul3A_130, %reduce_sum3A_131 [0] : vector<512x16xf32> to vector<16xf32>
    %broadcast_in_dim3A_133 = vector.shape_cast %reduce_sum3A_132 : vector<16xf32> to vector<1x16xf32>
    %mul3A_134 = vector.broadcast %convert_element_type3A_98 : vector<512x1xf32> to vector<512x16xf32>
    %mul3A_135 = arith.mulf %convert_element_type3A_125, %mul3A_134 : vector<512x16xf32>
    %reduce_sum3A_136 = arith.constant dense<0.000000e+00> : vector<16xf32>
    %reduce_sum3A_137 = vector.multi_reduction <add>, %mul3A_135, %reduce_sum3A_136 [0] : vector<512x16xf32> to vector<16xf32>
    %broadcast_in_dim3A_138 = vector.shape_cast %reduce_sum3A_137 : vector<16xf32> to vector<1x16xf32>
    %add3A_139 = arith.addf %add3A_64, %broadcast_in_dim3A_128 : vector<1x16xf32>
    %add3A_140 = arith.addf %add3A_65, %broadcast_in_dim3A_133 : vector<1x16xf32>
    %add3A_141 = arith.addf %add3A_66, %broadcast_in_dim3A_138 : vector<1x16xf32>
    %get3A_142 = arith.constant 0 : index
    %get3A_143 = arith.constant 0 : index
    %get3A_144 = vector.load %arg3[%get3A_142, %get3A_143] : memref<512x1000xf32, #tpu.memory_space<vmem>>, vector<512x1000xf32>
    %get3A_145 = arith.constant 0 : index
    %get3A_146 = arith.constant 0 : index
    %get3A_147 = arith.constant 0 : index
    %get3A_148 = vector.load %arg7[%get3A_145, %get3A_146, %get3A_147] : memref<1x512x1xi32, #tpu.memory_space<vmem>>, vector<1x512x1xi32>
    %get3A_149 = vector.shape_cast %get3A_148 : vector<1x512x1xi32> to vector<512x1xi32>
    %reduce_max3A_150 = arith.constant dense<0xFF800000> : vector<512xf32>
    %reduce_max3A_151 = vector.multi_reduction <maximumf>, %get3A_144, %reduce_max3A_150 [1] : vector<512x1000xf32> to vector<512xf32>
    %broadcast_in_dim3A_152 = vector.shape_cast %reduce_max3A_151 : vector<512xf32> to vector<512x1xf32>
    %sub3A_153 = vector.broadcast %broadcast_in_dim3A_152 : vector<512x1xf32> to vector<512x1000xf32>
    %sub3A_154 = arith.subf %get3A_144, %sub3A_153 : vector<512x1000xf32>
    %exp3A_155 = math.exp %sub3A_154 : vector<512x1000xf32>
    %reduce_sum3A_156 = arith.constant dense<0.000000e+00> : vector<512xf32>
    %reduce_sum3A_157 = vector.multi_reduction <add>, %exp3A_155, %reduce_sum3A_156 [1] : vector<512x1000xf32> to vector<512xf32>
    %broadcast_in_dim3A_158 = vector.shape_cast %reduce_sum3A_157 : vector<512xf32> to vector<512x1xf32>
    %div3A_159 = arith.constant 1.000000e+00 : f32
    %div3A_160 = vector.broadcast %div3A_159 : f32 to vector<512x1xf32>
    %div3A_161 = arith.divf %div3A_160, %broadcast_in_dim3A_158 : vector<512x1xf32>
    %iota3A_162 = tpu.iota {dimensions = array<i32: 1>} : vector<512x1000xi32>
    %eq3A_163 = vector.broadcast %get3A_149 : vector<512x1xi32> to vector<512x1000xi32>
    %eq3A_164 = arith.cmpi eq, %iota3A_162, %eq3A_163 : vector<512x1000xi32>
    %jit3A_165 = arith.constant 0xFF800000 : f32
    %broadcast_in_dim3A_166 = vector.broadcast %jit3A_165 : f32 to vector<512x1000xf32>
    %select_n3A_167 = arith.select %eq3A_164, %get3A_144, %broadcast_in_dim3A_166 : vector<512x1000xi1>, vector<512x1000xf32>
    %reduce_max3A_168 = arith.constant dense<0xFF800000> : vector<512xf32>
    %reduce_max3A_169 = vector.multi_reduction <maximumf>, %select_n3A_167, %reduce_max3A_168 [1] : vector<512x1000xf32> to vector<512xf32>
    %broadcast_in_dim3A_170 = vector.shape_cast %reduce_max3A_169 : vector<512xf32> to vector<512x1xf32>
    %eq3A_171 = arith.cmpf oeq, %broadcast_in_dim3A_170, %broadcast_in_dim3A_152 : vector<512x1xf32>
    %convert_element_type3A_172 = arith.extui %eq3A_171 : vector<512x1xi1> to vector<512x1xi32>
    %convert_element_type3A_173 = arith.sitofp %convert_element_type3A_172 : vector<512x1xi32> to vector<512x1xf32>
    %div3A_174 = arith.constant 1.000000e+00 : f32
    %div3A_175 = arith.constant 1.500000e+01 : f32
    %div3A_176 = arith.divf %div3A_174, %div3A_175 : f32
    %iota3A_177 = tpu.iota {dimensions = array<i32: 1>} : vector<1x16xi32>
    %convert_element_type3A_178 = arith.sitofp %iota3A_177 : vector<1x16xi32> to vector<1x16xf32>
    %mul3A_179 = vector.broadcast %div3A_176 : f32 to vector<1x16xf32>
    %mul3A_180 = arith.mulf %convert_element_type3A_178, %mul3A_179 : vector<1x16xf32>
    %ge3A_181 = arith.constant 1.500000e+01 : f32
    %ge3A_182 = vector.broadcast %ge3A_181 : f32 to vector<1x16xf32>
    %ge3A_183 = arith.cmpf oge, %convert_element_type3A_178, %ge3A_182 : vector<1x16xf32>
    %add3A_184 = arith.constant 1.000000e+00 : f32
    %add3A_185 = vector.broadcast %add3A_184 : f32 to vector<1x16xf32>
    %add3A_186 = arith.addf %convert_element_type3A_178, %add3A_185 : vector<1x16xf32>
    %mul3A_187 = vector.broadcast %div3A_176 : f32 to vector<1x16xf32>
    %mul3A_188 = arith.mulf %add3A_186, %mul3A_187 : vector<1x16xf32>
    %jit3A_189 = arith.constant 0x7F800000 : f32
    %broadcast_in_dim3A_190 = vector.broadcast %jit3A_189 : f32 to vector<1x16xf32>
    %select_n3A_191 = arith.select %ge3A_183, %broadcast_in_dim3A_190, %mul3A_188 : vector<1x16xi1>, vector<1x16xf32>
    %gt3A_192 = vector.broadcast %div3A_161 : vector<512x1xf32> to vector<512x16xf32>
    %gt3A_193 = vector.broadcast %mul3A_180 : vector<1x16xf32> to vector<512x16xf32>
    %gt3A_194 = arith.cmpf ogt, %gt3A_192, %gt3A_193 : vector<512x16xf32>
    %le3A_195 = vector.broadcast %div3A_161 : vector<512x1xf32> to vector<512x16xf32>
    %le3A_196 = vector.broadcast %select_n3A_191 : vector<1x16xf32> to vector<512x16xf32>
    %le3A_197 = arith.cmpf ole, %le3A_195, %le3A_196 : vector<512x16xf32>
    %and3A_198 = arith.andi %gt3A_194, %le3A_197 : vector<512x16xi1>
    %convert_element_type3A_199 = arith.extui %and3A_198 : vector<512x16xi1> to vector<512x16xi32>
    %convert_element_type3A_200 = arith.sitofp %convert_element_type3A_199 : vector<512x16xi32> to vector<512x16xf32>
    %reduce_sum3A_201 = arith.constant dense<0.000000e+00> : vector<16xf32>
    %reduce_sum3A_202 = vector.multi_reduction <add>, %convert_element_type3A_200, %reduce_sum3A_201 [0] : vector<512x16xf32> to vector<16xf32>
    %broadcast_in_dim3A_203 = vector.shape_cast %reduce_sum3A_202 : vector<16xf32> to vector<1x16xf32>
    %mul3A_204 = vector.broadcast %div3A_161 : vector<512x1xf32> to vector<512x16xf32>
    %mul3A_205 = arith.mulf %convert_element_type3A_200, %mul3A_204 : vector<512x16xf32>
    %reduce_sum3A_206 = arith.constant dense<0.000000e+00> : vector<16xf32>
    %reduce_sum3A_207 = vector.multi_reduction <add>, %mul3A_205, %reduce_sum3A_206 [0] : vector<512x16xf32> to vector<16xf32>
    %broadcast_in_dim3A_208 = vector.shape_cast %reduce_sum3A_207 : vector<16xf32> to vector<1x16xf32>
    %mul3A_209 = vector.broadcast %convert_element_type3A_173 : vector<512x1xf32> to vector<512x16xf32>
    %mul3A_210 = arith.mulf %convert_element_type3A_200, %mul3A_209 : vector<512x16xf32>
    %reduce_sum3A_211 = arith.constant dense<0.000000e+00> : vector<16xf32>
    %reduce_sum3A_212 = vector.multi_reduction <add>, %mul3A_210, %reduce_sum3A_211 [0] : vector<512x16xf32> to vector<16xf32>
    %broadcast_in_dim3A_213 = vector.shape_cast %reduce_sum3A_212 : vector<16xf32> to vector<1x16xf32>
    %add3A_214 = arith.addf %add3A_139, %broadcast_in_dim3A_203 : vector<1x16xf32>
    %add3A_215 = arith.addf %add3A_140, %broadcast_in_dim3A_208 : vector<1x16xf32>
    %add3A_216 = arith.addf %add3A_141, %broadcast_in_dim3A_213 : vector<1x16xf32>
    %get3A_217 = arith.constant 0 : index
    %get3A_218 = arith.constant 0 : index
    %get3A_219 = vector.load %arg4[%get3A_217, %get3A_218] : memref<512x1000xf32, #tpu.memory_space<vmem>>, vector<512x1000xf32>
    %get3A_220 = arith.constant 0 : index
    %get3A_221 = arith.constant 0 : index
    %get3A_222 = arith.constant 0 : index
    %get3A_223 = vector.load %arg8[%get3A_220, %get3A_221, %get3A_222] : memref<1x512x1xi32, #tpu.memory_space<vmem>>, vector<1x512x1xi32>
    %get3A_224 = vector.shape_cast %get3A_223 : vector<1x512x1xi32> to vector<512x1xi32>
    %reduce_max3A_225 = arith.constant dense<0xFF800000> : vector<512xf32>
    %reduce_max3A_226 = vector.multi_reduction <maximumf>, %get3A_219, %reduce_max3A_225 [1] : vector<512x1000xf32> to vector<512xf32>
    %broadcast_in_dim3A_227 = vector.shape_cast %reduce_max3A_226 : vector<512xf32> to vector<512x1xf32>
    %sub3A_228 = vector.broadcast %broadcast_in_dim3A_227 : vector<512x1xf32> to vector<512x1000xf32>
    %sub3A_229 = arith.subf %get3A_219, %sub3A_228 : vector<512x1000xf32>
    %exp3A_230 = math.exp %sub3A_229 : vector<512x1000xf32>
    %reduce_sum3A_231 = arith.constant dense<0.000000e+00> : vector<512xf32>
    %reduce_sum3A_232 = vector.multi_reduction <add>, %exp3A_230, %reduce_sum3A_231 [1] : vector<512x1000xf32> to vector<512xf32>
    %broadcast_in_dim3A_233 = vector.shape_cast %reduce_sum3A_232 : vector<512xf32> to vector<512x1xf32>
    %div3A_234 = arith.constant 1.000000e+00 : f32
    %div3A_235 = vector.broadcast %div3A_234 : f32 to vector<512x1xf32>
    %div3A_236 = arith.divf %div3A_235, %broadcast_in_dim3A_233 : vector<512x1xf32>
    %iota3A_237 = tpu.iota {dimensions = array<i32: 1>} : vector<512x1000xi32>
    %eq3A_238 = vector.broadcast %get3A_224 : vector<512x1xi32> to vector<512x1000xi32>
    %eq3A_239 = arith.cmpi eq, %iota3A_237, %eq3A_238 : vector<512x1000xi32>
    %jit3A_240 = arith.constant 0xFF800000 : f32
    %broadcast_in_dim3A_241 = vector.broadcast %jit3A_240 : f32 to vector<512x1000xf32>
    %select_n3A_242 = arith.select %eq3A_239, %get3A_219, %broadcast_in_dim3A_241 : vector<512x1000xi1>, vector<512x1000xf32>
    %reduce_max3A_243 = arith.constant dense<0xFF800000> : vector<512xf32>
    %reduce_max3A_244 = vector.multi_reduction <maximumf>, %select_n3A_242, %reduce_max3A_243 [1] : vector<512x1000xf32> to vector<512xf32>
    %broadcast_in_dim3A_245 = vector.shape_cast %reduce_max3A_244 : vector<512xf32> to vector<512x1xf32>
    %eq3A_246 = arith.cmpf oeq, %broadcast_in_dim3A_245, %broadcast_in_dim3A_227 : vector<512x1xf32>
    %convert_element_type3A_247 = arith.extui %eq3A_246 : vector<512x1xi1> to vector<512x1xi32>
    %convert_element_type3A_248 = arith.sitofp %convert_element_type3A_247 : vector<512x1xi32> to vector<512x1xf32>
    %div3A_249 = arith.constant 1.000000e+00 : f32
    %div3A_250 = arith.constant 1.500000e+01 : f32
    %div3A_251 = arith.divf %div3A_249, %div3A_250 : f32
    %iota3A_252 = tpu.iota {dimensions = array<i32: 1>} : vector<1x16xi32>
    %convert_element_type3A_253 = arith.sitofp %iota3A_252 : vector<1x16xi32> to vector<1x16xf32>
    %mul3A_254 = vector.broadcast %div3A_251 : f32 to vector<1x16xf32>
    %mul3A_255 = arith.mulf %convert_element_type3A_253, %mul3A_254 : vector<1x16xf32>
    %ge3A_256 = arith.constant 1.500000e+01 : f32
    %ge3A_257 = vector.broadcast %ge3A_256 : f32 to vector<1x16xf32>
    %ge3A_258 = arith.cmpf oge, %convert_element_type3A_253, %ge3A_257 : vector<1x16xf32>
    %add3A_259 = arith.constant 1.000000e+00 : f32
    %add3A_260 = vector.broadcast %add3A_259 : f32 to vector<1x16xf32>
    %add3A_261 = arith.addf %convert_element_type3A_253, %add3A_260 : vector<1x16xf32>
    %mul3A_262 = vector.broadcast %div3A_251 : f32 to vector<1x16xf32>
    %mul3A_263 = arith.mulf %add3A_261, %mul3A_262 : vector<1x16xf32>
    %jit3A_264 = arith.constant 0x7F800000 : f32
    %broadcast_in_dim3A_265 = vector.broadcast %jit3A_264 : f32 to vector<1x16xf32>
    %select_n3A_266 = arith.select %ge3A_258, %broadcast_in_dim3A_265, %mul3A_263 : vector<1x16xi1>, vector<1x16xf32>
    %gt3A_267 = vector.broadcast %div3A_236 : vector<512x1xf32> to vector<512x16xf32>
    %gt3A_268 = vector.broadcast %mul3A_255 : vector<1x16xf32> to vector<512x16xf32>
    %gt3A_269 = arith.cmpf ogt, %gt3A_267, %gt3A_268 : vector<512x16xf32>
    %le3A_270 = vector.broadcast %div3A_236 : vector<512x1xf32> to vector<512x16xf32>
    %le3A_271 = vector.broadcast %select_n3A_266 : vector<1x16xf32> to vector<512x16xf32>
    %le3A_272 = arith.cmpf ole, %le3A_270, %le3A_271 : vector<512x16xf32>
    %and3A_273 = arith.andi %gt3A_269, %le3A_272 : vector<512x16xi1>
    %convert_element_type3A_274 = arith.extui %and3A_273 : vector<512x16xi1> to vector<512x16xi32>
    %convert_element_type3A_275 = arith.sitofp %convert_element_type3A_274 : vector<512x16xi32> to vector<512x16xf32>
    %reduce_sum3A_276 = arith.constant dense<0.000000e+00> : vector<16xf32>
    %reduce_sum3A_277 = vector.multi_reduction <add>, %convert_element_type3A_275, %reduce_sum3A_276 [0] : vector<512x16xf32> to vector<16xf32>
    %broadcast_in_dim3A_278 = vector.shape_cast %reduce_sum3A_277 : vector<16xf32> to vector<1x16xf32>
    %mul3A_279 = vector.broadcast %div3A_236 : vector<512x1xf32> to vector<512x16xf32>
    %mul3A_280 = arith.mulf %convert_element_type3A_275, %mul3A_279 : vector<512x16xf32>
    %reduce_sum3A_281 = arith.constant dense<0.000000e+00> : vector<16xf32>
    %reduce_sum3A_282 = vector.multi_reduction <add>, %mul3A_280, %reduce_sum3A_281 [0] : vector<512x16xf32> to vector<16xf32>
    %broadcast_in_dim3A_283 = vector.shape_cast %reduce_sum3A_282 : vector<16xf32> to vector<1x16xf32>
    %mul3A_284 = vector.broadcast %convert_element_type3A_248 : vector<512x1xf32> to vector<512x16xf32>
    %mul3A_285 = arith.mulf %convert_element_type3A_275, %mul3A_284 : vector<512x16xf32>
    %reduce_sum3A_286 = arith.constant dense<0.000000e+00> : vector<16xf32>
    %reduce_sum3A_287 = vector.multi_reduction <add>, %mul3A_285, %reduce_sum3A_286 [0] : vector<512x16xf32> to vector<16xf32>
    %broadcast_in_dim3A_288 = vector.shape_cast %reduce_sum3A_287 : vector<16xf32> to vector<1x16xf32>
    %add3A_289 = arith.addf %add3A_214, %broadcast_in_dim3A_278 : vector<1x16xf32>
    %add3A_290 = arith.addf %add3A_215, %broadcast_in_dim3A_283 : vector<1x16xf32>
    %add3A_291 = arith.addf %add3A_216, %broadcast_in_dim3A_288 : vector<1x16xf32>
    %get3A_292 = arith.constant 0 : index
    %get3A_293 = arith.constant 0 : index
    %get3A_294 = vector.load %arg10[%get3A_292, %get3A_293] : memref<8x16xf32, #tpu.memory_space<vmem>>, vector<1x16xf32>
    %add3A_295 = arith.addf %get3A_294, %add3A_289 : vector<1x16xf32>
    %swap3A = arith.constant 0 : index
    %swap3A_296 = arith.constant 0 : index
    %swap3A_297 = vector.load %arg10[%swap3A, %swap3A_296] : memref<8x16xf32, #tpu.memory_space<vmem>>, vector<1x16xf32>
    tpu.vector_store %arg10[%swap3A, %swap3A_296], %add3A_295 {strides = array<i32>} : memref<8x16xf32, #tpu.memory_space<vmem>>, vector<1x16xf32>,
    %get3A_298 = arith.constant 1 : index
    %get3A_299 = arith.constant 0 : index
    %get3A_300 = vector.load %arg10[%get3A_298, %get3A_299] : memref<8x16xf32, #tpu.memory_space<vmem>>, vector<1x16xf32>
    %add3A_301 = arith.addf %get3A_300, %add3A_290 : vector<1x16xf32>
    %swap3A_302 = arith.constant 1 : index
    %swap3A_303 = arith.constant 0 : index
    %swap3A_304 = vector.load %arg10[%swap3A_302, %swap3A_303] : memref<8x16xf32, #tpu.memory_space<vmem>>, vector<1x16xf32>
    tpu.vector_store %arg10[%swap3A_302, %swap3A_303], %add3A_301 {strides = array<i32>} : memref<8x16xf32, #tpu.memory_space<vmem>>, vector<1x16xf32>,
    %get3A_305 = arith.constant 2 : index
    %get3A_306 = arith.constant 0 : index
    %get3A_307 = vector.load %arg10[%get3A_305, %get3A_306] : memref<8x16xf32, #tpu.memory_space<vmem>>, vector<1x16xf32>
    %add3A_308 = arith.addf %get3A_307, %add3A_291 : vector<1x16xf32>
    %swap3A_309 = arith.constant 2 : index
    %swap3A_310 = arith.constant 0 : index
    %swap3A_311 = vector.load %arg10[%swap3A_309, %swap3A_310] : memref<8x16xf32, #tpu.memory_space<vmem>>, vector<1x16xf32>
    tpu.vector_store %arg10[%swap3A_309, %swap3A_310], %add3A_308 {strides = array<i32>} : memref<8x16xf32, #tpu.memory_space<vmem>>, vector<1x16xf32>,
    %eq3A_312 = arith.constant 17 : i32
    %eq3A_313 = arith.cmpi eq, %arg0, %eq3A_312 : i32
    %convert_element_type3A_314 = arith.extui %eq3A_313 : i1 to i32
    %cond3A_315 = arith.constant 0 : i32
    %cond3A_316 = arith.cmpi ne, %convert_element_type3A_314, %cond3A_315 : i32
    scf.if %cond3A_316 {
      %get3A_317 = arith.constant 0 : index
      %get3A_318 = arith.constant 0 : index
      %get3A_319 = vector.load %arg10[%get3A_317, %get3A_318] : memref<8x16xf32, #tpu.memory_space<vmem>>, vector<8x16xf32>
      %swap3A_320 = arith.constant 0 : index
      %swap3A_321 = arith.constant 0 : index
      %swap3A_322 = vector.load %arg9[%swap3A_320, %swap3A_321] : memref<8x16xf32, #tpu.memory_space<vmem>>, vector<8x16xf32>
      tpu.vector_store %arg9[%swap3A_320, %swap3A_321], %get3A_319 {strides = array<i32>} : memref<8x16xf32, #tpu.memory_space<vmem>>, vector<8x16xf32>,
    } else {
    }
    return
  }
  func.func @transform_0(%arg0: i32) -> (i32, i32) {
    %mul3A = arith.constant 4 : i32
    %mul3A_0 = arith.muli %mul3A, %arg0 : i32
    %add3A = arith.constant 56 : i32
    %add3A_1 = arith.addi %add3A, %mul3A_0 : i32
    %add3A_2 = arith.constant 0 : i32
    %add3A_3 = arith.addi %add3A_1, %add3A_2 : i32
    %c0_i32 = arith.constant 0 : i32
    %c0_i32_4 = arith.constant 0 : i32
    return %add3A_3, %c0_i32 : i32, i32
  }
  func.func @transform_1(%arg0: i32) -> (i32, i32) {
    %mul3A = arith.constant 4 : i32
    %mul3A_0 = arith.muli %mul3A, %arg0 : i32
    %add3A = arith.constant 56 : i32
    %add3A_1 = arith.addi %add3A, %mul3A_0 : i32
    %add3A_2 = arith.constant 1 : i32
    %add3A_3 = arith.addi %add3A_1, %add3A_2 : i32
    %c0_i32 = arith.constant 0 : i32
    %c0_i32_4 = arith.constant 0 : i32
    return %add3A_3, %c0_i32 : i32, i32
  }
  func.func @transform_2(%arg0: i32) -> (i32, i32) {
    %mul3A = arith.constant 4 : i32
    %mul3A_0 = arith.muli %mul3A, %arg0 : i32
    %add3A = arith.constant 56 : i32
    %add3A_1 = arith.addi %add3A, %mul3A_0 : i32
    %add3A_2 = arith.constant 2 : i32
    %add3A_3 = arith.addi %add3A_1, %add3A_2 : i32
    %c0_i32 = arith.constant 0 : i32
    %c0_i32_4 = arith.constant 0 : i32
    return %add3A_3, %c0_i32 : i32, i32
  }
  func.func @transform_3(%arg0: i32) -> (i32, i32) {
    %mul3A = arith.constant 4 : i32
    %mul3A_0 = arith.muli %mul3A, %arg0 : i32
    %add3A = arith.constant 56 : i32
    %add3A_1 = arith.addi %add3A, %mul3A_0 : i32
    %add3A_2 = arith.constant 3 : i32
    %add3A_3 = arith.addi %add3A_1, %add3A_2 : i32
    %c0_i32 = arith.constant 0 : i32
    %c0_i32_4 = arith.constant 0 : i32
    return %add3A_3, %c0_i32 : i32, i32
  }
  func.func @transform_4(%arg0: i32) -> (i32, i32, i32) {
    %mul3A = arith.constant 4 : i32
    %mul3A_0 = arith.muli %mul3A, %arg0 : i32
    %add3A = arith.constant 56 : i32
    %add3A_1 = arith.addi %add3A, %mul3A_0 : i32
    %add3A_2 = arith.constant 0 : i32
    %add3A_3 = arith.addi %add3A_1, %add3A_2 : i32
    %c0_i32 = arith.constant 0 : i32
    %c0_i32_4 = arith.constant 0 : i32
    %c0_i32_5 = arith.constant 0 : i32
    return %add3A_3, %c0_i32, %c0_i32_4 : i32, i32, i32
  }
  func.func @transform_5(%arg0: i32) -> (i32, i32, i32) {
    %mul3A = arith.constant 4 : i32
    %mul3A_0 = arith.muli %mul3A, %arg0 : i32
    %add3A = arith.constant 56 : i32
    %add3A_1 = arith.addi %add3A, %mul3A_0 : i32
    %add3A_2 = arith.constant 1 : i32
    %add3A_3 = arith.addi %add3A_1, %add3A_2 : i32
    %c0_i32 = arith.constant 0 : i32
    %c0_i32_4 = arith.constant 0 : i32
    %c0_i32_5 = arith.constant 0 : i32
    return %add3A_3, %c0_i32, %c0_i32_4 : i32, i32, i32
  }
  func.func @transform_6(%arg0: i32) -> (i32, i32, i32) {
    %mul3A = arith.constant 4 : i32
    %mul3A_0 = arith.muli %mul3A, %arg0 : i32
    %add3A = arith.constant 56 : i32
    %add3A_1 = arith.addi %add3A, %mul3A_0 : i32
    %add3A_2 = arith.constant 2 : i32
    %add3A_3 = arith.addi %add3A_1, %add3A_2 : i32
    %c0_i32 = arith.constant 0 : i32
    %c0_i32_4 = arith.constant 0 : i32
    %c0_i32_5 = arith.constant 0 : i32
    return %add3A_3, %c0_i32, %c0_i32_4 : i32, i32, i32
  }
  func.func @transform_7(%arg0: i32) -> (i32, i32, i32) {
    %mul3A = arith.constant 4 : i32
    %mul3A_0 = arith.muli %mul3A, %arg0 : i32
    %add3A = arith.constant 56 : i32
    %add3A_1 = arith.addi %add3A, %mul3A_0 : i32
    %add3A_2 = arith.constant 3 : i32
    %add3A_3 = arith.addi %add3A_1, %add3A_2 : i32
    %c0_i32 = arith.constant 0 : i32
    %c0_i32_4 = arith.constant 0 : i32
    %c0_i32_5 = arith.constant 0 : i32
    return %add3A_3, %c0_i32, %c0_i32_4 : i32, i32, i32
  }
  func.func @transform_8(%arg0: i32) -> (i32, i32) {
    %c0_i32 = arith.constant 0 : i32
    %c0_i32_0 = arith.constant 0 : i32
    %c0_i32_1 = arith.constant 0 : i32
    return %c0_i32, %c0_i32_0 : i32, i32
  }
}

</mosaic_0001>

<sc_bundles>
// kernel: kernel.4.cloned.1.call-start
scs
__scs_entry_jumppad:
0x0: {  	(pc) =	sbr.rel $0x88, $3  }
0x1: {  	(tag) =	ssettag $0x0;
	lr =	simm.s32 $0x1  }
0x2: {  	[smem:$0x3F9F] =	sst lr;
	_ =	strace $0xD0000000  }
0x3: {  	_ = 	snop  }
0x4: {  	_ = 	snop  }
0x5: {  	_ = 	snop  }
0x6: {  	_ = 	snop  }
0x7: {  	_ = 	snop  }
__scs_overlays_trampoline_lowered:
0x8: {  	[smem:$0x3FAE] =	sst s0  }
0x9: {  	[smem:$0x3FAF] =	sst s1  }
0xa: {  	[smem:$0x3FB0] =	sst s2  }
0xb: {  	[smem:$0x3FB1] =	sst s3  }
0xc: {  	[smem:$0x3FB2] =	sst s4  }
0xd: {  	[smem:$0x3FB3] =	sst s5  }
0xe: {  	[smem:$0x3FB4] =	sst s6  }
0xf: {  	[smem:$0x3FB5] =	sst s7  }
0x10: {  	[smem:$0x3FB6] =	sst s8  }
0x11: {  	[smem:$0x3FB7] =	sst s9;
	s0 =	simm.s32 @!p0 $0x0  }
0x12: {  	s1 =	sld [smem:$0x3F9D];
	s0 =	simm.s32 @p0 $0x1  }
0x13: {  	[smem:$0x3FB8] =	sst s0;
	s0 =	simm.s32 @!p1 $0x0  }
0x14: {  	s2 =	sld [smem:$0x3F9C];
	s0 =	simm.s32 @p1 $0x1  }
0x15: {  	[smem:$0x3FB9] =	sst s0;
	s0 =	simm.s32 @!p2 $0x0  }
0x16: {  	s3 =	sld [smem:$0x3FDB];
	s0 =	simm.s32 @p2 $0x1  }
0x17: {  	s4 =	simm.s32 $0x1BF5;
	[smem:$0x3FBB] =	sst s0  }
0x18: {  	s0 =	sld [smem:$0x3F9E];
	_ =	swait.ge [sflag:s4], $0x0  }
0x19: {  	s7 =	sld [smem:$0x3F9F]  }
0x1a: {  	s8 =	sadd.s32 $0xFFFFE003, lr  }
0x1b: {  	s9 =	sadd.s32 $0xFFFFFEF7, lr;
	s5 =	simm.s32 $0xFFFFFFFF;
	p2 =	slt.u32 s8, $0xFFFFF086  }
0x1c: {  	p1 =	slt.u32 s9, $0xF7A;
	s5 =	simm.s32 @!p2 $0x0  }
0x1d: {  	s5 =	simm.s32 @p1 $0x1;
	p0 =	seq.s32 s7, s2  }
0x1e: {  	s7 =	smul.u32 @!p0 $0xF7A, s2;
	p2 =	seq.s32 @!p0 s5, $0x0  }
0x1f: {  	s9 =	smul.u32 $0xF7A, s1;
	s8 =	simm.s32 @!p0 $0x1BF5;
	p2 =	por !p2, p0  }
0x20: {  	[sflag:s8] =	ssyncset.s32 @!p0 $0xFFFFF086;
	s6 =	sadd.s32 @!p0 s3, s7;
	s7 =	simm.s32 @!p0 $0x108  }
0x21: {  	s3 =	sadd.s32 s3, s9;
	s6 =	sadd.s32 @!p0 $0x88, s6;
	s7 =	simm.s32 @p2 $0x1082  }
0x22: {  	[simem:s7], [sflag:s8] =	dma.local @!p0 [hbm:s6], $0xF7A  }
0x23: {  	s9 =	sor.u32 $0xD0000000, s2;
	s6 =	simm.s32 $0x108;
	_ =	swait.ge @!p0 [sflag:s8], $0x0  }
0x24: {  	s3 =	sadd.s32 $0x88, s3;
	s6 =	simm.s32 @!p1 $0x1082;
	[sflag:s4] =	ssyncset.s32 $0xFFFFF086  }
0x25: {  	[simem:s6], [sflag:s4] =	dma.local [hbm:s3], $0xF7A  }
0x26: {  	[smem:$0x3F9F] =	sst s1;
	(tag) =	ssettag s2;
	_ =	strace s9  }
0x27: {  	s1 =	sld [smem:$0x3FAF]  }
0x28: {  	s2 =	sld [smem:$0x3FB0]  }
0x29: {  	s4 =	sld [smem:$0x3FB2]  }
0x2a: {  	p0 =	seq.s32 s5, $0x0;
	s5 =	sld [smem:$0x3FB3]  }
0x2b: {  	s6 =	sld [smem:$0x3FB4]  }
0x2c: {  	s7 =	sld [smem:$0x3FB5]  }
0x2d: {  	s3 =	simm.s32 $0x108;
	s8 =	sld [smem:$0x3FB6]  }
0x2e: {  	s3 =	simm.s32 @!p0 $0x1082;
	s9 =	sld [smem:$0x3FB7]  }
0x2f: {  	lr =	sadd.s32 s0, s3;
	s0 =	sld [smem:$0x3FAE]  }
0x30: {  	s3 =	sld [smem:$0x3FB1]  }
0x31: {  	[smem:$0x3FBA] =	sst s10  }
0x32: {  	s10 =	sld [smem:$0x3FB8];
	_ =	sdelay $0x3  }
0x33: {  	p0 =	seq.s32 s10, $0x1;
	s10 =	sld [smem:$0x3FBA];
	_ =	sdelay $0x3  }
0x34: {  	[smem:$0x3FBA] =	sst s10  }
0x35: {  	s10 =	sld [smem:$0x3FB9];
	_ =	sdelay $0x3  }
0x36: {  	p1 =	seq.s32 s10, $0x1;
	s10 =	sld [smem:$0x3FBA];
	_ =	sdelay $0x3  }
0x37: {  	[smem:$0x3FBA] =	sst s10  }
0x38: {  	s10 =	sld [smem:$0x3FBB]  }
0x39: {  	_ = 	snop;
	(pc) =	sbr.ind lr, $3  }
0x3a: {  	_ = 	snop  }
0x3b: {  	_ = 	snop  }
0x3c: {  	p2 =	seq.s32 s10, $0x1;
	s10 =	sld [smem:$0x3FBA]  }
0x3d: {  	_ =	shalt  }
0x3e: {  	_ =	shalt  }
0x3f: {  	_ =	shalt  }
0x40: {  	_ =	shalt  }
0x41: {  	_ =	shalt  }
0x42: {  	_ =	shalt  }
0x43: {  	_ =	shalt  }
0x44: {  	_ =	shalt  }
0x45: {  	_ =	shalt  }
0x46: {  	_ =	shalt  }
0x47: {  	_ =	shalt  }
0x48: {  	_ =	shalt  }
0x49: {  	_ =	shalt  }
0x4a: {  	_ =	shalt  }
0x4b: {  	_ =	shalt  }
0x4c: {  	_ =	shalt  }
0x4d: {  	_ =	shalt  }
0x4e: {  	_ =	shalt  }
0x4f: {  	_ =	shalt  }
0x50: {  	_ =	shalt  }
0x51: {  	_ =	shalt  }
0x52: {  	_ =	shalt  }
0x53: {  	_ =	shalt  }
0x54: {  	_ =	shalt  }
0x55: {  	_ =	shalt  }
0x56: {  	_ =	shalt  }
0x57: {  	_ =	shalt  }
0x58: {  	_ =	shalt  }
0x59: {  	_ =	shalt  }
0x5a: {  	_ =	shalt  }
0x5b: {  	_ =	shalt  }
0x5c: {  	_ =	shalt  }
0x5d: {  	_ =	shalt  }
0x5e: {  	_ =	shalt  }
0x5f: {  	_ =	shalt  }
0x60: {  	_ =	shalt  }
0x61: {  	_ =	shalt  }
0x62: {  	_ =	shalt  }
0x63: {  	_ =	shalt  }
0x64: {  	_ =	shalt  }
0x65: {  	_ =	shalt  }
0x66: {  	_ =	shalt  }
0x67: {  	_ =	shalt  }
0x68: {  	_ =	shalt  }
0x69: {  	_ =	shalt  }
0x6a: {  	_ =	shalt  }
0x6b: {  	_ =	shalt  }
0x6c: {  	_ =	shalt  }
0x6d: {  	_ =	shalt  }
0x6e: {  	_ =	shalt  }
0x6f: {  	_ =	shalt  }
0x70: {  	_ =	shalt  }
0x71: {  	_ =	shalt  }
0x72: {  	_ =	shalt  }
0x73: {  	_ =	shalt  }
0x74: {  	_ =	shalt  }
0x75: {  	_ =	shalt  }
0x76: {  	_ =	shalt  }
0x77: {  	_ =	shalt  }
0x78: {  	_ =	shalt  }
0x79: {  	_ =	shalt  }
0x7a: {  	_ =	shalt  }
0x7b: {  	_ =	shalt  }
0x7c: {  	_ =	shalt  }
0x7d: {  	_ =	shalt  }
0x7e: {  	_ =	shalt  }
0x7f: {  	_ =	shalt  }
0x80: {  	_ =	shalt  }
0x81: {  	_ =	shalt  }
0x82: {  	_ =	shalt  }
0x83: {  	_ =	shalt  }
0x84: {  	_ =	shalt  }
0x85: {  	_ =	shalt  }
0x86: {  	_ =	shalt  }
0x87: {  	_ =	shalt  }
.Lfunc_end0:
.L_simem_size_0:
called_computation_lowered:
.L_overlay_start_0:
0x88: {  	s2 =	sld [smem:$0x3FD9]  }
0x89: {  	s3 =	sld [smem:$0x3FFE];
	_ =	sdelay $0x1  }
0x8a: {  	s1 =	srdreg.scid  }
0x8b: {  	s0 =	sand.u32 $0x1, s1  }
0x8c: {  	s17 =	sshll.u32 s0, $0xA;
	s2 =	sadd.s32 s3, s2  }
0x8d: {  	s2 =	sadd.s32 s2, s17  }
0x8e: {  	[smem:$0x3FC6] =	sst s2  }
0x8f: {  	_ = 	snop  }
0x90: {  	s2 =	sld [smem:$0x3FC8];
	(tm) =	ssettm $0x1  }
0x91: {  	s18 =	sld [smem:$0x3FFB];
	_ =	sdelay $0x3  }
0x92: {  	_ =	strace s18  }
0x93: {  	s3 =	sld [smem:$0x3FFC];
	_ =	sdelay $0x3  }
0x94: {  	_ =	strace s3  }
0x95: {  	s3 =	sld [smem:$0x3FFD];
	_ =	sdelay $0x3  }
0x96: {  	_ =	strace s3  }
0x97: {  	_ =	strace $0x8FFFFFFF  }
0x98: {  	s19 =	sld [smem:$0x3FDB];
	_ =	sdelay $0x1  }
0x99: {  	s4 =	simm.s32 $_scs_section_size  }
0x9a: {  	s5 =	simm.s32 $_size__tile_overlayer_lowered;
	s6 =	simm.s32 $_tile_overlayer_lowered  }
0x9b: {  	s22 =	simm.s32 $0x1BFF;
	s21 =	sshll.u32 s6, $0x1;
	s3 =	sadd.s32 s4, s19  }
0x9c: {  	s7 =	simm.s32 $0x0;
	s20 =	sshll.u32 s5, $0x1;
	s5 =	sadd.s32 s21, s3  }
0x9d: {  	[timem:s7], [sflag:s22] =	dma.local [hbm:s5], s20  }
0x9e: {  	_ =	swait.ge [sflag:s22], s20  }
0x9f: {  	s4 =	ssub.s32 $0x0, s20;
	[sflag:s22] =	ssyncset.done $0x0  }
0xa0: {  	[sflag:s22] =	ssyncadd.s32 s4;
	_ =	sdelay $0x1  }
0xa1: {  	s23 =	simm.s32 $0x1B8B  }
0xa2: {  	_ =	swait.ge [sflag:s23], $0x1  }
0xa3: {  	[sflag:s23] =	ssyncset.done $0x0  }
0xa4: {  	s25 =	simm.s32 $0x1B8E;
	s24 =	sld [smem:$0x3FFE];
	[sflag:s23] =	ssyncadd.s32 $0xFFFFFFFF  }
0xa5: {  	s26 =	simm.s32 $execute0_lowered;
	[smem:$0x3FD2] =	sst s25  }
0xa6: {  	s5 =	sshll.u32 s26, $0x1;
	_ =	strace $0x80000046;
	[dreg:$0x1] =	wrdreg $0xFFFFFFFF  }
0xa7: {  	s28 =	simm.s32 $_size_execute0_lowered;
	s3 =	sadd.s32 s3, s5;
	[dreg:$0x0] =	wrdreg $0x0  }
0xa8: {  	s5 =	sshll.u32 s28, $0x1;
	[dreg:$0x2] =	wrdreg s3  }
0xa9: {  	[dreg:$0x3] =	wrdreg s5  }
0xaa: {  	[dreg:$0x4] =	wrdreg $0xC0  }
0xab: {  	_ =	task [dreg:s7], $0x5FFFF  }
0xac: {  	[dreg:$0x1] =	wrdreg $0xFFFFFFFF  }
0xad: {  	[dreg:$0x0] =	wrdreg $0x60  }
0xae: {  	[dreg:$0x2] =	wrdreg s24  }
0xaf: {  	[dreg:$0x3] =	wrdreg s2  }
0xb0: {  	[dreg:$0x4] =	wrdreg $0x9  }
0xb1: {  	_ =	task.clear_ibuf [dreg:s7], $0x5FFFF;
	_ =	strace $0x90000046  }
0xb2: {  	s29 =	simm.s32 $0x9;
	_ =	strace $0x80000048  }
0xb3: {  	_ =	swait.ge [sflag:s29], $0x1  }
0xb4: {  	[sflag:s29] =	ssyncadd.s32 $0xFFFFFFFF  }
0xb5: {  	_ =	strace $0x90000048  }
0xb6: {  	_ =	sfence  }
0xb7: {  	s30 =	sld [smem:$0x0];
	_ =	sdelay $0x2  }
0xb8: {  	s31 =	sshll.u32 s1, $0xD;
	s1 =	sshrl.u32 s1, $0x2  }
0xb9: {  	s3 =	sand.u32 $0x4000, s31;
	s1 =	sadd.s32 s1, s30  }
0xba: {  	s0 =	sor.u32 s3, s0;
	s1 =	sshll.u32 s1, $0x11  }
0xbb: {  	s0 =	sor.u32 s1, s0  }
0xbc: {  	s0 =	sadd.s32 $0x8F2B, s0  }
0xbd: {  	[sflag:s0] =	ssyncadd.remote.s32 $0x1  }
0xbe: {  	_ =	sfence.sel $0xFFFF  }
0xbf: {  	[dreg:$0x0] =	wrdreg $0xFFFFFFFF;
	(pc) =	sbr.abs _section_cstart, $3  }
0xc0: {  	[dreg:$0x1] =	wrdreg $0xFFFFFFFF  }
0xc1: {  	_ =	task.clear_ibuf [dreg:s7], $0x2FFFF;
	_ =	strace $0x9FFFFFFF  }
0xc2: {  	(tm) =	ssettm $0x7FFFFFFF  }
0xc3: {  	_ =	shalt  }
tec
execute0_lowered:
.L_overlay_start_1:
0x0: {  	(tag) =	ssettag $0x1  }
0x1: {  	s0 =	srdreg.scid;
	s1 =	stileid.u32  }
0x2: {  	s0 =	sand.u32 $0x1, s0;
	s1 =	sshll.u32 s1, $0x1  }
0x3: {  	s5 =	rddreg [dreg:$0x0];
	s1 =	sor.u32 s0, s1  }
0x4: {  	s6 =	rddreg [dreg:$0x1];
	s7 =	simm.s32 $0x0;
	s2 =	smul.u32 $0x300, s1  }
0x5: {  	s11 =	simm.s32 $0x11900;
	s0 =	ssub.s32 $0x2, s0;
	s4 =	smul.u32 $0x380, s1  }
0x6: {  	[smem:$0x7FF] =	sst s7;
	s1 =	smul.u32 $0x1C000, s1;
	s3 =	sshrl.u32 s0, $0x1  }
0x7: {  	s12 =	simm.s32 $0x10100;
	v0 =	vlaneseq.u32;
	_ =	strace $0x80000047;
	s0 =	ssub.s32 s0, s3  }
.Ltmp0:
0x8: {  	v0 =	vmul.u32 $0x3F1, v0;
	[dreg:$0x3] =	wrdreg s4;
	s1 =	sadd.s32 s5, s1;
	(pc) =	sbr.rel .LBB2_1-.Ltmp0, $4  }
0x9: {  	s4 =	sshrl.u32 s4, $0x3;
	s0 =	smax.u32 s0, $0x1;
	[dreg:$0x4] =	wrdreg s1  }
0xa: {  	v1 =	vimm.f32 $0.0e+00;
	v2 =	vadd.s32 $0x1, v0;
	s2 =	sadd.s32 s2, s5;
	s30 =	sadd.s32 s6, s4;
	[dreg:$0x7] =	wrdreg s0  }
0xb: {  	s26 =	simm.s32 $0x11000;
	v3 =	vadd.s32 $0x2, v0;
	v4 =	vadd.s32 $0x3, v0;
	v5 =	vadd.s32 $0x3F10, v0;
	s31 =	sadd.s32 $0x800000, s2;
	[dreg:$0x5] =	wrdreg s30  }
0xc: {  	s28 =	simm.s32 $0x11800;
	v6 =	vadd.s32 $0x3F11, v0;
	v7 =	vadd.s32 $0x3F12, v0;
	v8 =	vadd.s32 $0x3F13, v0;
	s2 =	simm.s32 $0x0;
	[dreg:$0x6] =	wrdreg s31  }
.LBB2_17:
0xd: {  	s7 =	simm.s32 $0x0;
	s0 =	rddreg [dreg:$0x6];
	s1 =	simm.s32 $0x5  }
0xe: {  	[hbm4b:s0+s7] =	stream.linear.scatter [tilespmem:s12], [sflag:$0x5], $0x1800, $0x38;
	[tilespmem:$0x19780] =	vst v63  }
0xf: {  	_ =	swait.ge [sflag:s1], $0x1800  }
0x10: {  	s2 =	rddreg [dreg:$0x8]  }
0x11: {  	s31 =	rddreg [dreg:$0x7];
	s2 =	sadd.s32 $0x1, s2  }
0x12: {  	p0 =	sne.s32 s2, s31  }
.Ltmp1:
0x13: {  	_ = 	snop;
	(pc) =	sbr.rel @!p0 .LBB2_18-.Ltmp1, $3  }
0x14: {  	_ =	sdelay $0x1  }
0x15: {  	[sflag:s1] =	ssyncset.done $0x0  }
0x16: {  	[sflag:s1] =	ssyncadd.s32 $0xFFFFE800  }
.LBB2_1:
0x17: {  	[tilespmem:$0x10100] =	vst v1  }
0x18: {  	[tilespmem:$0x10180] =	vst v1  }
0x19: {  	[tilespmem:$0x10200] =	vst v1  }
0x1a: {  	[tilespmem:$0x10280] =	vst v1  }
0x1b: {  	[tilespmem:$0x10300] =	vst v1  }
0x1c: {  	[tilespmem:$0x10380] =	vst v1  }
0x1d: {  	[tilespmem:$0x10400] =	vst v1  }
0x1e: {  	[tilespmem:$0x10480] =	vst v1  }
0x1f: {  	[tilespmem:$0x10500] =	vst v1  }
0x20: {  	[tilespmem:$0x10580] =	vst v1  }
0x21: {  	[tilespmem:$0x10600] =	vst v1  }
0x22: {  	[tilespmem:$0x10680] =	vst v1  }
0x23: {  	[tilespmem:$0x10700] =	vst v1  }
0x24: {  	[tilespmem:$0x10780] =	vst v1  }
0x25: {  	[tilespmem:$0x10800] =	vst v1  }
0x26: {  	[tilespmem:$0x10880] =	vst v1  }
0x27: {  	[tilespmem:$0x10900] =	vst v1  }
0x28: {  	[tilespmem:$0x10980] =	vst v1  }
0x29: {  	[tilespmem:$0x10A00] =	vst v1  }
0x2a: {  	[tilespmem:$0x10A80] =	vst v1  }
0x2b: {  	[tilespmem:$0x10B00] =	vst v1  }
0x2c: {  	[tilespmem:$0x10B80] =	vst v1  }
0x2d: {  	[tilespmem:$0x10C00] =	vst v1  }
0x2e: {  	[tilespmem:$0x10C80] =	vst v1  }
0x2f: {  	[tilespmem:$0x10D00] =	vst v1  }
0x30: {  	[tilespmem:$0x10D80] =	vst v1  }
0x31: {  	[tilespmem:$0x10E00] =	vst v1  }
0x32: {  	[tilespmem:$0x10E80] =	vst v1  }
0x33: {  	[tilespmem:$0x10F00] =	vst v1  }
0x34: {  	[tilespmem:$0x10F80] =	vst v1  }
0x35: {  	[tilespmem:$0x11000] =	vst v1  }
0x36: {  	[tilespmem:$0x11080] =	vst v1  }
0x37: {  	[tilespmem:$0x11100] =	vst v1  }
0x38: {  	[tilespmem:$0x11180] =	vst v1  }
0x39: {  	[tilespmem:$0x11200] =	vst v1  }
0x3a: {  	[tilespmem:$0x11280] =	vst v1  }
0x3b: {  	[tilespmem:$0x11300] =	vst v1  }
0x3c: {  	[tilespmem:$0x11380] =	vst v1  }
0x3d: {  	[tilespmem:$0x11400] =	vst v1  }
0x3e: {  	[tilespmem:$0x11480] =	vst v1  }
0x3f: {  	[tilespmem:$0x11500] =	vst v1  }
0x40: {  	[tilespmem:$0x11580] =	vst v1  }
0x41: {  	[tilespmem:$0x11600] =	vst v1  }
0x42: {  	[tilespmem:$0x11680] =	vst v1  }
0x43: {  	[tilespmem:$0x11700] =	vst v1  }
0x44: {  	[tilespmem:$0x11780] =	vst v1  }
0x45: {  	[dreg:$0x8] =	wrdreg s2;
	[tilespmem:$0x11800] =	vst v1  }
0x46: {  	[tilespmem:$0x11880] =	vst v1;
	s0 =	rddreg [dreg:$0x4]  }
0x47: {  	[tilespmem:s7], [sflag:$0x1] =	stream.linear.gather [hbm4b:s0+s7], $0x8000, $0x38;
	[tilespmem:$0x19780] =	vst v63  }
0x48: {  	s31 =	rddreg [dreg:$0x5];
	s1 =	simm.s32 $0x10000;
	s29 =	simm.s32 $0x0  }
0x49: {  	[tilespmem:s1], [sflag:$0x2] =	stream.linear.gather [hbm4b:s31+s7], $0x20, $0x38;
	[tilespmem:$0x19780] =	vst v63  }
.LBB2_2:
0x4a: {  	s0 =	smov.u32 s29  }
0x4b: {  	s29 =	sadd.s32 $0x1, s29;
	s1 =	rddreg [dreg:$0x3];
	p0 =	seq.s32 s0, $0x1B  }
0x4c: {  	s5 =	rddreg [dreg:$0x0];
	s30 =	sand.u32 $0x1, s0;
	s0 =	sshll.u32 @!p0 s29, $0x5  }
0x4d: {  	s13 =	sshllo.u32 s30, $0x1;
	s0 =	sadd.s32 @!p0 s1, s0;
	s1 =	sxor.u32 @!p0 $0x1, s30  }
0x4e: {  	s2 =	sshll.u32 @!p0 s1, $0xF;
	s3 =	sshll.u32 @!p0 s0, $0x7;
	s4 =	sshllo.u32 @!p0 s1, $0x1  }
0x4f: {  	s0 =	sshrl.u32 @!p0 s0, $0x3;
	s3 =	sadd.s32 @!p0 s5, s3;
	s5 =	simm.s32 @!p0 $0x0  }
0x50: {  	[tilespmem:s2], [sflag:s4] =	stream.linear.gather @!p0 [hbm4b:s3+s5], $0x8000, $0x38;
	[tilespmem:$0x19780] =	vst v63  }
0x51: {  	s2 =	sshll.u32 @!p0 s1, $0x1;
	s1 =	sshll.u32 @!p0 s1, $0x7;
	s3 =	rddreg [dreg:$0x1]  }
0x52: {  	s1 =	sor.u32 @!p0 $0x10000, s1;
	s2 =	sadd.s32 @!p0 $0x2, s2;
	s0 =	sadd.s32 @!p0 s3, s0  }
0x53: {  	[tilespmem:s1], [sflag:s2] =	stream.linear.gather @!p0 [hbm4b:s0+s5], $0x20, $0x38;
	[tilespmem:$0x19780] =	vst v63  }
0x54: {  	s16 =	simm.s32 $0x0;
	s19 =	simm.s32 $0x0;
	_ =	swait.ge [sflag:s13], $0x8000  }
0x55: {  	s20 =	sor.u32 $0x1, s16;
	s14 =	sshll.u32 s30, $0x1;
	[sflag:s13] =	ssyncset.done $0x0  }
0x56: {  	s31 =	sshll.u32 s30, $0xF;
	s15 =	sadd.s32 $0x2, s14;
	[sflag:s13] =	ssyncadd.s32 $0xFFFF8000  }
0x57: {  	s21 =	sshll.u32 s20, $0x7;
	s1 =	sand.u32 $0x6000, s19;
	_ =	swait.ge [sflag:s15], $0x20  }
0x58: {  	s4 =	sand.u32 $0x280, s21;
	s1 =	sadd.s32 s1, s31;
	[sflag:s15] =	ssyncset.done $0x0  }
0x59: {  	s2 =	sadd.s32 s4, s1;
	[sflag:s15] =	ssyncadd.s32 $0xFFFFFFE0  }
0x5a: {  	s6 =	sor.u32 $0x2, s16;
	v9 =	vld [tilespmem:s2+$0x0]  }
0x5b: {  	s22 =	sshll.u32 s6, $0x7  }
0x5c: {  	s4 =	sand.u32 $0x300, s22  }
0x5d: {  	s5 =	smul.u32 $0x3F1, s20;
	s19 =	sadd.s32 s4, s1  }
0x5e: {  	v10 =	vld [tilespmem:s19+$0x0]  }
0x5f: {  	[tilespmem:s5+$0x11900] =	vst v9  }
0x60: {  	v9 =	vld [tilespmem:s2+$0x10]  }
0x61: {  	s23 =	sor.u32 $0x3, s16;
	s13 =	smul.u32 $0x3F1, s6  }
0x62: {  	s24 =	sshll.u32 s23, $0x7  }
0x63: {  	s4 =	sand.u32 $0x380, s24;
	[tilespmem:s13+$0x11900] =	vst v10  }
0x64: {  	s15 =	sadd.s32 s4, s1;
	v10 =	vld [tilespmem:s19+$0x10]  }
0x65: {  	v11 =	vld [tilespmem:s15+$0x0];
	[tilespmem:s5+$0x11910] =	vst v9  }
0x66: {  	v9 =	vld [tilespmem:s2+$0x20];
	_ =	sdelay $0x1  }
0x67: {  	s14 =	smul.u32 $0x3F1, s23  }
0x68: {  	[tilespmem:s13+$0x11910] =	vst v10  }
0x69: {  	[tilespmem:s14+$0x11900] =	vst v11;
	v10 =	vld [tilespmem:s19+$0x20]  }
0x6a: {  	v11 =	vld [tilespmem:s15+$0x10];
	[tilespmem:s5+$0x11920] =	vst v9  }
0x6b: {  	v9 =	vld [tilespmem:s2+$0x30];
	_ =	sdelay $0x2  }
0x6c: {  	[tilespmem:s13+$0x11920] =	vst v10  }
0x6d: {  	[tilespmem:s14+$0x11910] =	vst v11;
	v10 =	vld [tilespmem:s19+$0x30]  }
0x6e: {  	v11 =	vld [tilespmem:s15+$0x20];
	[tilespmem:s5+$0x11930] =	vst v9  }
0x6f: {  	v9 =	vld [tilespmem:s2+$0x40];
	_ =	sdelay $0x2  }
0x70: {  	[tilespmem:s13+$0x11930] =	vst v10  }
0x71: {  	[tilespmem:s14+$0x11920] =	vst v11;
	v10 =	vld [tilespmem:s19+$0x40]  }
0x72: {  	v11 =	vld [tilespmem:s15+$0x30];
	[tilespmem:s5+$0x11940] =	vst v9  }
0x73: {  	v9 =	vld [tilespmem:s2+$0x50];
	_ =	sdelay $0x2  }
0x74: {  	[tilespmem:s13+$0x11940] =	vst v10  }
0x75: {  	[tilespmem:s14+$0x11930] =	vst v11;
	v10 =	vld [tilespmem:s19+$0x50]  }
0x76: {  	v11 =	vld [tilespmem:s15+$0x40];
	[tilespmem:s5+$0x11950] =	vst v9  }
0x77: {  	v9 =	vld [tilespmem:s2+$0x60];
	_ =	sdelay $0x2  }
0x78: {  	[tilespmem:s13+$0x11950] =	vst v10  }
0x79: {  	[tilespmem:s14+$0x11940] =	vst v11;
	v10 =	vld [tilespmem:s19+$0x60]  }
0x7a: {  	v11 =	vld [tilespmem:s15+$0x50];
	[tilespmem:s5+$0x11960] =	vst v9  }
0x7b: {  	v9 =	vld [tilespmem:s2+$0x70];
	_ =	sdelay $0x2  }
0x7c: {  	[tilespmem:s13+$0x11960] =	vst v10  }
0x7d: {  	[tilespmem:s14+$0x11950] =	vst v11;
	v10 =	vld [tilespmem:s19+$0x70]  }
0x7e: {  	v11 =	vld [tilespmem:s15+$0x60];
	[tilespmem:s5+$0x11970] =	vst v9  }
0x7f: {  	v9 =	vld [tilespmem:s2+$0x400];
	_ =	sdelay $0x2  }
0x80: {  	[tilespmem:s13+$0x11970] =	vst v10  }
0x81: {  	s3 =	sand.u32 $0x7FFD, s5;
	[tilespmem:s14+$0x11960] =	vst v11;
	v10 =	vld [tilespmem:s19+$0x400]  }
0x82: {  	v11 =	vld [tilespmem:s15+$0x70];
	[tilespmem:s3+$0x11980] =	vst v9  }
0x83: {  	v9 =	vld [tilespmem:s2+$0x410];
	_ =	sdelay $0x1  }
0x84: {  	s21 =	sand.u32 $0x7FFE, s13  }
0x85: {  	[tilespmem:s21+$0x11980] =	vst v10  }
0x86: {  	[tilespmem:s14+$0x11970] =	vst v11;
	v10 =	vld [tilespmem:s19+$0x410]  }
0x87: {  	v11 =	vld [tilespmem:s15+$0x400];
	[tilespmem:s5+$0x11990] =	vst v9  }
0x88: {  	v9 =	vld [tilespmem:s2+$0x420];
	_ =	sdelay $0x2  }
0x89: {  	s18 =	sand.u32 $0x7FFF, s14;
	[tilespmem:s13+$0x11990] =	vst v10  }
0x8a: {  	[tilespmem:s18+$0x11980] =	vst v11;
	v10 =	vld [tilespmem:s19+$0x420]  }
0x8b: {  	v11 =	vld [tilespmem:s15+$0x410];
	[tilespmem:s5+$0x119A0] =	vst v9  }
0x8c: {  	v9 =	vld [tilespmem:s2+$0x430];
	_ =	sdelay $0x2  }
0x8d: {  	[tilespmem:s13+$0x119A0] =	vst v10  }
0x8e: {  	[tilespmem:s14+$0x11990] =	vst v11;
	v10 =	vld [tilespmem:s19+$0x430]  }
0x8f: {  	v11 =	vld [tilespmem:s15+$0x420];
	[tilespmem:s5+$0x119B0] =	vst v9  }
0x90: {  	v9 =	vld [tilespmem:s2+$0x440];
	_ =	sdelay $0x2  }
0x91: {  	[tilespmem:s13+$0x119B0] =	vst v10  }
0x92: {  	[tilespmem:s14+$0x119A0] =	vst v11;
	v10 =	vld [tilespmem:s19+$0x440]  }
0x93: {  	v11 =	vld [tilespmem:s15+$0x430];
	[tilespmem:s5+$0x119C0] =	vst v9  }
0x94: {  	v9 =	vld [tilespmem:s2+$0x450];
	_ =	sdelay $0x2  }
0x95: {  	[tilespmem:s13+$0x119C0] =	vst v10  }
0x96: {  	[tilespmem:s14+$0x119B0] =	vst v11;
	v10 =	vld [tilespmem:s19+$0x450]  }
0x97: {  	v11 =	vld [tilespmem:s15+$0x440];
	[tilespmem:s5+$0x119D0] =	vst v9  }
0x98: {  	v9 =	vld [tilespmem:s2+$0x460];
	_ =	sdelay $0x2  }
0x99: {  	[tilespmem:s13+$0x119D0] =	vst v10  }
0x9a: {  	[tilespmem:s14+$0x119C0] =	vst v11;
	v10 =	vld [tilespmem:s19+$0x460]  }
0x9b: {  	v11 =	vld [tilespmem:s15+$0x450];
	[tilespmem:s5+$0x119E0] =	vst v9  }
0x9c: {  	v9 =	vld [tilespmem:s2+$0x470];
	_ =	sdelay $0x2  }
0x9d: {  	[tilespmem:s13+$0x119E0] =	vst v10  }
0x9e: {  	[tilespmem:s14+$0x119D0] =	vst v11;
	v10 =	vld [tilespmem:s19+$0x470]  }
0x9f: {  	v11 =	vld [tilespmem:s15+$0x460];
	[tilespmem:s5+$0x119F0] =	vst v9  }
0xa0: {  	v9 =	vld [tilespmem:s2+$0x800];
	_ =	sdelay $0x2  }
0xa1: {  	[tilespmem:s13+$0x119F0] =	vst v10  }
0xa2: {  	[tilespmem:s14+$0x119E0] =	vst v11;
	v10 =	vld [tilespmem:s19+$0x800]  }
0xa3: {  	v11 =	vld [tilespmem:s15+$0x470];
	[tilespmem:s3+$0x11A00] =	vst v9  }
0xa4: {  	s25 =	simm.s32 $0x0;
	v9 =	vld [tilespmem:s2+$0x810]  }
0xa5: {  	s4 =	sand.u32 $0x200, s25  }
0xa6: {  	s17 =	sadd.s32 s4, s1  }
0xa7: {  	v12 =	vld [tilespmem:s17+$0x0];
	[tilespmem:s21+$0x11A00] =	vst v10  }
0xa8: {  	[tilespmem:s14+$0x119F0] =	vst v11;
	v10 =	vld [tilespmem:s19+$0x810]  }
0xa9: {  	v11 =	vld [tilespmem:s15+$0x800];
	[tilespmem:s5+$0x11A10] =	vst v9  }
0xaa: {  	s16 =	smul.u32 $0x3F1, s16;
	v9 =	vld [tilespmem:s2+$0x820];
	_ =	sdelay $0x1  }
0xab: {  	[tilespmem:s16+$0x11900] =	vst v12  }
0xac: {  	v12 =	vld [tilespmem:s17+$0x10];
	[tilespmem:s13+$0x11A10] =	vst v10  }
0xad: {  	[tilespmem:s18+$0x11A00] =	vst v11;
	v10 =	vld [tilespmem:s19+$0x820]  }
0xae: {  	v11 =	vld [tilespmem:s15+$0x810];
	[tilespmem:s5+$0x11A20] =	vst v9  }
0xaf: {  	v9 =	vld [tilespmem:s2+$0x830];
	_ =	sdelay $0x1  }
0xb0: {  	[tilespmem:s16+$0x11910] =	vst v12  }
0xb1: {  	v12 =	vld [tilespmem:s17+$0x20];
	[tilespmem:s13+$0x11A20] =	vst v10  }
0xb2: {  	[tilespmem:s14+$0x11A10] =	vst v11;
	v10 =	vld [tilespmem:s19+$0x830]  }
0xb3: {  	v11 =	vld [tilespmem:s15+$0x820];
	[tilespmem:s5+$0x11A30] =	vst v9  }
0xb4: {  	v9 =	vld [tilespmem:s2+$0x840];
	_ =	sdelay $0x1  }
0xb5: {  	[tilespmem:s16+$0x11920] =	vst v12  }
0xb6: {  	v12 =	vld [tilespmem:s17+$0x30];
	[tilespmem:s13+$0x11A30] =	vst v10  }
0xb7: {  	[tilespmem:s14+$0x11A20] =	vst v11;
	v10 =	vld [tilespmem:s19+$0x840]  }
0xb8: {  	v11 =	vld [tilespmem:s15+$0x830];
	[tilespmem:s5+$0x11A40] =	vst v9  }
0xb9: {  	v9 =	vld [tilespmem:s2+$0x850];
	_ =	sdelay $0x1  }
0xba: {  	[tilespmem:s16+$0x11930] =	vst v12  }
0xbb: {  	v12 =	vld [tilespmem:s17+$0x40];
	[tilespmem:s13+$0x11A40] =	vst v10  }
0xbc: {  	[tilespmem:s14+$0x11A30] =	vst v11;
	v10 =	vld [tilespmem:s19+$0x850]  }
0xbd: {  	v11 =	vld [tilespmem:s15+$0x840];
	[tilespmem:s5+$0x11A50] =	vst v9  }
0xbe: {  	v9 =	vld [tilespmem:s2+$0x860];
	_ =	sdelay $0x1  }
0xbf: {  	[tilespmem:s16+$0x11940] =	vst v12  }
0xc0: {  	v12 =	vld [tilespmem:s17+$0x50];
	[tilespmem:s13+$0x11A50] =	vst v10  }
0xc1: {  	[tilespmem:s14+$0x11A40] =	vst v11;
	v10 =	vld [tilespmem:s19+$0x860]  }
0xc2: {  	v11 =	vld [tilespmem:s15+$0x850];
	[tilespmem:s5+$0x11A60] =	vst v9  }
0xc3: {  	v9 =	vld [tilespmem:s2+$0x870];
	_ =	sdelay $0x1  }
0xc4: {  	[tilespmem:s16+$0x11950] =	vst v12  }
0xc5: {  	v12 =	vld [tilespmem:s17+$0x60];
	[tilespmem:s13+$0x11A60] =	vst v10  }
0xc6: {  	[tilespmem:s14+$0x11A50] =	vst v11;
	v10 =	vld [tilespmem:s19+$0x870]  }
0xc7: {  	v11 =	vld [tilespmem:s15+$0x860];
	[tilespmem:s5+$0x11A70] =	vst v9  }
0xc8: {  	v9 =	vld [tilespmem:s2+$0xC00];
	_ =	sdelay $0x1  }
0xc9: {  	[tilespmem:s16+$0x11960] =	vst v12  }
0xca: {  	v12 =	vld [tilespmem:s17+$0x70];
	[tilespmem:s13+$0x11A70] =	vst v10  }
0xcb: {  	[tilespmem:s14+$0x11A60] =	vst v11;
	v10 =	vld [tilespmem:s19+$0xC00]  }
0xcc: {  	v11 =	vld [tilespmem:s15+$0x870];
	[tilespmem:s3+$0x11A80] =	vst v9  }
0xcd: {  	v9 =	vld [tilespmem:s2+$0xC10];
	_ =	sdelay $0x1  }
0xce: {  	[tilespmem:s16+$0x11970] =	vst v12  }
0xcf: {  	v12 =	vld [tilespmem:s17+$0x400];
	[tilespmem:s21+$0x11A80] =	vst v10  }
0xd0: {  	[tilespmem:s14+$0x11A70] =	vst v11;
	v10 =	vld [tilespmem:s19+$0xC10]  }
0xd1: {  	v11 =	vld [tilespmem:s15+$0xC00];
	[tilespmem:s5+$0x11A90] =	vst v9  }
0xd2: {  	v9 =	vld [tilespmem:s2+$0xC20]  }
0xd3: {  	s20 =	sand.u32 $0x7FFC, s16  }
0xd4: {  	[tilespmem:s20+$0x11980] =	vst v12  }
0xd5: {  	v12 =	vld [tilespmem:s17+$0x410];
	[tilespmem:s13+$0x11A90] =	vst v10  }
0xd6: {  	[tilespmem:s18+$0x11A80] =	vst v11;
	v10 =	vld [tilespmem:s19+$0xC20]  }
0xd7: {  	v11 =	vld [tilespmem:s15+$0xC10];
	[tilespmem:s5+$0x11AA0] =	vst v9  }
0xd8: {  	v9 =	vld [tilespmem:s2+$0xC30];
	_ =	sdelay $0x1  }
0xd9: {  	[tilespmem:s16+$0x11990] =	vst v12  }
0xda: {  	v12 =	vld [tilespmem:s17+$0x420];
	[tilespmem:s13+$0x11AA0] =	vst v10  }
0xdb: {  	[tilespmem:s14+$0x11A90] =	vst v11;
	v10 =	vld [tilespmem:s19+$0xC30]  }
0xdc: {  	v11 =	vld [tilespmem:s15+$0xC20];
	[tilespmem:s5+$0x11AB0] =	vst v9  }
0xdd: {  	v9 =	vld [tilespmem:s2+$0xC40];
	_ =	sdelay $0x1  }
0xde: {  	[tilespmem:s16+$0x119A0] =	vst v12  }
0xdf: {  	v12 =	vld [tilespmem:s17+$0x430];
	[tilespmem:s13+$0x11AB0] =	vst v10  }
0xe0: {  	[tilespmem:s14+$0x11AA0] =	vst v11;
	v10 =	vld [tilespmem:s19+$0xC40]  }
0xe1: {  	v11 =	vld [tilespmem:s15+$0xC30];
	[tilespmem:s5+$0x11AC0] =	vst v9  }
0xe2: {  	v9 =	vld [tilespmem:s2+$0xC50];
	_ =	sdelay $0x1  }
0xe3: {  	[tilespmem:s16+$0x119B0] =	vst v12  }
0xe4: {  	v12 =	vld [tilespmem:s17+$0x440];
	[tilespmem:s13+$0x11AC0] =	vst v10  }
0xe5: {  	[tilespmem:s14+$0x11AB0] =	vst v11;
	v10 =	vld [tilespmem:s19+$0xC50]  }
0xe6: {  	v11 =	vld [tilespmem:s15+$0xC40];
	[tilespmem:s5+$0x11AD0] =	vst v9  }
0xe7: {  	v9 =	vld [tilespmem:s2+$0xC60];
	_ =	sdelay $0x1  }
0xe8: {  	[tilespmem:s16+$0x119C0] =	vst v12  }
0xe9: {  	v12 =	vld [tilespmem:s17+$0x450];
	[tilespmem:s13+$0x11AD0] =	vst v10  }
0xea: {  	[tilespmem:s14+$0x11AC0] =	vst v11;
	v10 =	vld [tilespmem:s19+$0xC60]  }
0xeb: {  	v11 =	vld [tilespmem:s15+$0xC50];
	[tilespmem:s5+$0x11AE0] =	vst v9  }
0xec: {  	v9 =	vld [tilespmem:s2+$0xC70];
	_ =	sdelay $0x1  }
0xed: {  	[tilespmem:s16+$0x119D0] =	vst v12  }
0xee: {  	v12 =	vld [tilespmem:s17+$0x460];
	[tilespmem:s13+$0x11AE0] =	vst v10  }
0xef: {  	[tilespmem:s14+$0x11AD0] =	vst v11;
	v10 =	vld [tilespmem:s19+$0xC70]  }
0xf0: {  	v11 =	vld [tilespmem:s15+$0xC60];
	[tilespmem:s5+$0x11AF0] =	vst v9  }
0xf1: {  	v9 =	vld [tilespmem:s2+$0x1000];
	_ =	sdelay $0x1  }
0xf2: {  	[tilespmem:s16+$0x119E0] =	vst v12  }
0xf3: {  	v12 =	vld [tilespmem:s17+$0x470];
	[tilespmem:s13+$0x11AF0] =	vst v10  }
0xf4: {  	[tilespmem:s14+$0x11AE0] =	vst v11;
	v10 =	vld [tilespmem:s19+$0x1000]  }
0xf5: {  	v11 =	vld [tilespmem:s15+$0xC70];
	[tilespmem:s3+$0x11B00] =	vst v9  }
0xf6: {  	v9 =	vld [tilespmem:s2+$0x1010];
	_ =	sdelay $0x1  }
0xf7: {  	[tilespmem:s16+$0x119F0] =	vst v12  }
0xf8: {  	v12 =	vld [tilespmem:s17+$0x800];
	[tilespmem:s21+$0x11B00] =	vst v10  }
0xf9: {  	[tilespmem:s14+$0x11AF0] =	vst v11;
	v10 =	vld [tilespmem:s19+$0x1010]  }
0xfa: {  	v11 =	vld [tilespmem:s15+$0x1000];
	[tilespmem:s5+$0x11B10] =	vst v9  }
0xfb: {  	v9 =	vld [tilespmem:s2+$0x1020];
	_ =	sdelay $0x1  }
0xfc: {  	[tilespmem:s20+$0x11A00] =	vst v12  }
0xfd: {  	v12 =	vld [tilespmem:s17+$0x810];
	[tilespmem:s13+$0x11B10] =	vst v10  }
0xfe: {  	[tilespmem:s18+$0x11B00] =	vst v11;
	v10 =	vld [tilespmem:s19+$0x1020]  }
0xff: {  	v11 =	vld [tilespmem:s15+$0x1010];
	[tilespmem:s5+$0x11B20] =	vst v9  }
0x100: {  	v9 =	vld [tilespmem:s2+$0x1030];
	_ =	sdelay $0x1  }
0x101: {  	[tilespmem:s16+$0x11A10] =	vst v12  }
0x102: {  	v12 =	vld [tilespmem:s17+$0x820];
	[tilespmem:s13+$0x11B20] =	vst v10  }
0x103: {  	[tilespmem:s14+$0x11B10] =	vst v11;
	v10 =	vld [tilespmem:s19+$0x1030]  }
0x104: {  	v11 =	vld [tilespmem:s15+$0x1020];
	[tilespmem:s5+$0x11B30] =	vst v9  }
0x105: {  	v9 =	vld [tilespmem:s2+$0x1040];
	_ =	sdelay $0x1  }
0x106: {  	[tilespmem:s16+$0x11A20] =	vst v12  }
0x107: {  	v12 =	vld [tilespmem:s17+$0x830];
	[tilespmem:s13+$0x11B30] =	vst v10  }
0x108: {  	[tilespmem:s14+$0x11B20] =	vst v11;
	v10 =	vld [tilespmem:s19+$0x1040]  }
0x109: {  	v11 =	vld [tilespmem:s15+$0x1030];
	[tilespmem:s5+$0x11B40] =	vst v9  }
0x10a: {  	v9 =	vld [tilespmem:s2+$0x1050];
	_ =	sdelay $0x1  }
0x10b: {  	[tilespmem:s16+$0x11A30] =	vst v12  }
0x10c: {  	v12 =	vld [tilespmem:s17+$0x840];
	[tilespmem:s13+$0x11B40] =	vst v10  }
0x10d: {  	[tilespmem:s14+$0x11B30] =	vst v11;
	v10 =	vld [tilespmem:s19+$0x1050]  }
0x10e: {  	v11 =	vld [tilespmem:s15+$0x1040];
	[tilespmem:s5+$0x11B50] =	vst v9  }
0x10f: {  	v9 =	vld [tilespmem:s2+$0x1060];
	_ =	sdelay $0x1  }
0x110: {  	[tilespmem:s16+$0x11A40] =	vst v12  }
0x111: {  	v12 =	vld [tilespmem:s17+$0x850];
	[tilespmem:s13+$0x11B50] =	vst v10  }
0x112: {  	[tilespmem:s14+$0x11B40] =	vst v11;
	v10 =	vld [tilespmem:s19+$0x1060]  }
0x113: {  	v11 =	vld [tilespmem:s15+$0x1050];
	[tilespmem:s5+$0x11B60] =	vst v9  }
0x114: {  	v9 =	vld [tilespmem:s2+$0x1070];
	_ =	sdelay $0x1  }
0x115: {  	[tilespmem:s16+$0x11A50] =	vst v12  }
0x116: {  	v12 =	vld [tilespmem:s17+$0x860];
	[tilespmem:s13+$0x11B60] =	vst v10  }
0x117: {  	[tilespmem:s14+$0x11B50] =	vst v11;
	v10 =	vld [tilespmem:s19+$0x1070]  }
0x118: {  	v11 =	vld [tilespmem:s15+$0x1060];
	[tilespmem:s5+$0x11B70] =	vst v9  }
0x119: {  	v9 =	vld [tilespmem:s2+$0x1400];
	_ =	sdelay $0x1  }
0x11a: {  	[tilespmem:s16+$0x11A60] =	vst v12  }
0x11b: {  	v12 =	vld [tilespmem:s17+$0x870];
	[tilespmem:s13+$0x11B70] =	vst v10  }
0x11c: {  	[tilespmem:s14+$0x11B60] =	vst v11;
	v10 =	vld [tilespmem:s19+$0x1400]  }
0x11d: {  	v11 =	vld [tilespmem:s15+$0x1070];
	[tilespmem:s3+$0x11B80] =	vst v9  }
0x11e: {  	v9 =	vld [tilespmem:s2+$0x1410];
	_ =	sdelay $0x1  }
0x11f: {  	[tilespmem:s16+$0x11A70] =	vst v12  }
0x120: {  	v12 =	vld [tilespmem:s17+$0xC00];
	[tilespmem:s21+$0x11B80] =	vst v10  }
0x121: {  	v10 =	vld [tilespmem:s19+$0x1410];
	[tilespmem:s14+$0x11B70] =	vst v11  }
0x122: {  	[tilespmem:s5+$0x11B90] =	vst v9  }
0x123: {  	v9 =	vld [tilespmem:s2+$0x1420];
	_ =	sdelay $0x4  }
0x124: {  	[tilespmem:s5+$0x11BA0] =	vst v9  }
0x125: {  	v9 =	vld [tilespmem:s2+$0x1430];
	_ =	sdelay $0x4  }
0x126: {  	[tilespmem:s5+$0x11BB0] =	vst v9  }
0x127: {  	v9 =	vld [tilespmem:s2+$0x1440];
	_ =	sdelay $0x4  }
0x128: {  	[tilespmem:s5+$0x11BC0] =	vst v9  }
0x129: {  	v9 =	vld [tilespmem:s2+$0x1450];
	_ =	sdelay $0x4  }
0x12a: {  	[tilespmem:s5+$0x11BD0] =	vst v9  }
0x12b: {  	v9 =	vld [tilespmem:s2+$0x1460];
	_ =	sdelay $0x1  }
0x12c: {  	s22 =	simm.s32 $0x4  }
0x12d: {  	s6 =	simm.s32 $0x1000;
	s7 =	sor.u32 $0x1, s22  }
0x12e: {  	s0 =	sand.u32 $0x6000, s6;
	s8 =	sshll.u32 s7, $0x7  }
0x12f: {  	s23 =	sadd.s32 s0, s31;
	s1 =	sand.u32 $0x280, s8;
	[tilespmem:s5+$0x11BE0] =	vst v9  }
0x130: {  	s9 =	sor.u32 $0x2, s22;
	s1 =	sadd.s32 s1, s23;
	v9 =	vld [tilespmem:s2+$0x1470]  }
0x131: {  	s10 =	sshll.u32 s9, $0x7;
	v11 =	vld [tilespmem:s1+$0x0]  }
0x132: {  	s0 =	sand.u32 $0x300, s10;
	[tilespmem:s13+$0x11B90] =	vst v10  }
0x133: {  	s0 =	sadd.s32 s0, s23;
	v10 =	vld [tilespmem:s19+$0x1420]  }
0x134: {  	s10 =	smul.u32 $0x3F1, s7;
	v13 =	vld [tilespmem:s0+$0x0]  }
0x135: {  	[tilespmem:s5+$0x11BF0] =	vst v9  }
0x136: {  	[tilespmem:s10+$0x11900] =	vst v11;
	v9 =	vld [tilespmem:s2+$0x1800]  }
0x137: {  	s6 =	smul.u32 $0x3F1, s9;
	[tilespmem:s20+$0x11A80] =	vst v12;
	v11 =	vld [tilespmem:s1+$0x10]  }
0x138: {  	v12 =	vld [tilespmem:s17+$0xC10];
	[tilespmem:s13+$0x11BA0] =	vst v10  }
0x139: {  	[tilespmem:s6+$0x11900] =	vst v13;
	v10 =	vld [tilespmem:s19+$0x1430]  }
0x13a: {  	s24 =	sor.u32 $0x3, s22;
	v13 =	vld [tilespmem:s0+$0x10]  }
0x13b: {  	s7 =	sshll.u32 s24, $0x7;
	[tilespmem:s3+$0x11C00] =	vst v9  }
0x13c: {  	s7 =	sand.u32 $0x380, s7;
	[tilespmem:s10+$0x11910] =	vst v11;
	v9 =	vld [tilespmem:s2+$0x1810]  }
0x13d: {  	s7 =	sadd.s32 s7, s23;
	[tilespmem:s16+$0x11A90] =	vst v12;
	v11 =	vld [tilespmem:s1+$0x20]  }
0x13e: {  	[tilespmem:s13+$0x11BB0] =	vst v10;
	v10 =	vld [tilespmem:s7+$0x0]  }
0x13f: {  	v14 =	vld [tilespmem:s17+$0xC20];
	[tilespmem:s6+$0x11910] =	vst v13  }
0x140: {  	v13 =	vld [tilespmem:s0+$0x20]  }
0x141: {  	s8 =	smul.u32 $0x3F1, s24;
	v12 =	vld [tilespmem:s19+$0x1440];
	[tilespmem:s5+$0x11C10] =	vst v9  }
0x142: {  	[tilespmem:s10+$0x11920] =	vst v11;
	v9 =	vld [tilespmem:s2+$0x1820]  }
0x143: {  	v11 =	vld [tilespmem:s1+$0x30];
	[tilespmem:s8+$0x11900] =	vst v10  }
0x144: {  	[tilespmem:s16+$0x11AA0] =	vst v14;
	v10 =	vld [tilespmem:s7+$0x10]  }
0x145: {  	v14 =	vld [tilespmem:s17+$0xC30];
	[tilespmem:s6+$0x11920] =	vst v13  }
0x146: {  	v13 =	vld [tilespmem:s0+$0x30];
	[tilespmem:s13+$0x11BC0] =	vst v12  }
0x147: {  	v12 =	vld [tilespmem:s19+$0x1450];
	[tilespmem:s5+$0x11C20] =	vst v9  }
0x148: {  	[tilespmem:s10+$0x11930] =	vst v11;
	v9 =	vld [tilespmem:s2+$0x1830]  }
0x149: {  	v11 =	vld [tilespmem:s1+$0x40];
	[tilespmem:s8+$0x11910] =	vst v10  }
0x14a: {  	[tilespmem:s16+$0x11AB0] =	vst v14;
	v10 =	vld [tilespmem:s7+$0x20]  }
0x14b: {  	v14 =	vld [tilespmem:s17+$0xC40];
	[tilespmem:s6+$0x11930] =	vst v13  }
0x14c: {  	v13 =	vld [tilespmem:s0+$0x40];
	[tilespmem:s13+$0x11BD0] =	vst v12  }
0x14d: {  	v12 =	vld [tilespmem:s19+$0x1460];
	[tilespmem:s5+$0x11C30] =	vst v9  }
0x14e: {  	[tilespmem:s10+$0x11940] =	vst v11;
	v9 =	vld [tilespmem:s2+$0x1840]  }
0x14f: {  	v11 =	vld [tilespmem:s1+$0x50];
	[tilespmem:s8+$0x11920] =	vst v10  }
0x150: {  	[tilespmem:s16+$0x11AC0] =	vst v14;
	v10 =	vld [tilespmem:s7+$0x30]  }
0x151: {  	v14 =	vld [tilespmem:s17+$0xC50];
	[tilespmem:s6+$0x11940] =	vst v13  }
0x152: {  	v13 =	vld [tilespmem:s0+$0x50];
	[tilespmem:s13+$0x11BE0] =	vst v12  }
0x153: {  	v12 =	vld [tilespmem:s19+$0x1470];
	[tilespmem:s5+$0x11C40] =	vst v9  }
0x154: {  	[tilespmem:s10+$0x11950] =	vst v11;
	v9 =	vld [tilespmem:s2+$0x1850]  }
0x155: {  	v11 =	vld [tilespmem:s1+$0x60];
	[tilespmem:s8+$0x11930] =	vst v10  }
0x156: {  	[tilespmem:s16+$0x11AD0] =	vst v14;
	v10 =	vld [tilespmem:s7+$0x40]  }
0x157: {  	v14 =	vld [tilespmem:s17+$0xC60];
	[tilespmem:s6+$0x11950] =	vst v13  }
0x158: {  	v13 =	vld [tilespmem:s0+$0x60];
	[tilespmem:s13+$0x11BF0] =	vst v12  }
0x159: {  	v12 =	vld [tilespmem:s19+$0x1800];
	[tilespmem:s5+$0x11C50] =	vst v9  }
0x15a: {  	[tilespmem:s10+$0x11960] =	vst v11;
	v9 =	vld [tilespmem:s2+$0x1860]  }
0x15b: {  	v11 =	vld [tilespmem:s1+$0x70];
	[tilespmem:s8+$0x11940] =	vst v10  }
0x15c: {  	[tilespmem:s16+$0x11AE0] =	vst v14;
	v10 =	vld [tilespmem:s7+$0x50]  }
0x15d: {  	v14 =	vld [tilespmem:s17+$0xC70];
	[tilespmem:s6+$0x11960] =	vst v13  }
0x15e: {  	v13 =	vld [tilespmem:s0+$0x70];
	[tilespmem:s21+$0x11C00] =	vst v12  }
0x15f: {  	v12 =	vld [tilespmem:s19+$0x1810];
	[tilespmem:s5+$0x11C60] =	vst v9  }
0x160: {  	[tilespmem:s10+$0x11970] =	vst v11;
	v9 =	vld [tilespmem:s2+$0x1870]  }
0x161: {  	v11 =	vld [tilespmem:s1+$0x400];
	[tilespmem:s8+$0x11950] =	vst v10  }
0x162: {  	[tilespmem:s16+$0x11AF0] =	vst v14;
	v10 =	vld [tilespmem:s7+$0x60]  }
0x163: {  	v14 =	vld [tilespmem:s17+$0x1000];
	[tilespmem:s6+$0x11970] =	vst v13  }
0x164: {  	v13 =	vld [tilespmem:s0+$0x400];
	[tilespmem:s13+$0x11C10] =	vst v12  }
0x165: {  	s9 =	sand.u32 $0x7FFD, s10;
	v12 =	vld [tilespmem:s19+$0x1820];
	[tilespmem:s5+$0x11C70] =	vst v9  }
0x166: {  	[tilespmem:s9+$0x11980] =	vst v11;
	v9 =	vld [tilespmem:s2+$0x1C00]  }
0x167: {  	v11 =	vld [tilespmem:s1+$0x410];
	[tilespmem:s8+$0x11960] =	vst v10  }
0x168: {  	s4 =	sand.u32 $0x7FFE, s6;
	[tilespmem:s20+$0x11B00] =	vst v14;
	v10 =	vld [tilespmem:s7+$0x70]  }
0x169: {  	v14 =	vld [tilespmem:s17+$0x1010];
	[tilespmem:s4+$0x11980] =	vst v13  }
0x16a: {  	v13 =	vld [tilespmem:s0+$0x410];
	[tilespmem:s13+$0x11C20] =	vst v12  }
0x16b: {  	v12 =	vld [tilespmem:s19+$0x1830];
	[tilespmem:s3+$0x11C80] =	vst v9  }
0x16c: {  	[tilespmem:s10+$0x11990] =	vst v11;
	v9 =	vld [tilespmem:s2+$0x1C10]  }
0x16d: {  	v11 =	vld [tilespmem:s1+$0x420];
	[tilespmem:s8+$0x11970] =	vst v10  }
0x16e: {  	[tilespmem:s16+$0x11B10] =	vst v14;
	v10 =	vld [tilespmem:s7+$0x400]  }
0x16f: {  	v14 =	vld [tilespmem:s17+$0x1020];
	[tilespmem:s6+$0x11990] =	vst v13  }
0x170: {  	v13 =	vld [tilespmem:s0+$0x420];
	[tilespmem:s13+$0x11C30] =	vst v12  }
0x171: {  	v12 =	vld [tilespmem:s19+$0x1840];
	[tilespmem:s5+$0x11C90] =	vst v9  }
0x172: {  	[tilespmem:s10+$0x119A0] =	vst v11;
	s3 =	sand.u32 $0x7FFF, s8;
	v9 =	vld [tilespmem:s2+$0x1C20]  }
0x173: {  	v11 =	vld [tilespmem:s1+$0x430];
	[tilespmem:s3+$0x11980] =	vst v10  }
0x174: {  	[tilespmem:s16+$0x11B20] =	vst v14;
	v10 =	vld [tilespmem:s7+$0x410]  }
0x175: {  	v14 =	vld [tilespmem:s17+$0x1030];
	[tilespmem:s6+$0x119A0] =	vst v13  }
0x176: {  	v13 =	vld [tilespmem:s0+$0x430];
	[tilespmem:s13+$0x11C40] =	vst v12  }
0x177: {  	v12 =	vld [tilespmem:s19+$0x1850];
	[tilespmem:s5+$0x11CA0] =	vst v9  }
0x178: {  	[tilespmem:s10+$0x119B0] =	vst v11;
	v9 =	vld [tilespmem:s2+$0x1C30]  }
0x179: {  	v11 =	vld [tilespmem:s1+$0x440];
	[tilespmem:s8+$0x11990] =	vst v10  }
0x17a: {  	[tilespmem:s16+$0x11B30] =	vst v14;
	v10 =	vld [tilespmem:s7+$0x420]  }
0x17b: {  	v14 =	vld [tilespmem:s17+$0x1040];
	[tilespmem:s6+$0x119B0] =	vst v13  }
0x17c: {  	v13 =	vld [tilespmem:s0+$0x440];
	[tilespmem:s13+$0x11C50] =	vst v12  }
0x17d: {  	v12 =	vld [tilespmem:s19+$0x1860];
	[tilespmem:s5+$0x11CB0] =	vst v9  }
0x17e: {  	[tilespmem:s10+$0x119C0] =	vst v11;
	v9 =	vld [tilespmem:s2+$0x1C40]  }
0x17f: {  	v11 =	vld [tilespmem:s1+$0x450];
	[tilespmem:s8+$0x119A0] =	vst v10  }
0x180: {  	[tilespmem:s16+$0x11B40] =	vst v14;
	v10 =	vld [tilespmem:s7+$0x430]  }
0x181: {  	v14 =	vld [tilespmem:s17+$0x1050];
	[tilespmem:s6+$0x119C0] =	vst v13  }
0x182: {  	v13 =	vld [tilespmem:s0+$0x450];
	[tilespmem:s13+$0x11C60] =	vst v12  }
0x183: {  	v12 =	vld [tilespmem:s19+$0x1870];
	[tilespmem:s5+$0x11CC0] =	vst v9  }
0x184: {  	[tilespmem:s10+$0x119D0] =	vst v11;
	v9 =	vld [tilespmem:s2+$0x1C50]  }
0x185: {  	v11 =	vld [tilespmem:s1+$0x460];
	[tilespmem:s8+$0x119B0] =	vst v10  }
0x186: {  	[tilespmem:s16+$0x11B50] =	vst v14;
	v10 =	vld [tilespmem:s7+$0x440]  }
0x187: {  	v14 =	vld [tilespmem:s17+$0x1060];
	[tilespmem:s6+$0x119D0] =	vst v13  }
0x188: {  	v13 =	vld [tilespmem:s0+$0x460];
	[tilespmem:s13+$0x11C70] =	vst v12  }
0x189: {  	v12 =	vld [tilespmem:s19+$0x1C00];
	[tilespmem:s5+$0x11CD0] =	vst v9  }
0x18a: {  	[tilespmem:s10+$0x119E0] =	vst v11;
	v9 =	vld [tilespmem:s2+$0x1C58]  }
0x18b: {  	v11 =	vld [tilespmem:s1+$0x470];
	[tilespmem:s8+$0x119C0] =	vst v10  }
0x18c: {  	[tilespmem:s16+$0x11B60] =	vst v14;
	v10 =	vld [tilespmem:s7+$0x450]  }
0x18d: {  	[tilespmem:s6+$0x119E0] =	vst v13  }
0x18e: {  	[tilespmem:s21+$0x11C80] =	vst v12;
	v12 =	vld [tilespmem:s15+$0x1400]  }
0x18f: {  	[tilespmem:s5+$0x11CD8] =	vst v9;
	v9 =	vld [tilespmem:s17+$0x1070]  }
0x190: {  	s25 =	simm.s32 $0x200;
	v13 =	vld [tilespmem:s0+$0x470];
	[tilespmem:s10+$0x119F0] =	vst v11  }
0x191: {  	v11 =	vld [tilespmem:s1+$0x800];
	s2 =	sand.u32 $0x200, s25;
	[tilespmem:s8+$0x119D0] =	vst v10  }
0x192: {  	s2 =	sadd.s32 s2, s23;
	v10 =	vld [tilespmem:s7+$0x460]  }
0x193: {  	[tilespmem:s18+$0x11B80] =	vst v12;
	v14 =	vld [tilespmem:s2+$0x0]  }
0x194: {  	v12 =	vld [tilespmem:s15+$0x1410];
	[tilespmem:s16+$0x11B70] =	vst v9  }
0x195: {  	[tilespmem:s6+$0x119F0] =	vst v13;
	v9 =	vld [tilespmem:s17+$0x1400]  }
0x196: {  	v13 =	vld [tilespmem:s0+$0x800];
	[tilespmem:s9+$0x11A00] =	vst v11;
	s5 =	smul.u32 $0x3F1, s22  }
0x197: {  	v11 =	vld [tilespmem:s1+$0x810];
	[tilespmem:s8+$0x119E0] =	vst v10  }
0x198: {  	[tilespmem:s5+$0x11900] =	vst v14;
	v14 =	vld [tilespmem:s19+$0x1C10]  }
0x199: {  	[tilespmem:s14+$0x11B90] =	vst v12;
	v10 =	vld [tilespmem:s7+$0x470]  }
0x19a: {  	v12 =	vld [tilespmem:s2+$0x10];
	[tilespmem:s20+$0x11B80] =	vst v9  }
0x19b: {  	[tilespmem:s4+$0x11A00] =	vst v13;
	v9 =	vld [tilespmem:s17+$0x1410]  }
0x19c: {  	v13 =	vld [tilespmem:s0+$0x810];
	[tilespmem:s10+$0x11A10] =	vst v11  }
0x19d: {  	v11 =	vld [tilespmem:s1+$0x820];
	[tilespmem:s13+$0x11C90] =	vst v14  }
0x19e: {  	[tilespmem:s8+$0x119F0] =	vst v10;
	v14 =	vld [tilespmem:s19+$0x1C20]  }
0x19f: {  	[tilespmem:s5+$0x11910] =	vst v12;
	v10 =	vld [tilespmem:s7+$0x800]  }
0x1a0: {  	v12 =	vld [tilespmem:s15+$0x1420];
	[tilespmem:s16+$0x11B90] =	vst v9  }
0x1a1: {  	[tilespmem:s6+$0x11A10] =	vst v13;
	v9 =	vld [tilespmem:s17+$0x1420]  }
0x1a2: {  	v13 =	vld [tilespmem:s0+$0x820];
	[tilespmem:s10+$0x11A20] =	vst v11  }
0x1a3: {  	v11 =	vld [tilespmem:s1+$0x830];
	[tilespmem:s13+$0x11CA0] =	vst v14  }
0x1a4: {  	[tilespmem:s3+$0x11A00] =	vst v10;
	v14 =	vld [tilespmem:s19+$0x1C30]  }
0x1a5: {  	[tilespmem:s14+$0x11BA0] =	vst v12;
	v10 =	vld [tilespmem:s7+$0x810]  }
0x1a6: {  	v12 =	vld [tilespmem:s2+$0x20];
	[tilespmem:s16+$0x11BA0] =	vst v9  }
0x1a7: {  	[tilespmem:s6+$0x11A20] =	vst v13;
	v9 =	vld [tilespmem:s17+$0x1430]  }
0x1a8: {  	[tilespmem:s10+$0x11A30] =	vst v11  }
0x1a9: {  	v13 =	vld [tilespmem:s0+$0x830];
	[tilespmem:s13+$0x11CB0] =	vst v14  }
0x1aa: {  	[tilespmem:s8+$0x11A10] =	vst v10;
	v14 =	vld [tilespmem:s19+$0x1C40]  }
0x1ab: {  	[tilespmem:s5+$0x11920] =	vst v12;
	v10 =	vld [tilespmem:s7+$0x820]  }
0x1ac: {  	[tilespmem:s16+$0x11BB0] =	vst v9;
	v9 =	vld [tilespmem:s2+$0x30]  }
0x1ad: {  	v11 =	vld [tilespmem:s1+$0x840]  }
0x1ae: {  	[tilespmem:s6+$0x11A30] =	vst v13;
	v12 =	vld [tilespmem:s17+$0x1440]  }
0x1af: {  	v13 =	vld [tilespmem:s0+$0x840];
	[tilespmem:s13+$0x11CC0] =	vst v14  }
0x1b0: {  	[tilespmem:s8+$0x11A20] =	vst v10;
	v14 =	vld [tilespmem:s19+$0x1C50]  }
0x1b1: {  	[tilespmem:s5+$0x11930] =	vst v9;
	v9 =	vld [tilespmem:s7+$0x830]  }
0x1b2: {  	[tilespmem:s10+$0x11A40] =	vst v11;
	v10 =	vld [tilespmem:s2+$0x40]  }
0x1b3: {  	[tilespmem:s16+$0x11BC0] =	vst v12;
	v12 =	vld [tilespmem:s15+$0x1430]  }
0x1b4: {  	[tilespmem:s6+$0x11A40] =	vst v13;
	v11 =	vld [tilespmem:s1+$0x850]  }
0x1b5: {  	v13 =	vld [tilespmem:s0+$0x850];
	[tilespmem:s13+$0x11CD0] =	vst v14  }
0x1b6: {  	v14 =	vld [tilespmem:s17+$0x1450];
	[tilespmem:s8+$0x11A30] =	vst v9  }
0x1b7: {  	[tilespmem:s5+$0x11940] =	vst v10;
	v9 =	vld [tilespmem:s7+$0x840]  }
0x1b8: {  	[tilespmem:s14+$0x11BB0] =	vst v12;
	v10 =	vld [tilespmem:s2+$0x50]  }
0x1b9: {  	[tilespmem:s10+$0x11A50] =	vst v11;
	v12 =	vld [tilespmem:s15+$0x1440]  }
0x1ba: {  	[tilespmem:s6+$0x11A50] =	vst v13;
	v11 =	vld [tilespmem:s1+$0x860]  }
0x1bb: {  	[tilespmem:s16+$0x11BD0] =	vst v14;
	v14 =	vld [tilespmem:s19+$0x1C58]  }
0x1bc: {  	v13 =	vld [tilespmem:s0+$0x860];
	[tilespmem:s8+$0x11A40] =	vst v9  }
0x1bd: {  	[tilespmem:s5+$0x11950] =	vst v10;
	v9 =	vld [tilespmem:s7+$0x850]  }
0x1be: {  	[tilespmem:s14+$0x11BC0] =	vst v12;
	v10 =	vld [tilespmem:s2+$0x60]  }
0x1bf: {  	[tilespmem:s10+$0x11A60] =	vst v11;
	v12 =	vld [tilespmem:s15+$0x1450]  }
0x1c0: {  	[tilespmem:s13+$0x11CD8] =	vst v14;
	v14 =	vld [tilespmem:s17+$0x1460]  }
0x1c1: {  	[tilespmem:s6+$0x11A60] =	vst v13;
	v11 =	vld [tilespmem:s1+$0x870]  }
0x1c2: {  	v13 =	vld [tilespmem:s0+$0x870];
	[tilespmem:s8+$0x11A50] =	vst v9  }
0x1c3: {  	[tilespmem:s5+$0x11960] =	vst v10;
	v9 =	vld [tilespmem:s7+$0x860]  }
0x1c4: {  	[tilespmem:s14+$0x11BD0] =	vst v12;
	v10 =	vld [tilespmem:s2+$0x70]  }
0x1c5: {  	[tilespmem:s16+$0x11BE0] =	vst v14;
	v12 =	vld [tilespmem:s15+$0x1460]  }
0x1c6: {  	[tilespmem:s10+$0x11A70] =	vst v11;
	v14 =	vld [tilespmem:s17+$0x1470]  }
0x1c7: {  	[tilespmem:s6+$0x11A70] =	vst v13;
	v11 =	vld [tilespmem:s1+$0xC00]  }
0x1c8: {  	v13 =	vld [tilespmem:s0+$0xC00];
	[tilespmem:s8+$0x11A60] =	vst v9  }
0x1c9: {  	[tilespmem:s5+$0x11970] =	vst v10;
	v9 =	vld [tilespmem:s7+$0x870]  }
0x1ca: {  	[tilespmem:s14+$0x11BE0] =	vst v12;
	v10 =	vld [tilespmem:s2+$0x400]  }
0x1cb: {  	[tilespmem:s16+$0x11BF0] =	vst v14;
	v12 =	vld [tilespmem:s15+$0x1470]  }
0x1cc: {  	[tilespmem:s9+$0x11A80] =	vst v11;
	v14 =	vld [tilespmem:s17+$0x1800]  }
0x1cd: {  	[tilespmem:s4+$0x11A80] =	vst v13;
	v11 =	vld [tilespmem:s1+$0xC10]  }
0x1ce: {  	v13 =	vld [tilespmem:s0+$0xC10];
	s13 =	sand.u32 $0x7FFC, s5;
	[tilespmem:s8+$0x11A70] =	vst v9  }
0x1cf: {  	[tilespmem:s13+$0x11980] =	vst v10;
	v9 =	vld [tilespmem:s7+$0xC00]  }
0x1d0: {  	[tilespmem:s14+$0x11BF0] =	vst v12;
	v10 =	vld [tilespmem:s2+$0x410]  }
0x1d1: {  	[tilespmem:s20+$0x11C00] =	vst v14;
	v12 =	vld [tilespmem:s15+$0x1800]  }
0x1d2: {  	[tilespmem:s10+$0x11A90] =	vst v11;
	v14 =	vld [tilespmem:s17+$0x1810]  }
0x1d3: {  	[tilespmem:s6+$0x11A90] =	vst v13;
	v11 =	vld [tilespmem:s1+$0xC20]  }
0x1d4: {  	v13 =	vld [tilespmem:s0+$0xC20];
	[tilespmem:s3+$0x11A80] =	vst v9  }
0x1d5: {  	[tilespmem:s5+$0x11990] =	vst v10;
	v9 =	vld [tilespmem:s7+$0xC10]  }
0x1d6: {  	[tilespmem:s18+$0x11C00] =	vst v12;
	v10 =	vld [tilespmem:s2+$0x420]  }
0x1d7: {  	[tilespmem:s16+$0x11C10] =	vst v14;
	v12 =	vld [tilespmem:s15+$0x1810]  }
0x1d8: {  	[tilespmem:s10+$0x11AA0] =	vst v11;
	v14 =	vld [tilespmem:s17+$0x1820]  }
0x1d9: {  	[tilespmem:s6+$0x11AA0] =	vst v13;
	v11 =	vld [tilespmem:s1+$0xC30]  }
0x1da: {  	v13 =	vld [tilespmem:s0+$0xC30];
	[tilespmem:s8+$0x11A90] =	vst v9  }
0x1db: {  	[tilespmem:s5+$0x119A0] =	vst v10;
	v9 =	vld [tilespmem:s7+$0xC20]  }
0x1dc: {  	[tilespmem:s14+$0x11C10] =	vst v12;
	v10 =	vld [tilespmem:s2+$0x430]  }
0x1dd: {  	[tilespmem:s16+$0x11C20] =	vst v14;
	v12 =	vld [tilespmem:s15+$0x1820]  }
0x1de: {  	[tilespmem:s10+$0x11AB0] =	vst v11;
	v14 =	vld [tilespmem:s17+$0x1830]  }
0x1df: {  	[tilespmem:s6+$0x11AB0] =	vst v13;
	v11 =	vld [tilespmem:s1+$0xC40]  }
0x1e0: {  	v13 =	vld [tilespmem:s0+$0xC40];
	[tilespmem:s8+$0x11AA0] =	vst v9  }
0x1e1: {  	[tilespmem:s5+$0x119B0] =	vst v10;
	v9 =	vld [tilespmem:s7+$0xC30]  }
0x1e2: {  	[tilespmem:s14+$0x11C20] =	vst v12;
	v10 =	vld [tilespmem:s2+$0x440]  }
0x1e3: {  	[tilespmem:s16+$0x11C30] =	vst v14;
	v12 =	vld [tilespmem:s15+$0x1830]  }
0x1e4: {  	[tilespmem:s10+$0x11AC0] =	vst v11;
	v14 =	vld [tilespmem:s17+$0x1840]  }
0x1e5: {  	[tilespmem:s6+$0x11AC0] =	vst v13;
	v11 =	vld [tilespmem:s1+$0xC50]  }
0x1e6: {  	v13 =	vld [tilespmem:s0+$0xC50];
	[tilespmem:s8+$0x11AB0] =	vst v9  }
0x1e7: {  	[tilespmem:s5+$0x119C0] =	vst v10;
	v9 =	vld [tilespmem:s7+$0xC40]  }
0x1e8: {  	[tilespmem:s14+$0x11C30] =	vst v12;
	v10 =	vld [tilespmem:s2+$0x450]  }
0x1e9: {  	[tilespmem:s16+$0x11C40] =	vst v14;
	v12 =	vld [tilespmem:s15+$0x1840]  }
0x1ea: {  	[tilespmem:s10+$0x11AD0] =	vst v11;
	v14 =	vld [tilespmem:s17+$0x1850]  }
0x1eb: {  	[tilespmem:s6+$0x11AD0] =	vst v13;
	v11 =	vld [tilespmem:s1+$0xC60]  }
0x1ec: {  	v13 =	vld [tilespmem:s0+$0xC60];
	[tilespmem:s8+$0x11AC0] =	vst v9  }
0x1ed: {  	[tilespmem:s5+$0x119D0] =	vst v10;
	v9 =	vld [tilespmem:s7+$0xC50]  }
0x1ee: {  	[tilespmem:s14+$0x11C40] =	vst v12;
	v10 =	vld [tilespmem:s2+$0x460]  }
0x1ef: {  	[tilespmem:s16+$0x11C50] =	vst v14;
	v12 =	vld [tilespmem:s15+$0x1850]  }
0x1f0: {  	[tilespmem:s10+$0x11AE0] =	vst v11;
	v14 =	vld [tilespmem:s17+$0x1860]  }
0x1f1: {  	[tilespmem:s6+$0x11AE0] =	vst v13;
	v11 =	vld [tilespmem:s1+$0xC70]  }
0x1f2: {  	v13 =	vld [tilespmem:s0+$0xC70];
	[tilespmem:s8+$0x11AD0] =	vst v9  }
0x1f3: {  	[tilespmem:s5+$0x119E0] =	vst v10;
	v9 =	vld [tilespmem:s7+$0xC60]  }
0x1f4: {  	[tilespmem:s14+$0x11C50] =	vst v12;
	v10 =	vld [tilespmem:s2+$0x470]  }
0x1f5: {  	[tilespmem:s16+$0x11C60] =	vst v14;
	v12 =	vld [tilespmem:s15+$0x1860]  }
0x1f6: {  	[tilespmem:s10+$0x11AF0] =	vst v11;
	v14 =	vld [tilespmem:s17+$0x1870]  }
0x1f7: {  	[tilespmem:s6+$0x11AF0] =	vst v13;
	v11 =	vld [tilespmem:s1+$0x1000]  }
0x1f8: {  	v13 =	vld [tilespmem:s0+$0x1000];
	[tilespmem:s8+$0x11AE0] =	vst v9  }
0x1f9: {  	[tilespmem:s5+$0x119F0] =	vst v10;
	v9 =	vld [tilespmem:s7+$0xC70]  }
0x1fa: {  	[tilespmem:s14+$0x11C60] =	vst v12;
	v10 =	vld [tilespmem:s2+$0x800]  }
0x1fb: {  	[tilespmem:s16+$0x11C70] =	vst v14;
	v12 =	vld [tilespmem:s15+$0x1870]  }
0x1fc: {  	[tilespmem:s9+$0x11B00] =	vst v11;
	v14 =	vld [tilespmem:s17+$0x1C00]  }
0x1fd: {  	[tilespmem:s4+$0x11B00] =	vst v13;
	v11 =	vld [tilespmem:s1+$0x1010]  }
0x1fe: {  	v13 =	vld [tilespmem:s0+$0x1010];
	[tilespmem:s8+$0x11AF0] =	vst v9  }
0x1ff: {  	[tilespmem:s13+$0x11A00] =	vst v10;
	v9 =	vld [tilespmem:s7+$0x1000]  }
0x200: {  	[tilespmem:s14+$0x11C70] =	vst v12;
	v10 =	vld [tilespmem:s2+$0x810]  }
0x201: {  	[tilespmem:s20+$0x11C80] =	vst v14;
	v12 =	vld [tilespmem:s15+$0x1C00]  }
0x202: {  	[tilespmem:s10+$0x11B10] =	vst v11;
	v14 =	vld [tilespmem:s17+$0x1C10]  }
0x203: {  	[tilespmem:s6+$0x11B10] =	vst v13;
	v11 =	vld [tilespmem:s1+$0x1020]  }
0x204: {  	v13 =	vld [tilespmem:s0+$0x1020];
	[tilespmem:s3+$0x11B00] =	vst v9  }
0x205: {  	[tilespmem:s5+$0x11A10] =	vst v10;
	v9 =	vld [tilespmem:s7+$0x1010]  }
0x206: {  	[tilespmem:s18+$0x11C80] =	vst v12;
	v10 =	vld [tilespmem:s2+$0x820]  }
0x207: {  	[tilespmem:s16+$0x11C90] =	vst v14;
	v12 =	vld [tilespmem:s15+$0x1C10]  }
0x208: {  	[tilespmem:s10+$0x11B20] =	vst v11;
	v14 =	vld [tilespmem:s17+$0x1C20]  }
0x209: {  	[tilespmem:s6+$0x11B20] =	vst v13;
	v11 =	vld [tilespmem:s1+$0x1030]  }
0x20a: {  	v13 =	vld [tilespmem:s0+$0x1030];
	[tilespmem:s8+$0x11B10] =	vst v9  }
0x20b: {  	[tilespmem:s5+$0x11A20] =	vst v10;
	v9 =	vld [tilespmem:s7+$0x1020]  }
0x20c: {  	[tilespmem:s14+$0x11C90] =	vst v12;
	v10 =	vld [tilespmem:s2+$0x830]  }
0x20d: {  	[tilespmem:s16+$0x11CA0] =	vst v14;
	v12 =	vld [tilespmem:s15+$0x1C20]  }
0x20e: {  	[tilespmem:s10+$0x11B30] =	vst v11;
	v14 =	vld [tilespmem:s17+$0x1C30]  }
0x20f: {  	[tilespmem:s6+$0x11B30] =	vst v13;
	v11 =	vld [tilespmem:s1+$0x1040]  }
0x210: {  	v13 =	vld [tilespmem:s0+$0x1040];
	[tilespmem:s8+$0x11B20] =	vst v9  }
0x211: {  	[tilespmem:s5+$0x11A30] =	vst v10;
	v9 =	vld [tilespmem:s7+$0x1030]  }
0x212: {  	[tilespmem:s14+$0x11CA0] =	vst v12;
	v10 =	vld [tilespmem:s2+$0x840]  }
0x213: {  	[tilespmem:s16+$0x11CB0] =	vst v14;
	v12 =	vld [tilespmem:s15+$0x1C30]  }
0x214: {  	[tilespmem:s10+$0x11B40] =	vst v11;
	v14 =	vld [tilespmem:s17+$0x1C40]  }
0x215: {  	[tilespmem:s6+$0x11B40] =	vst v13;
	v11 =	vld [tilespmem:s1+$0x1050]  }
0x216: {  	v13 =	vld [tilespmem:s0+$0x1050];
	[tilespmem:s8+$0x11B30] =	vst v9  }
0x217: {  	[tilespmem:s5+$0x11A40] =	vst v10;
	v9 =	vld [tilespmem:s7+$0x1040]  }
0x218: {  	[tilespmem:s14+$0x11CB0] =	vst v12;
	v10 =	vld [tilespmem:s2+$0x850]  }
0x219: {  	[tilespmem:s16+$0x11CC0] =	vst v14;
	v12 =	vld [tilespmem:s15+$0x1C40]  }
0x21a: {  	[tilespmem:s10+$0x11B50] =	vst v11;
	v14 =	vld [tilespmem:s17+$0x1C50]  }
0x21b: {  	[tilespmem:s6+$0x11B50] =	vst v13;
	v11 =	vld [tilespmem:s1+$0x1060]  }
0x21c: {  	v13 =	vld [tilespmem:s0+$0x1060];
	[tilespmem:s8+$0x11B40] =	vst v9  }
0x21d: {  	[tilespmem:s5+$0x11A50] =	vst v10;
	v9 =	vld [tilespmem:s7+$0x1050]  }
0x21e: {  	[tilespmem:s14+$0x11CC0] =	vst v12;
	v10 =	vld [tilespmem:s2+$0x860]  }
0x21f: {  	[tilespmem:s16+$0x11CD0] =	vst v14;
	v12 =	vld [tilespmem:s15+$0x1C50]  }
0x220: {  	[tilespmem:s10+$0x11B60] =	vst v11;
	v14 =	vld [tilespmem:s17+$0x1C58]  }
0x221: {  	[tilespmem:s6+$0x11B60] =	vst v13;
	v11 =	vld [tilespmem:s1+$0x1070]  }
0x222: {  	v13 =	vld [tilespmem:s0+$0x1070];
	[tilespmem:s8+$0x11B50] =	vst v9  }
0x223: {  	[tilespmem:s5+$0x11A60] =	vst v10;
	v9 =	vld [tilespmem:s7+$0x1060]  }
0x224: {  	[tilespmem:s14+$0x11CD0] =	vst v12;
	v12 =	vld [tilespmem:s2+$0x870]  }
0x225: {  	[tilespmem:s16+$0x11CD8] =	vst v14;
	v14 =	vld [tilespmem:s15+$0x1C58]  }
0x226: {  	[tilespmem:s10+$0x11B70] =	vst v11  }
0x227: {  	[tilespmem:s6+$0x11B70] =	vst v13;
	v11 =	vld [tilespmem:s1+$0x1400]  }
0x228: {  	v10 =	vld [tilespmem:s0+$0x1400];
	[tilespmem:s8+$0x11B60] =	vst v9  }
0x229: {  	[tilespmem:s5+$0x11A70] =	vst v12;
	v12 =	vld [tilespmem:s7+$0x1070]  }
0x22a: {  	[tilespmem:s14+$0x11CD8] =	vst v14;
	s14 =	simm.s32 $0x8;
	v13 =	vld [tilespmem:s2+$0xC00]  }
.LBB2_3:
0x22b: {  	s15 =	sshll.u32 s14, $0xA  }
0x22c: {  	s17 =	sshll.u32 s14, $0x7;
	s16 =	sor.u32 $0x3, s14;
	v9 =	vimm.f32 $-Inf;
	s20 =	smov.u32 s14  }
0x22d: {  	s19 =	sor.u32 $0x1, s14;
	s17 =	sand.u32 $0x200, s17;
	s18 =	sshll.u32 s16, $0x7;
	[tilespmem:s9+$0x11B80] =	vst v11  }
0x22e: {  	s15 =	sand.u32 $0x6000, s15;
	s21 =	sshll.u32 s19, $0x7;
	s24 =	sand.u32 $0x380, s18;
	v11 =	vld [tilespmem:s1+$0x1410];
	[tilespmem:s4+$0x11B80] =	vst v10  }
0x22f: {  	p0 =	slt.u32 s14, $0x1C;
	s14 =	sadd.s32 $0x4, s14;
	s25 =	sadd.s32 s15, s31;
	v10 =	vld [tilespmem:s0+$0x1410];
	[tilespmem:s8+$0x11B70] =	vst v12  }
0x230: {  	s18 =	sadd.s32 s17, s25;
	[tilespmem:s13+$0x11A80] =	vst v13;
	v12 =	vld [tilespmem:s7+$0x1400]  }
0x231: {  	v13 =	vld [tilespmem:s18+$0x0]  }
0x232: {  	v14 =	vld [tilespmem:s2+$0xC10]  }
0x233: {  	s15 =	smul.u32 $0x3F1, s20;
	[tilespmem:s10+$0x11B90] =	vst v11  }
0x234: {  	v11 =	vld [tilespmem:s1+$0x1420];
	[tilespmem:s6+$0x11B90] =	vst v10  }
0x235: {  	v10 =	vld [tilespmem:s0+$0x1420];
	[tilespmem:s3+$0x11B80] =	vst v12  }
0x236: {  	[tilespmem:s15+$0x11900] =	vst v13;
	v12 =	vld [tilespmem:s7+$0x1410]  }
0x237: {  	v13 =	vld [tilespmem:s18+$0x10];
	[tilespmem:s5+$0x11A90] =	vst v14  }
0x238: {  	v14 =	vld [tilespmem:s2+$0xC20]  }
0x239: {  	[tilespmem:s10+$0x11BA0] =	vst v11  }
0x23a: {  	s20 =	sor.u32 $0x2, s20;
	v11 =	vld [tilespmem:s1+$0x1430];
	[tilespmem:s6+$0x11BA0] =	vst v10  }
0x23b: {  	s17 =	sshll.u32 s20, $0x7;
	v10 =	vld [tilespmem:s0+$0x1430];
	[tilespmem:s8+$0x11B90] =	vst v12  }
0x23c: {  	s21 =	sand.u32 $0x280, s21;
	s17 =	sand.u32 $0x300, s17;
	[tilespmem:s15+$0x11910] =	vst v13;
	v12 =	vld [tilespmem:s7+$0x1420]  }
0x23d: {  	s23 =	sadd.s32 s21, s25;
	v13 =	vld [tilespmem:s18+$0x20];
	[tilespmem:s5+$0x11AA0] =	vst v14  }
0x23e: {  	s22 =	sadd.s32 s17, s25;
	v14 =	vld [tilespmem:s23+$0x0]  }
0x23f: {  	s17 =	sadd.s32 s24, s25;
	v15 =	vld [tilespmem:s22+$0x0];
	[tilespmem:s10+$0x11BB0] =	vst v11  }
0x240: {  	s21 =	smul.u32 $0x3F1, s19;
	v11 =	vld [tilespmem:s1+$0x1440];
	[tilespmem:s6+$0x11BB0] =	vst v10  }
0x241: {  	s20 =	smul.u32 $0x3F1, s20;
	v16 =	vld [tilespmem:s17+$0x0];
	[tilespmem:s8+$0x11BA0] =	vst v12  }
0x242: {  	s16 =	smul.u32 $0x3F1, s16;
	[tilespmem:s15+$0x11920] =	vst v13;
	v12 =	vld [tilespmem:s2+$0xC30]  }
0x243: {  	[tilespmem:s21+$0x11900] =	vst v14;
	v13 =	vld [tilespmem:s0+$0x1440]  }
0x244: {  	v14 =	vld [tilespmem:s23+$0x10];
	[tilespmem:s20+$0x11900] =	vst v15  }
0x245: {  	v15 =	vld [tilespmem:s22+$0x10]  }
0x246: {  	[tilespmem:s10+$0x11BC0] =	vst v11;
	v10 =	vld [tilespmem:s7+$0x1430]  }
0x247: {  	[tilespmem:s5+$0x11AB0] =	vst v12;
	v11 =	vld [tilespmem:s1+$0x1450]  }
0x248: {  	v12 =	vld [tilespmem:s2+$0xC40];
	[tilespmem:s6+$0x11BC0] =	vst v13  }
0x249: {  	[tilespmem:s21+$0x11910] =	vst v14;
	v13 =	vld [tilespmem:s0+$0x1450]  }
0x24a: {  	v14 =	vld [tilespmem:s23+$0x20];
	[tilespmem:s20+$0x11910] =	vst v15  }
0x24b: {  	v15 =	vld [tilespmem:s22+$0x20];
	[tilespmem:s16+$0x11900] =	vst v16  }
0x24c: {  	v16 =	vld [tilespmem:s17+$0x10];
	[tilespmem:s10+$0x11BD0] =	vst v11  }
0x24d: {  	[tilespmem:s5+$0x11AC0] =	vst v12;
	v11 =	vld [tilespmem:s1+$0x1460]  }
0x24e: {  	v12 =	vld [tilespmem:s2+$0xC50];
	[tilespmem:s6+$0x11BD0] =	vst v13  }
0x24f: {  	[tilespmem:s21+$0x11920] =	vst v14;
	v13 =	vld [tilespmem:s0+$0x1460]  }
0x250: {  	v14 =	vld [tilespmem:s23+$0x30];
	[tilespmem:s20+$0x11920] =	vst v15  }
0x251: {  	v15 =	vld [tilespmem:s22+$0x30];
	[tilespmem:s16+$0x11910] =	vst v16  }
0x252: {  	v16 =	vld [tilespmem:s17+$0x20];
	[tilespmem:s10+$0x11BE0] =	vst v11  }
0x253: {  	[tilespmem:s5+$0x11AD0] =	vst v12;
	v11 =	vld [tilespmem:s1+$0x1470]  }
0x254: {  	v12 =	vld [tilespmem:s2+$0xC60];
	[tilespmem:s6+$0x11BE0] =	vst v13  }
0x255: {  	[tilespmem:s21+$0x11930] =	vst v14;
	v13 =	vld [tilespmem:s0+$0x1470]  }
0x256: {  	v14 =	vld [tilespmem:s23+$0x40];
	[tilespmem:s20+$0x11930] =	vst v15  }
0x257: {  	v15 =	vld [tilespmem:s22+$0x40];
	[tilespmem:s16+$0x11920] =	vst v16  }
0x258: {  	v16 =	vld [tilespmem:s17+$0x30];
	[tilespmem:s10+$0x11BF0] =	vst v11  }
0x259: {  	[tilespmem:s5+$0x11AE0] =	vst v12;
	v11 =	vld [tilespmem:s1+$0x1800]  }
0x25a: {  	v12 =	vld [tilespmem:s2+$0xC70];
	[tilespmem:s6+$0x11BF0] =	vst v13  }
0x25b: {  	[tilespmem:s21+$0x11940] =	vst v14;
	v13 =	vld [tilespmem:s0+$0x1800]  }
0x25c: {  	v14 =	vld [tilespmem:s23+$0x50];
	[tilespmem:s20+$0x11940] =	vst v15  }
0x25d: {  	v15 =	vld [tilespmem:s22+$0x50];
	[tilespmem:s16+$0x11930] =	vst v16  }
0x25e: {  	v16 =	vld [tilespmem:s17+$0x40];
	[tilespmem:s9+$0x11C00] =	vst v11  }
0x25f: {  	[tilespmem:s5+$0x11AF0] =	vst v12;
	v11 =	vld [tilespmem:s1+$0x1810]  }
0x260: {  	v12 =	vld [tilespmem:s2+$0x1000];
	[tilespmem:s4+$0x11C00] =	vst v13  }
0x261: {  	[tilespmem:s21+$0x11950] =	vst v14;
	v13 =	vld [tilespmem:s0+$0x1810]  }
0x262: {  	v14 =	vld [tilespmem:s23+$0x60];
	[tilespmem:s20+$0x11950] =	vst v15  }
0x263: {  	v15 =	vld [tilespmem:s22+$0x60];
	[tilespmem:s16+$0x11940] =	vst v16  }
0x264: {  	v16 =	vld [tilespmem:s17+$0x50];
	[tilespmem:s10+$0x11C10] =	vst v11  }
0x265: {  	[tilespmem:s13+$0x11B00] =	vst v12;
	v11 =	vld [tilespmem:s1+$0x1820]  }
0x266: {  	v12 =	vld [tilespmem:s2+$0x1010];
	[tilespmem:s6+$0x11C10] =	vst v13  }
0x267: {  	[tilespmem:s21+$0x11960] =	vst v14;
	v13 =	vld [tilespmem:s0+$0x1820]  }
0x268: {  	v14 =	vld [tilespmem:s23+$0x70];
	[tilespmem:s20+$0x11960] =	vst v15  }
0x269: {  	v15 =	vld [tilespmem:s22+$0x70];
	[tilespmem:s16+$0x11950] =	vst v16  }
0x26a: {  	v16 =	vld [tilespmem:s17+$0x60];
	[tilespmem:s10+$0x11C20] =	vst v11  }
0x26b: {  	[tilespmem:s5+$0x11B10] =	vst v12;
	v11 =	vld [tilespmem:s1+$0x1830]  }
0x26c: {  	v12 =	vld [tilespmem:s2+$0x1020];
	[tilespmem:s6+$0x11C20] =	vst v13  }
0x26d: {  	[tilespmem:s21+$0x11970] =	vst v14;
	v13 =	vld [tilespmem:s0+$0x1830]  }
0x26e: {  	v14 =	vld [tilespmem:s23+$0x400];
	[tilespmem:s20+$0x11970] =	vst v15  }
0x26f: {  	v15 =	vld [tilespmem:s22+$0x400];
	[tilespmem:s16+$0x11960] =	vst v16  }
0x270: {  	v16 =	vld [tilespmem:s17+$0x70];
	[tilespmem:s10+$0x11C30] =	vst v11  }
0x271: {  	[tilespmem:s5+$0x11B20] =	vst v12;
	v11 =	vld [tilespmem:s1+$0x1840]  }
0x272: {  	s25 =	sand.u32 $0x7FFD, s21;
	s24 =	sand.u32 $0x7FFE, s20;
	v12 =	vld [tilespmem:s2+$0x1030];
	[tilespmem:s6+$0x11C30] =	vst v13  }
0x273: {  	s19 =	sand.u32 $0x7FFF, s16;
	[tilespmem:s25+$0x11980] =	vst v14;
	v13 =	vld [tilespmem:s0+$0x1840]  }
0x274: {  	v14 =	vld [tilespmem:s23+$0x410];
	[tilespmem:s24+$0x11980] =	vst v15  }
0x275: {  	v15 =	vld [tilespmem:s22+$0x410];
	[tilespmem:s16+$0x11970] =	vst v16  }
0x276: {  	v16 =	vld [tilespmem:s17+$0x400];
	[tilespmem:s10+$0x11C40] =	vst v11  }
0x277: {  	[tilespmem:s5+$0x11B30] =	vst v12;
	v11 =	vld [tilespmem:s1+$0x1850]  }
0x278: {  	v12 =	vld [tilespmem:s2+$0x1040];
	[tilespmem:s6+$0x11C40] =	vst v13  }
0x279: {  	[tilespmem:s21+$0x11990] =	vst v14;
	v13 =	vld [tilespmem:s0+$0x1850]  }
0x27a: {  	v14 =	vld [tilespmem:s23+$0x420];
	[tilespmem:s20+$0x11990] =	vst v15  }
0x27b: {  	v15 =	vld [tilespmem:s22+$0x420];
	[tilespmem:s19+$0x11980] =	vst v16  }
0x27c: {  	v16 =	vld [tilespmem:s17+$0x410];
	[tilespmem:s10+$0x11C50] =	vst v11  }
0x27d: {  	[tilespmem:s5+$0x11B40] =	vst v12;
	v11 =	vld [tilespmem:s1+$0x1860]  }
0x27e: {  	v12 =	vld [tilespmem:s2+$0x1050];
	[tilespmem:s6+$0x11C50] =	vst v13  }
0x27f: {  	[tilespmem:s21+$0x119A0] =	vst v14;
	v13 =	vld [tilespmem:s0+$0x1860]  }
0x280: {  	v14 =	vld [tilespmem:s23+$0x430];
	[tilespmem:s20+$0x119A0] =	vst v15  }
0x281: {  	v15 =	vld [tilespmem:s22+$0x430];
	[tilespmem:s16+$0x11990] =	vst v16  }
0x282: {  	v16 =	vld [tilespmem:s17+$0x420];
	[tilespmem:s10+$0x11C60] =	vst v11  }
0x283: {  	[tilespmem:s5+$0x11B50] =	vst v12;
	v11 =	vld [tilespmem:s1+$0x1870]  }
0x284: {  	v12 =	vld [tilespmem:s2+$0x1060];
	[tilespmem:s6+$0x11C60] =	vst v13  }
0x285: {  	[tilespmem:s21+$0x119B0] =	vst v14;
	v13 =	vld [tilespmem:s0+$0x1870]  }
0x286: {  	v14 =	vld [tilespmem:s23+$0x440];
	[tilespmem:s20+$0x119B0] =	vst v15  }
0x287: {  	v15 =	vld [tilespmem:s22+$0x440];
	[tilespmem:s16+$0x119A0] =	vst v16  }
0x288: {  	v16 =	vld [tilespmem:s17+$0x430];
	[tilespmem:s10+$0x11C70] =	vst v11  }
0x289: {  	[tilespmem:s5+$0x11B60] =	vst v12;
	v11 =	vld [tilespmem:s1+$0x1C00]  }
0x28a: {  	v12 =	vld [tilespmem:s2+$0x1070];
	[tilespmem:s6+$0x11C70] =	vst v13  }
0x28b: {  	[tilespmem:s21+$0x119C0] =	vst v14;
	v13 =	vld [tilespmem:s0+$0x1C00]  }
0x28c: {  	v14 =	vld [tilespmem:s23+$0x450];
	[tilespmem:s20+$0x119C0] =	vst v15  }
0x28d: {  	v15 =	vld [tilespmem:s22+$0x450];
	[tilespmem:s16+$0x119B0] =	vst v16  }
0x28e: {  	v16 =	vld [tilespmem:s17+$0x440];
	[tilespmem:s9+$0x11C80] =	vst v11;
	s9 =	smov.u32 s25  }
0x28f: {  	[tilespmem:s5+$0x11B70] =	vst v12;
	v11 =	vld [tilespmem:s1+$0x1C10]  }
0x290: {  	v12 =	vld [tilespmem:s2+$0x1400];
	[tilespmem:s4+$0x11C80] =	vst v13;
	s4 =	smov.u32 s24  }
0x291: {  	[tilespmem:s21+$0x119D0] =	vst v14;
	v13 =	vld [tilespmem:s0+$0x1C10]  }
0x292: {  	v14 =	vld [tilespmem:s23+$0x460];
	[tilespmem:s20+$0x119D0] =	vst v15  }
0x293: {  	v15 =	vld [tilespmem:s22+$0x460];
	[tilespmem:s16+$0x119C0] =	vst v16  }
0x294: {  	v16 =	vld [tilespmem:s17+$0x450];
	[tilespmem:s10+$0x11C90] =	vst v11  }
0x295: {  	[tilespmem:s13+$0x11B80] =	vst v12;
	v11 =	vld [tilespmem:s1+$0x1C20]  }
0x296: {  	v12 =	vld [tilespmem:s2+$0x1410];
	[tilespmem:s6+$0x11C90] =	vst v13  }
0x297: {  	[tilespmem:s21+$0x119E0] =	vst v14;
	v13 =	vld [tilespmem:s0+$0x1C20]  }
0x298: {  	v14 =	vld [tilespmem:s23+$0x470];
	[tilespmem:s20+$0x119E0] =	vst v15  }
0x299: {  	v15 =	vld [tilespmem:s22+$0x470];
	[tilespmem:s16+$0x119D0] =	vst v16  }
0x29a: {  	v16 =	vld [tilespmem:s17+$0x460];
	[tilespmem:s10+$0x11CA0] =	vst v11  }
0x29b: {  	[tilespmem:s5+$0x11B90] =	vst v12;
	v11 =	vld [tilespmem:s1+$0x1C30]  }
0x29c: {  	v12 =	vld [tilespmem:s2+$0x1420];
	[tilespmem:s6+$0x11CA0] =	vst v13  }
0x29d: {  	[tilespmem:s21+$0x119F0] =	vst v14;
	v13 =	vld [tilespmem:s0+$0x1C30]  }
0x29e: {  	v14 =	vld [tilespmem:s23+$0x800];
	[tilespmem:s20+$0x119F0] =	vst v15  }
0x29f: {  	v15 =	vld [tilespmem:s22+$0x800];
	[tilespmem:s16+$0x119E0] =	vst v16  }
0x2a0: {  	v16 =	vld [tilespmem:s17+$0x470];
	[tilespmem:s10+$0x11CB0] =	vst v11  }
0x2a1: {  	[tilespmem:s5+$0x11BA0] =	vst v12;
	v11 =	vld [tilespmem:s1+$0x1C40]  }
0x2a2: {  	v12 =	vld [tilespmem:s2+$0x1430];
	[tilespmem:s6+$0x11CB0] =	vst v13  }
0x2a3: {  	[tilespmem:s9+$0x11A00] =	vst v14;
	v13 =	vld [tilespmem:s0+$0x1C40]  }
0x2a4: {  	v14 =	vld [tilespmem:s23+$0x810];
	[tilespmem:s4+$0x11A00] =	vst v15  }
0x2a5: {  	v15 =	vld [tilespmem:s22+$0x810];
	[tilespmem:s16+$0x119F0] =	vst v16  }
0x2a6: {  	v16 =	vld [tilespmem:s17+$0x800];
	[tilespmem:s10+$0x11CC0] =	vst v11  }
0x2a7: {  	[tilespmem:s5+$0x11BB0] =	vst v12;
	v11 =	vld [tilespmem:s1+$0x1C50]  }
0x2a8: {  	v12 =	vld [tilespmem:s2+$0x1440];
	[tilespmem:s6+$0x11CC0] =	vst v13  }
0x2a9: {  	[tilespmem:s21+$0x11A10] =	vst v14;
	v13 =	vld [tilespmem:s0+$0x1C50]  }
0x2aa: {  	v14 =	vld [tilespmem:s23+$0x820];
	[tilespmem:s20+$0x11A10] =	vst v15  }
0x2ab: {  	v15 =	vld [tilespmem:s22+$0x820];
	[tilespmem:s19+$0x11A00] =	vst v16  }
0x2ac: {  	v16 =	vld [tilespmem:s17+$0x810];
	[tilespmem:s10+$0x11CD0] =	vst v11  }
0x2ad: {  	[tilespmem:s5+$0x11BC0] =	vst v12;
	v11 =	vld [tilespmem:s1+$0x1C58];
	s1 =	smov.u32 s23  }
0x2ae: {  	v12 =	vld [tilespmem:s2+$0x1450];
	[tilespmem:s6+$0x11CD0] =	vst v13  }
0x2af: {  	[tilespmem:s21+$0x11A20] =	vst v14;
	v13 =	vld [tilespmem:s0+$0x1C58];
	s0 =	smov.u32 s22  }
0x2b0: {  	v14 =	vld [tilespmem:s1+$0x830];
	[tilespmem:s20+$0x11A20] =	vst v15  }
0x2b1: {  	v15 =	vld [tilespmem:s0+$0x830];
	[tilespmem:s16+$0x11A10] =	vst v16  }
0x2b2: {  	v16 =	vld [tilespmem:s17+$0x820];
	[tilespmem:s10+$0x11CD8] =	vst v11;
	s10 =	smov.u32 s21  }
0x2b3: {  	v11 =	vld [tilespmem:s18+$0x30];
	[tilespmem:s5+$0x11BD0] =	vst v12  }
0x2b4: {  	v12 =	vld [tilespmem:s2+$0x1460];
	[tilespmem:s6+$0x11CD8] =	vst v13;
	s6 =	smov.u32 s20  }
0x2b5: {  	[tilespmem:s10+$0x11A30] =	vst v14  }
0x2b6: {  	v13 =	vld [tilespmem:s1+$0x840];
	[tilespmem:s6+$0x11A30] =	vst v15  }
0x2b7: {  	v14 =	vld [tilespmem:s0+$0x840];
	[tilespmem:s16+$0x11A20] =	vst v16  }
0x2b8: {  	[tilespmem:s15+$0x11930] =	vst v11;
	v11 =	vld [tilespmem:s17+$0x830]  }
0x2b9: {  	v15 =	vld [tilespmem:s18+$0x40];
	[tilespmem:s5+$0x11BE0] =	vst v12  }
0x2ba: {  	v12 =	vld [tilespmem:s2+$0x1470];
	[tilespmem:s8+$0x11BB0] =	vst v10  }
0x2bb: {  	[tilespmem:s10+$0x11A40] =	vst v13;
	v10 =	vld [tilespmem:s7+$0x1440]  }
0x2bc: {  	v13 =	vld [tilespmem:s1+$0x850];
	[tilespmem:s6+$0x11A40] =	vst v14  }
0x2bd: {  	v14 =	vld [tilespmem:s0+$0x850];
	[tilespmem:s16+$0x11A30] =	vst v11  }
0x2be: {  	[tilespmem:s15+$0x11940] =	vst v15;
	v11 =	vld [tilespmem:s17+$0x840]  }
0x2bf: {  	v15 =	vld [tilespmem:s18+$0x50];
	[tilespmem:s5+$0x11BF0] =	vst v12  }
0x2c0: {  	v12 =	vld [tilespmem:s2+$0x1800];
	[tilespmem:s8+$0x11BC0] =	vst v10  }
0x2c1: {  	[tilespmem:s10+$0x11A50] =	vst v13;
	v10 =	vld [tilespmem:s7+$0x1450]  }
0x2c2: {  	v13 =	vld [tilespmem:s1+$0x860];
	[tilespmem:s6+$0x11A50] =	vst v14  }
0x2c3: {  	v14 =	vld [tilespmem:s0+$0x860];
	[tilespmem:s16+$0x11A40] =	vst v11  }
0x2c4: {  	[tilespmem:s15+$0x11950] =	vst v15;
	v11 =	vld [tilespmem:s17+$0x850]  }
0x2c5: {  	v15 =	vld [tilespmem:s18+$0x60];
	[tilespmem:s13+$0x11C00] =	vst v12  }
0x2c6: {  	v12 =	vld [tilespmem:s2+$0x1810];
	[tilespmem:s8+$0x11BD0] =	vst v10  }
0x2c7: {  	[tilespmem:s10+$0x11A60] =	vst v13;
	v10 =	vld [tilespmem:s7+$0x1460]  }
0x2c8: {  	v13 =	vld [tilespmem:s1+$0x870];
	[tilespmem:s6+$0x11A60] =	vst v14  }
0x2c9: {  	v14 =	vld [tilespmem:s0+$0x870];
	[tilespmem:s16+$0x11A50] =	vst v11  }
0x2ca: {  	[tilespmem:s15+$0x11960] =	vst v15;
	v11 =	vld [tilespmem:s17+$0x860]  }
0x2cb: {  	v15 =	vld [tilespmem:s18+$0x70];
	[tilespmem:s5+$0x11C10] =	vst v12  }
0x2cc: {  	v12 =	vld [tilespmem:s2+$0x1820];
	[tilespmem:s8+$0x11BE0] =	vst v10  }
0x2cd: {  	[tilespmem:s10+$0x11A70] =	vst v13;
	v10 =	vld [tilespmem:s7+$0x1470]  }
0x2ce: {  	v13 =	vld [tilespmem:s1+$0xC00];
	[tilespmem:s6+$0x11A70] =	vst v14  }
0x2cf: {  	v14 =	vld [tilespmem:s0+$0xC00];
	[tilespmem:s16+$0x11A60] =	vst v11  }
0x2d0: {  	[tilespmem:s15+$0x11970] =	vst v15;
	v11 =	vld [tilespmem:s17+$0x870]  }
0x2d1: {  	v15 =	vld [tilespmem:s18+$0x400];
	[tilespmem:s5+$0x11C20] =	vst v12  }
0x2d2: {  	v12 =	vld [tilespmem:s2+$0x1830];
	[tilespmem:s8+$0x11BF0] =	vst v10  }
0x2d3: {  	[tilespmem:s9+$0x11A80] =	vst v13;
	v10 =	vld [tilespmem:s7+$0x1800]  }
0x2d4: {  	v13 =	vld [tilespmem:s1+$0xC10];
	[tilespmem:s4+$0x11A80] =	vst v14  }
0x2d5: {  	s20 =	sand.u32 $0x7FFC, s15;
	v14 =	vld [tilespmem:s0+$0xC10];
	[tilespmem:s16+$0x11A70] =	vst v11  }
0x2d6: {  	[tilespmem:s20+$0x11980] =	vst v15;
	v11 =	vld [tilespmem:s17+$0xC00]  }
0x2d7: {  	v15 =	vld [tilespmem:s18+$0x410];
	[tilespmem:s5+$0x11C30] =	vst v12  }
0x2d8: {  	v12 =	vld [tilespmem:s2+$0x1840];
	[tilespmem:s3+$0x11C00] =	vst v10  }
0x2d9: {  	[tilespmem:s10+$0x11A90] =	vst v13;
	v10 =	vld [tilespmem:s7+$0x1810]  }
0x2da: {  	v13 =	vld [tilespmem:s1+$0xC20];
	[tilespmem:s6+$0x11A90] =	vst v14  }
0x2db: {  	v14 =	vld [tilespmem:s0+$0xC20];
	[tilespmem:s19+$0x11A80] =	vst v11  }
0x2dc: {  	[tilespmem:s15+$0x11990] =	vst v15;
	v11 =	vld [tilespmem:s17+$0xC10]  }
0x2dd: {  	v15 =	vld [tilespmem:s18+$0x420];
	[tilespmem:s5+$0x11C40] =	vst v12  }
0x2de: {  	v12 =	vld [tilespmem:s2+$0x1850];
	[tilespmem:s8+$0x11C10] =	vst v10  }
0x2df: {  	[tilespmem:s10+$0x11AA0] =	vst v13;
	v10 =	vld [tilespmem:s7+$0x1820]  }
0x2e0: {  	v13 =	vld [tilespmem:s1+$0xC30];
	[tilespmem:s6+$0x11AA0] =	vst v14  }
0x2e1: {  	v14 =	vld [tilespmem:s0+$0xC30];
	[tilespmem:s16+$0x11A90] =	vst v11  }
0x2e2: {  	[tilespmem:s15+$0x119A0] =	vst v15;
	v11 =	vld [tilespmem:s17+$0xC20]  }
0x2e3: {  	v15 =	vld [tilespmem:s18+$0x430];
	[tilespmem:s5+$0x11C50] =	vst v12  }
0x2e4: {  	v12 =	vld [tilespmem:s2+$0x1860];
	[tilespmem:s8+$0x11C20] =	vst v10  }
0x2e5: {  	[tilespmem:s10+$0x11AB0] =	vst v13;
	v10 =	vld [tilespmem:s7+$0x1830]  }
0x2e6: {  	v13 =	vld [tilespmem:s1+$0xC40];
	[tilespmem:s6+$0x11AB0] =	vst v14  }
0x2e7: {  	v14 =	vld [tilespmem:s0+$0xC40];
	[tilespmem:s16+$0x11AA0] =	vst v11  }
0x2e8: {  	[tilespmem:s15+$0x119B0] =	vst v15;
	v11 =	vld [tilespmem:s17+$0xC30]  }
0x2e9: {  	v15 =	vld [tilespmem:s18+$0x440];
	[tilespmem:s5+$0x11C60] =	vst v12  }
0x2ea: {  	v12 =	vld [tilespmem:s2+$0x1870];
	[tilespmem:s8+$0x11C30] =	vst v10  }
0x2eb: {  	[tilespmem:s10+$0x11AC0] =	vst v13;
	v10 =	vld [tilespmem:s7+$0x1840]  }
0x2ec: {  	v13 =	vld [tilespmem:s1+$0xC50];
	[tilespmem:s6+$0x11AC0] =	vst v14  }
0x2ed: {  	v14 =	vld [tilespmem:s0+$0xC50];
	[tilespmem:s16+$0x11AB0] =	vst v11  }
0x2ee: {  	[tilespmem:s15+$0x119C0] =	vst v15;
	v11 =	vld [tilespmem:s17+$0xC40]  }
0x2ef: {  	v15 =	vld [tilespmem:s18+$0x450];
	[tilespmem:s5+$0x11C70] =	vst v12  }
0x2f0: {  	v12 =	vld [tilespmem:s2+$0x1C00];
	[tilespmem:s8+$0x11C40] =	vst v10  }
0x2f1: {  	[tilespmem:s10+$0x11AD0] =	vst v13;
	v10 =	vld [tilespmem:s7+$0x1850]  }
0x2f2: {  	v13 =	vld [tilespmem:s1+$0xC60];
	[tilespmem:s6+$0x11AD0] =	vst v14  }
0x2f3: {  	v14 =	vld [tilespmem:s0+$0xC60];
	[tilespmem:s16+$0x11AC0] =	vst v11  }
0x2f4: {  	[tilespmem:s15+$0x119D0] =	vst v15;
	v11 =	vld [tilespmem:s17+$0xC50]  }
0x2f5: {  	v15 =	vld [tilespmem:s18+$0x460];
	[tilespmem:s13+$0x11C80] =	vst v12;
	s13 =	smov.u32 s20  }
0x2f6: {  	v12 =	vld [tilespmem:s2+$0x1C10];
	[tilespmem:s8+$0x11C50] =	vst v10  }
0x2f7: {  	[tilespmem:s10+$0x11AE0] =	vst v13;
	v10 =	vld [tilespmem:s7+$0x1860]  }
0x2f8: {  	v13 =	vld [tilespmem:s1+$0xC70];
	[tilespmem:s6+$0x11AE0] =	vst v14  }
0x2f9: {  	v14 =	vld [tilespmem:s0+$0xC70];
	[tilespmem:s16+$0x11AD0] =	vst v11  }
0x2fa: {  	[tilespmem:s15+$0x119E0] =	vst v15;
	v11 =	vld [tilespmem:s17+$0xC60]  }
0x2fb: {  	v15 =	vld [tilespmem:s18+$0x470];
	[tilespmem:s5+$0x11C90] =	vst v12  }
0x2fc: {  	v12 =	vld [tilespmem:s2+$0x1C20];
	[tilespmem:s8+$0x11C60] =	vst v10  }
0x2fd: {  	[tilespmem:s10+$0x11AF0] =	vst v13;
	v10 =	vld [tilespmem:s7+$0x1870]  }
0x2fe: {  	v13 =	vld [tilespmem:s1+$0x1000];
	[tilespmem:s6+$0x11AF0] =	vst v14  }
0x2ff: {  	v14 =	vld [tilespmem:s0+$0x1000];
	[tilespmem:s16+$0x11AE0] =	vst v11  }
0x300: {  	[tilespmem:s15+$0x119F0] =	vst v15;
	v11 =	vld [tilespmem:s17+$0xC70]  }
0x301: {  	v15 =	vld [tilespmem:s18+$0x800];
	[tilespmem:s5+$0x11CA0] =	vst v12  }
0x302: {  	v12 =	vld [tilespmem:s2+$0x1C30];
	[tilespmem:s8+$0x11C70] =	vst v10  }
0x303: {  	[tilespmem:s9+$0x11B00] =	vst v13;
	v10 =	vld [tilespmem:s7+$0x1C00]  }
0x304: {  	v13 =	vld [tilespmem:s1+$0x1010];
	[tilespmem:s4+$0x11B00] =	vst v14  }
0x305: {  	v14 =	vld [tilespmem:s0+$0x1010];
	[tilespmem:s16+$0x11AF0] =	vst v11  }
0x306: {  	[tilespmem:s13+$0x11A00] =	vst v15;
	v11 =	vld [tilespmem:s17+$0x1000]  }
0x307: {  	v15 =	vld [tilespmem:s18+$0x810];
	[tilespmem:s5+$0x11CB0] =	vst v12  }
0x308: {  	v12 =	vld [tilespmem:s2+$0x1C40];
	[tilespmem:s3+$0x11C80] =	vst v10;
	s3 =	smov.u32 s19  }
0x309: {  	[tilespmem:s10+$0x11B10] =	vst v13;
	v10 =	vld [tilespmem:s7+$0x1C10]  }
0x30a: {  	v13 =	vld [tilespmem:s1+$0x1020];
	[tilespmem:s6+$0x11B10] =	vst v14  }
0x30b: {  	v14 =	vld [tilespmem:s0+$0x1020];
	[tilespmem:s3+$0x11B00] =	vst v11  }
0x30c: {  	[tilespmem:s15+$0x11A10] =	vst v15;
	v11 =	vld [tilespmem:s17+$0x1010]  }
0x30d: {  	v15 =	vld [tilespmem:s18+$0x820];
	[tilespmem:s5+$0x11CC0] =	vst v12  }
0x30e: {  	v12 =	vld [tilespmem:s2+$0x1C50];
	[tilespmem:s8+$0x11C90] =	vst v10  }
0x30f: {  	[tilespmem:s10+$0x11B20] =	vst v13;
	v10 =	vld [tilespmem:s7+$0x1C20]  }
0x310: {  	v13 =	vld [tilespmem:s1+$0x1030];
	[tilespmem:s6+$0x11B20] =	vst v14  }
0x311: {  	v14 =	vld [tilespmem:s0+$0x1030];
	[tilespmem:s16+$0x11B10] =	vst v11  }
0x312: {  	[tilespmem:s15+$0x11A20] =	vst v15;
	v11 =	vld [tilespmem:s17+$0x1020]  }
0x313: {  	v15 =	vld [tilespmem:s18+$0x830];
	[tilespmem:s5+$0x11CD0] =	vst v12  }
0x314: {  	v12 =	vld [tilespmem:s2+$0x1C58];
	[tilespmem:s8+$0x11CA0] =	vst v10;
	s2 =	smov.u32 s18  }
0x315: {  	[tilespmem:s10+$0x11B30] =	vst v13;
	v10 =	vld [tilespmem:s7+$0x1C30]  }
0x316: {  	v13 =	vld [tilespmem:s1+$0x1040];
	[tilespmem:s6+$0x11B30] =	vst v14  }
0x317: {  	v14 =	vld [tilespmem:s0+$0x1040];
	[tilespmem:s16+$0x11B20] =	vst v11  }
0x318: {  	[tilespmem:s15+$0x11A30] =	vst v15;
	v11 =	vld [tilespmem:s17+$0x1030]  }
0x319: {  	v15 =	vld [tilespmem:s2+$0x840];
	[tilespmem:s5+$0x11CD8] =	vst v12;
	s5 =	smov.u32 s15  }
0x31a: {  	[tilespmem:s8+$0x11CB0] =	vst v10  }
0x31b: {  	[tilespmem:s10+$0x11B40] =	vst v13;
	v10 =	vld [tilespmem:s7+$0x1C40]  }
0x31c: {  	v12 =	vld [tilespmem:s1+$0x1050];
	[tilespmem:s6+$0x11B40] =	vst v14  }
0x31d: {  	v13 =	vld [tilespmem:s0+$0x1050];
	[tilespmem:s16+$0x11B30] =	vst v11  }
0x31e: {  	[tilespmem:s5+$0x11A40] =	vst v15;
	v11 =	vld [tilespmem:s17+$0x1040]  }
0x31f: {  	v14 =	vld [tilespmem:s2+$0x850]  }
0x320: {  	[tilespmem:s8+$0x11CC0] =	vst v10  }
0x321: {  	[tilespmem:s10+$0x11B50] =	vst v12;
	v10 =	vld [tilespmem:s7+$0x1C50]  }
0x322: {  	v12 =	vld [tilespmem:s1+$0x1060];
	[tilespmem:s6+$0x11B50] =	vst v13  }
0x323: {  	v13 =	vld [tilespmem:s0+$0x1060];
	[tilespmem:s16+$0x11B40] =	vst v11  }
0x324: {  	[tilespmem:s5+$0x11A50] =	vst v14;
	v11 =	vld [tilespmem:s17+$0x1050]  }
0x325: {  	v14 =	vld [tilespmem:s2+$0x860]  }
0x326: {  	[tilespmem:s8+$0x11CD0] =	vst v10  }
0x327: {  	[tilespmem:s10+$0x11B60] =	vst v12;
	v10 =	vld [tilespmem:s7+$0x1C58];
	s7 =	smov.u32 s17  }
0x328: {  	v12 =	vld [tilespmem:s1+$0x1070];
	[tilespmem:s6+$0x11B60] =	vst v13  }
0x329: {  	v13 =	vld [tilespmem:s0+$0x1070];
	[tilespmem:s16+$0x11B50] =	vst v11  }
0x32a: {  	[tilespmem:s5+$0x11A60] =	vst v14;
	v14 =	vld [tilespmem:s7+$0x1060]  }
0x32b: {  	v15 =	vld [tilespmem:s2+$0x870]  }
0x32c: {  	[tilespmem:s8+$0x11CD8] =	vst v10;
	s8 =	smov.u32 s16  }
.Ltmp2:
0x32d: {  	[tilespmem:s10+$0x11B70] =	vst v12;
	(pc) =	sbr.rel @p0 .LBB2_3-.Ltmp2, $4  }
0x32e: {  	v11 =	vld [tilespmem:s1+$0x1400];
	[tilespmem:s6+$0x11B70] =	vst v13  }
0x32f: {  	v10 =	vld [tilespmem:s0+$0x1400];
	[tilespmem:s8+$0x11B60] =	vst v14  }
0x330: {  	[tilespmem:s5+$0x11A70] =	vst v15;
	v12 =	vld [tilespmem:s7+$0x1070]  }
0x331: {  	v13 =	vld [tilespmem:s2+$0xC00]  }
0x332: {  	_ =	sdelay $0x3  }
0x333: {  	[tilespmem:s13+$0x11A80] =	vst v13  }
0x334: {  	v13 =	vld [tilespmem:s2+$0xC10];
	_ =	sdelay $0x4  }
0x335: {  	[tilespmem:s5+$0x11A90] =	vst v13  }
0x336: {  	v13 =	vld [tilespmem:s2+$0xC20];
	_ =	sdelay $0x4  }
0x337: {  	[tilespmem:s5+$0x11AA0] =	vst v13  }
0x338: {  	v13 =	vld [tilespmem:s2+$0xC30];
	_ =	sdelay $0x4  }
0x339: {  	[tilespmem:s5+$0x11AB0] =	vst v13  }
0x33a: {  	v13 =	vld [tilespmem:s2+$0xC40];
	_ =	sdelay $0x4  }
0x33b: {  	[tilespmem:s5+$0x11AC0] =	vst v13  }
0x33c: {  	v13 =	vld [tilespmem:s2+$0xC50];
	_ =	sdelay $0x4  }
0x33d: {  	[tilespmem:s5+$0x11AD0] =	vst v13  }
0x33e: {  	v13 =	vld [tilespmem:s2+$0xC60];
	_ =	sdelay $0x4  }
0x33f: {  	[tilespmem:s5+$0x11AE0] =	vst v13  }
0x340: {  	v13 =	vld [tilespmem:s2+$0xC70];
	_ =	sdelay $0x4  }
0x341: {  	[tilespmem:s5+$0x11AF0] =	vst v13  }
0x342: {  	v13 =	vld [tilespmem:s2+$0x1000];
	_ =	sdelay $0x4  }
0x343: {  	[tilespmem:s13+$0x11B00] =	vst v13  }
0x344: {  	v13 =	vld [tilespmem:s2+$0x1010];
	_ =	sdelay $0x4  }
0x345: {  	[tilespmem:s5+$0x11B10] =	vst v13  }
0x346: {  	v13 =	vld [tilespmem:s2+$0x1020];
	_ =	sdelay $0x4  }
0x347: {  	[tilespmem:s5+$0x11B20] =	vst v13  }
0x348: {  	v13 =	vld [tilespmem:s2+$0x1030];
	_ =	sdelay $0x4  }
0x349: {  	[tilespmem:s5+$0x11B30] =	vst v13  }
0x34a: {  	v13 =	vld [tilespmem:s2+$0x1040];
	_ =	sdelay $0x4  }
0x34b: {  	[tilespmem:s5+$0x11B40] =	vst v13  }
0x34c: {  	v13 =	vld [tilespmem:s2+$0x1050];
	_ =	sdelay $0x4  }
0x34d: {  	[tilespmem:s5+$0x11B50] =	vst v13  }
0x34e: {  	v13 =	vld [tilespmem:s2+$0x1060];
	_ =	sdelay $0x4  }
0x34f: {  	[tilespmem:s5+$0x11B60] =	vst v13  }
0x350: {  	v13 =	vld [tilespmem:s2+$0x1070];
	_ =	sdelay $0x3  }
0x351: {  	[tilespmem:s8+$0x11B70] =	vst v12  }
0x352: {  	[tilespmem:s5+$0x11B70] =	vst v13;
	v13 =	vld [tilespmem:s7+$0x1400]  }
0x353: {  	v12 =	vld [tilespmem:s2+$0x1400];
	_ =	sdelay $0x1  }
0x354: {  	[tilespmem:s9+$0x11B80] =	vst v11  }
0x355: {  	v11 =	vld [tilespmem:s1+$0x1410];
	[tilespmem:s4+$0x11B80] =	vst v10  }
0x356: {  	v10 =	vld [tilespmem:s0+$0x1410];
	[tilespmem:s3+$0x11B80] =	vst v13  }
0x357: {  	[tilespmem:s13+$0x11B80] =	vst v12;
	v13 =	vld [tilespmem:s7+$0x1410]  }
0x358: {  	v12 =	vld [tilespmem:s2+$0x1410];
	_ =	sdelay $0x1  }
0x359: {  	[tilespmem:s10+$0x11B90] =	vst v11  }
0x35a: {  	v11 =	vld [tilespmem:s1+$0x1420];
	[tilespmem:s6+$0x11B90] =	vst v10  }
0x35b: {  	v10 =	vld [tilespmem:s0+$0x1420];
	[tilespmem:s8+$0x11B90] =	vst v13  }
0x35c: {  	[tilespmem:s5+$0x11B90] =	vst v12;
	v13 =	vld [tilespmem:s7+$0x1420]  }
0x35d: {  	v12 =	vld [tilespmem:s2+$0x1420];
	_ =	sdelay $0x1  }
0x35e: {  	[tilespmem:s10+$0x11BA0] =	vst v11  }
0x35f: {  	v11 =	vld [tilespmem:s1+$0x1430];
	[tilespmem:s6+$0x11BA0] =	vst v10  }
0x360: {  	v10 =	vld [tilespmem:s0+$0x1430];
	[tilespmem:s8+$0x11BA0] =	vst v13  }
0x361: {  	[tilespmem:s5+$0x11BA0] =	vst v12;
	v13 =	vld [tilespmem:s7+$0x1430]  }
0x362: {  	v12 =	vld [tilespmem:s2+$0x1430];
	_ =	sdelay $0x1  }
0x363: {  	[tilespmem:s10+$0x11BB0] =	vst v11  }
0x364: {  	v11 =	vld [tilespmem:s1+$0x1440];
	[tilespmem:s6+$0x11BB0] =	vst v10  }
0x365: {  	v10 =	vld [tilespmem:s0+$0x1440];
	[tilespmem:s8+$0x11BB0] =	vst v13  }
0x366: {  	[tilespmem:s5+$0x11BB0] =	vst v12;
	v13 =	vld [tilespmem:s7+$0x1440]  }
0x367: {  	v12 =	vld [tilespmem:s2+$0x1440];
	_ =	sdelay $0x1  }
0x368: {  	[tilespmem:s10+$0x11BC0] =	vst v11  }
0x369: {  	v11 =	vld [tilespmem:s1+$0x1450];
	[tilespmem:s6+$0x11BC0] =	vst v10  }
0x36a: {  	v10 =	vld [tilespmem:s0+$0x1450];
	[tilespmem:s8+$0x11BC0] =	vst v13  }
0x36b: {  	[tilespmem:s5+$0x11BC0] =	vst v12;
	v13 =	vld [tilespmem:s7+$0x1450]  }
0x36c: {  	v12 =	vld [tilespmem:s2+$0x1450];
	_ =	sdelay $0x1  }
0x36d: {  	[tilespmem:s10+$0x11BD0] =	vst v11  }
0x36e: {  	v11 =	vld [tilespmem:s1+$0x1460];
	[tilespmem:s6+$0x11BD0] =	vst v10  }
0x36f: {  	v10 =	vld [tilespmem:s0+$0x1460];
	[tilespmem:s8+$0x11BD0] =	vst v13  }
0x370: {  	[tilespmem:s5+$0x11BD0] =	vst v12;
	v13 =	vld [tilespmem:s7+$0x1460]  }
0x371: {  	v12 =	vld [tilespmem:s2+$0x1460];
	_ =	sdelay $0x1  }
0x372: {  	[tilespmem:s10+$0x11BE0] =	vst v11  }
0x373: {  	v11 =	vld [tilespmem:s1+$0x1470];
	[tilespmem:s6+$0x11BE0] =	vst v10  }
0x374: {  	v10 =	vld [tilespmem:s0+$0x1470];
	[tilespmem:s8+$0x11BE0] =	vst v13  }
0x375: {  	[tilespmem:s5+$0x11BE0] =	vst v12;
	v13 =	vld [tilespmem:s7+$0x1470]  }
0x376: {  	v12 =	vld [tilespmem:s2+$0x1470];
	_ =	sdelay $0x1  }
0x377: {  	[tilespmem:s10+$0x11BF0] =	vst v11  }
0x378: {  	v11 =	vld [tilespmem:s1+$0x1800];
	[tilespmem:s6+$0x11BF0] =	vst v10  }
0x379: {  	v10 =	vld [tilespmem:s0+$0x1800];
	[tilespmem:s8+$0x11BF0] =	vst v13  }
0x37a: {  	[tilespmem:s5+$0x11BF0] =	vst v12;
	v13 =	vld [tilespmem:s7+$0x1800]  }
0x37b: {  	v12 =	vld [tilespmem:s2+$0x1800];
	_ =	sdelay $0x1  }
0x37c: {  	[tilespmem:s9+$0x11C00] =	vst v11  }
0x37d: {  	v11 =	vld [tilespmem:s1+$0x1810];
	[tilespmem:s4+$0x11C00] =	vst v10  }
0x37e: {  	v10 =	vld [tilespmem:s0+$0x1810];
	[tilespmem:s3+$0x11C00] =	vst v13  }
0x37f: {  	[tilespmem:s13+$0x11C00] =	vst v12;
	v13 =	vld [tilespmem:s7+$0x1810]  }
0x380: {  	v12 =	vld [tilespmem:s2+$0x1810];
	_ =	sdelay $0x1  }
0x381: {  	[tilespmem:s10+$0x11C10] =	vst v11  }
0x382: {  	v11 =	vld [tilespmem:s1+$0x1820];
	[tilespmem:s6+$0x11C10] =	vst v10  }
0x383: {  	v10 =	vld [tilespmem:s0+$0x1820];
	[tilespmem:s8+$0x11C10] =	vst v13  }
0x384: {  	[tilespmem:s5+$0x11C10] =	vst v12;
	v13 =	vld [tilespmem:s7+$0x1820]  }
0x385: {  	v12 =	vld [tilespmem:s2+$0x1820];
	_ =	sdelay $0x1  }
0x386: {  	[tilespmem:s10+$0x11C20] =	vst v11  }
0x387: {  	v11 =	vld [tilespmem:s1+$0x1830];
	[tilespmem:s6+$0x11C20] =	vst v10  }
0x388: {  	v10 =	vld [tilespmem:s0+$0x1830];
	[tilespmem:s8+$0x11C20] =	vst v13  }
0x389: {  	[tilespmem:s5+$0x11C20] =	vst v12;
	v13 =	vld [tilespmem:s7+$0x1830]  }
0x38a: {  	v12 =	vld [tilespmem:s2+$0x1830];
	_ =	sdelay $0x1  }
0x38b: {  	[tilespmem:s10+$0x11C30] =	vst v11  }
0x38c: {  	v11 =	vld [tilespmem:s1+$0x1840];
	[tilespmem:s6+$0x11C30] =	vst v10  }
0x38d: {  	v10 =	vld [tilespmem:s0+$0x1840];
	[tilespmem:s8+$0x11C30] =	vst v13  }
0x38e: {  	[tilespmem:s5+$0x11C30] =	vst v12;
	v13 =	vld [tilespmem:s7+$0x1840]  }
0x38f: {  	v12 =	vld [tilespmem:s2+$0x1840];
	_ =	sdelay $0x1  }
0x390: {  	[tilespmem:s10+$0x11C40] =	vst v11  }
0x391: {  	v11 =	vld [tilespmem:s1+$0x1850];
	[tilespmem:s6+$0x11C40] =	vst v10  }
0x392: {  	v10 =	vld [tilespmem:s0+$0x1850];
	[tilespmem:s8+$0x11C40] =	vst v13  }
0x393: {  	[tilespmem:s5+$0x11C40] =	vst v12;
	v13 =	vld [tilespmem:s7+$0x1850]  }
0x394: {  	v12 =	vld [tilespmem:s2+$0x1850];
	_ =	sdelay $0x1  }
0x395: {  	[tilespmem:s10+$0x11C50] =	vst v11  }
0x396: {  	v11 =	vld [tilespmem:s1+$0x1860];
	[tilespmem:s6+$0x11C50] =	vst v10  }
0x397: {  	v10 =	vld [tilespmem:s0+$0x1860];
	[tilespmem:s8+$0x11C50] =	vst v13  }
0x398: {  	[tilespmem:s5+$0x11C50] =	vst v12;
	v13 =	vld [tilespmem:s7+$0x1860]  }
0x399: {  	v12 =	vld [tilespmem:s2+$0x1860];
	_ =	sdelay $0x1  }
0x39a: {  	[tilespmem:s10+$0x11C60] =	vst v11  }
0x39b: {  	v11 =	vld [tilespmem:s1+$0x1870];
	[tilespmem:s6+$0x11C60] =	vst v10  }
0x39c: {  	v10 =	vld [tilespmem:s0+$0x1870];
	[tilespmem:s8+$0x11C60] =	vst v13  }
0x39d: {  	[tilespmem:s5+$0x11C60] =	vst v12;
	v13 =	vld [tilespmem:s7+$0x1870]  }
0x39e: {  	v12 =	vld [tilespmem:s2+$0x1870];
	_ =	sdelay $0x1  }
0x39f: {  	[tilespmem:s10+$0x11C70] =	vst v11  }
0x3a0: {  	v11 =	vld [tilespmem:s1+$0x1C00];
	[tilespmem:s6+$0x11C70] =	vst v10  }
0x3a1: {  	v10 =	vld [tilespmem:s0+$0x1C00];
	[tilespmem:s8+$0x11C70] =	vst v13  }
0x3a2: {  	[tilespmem:s5+$0x11C70] =	vst v12;
	v13 =	vld [tilespmem:s7+$0x1C00]  }
0x3a3: {  	v12 =	vld [tilespmem:s2+$0x1C00];
	_ =	sdelay $0x1  }
0x3a4: {  	[tilespmem:s9+$0x11C80] =	vst v11  }
0x3a5: {  	v11 =	vld [tilespmem:s1+$0x1C10];
	[tilespmem:s4+$0x11C80] =	vst v10  }
0x3a6: {  	v10 =	vld [tilespmem:s0+$0x1C10];
	[tilespmem:s3+$0x11C80] =	vst v13  }
0x3a7: {  	[tilespmem:s13+$0x11C80] =	vst v12;
	v13 =	vld [tilespmem:s7+$0x1C10]  }
0x3a8: {  	v12 =	vld [tilespmem:s2+$0x1C10];
	_ =	sdelay $0x1  }
0x3a9: {  	[tilespmem:s10+$0x11C90] =	vst v11  }
0x3aa: {  	v11 =	vld [tilespmem:s1+$0x1C20];
	[tilespmem:s6+$0x11C90] =	vst v10  }
0x3ab: {  	v10 =	vld [tilespmem:s0+$0x1C20];
	[tilespmem:s8+$0x11C90] =	vst v13  }
0x3ac: {  	[tilespmem:s5+$0x11C90] =	vst v12;
	v13 =	vld [tilespmem:s7+$0x1C20]  }
0x3ad: {  	v12 =	vld [tilespmem:s2+$0x1C20];
	_ =	sdelay $0x1  }
0x3ae: {  	[tilespmem:s10+$0x11CA0] =	vst v11  }
0x3af: {  	v11 =	vld [tilespmem:s1+$0x1C30];
	[tilespmem:s6+$0x11CA0] =	vst v10  }
0x3b0: {  	v10 =	vld [tilespmem:s0+$0x1C30];
	[tilespmem:s8+$0x11CA0] =	vst v13  }
0x3b1: {  	[tilespmem:s5+$0x11CA0] =	vst v12;
	v13 =	vld [tilespmem:s7+$0x1C30]  }
0x3b2: {  	v12 =	vld [tilespmem:s2+$0x1C30];
	_ =	sdelay $0x1  }
0x3b3: {  	[tilespmem:s10+$0x11CB0] =	vst v11  }
0x3b4: {  	v11 =	vld [tilespmem:s1+$0x1C40];
	[tilespmem:s6+$0x11CB0] =	vst v10  }
0x3b5: {  	v10 =	vld [tilespmem:s0+$0x1C40];
	[tilespmem:s8+$0x11CB0] =	vst v13  }
0x3b6: {  	[tilespmem:s5+$0x11CB0] =	vst v12;
	v13 =	vld [tilespmem:s7+$0x1C40]  }
0x3b7: {  	v12 =	vld [tilespmem:s2+$0x1C40];
	_ =	sdelay $0x1  }
0x3b8: {  	[tilespmem:s10+$0x11CC0] =	vst v11  }
0x3b9: {  	v11 =	vld [tilespmem:s1+$0x1C50];
	[tilespmem:s6+$0x11CC0] =	vst v10  }
0x3ba: {  	v10 =	vld [tilespmem:s0+$0x1C50];
	[tilespmem:s8+$0x11CC0] =	vst v13  }
0x3bb: {  	[tilespmem:s5+$0x11CC0] =	vst v12;
	v13 =	vld [tilespmem:s7+$0x1C50]  }
0x3bc: {  	v12 =	vld [tilespmem:s2+$0x1C50];
	_ =	sdelay $0x1  }
0x3bd: {  	[tilespmem:s10+$0x11CD0] =	vst v11  }
0x3be: {  	v11 =	vld [tilespmem:s1+$0x1C58];
	[tilespmem:s6+$0x11CD0] =	vst v10  }
0x3bf: {  	v10 =	vld [tilespmem:s0+$0x1C58];
	[tilespmem:s8+$0x11CD0] =	vst v13  }
0x3c0: {  	[tilespmem:s5+$0x11CD0] =	vst v12;
	v13 =	vld [tilespmem:s7+$0x1C58]  }
0x3c1: {  	v12 =	vld [tilespmem:s2+$0x1C58];
	_ =	sdelay $0x1  }
0x3c2: {  	[tilespmem:s10+$0x11CD8] =	vst v11  }
0x3c3: {  	[tilespmem:s6+$0x11CD8] =	vst v10  }
0x3c4: {  	v10 =	vadd.s32 $0xC, v3;
	[tilespmem:s8+$0x11CD8] =	vst v13  }
0x3c5: {  	v11 =	vadd.s32 $0x8, v3;
	[tilespmem:s5+$0x11CD8] =	vst v12  }
0x3c6: {  	v35 =	vld.idx.msk [tilespmem:v4+s11+$0x0], $0xffff  }
0x3c7: {  	v34 =	vld.idx.msk [tilespmem:v0+s11+$0x0], $0xffff  }
0x3c8: {  	v15 =	vld.idx.msk [tilespmem:v3+s11+$0x0], $0xffff  }
0x3c9: {  	v30 =	vld.idx.msk [tilespmem:v10+s11+$0x0], $0xffff  }
0x3ca: {  	v14 =	vld.idx.msk [tilespmem:v11+s11+$0x0], $0xffff  }
0x3cb: {  	v49 =	vadd.s32 $0x4, v3;
	v18 =	vadd.s32 $0x10, v4;
	p1 =	por $0x1, $0x1;
	v17 =	vld.idx.msk [tilespmem:v2+s11+$0x0], $0xffff  }
.Ltmp3:
0x3cc: {  	v41 =	vadd.s32 $0x8, v4;
	v42 =	vadd.s32 $0x8, v0;
	v28 =	vadd.s32 $0xC, v2;
	(pc) =	sbr.rel @!p1 .LBB2_5-.Ltmp3, $4  }
0x3cd: {  	v44 =	vadd.s32 $0x4, v4;
	v31 =	vadd.s32 $0xC, v4;
	v12 =	vadd.s32 $0x10, v0  }
0x3ce: {  	v11 =	vadd.s32 $0x10, v2;
	v48 =	vmul.f32 $1.442695020e+00, v35;
	v16 =	vmul.f32 $1.442695020e+00, v34  }
0x3cf: {  	v10 =	vadd.s32 $0x10, v3;
	v22 =	vmul.f32 $1.442695020e+00, v15;
	v36 =	vmul.f32 $1.442695020e+00, v30  }
0x3d0: {  	p0 =	por $0x0, $0x0;
	v13 =	vimm.f32 $0.0e+00;
	v33 =	vmul.f32 $1.442695020e+00, v14;
	v37 =	vmul.f32 $1.442695020e+00, v17  }
0x3d1: {  	_ =	sdelay $0x3  }
0x3d2: {  	v19 =	vld.idx.msk [tilespmem:v18+s11+$0x0], $0xffff  }
0x3d3: {  	v21 =	vadd.s32 $0x4, v0;
	v20 =	vld.idx.msk [tilespmem:v12+s11+$0x0], $0xffff  }
0x3d4: {  	v25 =	vadd.s32 $0x4, v2;
	(erf) = vpow2.f32 v36;
	v26 =	vld.idx.msk [tilespmem:v41+s11+$0x0], $0xffff;
	v27 =	vadd.s32 $0x8, v2  }
0x3d5: {  	v32 =	vld.idx.msk [tilespmem:v42+s11+$0x0], $0xffff;
	v47 =	vadd.s32 $0xC, v0;
	v23 =	vadd.s32 $0x4, v10;
	(erf) = vpow2.f32 v37  }
0x3d6: {  	v29 =	vld.idx.msk [tilespmem:v44+s11+$0x0], $0xffff;
	v50 =	vadd.s32 $0x8, v10;
	v38 =	vadd.s32 $0xC, v10;
	(erf) = vpow2.f32 v33  }
0x3d7: {  	v51 =	vld.idx.msk [tilespmem:v49+s11+$0x0], $0xffff;
	v17 =	vmax.f32 v9, v17;
	v41 =	vadd.s32 $0x8, v18;
	(erf) = vpow2.f32 v16  }
0x3d8: {  	v42 =	vadd.s32 $0x8, v12;
	(erf) = vpow2.f32 v48;
	v24 =	vmul.f32 $1.442695020e+00, v19;
	v21 =	vld.idx.msk [tilespmem:v21+s11+$0x0], $0xffff  }
0x3d9: {  	v44 =	vadd.s32 $0x4, v18;
	v16 =	vmul.f32 $1.442695020e+00, v20;
	v39 =	vmul.f32 $1.442695020e+00, v26;
	v40 =	vld.idx.msk [tilespmem:v27+s11+$0x0], $0xffff  }
0x3da: {  	v25 =	vld.idx.msk [tilespmem:v25+s11+$0x0], $0xffff;
	(erf) = vpow2.f32 v22;
	v22 =	vmax.f32 v9, v15;
	v27 =	vmax.f32 v9, v35  }
0x3db: {  	v31 =	vld.idx.msk [tilespmem:v31+s11+$0x0], $0xffff;
	v52 =	vmul.f32 $1.442695020e+00, v32;
	v9 =	vmax.f32 v9, v34;
	v53 =	vmul.f32 $1.442695020e+00, v29  }
0x3dc: {  	v36 =	vld.idx.msk [tilespmem:v47+s11+$0x0], $0xffff;
	v54 =	vmul.f32 $1.442695020e+00, v51;
	v22 =	vmax.f32 v22, v51;
	(erf) = vpow2.f32 v39  }
0x3dd: {  	v28 =	vld.idx.msk [tilespmem:v28+s11+$0x0], $0xffff;
	v27 =	vmax.f32 v27, v29;
	v22 =	vmax.f32 v22, v14;
	(erf) = vpow2.f32 v52  }
0x3de: {  	(erf) = vpow2.f32 v53;
	v9 =	vmax.f32 v9, v21;
	v58 =	vmul.f32 $1.442695020e+00, v40  }
0x3df: {  	v56 =	vmul.f32 $1.442695020e+00, v25;
	v57 =	vmax.f32 v17, v25;
	v25 =	vpop (erf);
	(erf) = vpow2.f32 v54  }
0x3e0: {  	v15 =	vld.idx.msk [tilespmem:v10+s11+$0x0], $0xffff;
	v55 =	vmul.f32 $1.442695020e+00, v21;
	v9 =	vmax.f32 v9, v32;
	v43 =	vpop (erf);
	(erf) = vpow2.f32 v58  }
0x3e1: {  	v29 =	vld.idx.msk [tilespmem:v38+s11+$0x0], $0xffff;
	v21 =	vmax.f32 v9, v36;
	v9 =	vmax.f32 v27, v26;
	v32 =	vpop (erf);
	(erf) = vpow2.f32 v56  }
0x3e2: {  	v26 =	vmax.f32 v22, v30;
	v30 =	vmul.f32 $1.442695020e+00, v28;
	v60 =	vpop (erf);
	v27 =	vmax.f32 v9, v31  }
0x3e3: {  	v14 =	vld.idx.msk [tilespmem:v50+s11+$0x0], $0xffff;
	v9 =	vmax.f32 v57, v40;
	v31 =	vmul.f32 $1.442695020e+00, v31;
	v61 =	vpop (erf);
	(erf) = vpow2.f32 v55  }
0x3e4: {  	v34 =	vadd.s32 $0x10, v18;
	v17 =	vld.idx.msk [tilespmem:v11+s11+$0x0], $0xffff;
	v9 =	vmax.f32 v9, v28;
	v28 =	vpop (erf);
	(erf) = vpow2.f32 v30  }
0x3e5: {  	p1 =	por $0x1, $0x1;
	v35 =	vadd.s32 $0x10, v12;
	v59 =	vmul.f32 $1.442695020e+00, v36;
	v39 =	vpop (erf);
	(erf) = vpow2.f32 v31  }
.Ltmp4:
0x3e6: {  	s0 =	simm.s32 $0x4;
	s2 =	simm.s32 $0x10900;
	v10 =	vadd.s32 $0x10, v10;
	v22 =	vmul.f32 $1.442695020e+00, v15;
	v36 =	vmul.f32 $1.442695020e+00, v29;
	v38 =	vpop (erf);
	(pc) =	sbr.rel @!p1 .LBB2_7-.Ltmp4, $4  }
0x3e7: {  	s3 =	simm.s32 $0x11100;
	s4 =	simm.s32 $0x10180;
	s5 =	simm.s32 $0x10980;
	v46 =	vadd.f32 v43, v13;
	v47 =	vadd.f32 v28, v13;
	(erf) = vpow2.f32 v59;
	v28 =	vpop (erf)  }
0x3e8: {  	s6 =	simm.s32 $0x11180;
	s7 =	simm.s32 $0x10200;
	s8 =	simm.s32 $0x10A00;
	v33 =	vmul.f32 $1.442695020e+00, v14;
	v40 =	vadd.f32 v60, v13;
	v62 =	vadd.f32 v61, v13;
	v63 =	vpop (erf)  }
0x3e9: {  	p0 =	por $0x1, $0x1;
	s9 =	simm.s32 $0x11200;
	s10 =	simm.s32 $0x10280;
	v37 =	vmul.f32 $1.442695020e+00, v17;
	v30 =	vadd.s32 $0x10, v11;
	v31 =	vadd.s32 $0xC, v18;
	v43 =	vpop (erf)  }
0x3ea: {  	s13 =	simm.s32 $0x10A80;
	s14 =	simm.s32 $0x11280;
	s31 =	simm.s32 $0x11480;
	v45 =	vadd.f32 v28, v62;
	v28 =	vadd.s32 $0xC, v11;
	v47 =	vadd.f32 v63, v47;
	v50 =	vpop (erf)  }
.LBB2_8:
0x3eb: {  	v48 =	vld.idx.msk [tilespmem:v34+s11+$0x0], $0xffff;
	s0 =	sadd.s32 $0x4, s0;
	v49 =	vadd.s32 $0x4, v12;
	v51 =	vadd.s32 $0x4, v11;
	v46 =	vadd.f32 v50, v46;
	v18 =	vmovc v34  }
0x3ec: {  	v52 =	vadd.s32 $0x4, v10;
	v50 =	vld.idx.msk [tilespmem:v35+s11+$0x0], $0xffff;
	p1 =	slt.u32 s0, $0xF4;
	(erf) = vpow2.f32 v36;
	v36 =	vadd.f32 v39, v45;
	v39 =	vpop (erf)  }
0x3ed: {  	v45 =	vadd.s32 $0x8, v10;
	v32 =	vadd.f32 v32, v47;
	v41 =	vld.idx.msk [tilespmem:v41+s11+$0x0], $0xffff;
	v39 =	vadd.f32 v39, v40;
	v40 =	vpop (erf)  }
0x3ee: {  	v47 =	vadd.s32 $0x8, v11;
	v42 =	vld.idx.msk [tilespmem:v42+s11+$0x0], $0xffff;
	(erf) = vpow2.f32 v37;
	v37 =	vadd.f32 v43, v46;
	v43 =	vpop (erf)  }
0x3ef: {  	v11 =	vmovc v30;
	v46 =	vadd.s32 $0xC, v12;
	v44 =	vld.idx.msk [tilespmem:v44+s11+$0x0], $0xffff;
	v54 =	vadd.f32 v38, v39;
	v38 =	vadd.f32 v25, v32  }
0x3f0: {  	v32 =	vadd.s32 $0xC, v10;
	v39 =	vld.idx.msk [tilespmem:v23+s11+$0x0], $0xffff;
	(erf) = vpow2.f32 v33;
	v53 =	vadd.f32 v40, v37;
	v23 =	vpop (erf)  }
0x3f1: {  	v12 =	vmovc v35;
	v25 =	vmul.f32 $1.442695020e+00, v48;
	v33 =	vld.idx.msk [tilespmem:v49+s11+$0x0], $0xffff;
	(erf) = vpow2.f32 v16;
	v40 =	vadd.f32 v23, v54;
	v23 =	vmovc v52  }
0x3f2: {  	v43 =	vadd.f32 v43, v36;
	v16 =	vmul.f32 $1.442695020e+00, v50;
	v37 =	vld.idx.msk [tilespmem:v51+s11+$0x0], $0xffff;
	(erf) = vpow2.f32 v24  }
0x3f3: {  	v9 =	vmax.f32 v9, v17;
	v17 =	vmul.f32 $1.442695020e+00, v41;
	v24 =	vmovc v25;
	v36 =	vld.idx.msk [tilespmem:v47+s11+$0x0], $0xffff;
	(erf) = vpow2.f32 v22  }
0x3f4: {  	v22 =	vmax.f32 v26, v15;
	v47 =	vmax.f32 v27, v19;
	v26 =	vmul.f32 $1.442695020e+00, v42;
	v19 =	vmovc v48;
	v27 =	vld.idx.msk [tilespmem:v46+s11+$0x0], $0xffff  }
0x3f5: {  	v21 =	vmax.f32 v21, v20;
	v46 =	vmul.f32 $1.442695020e+00, v44;
	v44 =	vmax.f32 v47, v44;
	v15 =	vld.idx.msk [tilespmem:v10+s11+$0x0], $0xffff;
	v25 =	vpop (erf)  }
0x3f6: {  	v20 =	vmovc v50;
	v47 =	vmul.f32 $1.442695020e+00, v39;
	v22 =	vmax.f32 v22, v39;
	v31 =	vld.idx.msk [tilespmem:v31+s11+$0x0], $0xffff;
	(erf) = vpow2.f32 v17  }
0x3f7: {  	v39 =	vmul.f32 $1.442695020e+00, v33;
	v17 =	vmax.f32 v21, v33;
	v28 =	vld.idx.msk [tilespmem:v28+s11+$0x0], $0xffff;
	v48 =	vpop (erf);
	(erf) = vpow2.f32 v26  }
0x3f8: {  	v22 =	vmax.f32 v22, v14;
	v49 =	vmul.f32 $1.442695020e+00, v37;
	v9 =	vmax.f32 v9, v37;
	v33 =	vld.idx.msk [tilespmem:v32+s11+$0x0], $0xffff  }
0x3f9: {  	v21 =	vmax.f32 v17, v42;
	v37 =	vmul.f32 $1.442695020e+00, v36;
	v14 =	vld.idx.msk [tilespmem:v45+s11+$0x0], $0xffff;
	(erf) = vpow2.f32 v46;
	v32 =	vpop (erf)  }
0x3fa: {  	v42 =	vmul.f32 $1.442695020e+00, v27;
	v21 =	vmax.f32 v21, v27;
	v17 =	vld.idx.msk [tilespmem:v30+s11+$0x0], $0xffff;
	v45 =	vpop (erf);
	(erf) = vpow2.f32 v47  }
0x3fb: {  	v26 =	vmax.f32 v22, v29;
	v27 =	vmax.f32 v44, v41;
	v41 =	vpop (erf);
	(erf) = vpow2.f32 v37  }
0x3fc: {  	v22 =	vmul.f32 $1.442695020e+00, v15;
	v27 =	vmax.f32 v27, v31;
	v44 =	vpop (erf);
	(erf) = vpow2.f32 v49  }
0x3fd: {  	v9 =	vmax.f32 v9, v36;
	v31 =	vmul.f32 $1.442695020e+00, v31;
	v37 =	vmul.f32 $1.442695020e+00, v28  }
0x3fe: {  	v9 =	vmax.f32 v9, v28;
	v36 =	vmul.f32 $1.442695020e+00, v33;
	v29 =	vmovc v33;
	(erf) = vpow2.f32 v39  }
0x3ff: {  	v28 =	vadd.f32 v41, v43;
	v33 =	vmul.f32 $1.442695020e+00, v14;
	v39 =	vpop (erf);
	(erf) = vpow2.f32 v37  }
0x400: {  	v47 =	vadd.f32 v44, v38;
	v37 =	vmul.f32 $1.442695020e+00, v17;
	v38 =	vpop (erf);
	(erf) = vpow2.f32 v31  }
.Ltmp5:
0x401: {  	v34 =	vadd.s32 $0x10, v34;
	v30 =	vadd.s32 $0x10, v30;
	v40 =	vadd.f32 v45, v40;
	(pc) =	sbr.rel @p1 .LBB2_8-.Ltmp5, $4  }
0x402: {  	v35 =	vadd.s32 $0x10, v35;
	v31 =	vpop (erf);
	(erf) = vpow2.f32 v42  }
0x403: {  	v46 =	vadd.f32 v48, v53;
	v41 =	vadd.s32 $0x8, v18;
	v45 =	vadd.f32 v31, v28;
	v48 =	vpop (erf)  }
0x404: {  	v10 =	vadd.s32 $0x10, v10;
	v42 =	vadd.s32 $0x8, v12;
	v28 =	vadd.s32 $0xC, v11;
	v43 =	vpop (erf)  }
0x405: {  	v44 =	vadd.s32 $0x4, v18;
	v31 =	vadd.s32 $0xC, v18;
	v47 =	vadd.f32 v48, v47;
	v50 =	vpop (erf)  }
0x406: {  	v51 =	vmov v12;
	v12 =	vmov v35;
	s15 =	simm.s32 $0x10300;
	s16 =	simm.s32 $0x10B00  }
0x407: {  	v52 =	vmov v11;
	v11 =	vmov v30;
	s17 =	simm.s32 $0x11300;
	s18 =	simm.s32 $0x10380;
	s19 =	simm.s32 $0x10B80  }
0x408: {  	v18 =	vmov v34;
	s20 =	simm.s32 $0x11380;
	s21 =	simm.s32 $0x10400;
	s22 =	simm.s32 $0x10C00  }
0x409: {  	v49 =	vmovc v23;
	v48 =	vmovc v24;
	v35 =	vmov v19;
	v34 =	vmov v20;
	v30 =	vmov v29;
	s23 =	simm.s32 $0x11400;
	s24 =	simm.s32 $0x10480;
	s25 =	simm.s32 $0x10C80  }
.LBB2_10:
0x40a: {  	_ =	sdelay $0x2  }
0x40b: {  	v19 =	vadd.s32 $0x8, v52  }
0x40c: {  	v20 =	vadd.s32 $0x4, v52;
	v23 =	vld.idx.msk [tilespmem:v41+s11+$0x0], $0xffff  }
0x40d: {  	(erf) = vpow2.f32 v36;
	v29 =	vld.idx.msk [tilespmem:v42+s11+$0x0], $0xffff  }
0x40e: {  	v57 =	vld.idx.msk [tilespmem:v44+s11+$0x0], $0xffff;
	(erf) = vpow2.f32 v37  }
0x40f: {  	v24 =	vadd.s32 $0x4, v51;
	v58 =	vld.idx.msk [tilespmem:v49+s11+$0x0], $0xffff;
	(erf) = vpow2.f32 v33  }
0x410: {  	(erf) = vpow2.f32 v16;
	v16 =	vld.idx.msk [tilespmem:v19+s11+$0x0], $0xffff  }
0x411: {  	(erf) = vpow2.f32 v48;
	v20 =	vld.idx.msk [tilespmem:v20+s11+$0x0], $0xffff;
	v59 =	vmul.f32 $1.442695020e+00, v23  }
0x412: {  	v41 =	vadd.f32 @p0 v50, v46;
	v42 =	vpop @p0 (erf);
	(erf) = vpow2.f32 v22;
	v22 =	vmul.f32 $1.442695020e+00, v29  }
0x413: {  	v44 =	vpop @p0 (erf);
	v19 =	vadd.s32 $0xC, v51;
	v60 =	vmul.f32 $1.442695020e+00, v57;
	(erf) = vpow2.f32 v59  }
0x414: {  	v33 =	vadd.f32 @p0 v42, v40;
	v40 =	vpop @p0 (erf);
	v24 =	vld.idx.msk [tilespmem:v24+s11+$0x0], $0xffff;
	v61 =	vmul.f32 $1.442695020e+00, v58;
	(erf) = vpow2.f32 v22  }
0x415: {  	v28 =	vld.idx.msk [tilespmem:v28+s11+$0x0], $0xffff;
	v22 =	vadd.f32 @p0 v32, v47;
	v32 =	vpop @p0 (erf);
	(erf) = vpow2.f32 v60;
	v62 =	vmul.f32 $1.442695020e+00, v16  }
0x416: {  	v31 =	vld.idx.msk [tilespmem:v31+s11+$0x0], $0xffff;
	v41 =	vadd.f32 @p0 v43, v41;
	v43 =	vpop (erf);
	v63 =	vmul.f32 $1.442695020e+00, v20;
	(erf) = vpow2.f32 v61  }
0x417: {  	v39 =	vadd.f32 @p0 v39, v45;
	v49 =	vpop (erf);
	(erf) = vpow2.f32 v62  }
0x418: {  	v9 =	vmax.f32 v9, v17;
	v15 =	vmax.f32 v26, v15;
	v19 =	vld.idx.msk [tilespmem:v19+s11+$0x0], $0xffff;
	v50 =	vpop (erf);
	(erf) = vpow2.f32 v63  }
0x419: {  	v27 =	vmax.f32 v27, v35;
	v21 =	vmax.f32 v21, v34;
	v48 =	vmul.f32 $1.442695020e+00, v24;
	v51 =	vpop (erf)  }
0x41a: {  	v39 =	vadd.f32 @p0 v40, v39;
	v33 =	vadd.f32 @p0 v38, v33;
	v52 =	vmul.f32 $1.442695020e+00, v28;
	v53 =	vpop (erf)  }
0x41b: {  	v17 =	vmul.f32 $1.442695020e+00, v31;
	v15 =	vmax.f32 v15, v58;
	(erf) = vpow2.f32 v48;
	v55 =	vpop (erf)  }
0x41c: {  	v22 =	vadd.f32 @p0 v25, v22;
	v25 =	vadd.f32 @p0 v44, v41;
	(erf) = vpow2.f32 v52;
	v56 =	vpop (erf)  }
0x41d: {  	v54 =	vmul.f32 $1.442695020e+00, v19;
	(erf) = vpow2.f32 v17;
	v17 =	vmax.f32 v27, v57;
	v57 =	vpop (erf)  }
0x41e: {  	v14 =	vmax.f32 v15, v14;
	v32 =	vadd.f32 @p0 v32, v33;
	v21 =	vmax.f32 v21, v24;
	v58 =	vpop (erf)  }
0x41f: {  	v15 =	vpsel p0, v22, v13;
	v22 =	vpsel p0, v25, v13;
	(erf) = vpow2.f32 v54;
	v59 =	vpop (erf)  }
0x420: {  	v20 =	vmax.f32 v9, v20;
	v9 =	vpsel p0, v39, v13;
	v22 =	vadd.f32 v49, v22;
	v60 =	vpop (erf)  }
0x421: {  	v21 =	vmax.f32 v21, v29;
	v13 =	vpsel p0, v32, v13;
	v61 =	vadd.f32 v53, v9;
	v62 =	vpop (erf)  }
0x422: {  	v15 =	vadd.f32 v55, v15;
	v9 =	vmax.f32 v21, v19;
	v19 =	vadd.f32 v62, v22  }
0x423: {  	v13 =	vadd.f32 v51, v13  }
0x424: {  	v15 =	vadd.f32 v59, v15;
	v21 =	vpop (erf);
	v19 =	vadd.f32 v60, v19  }
0x425: {  	v22 =	vadd.f32 v58, v61;
	v21 =	vadd.f32 v21, v13  }
0x426: {  	v17 =	vmax.f32 v17, v23;
	v15 =	vadd.f32 v50, v15;
	v13 =	vmax.f32 v14, v30;
	v23 =	vpop (erf)  }
0x427: {  	v14 =	vmax.f32 v17, v31;
	v22 =	vadd.f32 v56, v22;
	v63 =	vpop (erf);
	v21 =	vadd.f32 v57, v21  }
0x428: {  	v17 =	vmax.f32 v20, v16;
	v15 =	vadd.f32 v43, v15;
	v16 =	vadd.f32 v23, v19;
	v19 =	vpop (erf)  }
0x429: {  	s0 =	simm.s32 $0x2;
	v17 =	vmax.f32 v17, v28;
	v20 =	vadd.f32 v19, v21;
	v19 =	vadd.f32 v63, v22  }
.LBB2_11:
0x42a: {  	_ = 	snop  }
0x42b: {  	v21 =	vld.idx.msk [tilespmem:v12+s11+$0x0], $0xffff  }
0x42c: {  	v22 =	vld.idx.msk [tilespmem:v11+s11+$0x0], $0xffff  }
0x42d: {  	v23 =	vld.idx.msk [tilespmem:v10+s11+$0x0], $0xffff  }
0x42e: {  	v24 =	vld.idx.msk [tilespmem:v18+s11+$0x0], $0xffff;
	_ =	sdelay $0x1  }
0x42f: {  	v25 =	vmul.f32 $1.442695020e+00, v21  }
0x430: {  	v26 =	vmul.f32 $1.442695020e+00, v22  }
0x431: {  	v61 =	vmul.f32 $1.442695020e+00, v23;
	(erf) = vpow2.f32 v25  }
0x432: {  	v62 =	vmul.f32 $1.442695020e+00, v24;
	(erf) = vpow2.f32 v26  }
0x433: {  	(erf) = vpow2.f32 v61  }
0x434: {  	(erf) = vpow2.f32 v62;
	_ =	sdelay $0x4  }
0x435: {  	p0 =	sne.s32 s0, $0x1  }
.Ltmp6:
0x436: {  	v63 =	vpop (erf);
	(pc) =	sbr.rel @p0 .LBB2_11-.Ltmp6, $4  }
0x437: {  	v12 =	vadd.s32 $0x4, v12;
	v11 =	vadd.s32 $0x4, v11;
	v10 =	vadd.s32 $0x4, v10;
	v26 =	vpop (erf)  }
0x438: {  	v18 =	vadd.s32 $0x4, v18;
	v9 =	vmax.f32 v9, v21;
	v17 =	vmax.f32 v17, v22;
	v27 =	vpop (erf)  }
0x439: {  	v13 =	vmax.f32 v13, v23;
	v20 =	vadd.f32 v63, v20;
	v16 =	vadd.f32 v26, v16;
	v21 =	vpop (erf)  }
0x43a: {  	s0 =	sadd.s32 $0xFFFFFFFF, s0;
	v14 =	vmax.f32 v14, v24;
	v15 =	vadd.f32 v27, v15;
	v19 =	vadd.f32 v21, v19  }
0x43b: {  	v9 =	vmax.f32 v9, v17;
	v10 =	vmax.f32 v13, v14  }
0x43c: {  	v11 =	vadd.f32 v16, v20;
	v12 =	vadd.f32 v19, v15;
	v10 =	vmax.f32 v9, v10  }
0x43d: {  	v9 =	vmul.f32 $1.442695020e+00, v10  }
0x43e: {  	s0 =	sshll.u32 s30, $0x7;
	v11 =	vadd.f32 v12, v11  }
0x43f: {  	v12 =	vld [tilespmem:s0+$0x10000];
	(erf) = vpow2.f32 v9  }
0x440: {  	(erf) = vrcp.f32 v11;
	_ =	sdelay $0x3  }
0x441: {  	v9 =	vadd.s32 v0, v12;
	_ =	sdelay $0x3  }
0x442: {  	v11 =	vpop (erf)  }
0x443: {  	v12 =	vld.idx.msk [tilespmem:v9+s11+$0x0], $0xffff;
	v9 =	vpop (erf)  }
0x444: {  	v9 =	vmul.f32 v11, v9;
	_ =	sdelay $0x1  }
0x445: {  	vm0 =	vgt.f32 v9, $0.0e+00;
	vm1 =	vle.f32 v9, $6.666667010e-02  }
0x446: {  	v14 =	vimm.f32 $0.0e+00;
	vm0 =	vmand vm0, vm1  }
0x447: {  	vm10 =	vgt.f32 v9, $6.666667010e-02;
	vm2 =	veq.f32 v12, v10;
	v11 =	vsel vm0, $0x3F800000, v14  }
0x448: {  	vm11 =	vle.f32 v9, $1.333333400e-01;
	v10 =	vsel vm2, $0x3F800000, v14;
	[tilespmem:s12+$0x0] =	vst.add.f32.msk $0xffff, v11;
	v11 =	vnsel vm0, $0x0, v9  }
0x449: {  	vm12 =	vmand vm10, vm11;
	[tilespmem:s2+$0x0] =	vst.add.f32.msk $0xffff, v11;
	v11 =	vnsel vm0, $0x0, v10  }
0x44a: {  	[tilespmem:s3+$0x0] =	vst.add.f32.msk $0xffff, v11;
	v11 =	vsel vm12, $0x3F800000, v14  }
0x44b: {  	vm13 =	vgt.f32 v9, $1.333333400e-01;
	vm14 =	vle.f32 v9, $2.000000180e-01;
	[tilespmem:s4+$0x0] =	vst.add.f32.msk $0xffff, v11;
	v11 =	vnsel vm12, $0x0, v9  }
0x44c: {  	vm15 =	vmand vm13, vm14;
	[tilespmem:s5+$0x0] =	vst.add.f32.msk $0xffff, v11;
	v11 =	vnsel vm12, $0x0, v10  }
0x44d: {  	[tilespmem:s6+$0x0] =	vst.add.f32.msk $0xffff, v11;
	v11 =	vsel vm15, $0x3F800000, v14  }
0x44e: {  	vm4 =	vgt.f32 v9, $2.000000180e-01;
	vm5 =	vle.f32 v9, $2.666666810e-01;
	[tilespmem:s7+$0x0] =	vst.add.f32.msk $0xffff, v11;
	v11 =	vnsel vm15, $0x0, v9  }
0x44f: {  	vm6 =	vmand vm4, vm5;
	[tilespmem:s8+$0x0] =	vst.add.f32.msk $0xffff, v11;
	v11 =	vnsel vm15, $0x0, v10  }
0x450: {  	[tilespmem:s9+$0x0] =	vst.add.f32.msk $0xffff, v11;
	v11 =	vsel vm6, $0x3F800000, v14  }
0x451: {  	vm7 =	vgt.f32 v9, $2.666666810e-01;
	vm8 =	vle.f32 v9, $3.333333430e-01;
	[tilespmem:s10+$0x0] =	vst.add.f32.msk $0xffff, v11;
	v11 =	vnsel vm6, $0x0, v9  }
0x452: {  	vm9 =	vmand vm7, vm8;
	[tilespmem:s13+$0x0] =	vst.add.f32.msk $0xffff, v11;
	v11 =	vnsel vm6, $0x0, v10  }
0x453: {  	[tilespmem:s14+$0x0] =	vst.add.f32.msk $0xffff, v11;
	v11 =	vsel vm9, $0x3F800000, v14  }
0x454: {  	vm10 =	vgt.f32 v9, $3.333333430e-01;
	vm11 =	vle.f32 v9, $4.000000360e-01;
	[tilespmem:s15+$0x0] =	vst.add.f32.msk $0xffff, v11;
	v11 =	vnsel vm9, $0x0, v9  }
0x455: {  	vm12 =	vmand vm10, vm11;
	[tilespmem:s16+$0x0] =	vst.add.f32.msk $0xffff, v11;
	v11 =	vnsel vm9, $0x0, v10  }
0x456: {  	[tilespmem:s17+$0x0] =	vst.add.f32.msk $0xffff, v11;
	v11 =	vsel vm12, $0x3F800000, v14  }
0x457: {  	vm13 =	vgt.f32 v9, $4.000000360e-01;
	vm14 =	vle.f32 v9, $4.666666980e-01;
	[tilespmem:s18+$0x0] =	vst.add.f32.msk $0xffff, v11;
	v11 =	vnsel vm12, $0x0, v9  }
0x458: {  	vm15 =	vmand vm13, vm14;
	[tilespmem:s19+$0x0] =	vst.add.f32.msk $0xffff, v11;
	v11 =	vnsel vm12, $0x0, v10  }
0x459: {  	[tilespmem:s20+$0x0] =	vst.add.f32.msk $0xffff, v11;
	v11 =	vsel vm15, $0x3F800000, v14  }
0x45a: {  	vm4 =	vgt.f32 v9, $4.666666980e-01;
	vm5 =	vle.f32 v9, $5.333333610e-01;
	[tilespmem:s21+$0x0] =	vst.add.f32.msk $0xffff, v11;
	v11 =	vnsel vm15, $0x0, v9  }
0x45b: {  	vm6 =	vmand vm4, vm5;
	[tilespmem:s22+$0x0] =	vst.add.f32.msk $0xffff, v11;
	v11 =	vnsel vm15, $0x0, v10  }
0x45c: {  	[tilespmem:s23+$0x0] =	vst.add.f32.msk $0xffff, v11;
	v11 =	vsel vm6, $0x3F800000, v14  }
0x45d: {  	vm7 =	vgt.f32 v9, $5.333333610e-01;
	vm8 =	vle.f32 v9, $6.000000240e-01;
	[tilespmem:s24+$0x0] =	vst.add.f32.msk $0xffff, v11;
	v11 =	vnsel vm6, $0x0, v9  }
0x45e: {  	vm9 =	vmand vm7, vm8;
	[tilespmem:s25+$0x0] =	vst.add.f32.msk $0xffff, v11;
	v11 =	vnsel vm6, $0x0, v10  }
0x45f: {  	s30 =	simm.s32 $0x10500;
	[tilespmem:s31+$0x0] =	vst.add.f32.msk $0xffff, v11;
	v11 =	vsel vm9, $0x3F800000, v14  }
0x460: {  	s1 =	simm.s32 $0x10D00;
	vm10 =	vgt.f32 v9, $6.000000240e-01;
	vm11 =	vle.f32 v9, $6.666666860e-01;
	[tilespmem:s30+$0x0] =	vst.add.f32.msk $0xffff, v11;
	v11 =	vnsel vm9, $0x0, v9  }
0x461: {  	vm12 =	vmand vm10, vm11;
	[tilespmem:s1+$0x0] =	vst.add.f32.msk $0xffff, v11;
	v11 =	vnsel vm9, $0x0, v10;
	s1 =	simm.s32 $0x11500  }
0x462: {  	[tilespmem:s1+$0x0] =	vst.add.f32.msk $0xffff, v11;
	v11 =	vsel vm12, $0x3F800000, v14;
	s1 =	simm.s32 $0x10580  }
0x463: {  	vm13 =	vgt.f32 v9, $6.666666860e-01;
	vm14 =	vle.f32 v9, $7.333333490e-01;
	[tilespmem:s1+$0x0] =	vst.add.f32.msk $0xffff, v11;
	v11 =	vnsel vm12, $0x0, v9;
	s1 =	simm.s32 $0x10D80  }
0x464: {  	vm15 =	vmand vm13, vm14;
	[tilespmem:s1+$0x0] =	vst.add.f32.msk $0xffff, v11;
	v11 =	vnsel vm12, $0x0, v10;
	s1 =	simm.s32 $0x11580  }
0x465: {  	[tilespmem:s1+$0x0] =	vst.add.f32.msk $0xffff, v11;
	v11 =	vsel vm15, $0x3F800000, v14;
	s1 =	simm.s32 $0x10600  }
0x466: {  	vm4 =	vgt.f32 v9, $7.333333490e-01;
	vm5 =	vle.f32 v9, $8.000000710e-01;
	[tilespmem:s1+$0x0] =	vst.add.f32.msk $0xffff, v11;
	v11 =	vnsel vm15, $0x0, v9;
	s1 =	simm.s32 $0x10E00  }
0x467: {  	vm6 =	vmand vm4, vm5;
	[tilespmem:s1+$0x0] =	vst.add.f32.msk $0xffff, v11;
	v11 =	vnsel vm15, $0x0, v10;
	s1 =	simm.s32 $0x11600  }
0x468: {  	[tilespmem:s1+$0x0] =	vst.add.f32.msk $0xffff, v11;
	v11 =	vsel vm6, $0x3F800000, v14;
	s1 =	simm.s32 $0x10680  }
0x469: {  	vm7 =	vgt.f32 v9, $8.000000710e-01;
	vm8 =	vle.f32 v9, $8.666667340e-01;
	[tilespmem:s1+$0x0] =	vst.add.f32.msk $0xffff, v11;
	v11 =	vnsel vm6, $0x0, v9;
	s1 =	simm.s32 $0x10E80  }
0x46a: {  	vm9 =	vmand vm7, vm8;
	[tilespmem:s1+$0x0] =	vst.add.f32.msk $0xffff, v11;
	v11 =	vnsel vm6, $0x0, v10;
	s1 =	simm.s32 $0x11680  }
0x46b: {  	[tilespmem:s1+$0x0] =	vst.add.f32.msk $0xffff, v11;
	v11 =	vsel vm9, $0x3F800000, v14;
	s1 =	simm.s32 $0x10700  }
0x46c: {  	vm10 =	vgt.f32 v9, $8.666667340e-01;
	vm11 =	vle.f32 v9, $9.333333960e-01;
	[tilespmem:s1+$0x0] =	vst.add.f32.msk $0xffff, v11;
	v11 =	vnsel vm9, $0x0, v9;
	s1 =	simm.s32 $0x10F00  }
0x46d: {  	vm12 =	vmand vm10, vm11;
	[tilespmem:s1+$0x0] =	vst.add.f32.msk $0xffff, v11;
	v11 =	vnsel vm9, $0x0, v10;
	s1 =	simm.s32 $0x11700  }
0x46e: {  	[tilespmem:s1+$0x0] =	vst.add.f32.msk $0xffff, v11;
	v11 =	vsel vm12, $0x3F800000, v14;
	s1 =	simm.s32 $0x10780  }
0x46f: {  	vm13 =	vgt.f32 v9, $9.333333960e-01;
	vm14 =	vle.f32 v9, $1.000000000e+00;
	[tilespmem:s1+$0x0] =	vst.add.f32.msk $0xffff, v11;
	v11 =	vnsel vm12, $0x0, v9;
	s1 =	simm.s32 $0x10F80  }
0x470: {  	v12 =	vnsel vm12, $0x0, v10;
	vm15 =	vmand vm13, vm14;
	[tilespmem:s1+$0x0] =	vst.add.f32.msk $0xffff, v11;
	s1 =	simm.s32 $0x11780  }
0x471: {  	v11 =	vsel vm15, $0x3F800000, v14;
	[tilespmem:s1+$0x0] =	vst.add.f32.msk $0xffff, v12;
	s1 =	simm.s32 $0x10800  }
0x472: {  	v9 =	vnsel vm15, $0x0, v9;
	[tilespmem:s1+$0x0] =	vst.add.f32.msk $0xffff, v11  }
0x473: {  	[tilespmem:s26+$0x0] =	vst.add.f32.msk $0xffff, v9;
	v9 =	vnsel vm15, $0x0, v10  }
0x474: {  	v10 =	vadd.s32 $0xC, v7;
	[tilespmem:s28+$0x0] =	vst.add.f32.msk $0xffff, v9  }
0x475: {  	v16 =	vadd.s32 $0x8, v8;
	v11 =	vld.idx.msk [tilespmem:v8+s11+$0x0], $0xffff  }
0x476: {  	v9 =	vadd.s32 $0x8, v7;
	v12 =	vld.idx.msk [tilespmem:v5+s11+$0x0], $0xffff  }
0x477: {  	v27 =	vadd.s32 $0x4, v8;
	v13 =	vld.idx.msk [tilespmem:v7+s11+$0x0], $0xffff  }
0x478: {  	v32 =	vadd.s32 $0x4, v5;
	v15 =	vld.idx.msk [tilespmem:v6+s11+$0x0], $0xffff  }
0x479: {  	v31 =	vadd.s32 $0x10, v8;
	v18 =	vadd.s32 $0x10, v5;
	v28 =	vadd.s32 $0x4, v7;
	v26 =	vld.idx.msk [tilespmem:v10+s11+$0x0], $0xffff  }
0x47a: {  	v23 =	vimm.f32 $-Inf;
	v20 =	vadd.s32 $0x8, v5;
	v33 =	vadd.s32 $0xC, v6;
	v36 =	vld.idx.msk [tilespmem:v16+s11+$0x0], $0xffff  }
0x47b: {  	v34 =	vadd.s32 $0x10, v7;
	v35 =	vadd.s32 $0x4, v6;
	v37 =	vadd.s32 $0xC, v8;
	v17 =	vld.idx.msk [tilespmem:v9+s11+$0x0], $0xffff  }
0x47c: {  	v19 =	vadd.s32 $0x10, v6;
	v39 =	vadd.s32 $0x8, v34;
	v27 =	vld.idx.msk [tilespmem:v27+s11+$0x0], $0xffff;
	v24 =	vmul.f32 $1.442695020e+00, v11  }
0x47d: {  	v16 =	vadd.s32 $0x8, v6;
	v32 =	vld.idx.msk [tilespmem:v32+s11+$0x0], $0xffff;
	v22 =	vmul.f32 $1.442695020e+00, v12;
	v25 =	vmul.f32 $1.442695020e+00, v13  }
0x47e: {  	v44 =	vadd.s32 $0x8, v31;
	v28 =	vld.idx.msk [tilespmem:v28+s11+$0x0], $0xffff;
	v30 =	vmul.f32 $1.442695020e+00, v15;
	v21 =	vmul.f32 $1.442695020e+00, v26  }
0x47f: {  	v38 =	vld.idx.msk [tilespmem:v20+s11+$0x0], $0xffff;
	v15 =	vmax.f32 v23, v15;
	v13 =	vmax.f32 v23, v13;
	v11 =	vmax.f32 v23, v11  }
0x480: {  	v35 =	vld.idx.msk [tilespmem:v35+s11+$0x0], $0xffff;
	v12 =	vmax.f32 v23, v12;
	v29 =	vmul.f32 $1.442695020e+00, v17;
	(erf) = vpow2.f32 v21  }
0x481: {  	v58 =	vld.idx.msk [tilespmem:v33+s11+$0x0], $0xffff;
	v23 =	vmul.f32 $1.442695020e+00, v27;
	(erf) = vpow2.f32 v30;
	v30 =	vadd.s32 $0xC, v5  }
0x482: {  	v40 =	vld.idx.msk [tilespmem:v16+s11+$0x0], $0xffff;
	v57 =	vmul.f32 $1.442695020e+00, v32;
	(erf) = vpow2.f32 v29;
	v29 =	vadd.s32 $0xC, v34  }
0x483: {  	v10 =	vld.idx.msk [tilespmem:v18+s11+$0x0], $0xffff;
	v11 =	vmax.f32 v11, v27;
	v27 =	vmul.f32 $1.442695020e+00, v28;
	(erf) = vpow2.f32 v22  }
0x484: {  	v45 =	vadd.s32 $0x8, v18;
	v9 =	vld.idx.msk [tilespmem:v31+s11+$0x0], $0xffff;
	(erf) = vpow2.f32 v24;
	v24 =	vmul.f32 $1.442695020e+00, v36  }
0x485: {  	v13 =	vmax.f32 v13, v28;
	v28 =	vld.idx.msk [tilespmem:v37+s11+$0x0], $0xffff;
	(erf) = vpow2.f32 v25;
	v25 =	vmul.f32 $1.442695020e+00, v38  }
0x486: {  	v59 =	vmul.f32 $1.442695020e+00, v35;
	v12 =	vmax.f32 v12, v32;
	v30 =	vld.idx.msk [tilespmem:v30+s11+$0x0], $0xffff;
	(erf) = vpow2.f32 v24  }
0x487: {  	v35 =	vmax.f32 v15, v35;
	(erf) = vpow2.f32 v25;
	v15 =	vld.idx.msk [tilespmem:v29+s11+$0x0], $0xffff;
	v29 =	vmul.f32 $1.442695020e+00, v40  }
0x488: {  	v12 =	vmax.f32 v12, v38;
	v13 =	vmax.f32 v13, v17;
	v17 =	vld.idx.msk [tilespmem:v39+s11+$0x0], $0xffff;
	(erf) = vpow2.f32 v23  }
0x489: {  	v11 =	vmax.f32 v11, v36;
	v20 =	vmul.f32 $1.442695020e+00, v9;
	v24 =	vpop (erf);
	(erf) = vpow2.f32 v27  }
0x48a: {  	v16 =	vld.idx.msk [tilespmem:v34+s11+$0x0], $0xffff;
	v26 =	vmax.f32 v13, v26;
	v42 =	vmul.f32 $1.442695020e+00, v28;
	v41 =	vpop (erf);
	(erf) = vpow2.f32 v29  }
0x48b: {  	v27 =	vmax.f32 v11, v28;
	v11 =	vmax.f32 v35, v40;
	v29 =	vpop (erf);
	(erf) = vpow2.f32 v59  }
0x48c: {  	v22 =	vmul.f32 $1.442695020e+00, v10;
	v23 =	vmax.f32 v12, v30;
	v12 =	vmul.f32 $1.442695020e+00, v58;
	v13 =	vpop (erf)  }
0x48d: {  	v46 =	vadd.s32 $0x4, v31;
	v36 =	vmul.f32 $1.442695020e+00, v17;
	v25 =	vld.idx.msk [tilespmem:v19+s11+$0x0], $0xffff;
	(erf) = vpow2.f32 v57;
	v61 =	vpop (erf)  }
0x48e: {  	v28 =	vmax.f32 v11, v58;
	v60 =	vmul.f32 $1.442695020e+00, v30;
	(erf) = vpow2.f32 v12;
	v11 =	vpop (erf)  }
0x48f: {  	v21 =	vadd.s32 $0x4, v34;
	v30 =	vmul.f32 $1.442695020e+00, v16;
	(erf) = vpow2.f32 v42;
	v35 =	vpop (erf)  }
0x490: {  	v43 =	vadd.f32 v41, v14;
	v38 =	vmul.f32 $1.442695020e+00, v15;
	v12 =	vadd.s32 $0x10, v31;
	v32 =	vpop (erf)  }
0x491: {  	v37 =	vadd.f32 v13, v14;
	v13 =	vadd.s32 $0x10, v18;
	(erf) = vpow2.f32 v60;
	v62 =	vpop (erf)  }
0x492: {  	v40 =	vmul.f32 $1.442695020e+00, v25;
	v33 =	vadd.f32 v61, v14;
	v47 =	vadd.f32 v11, v14;
	v63 =	vpop (erf)  }
0x493: {  	v11 =	vadd.s32 $0x10, v19;
	v14 =	vadd.s32 $0x10, v34;
	v34 =	vadd.s32 $0xC, v31;
	v39 =	vpop (erf)  }
0x494: {  	s1 =	simm.s32 $0x4;
	v41 =	vadd.f32 v62, v33;
	v33 =	vadd.s32 $0xC, v19;
	v42 =	vadd.f32 v63, v47;
	v31 =	vpop (erf)  }
.LBB2_13:
0x495: {  	v47 =	vld.idx.msk [tilespmem:v12+s11+$0x0], $0xffff;
	s1 =	sadd.s32 $0x4, s1;
	v48 =	vadd.s32 $0x4, v18;
	v49 =	vadd.s32 $0x4, v19;
	v43 =	vadd.f32 v31, v43;
	v31 =	vmovc v12  }
0x496: {  	v51 =	vadd.s32 $0x4, v14;
	v35 =	vadd.f32 v35, v41;
	v50 =	vld.idx.msk [tilespmem:v13+s11+$0x0], $0xffff;
	p0 =	slt.u32 s1, $0xF4;
	(erf) = vpow2.f32 v38;
	v38 =	vpop (erf)  }
0x497: {  	v41 =	vadd.s32 $0x8, v14;
	v29 =	vadd.f32 v29, v42;
	v44 =	vld.idx.msk [tilespmem:v44+s11+$0x0], $0xffff;
	v37 =	vadd.f32 v38, v37;
	v38 =	vpop (erf)  }
0x498: {  	v42 =	vadd.s32 $0x8, v19;
	v39 =	vadd.f32 v39, v43;
	v45 =	vld.idx.msk [tilespmem:v45+s11+$0x0], $0xffff;
	(erf) = vpow2.f32 v40;
	v40 =	vpop (erf)  }
0x499: {  	v19 =	vmovc v11;
	v43 =	vld.idx.msk [tilespmem:v46+s11+$0x0], $0xffff;
	v46 =	vadd.s32 $0xC, v18;
	v52 =	vadd.f32 v32, v37;
	v32 =	vadd.f32 v24, v29  }
0x49a: {  	v29 =	vadd.s32 $0xC, v14;
	v39 =	vadd.f32 v38, v39;
	v37 =	vld.idx.msk [tilespmem:v21+s11+$0x0], $0xffff;
	(erf) = vpow2.f32 v36;
	v21 =	vpop (erf)  }
0x49b: {  	v18 =	vmovc v13;
	v24 =	vmul.f32 $1.442695020e+00, v47;
	v36 =	vld.idx.msk [tilespmem:v48+s11+$0x0], $0xffff;
	(erf) = vpow2.f32 v22;
	v48 =	vadd.f32 v21, v52;
	v21 =	vmovc v51  }
0x49c: {  	v35 =	vadd.f32 v40, v35;
	v22 =	vmul.f32 $1.442695020e+00, v50;
	v38 =	vld.idx.msk [tilespmem:v49+s11+$0x0], $0xffff;
	(erf) = vpow2.f32 v20  }
0x49d: {  	v25 =	vmax.f32 v28, v25;
	v40 =	vmul.f32 $1.442695020e+00, v44;
	v20 =	vmovc v24;
	v28 =	vld.idx.msk [tilespmem:v42+s11+$0x0], $0xffff;
	(erf) = vpow2.f32 v30  }
0x49e: {  	v26 =	vmax.f32 v26, v16;
	v49 =	vmax.f32 v27, v9;
	v9 =	vmovc v47;
	v27 =	vmul.f32 $1.442695020e+00, v45;
	v30 =	vld.idx.msk [tilespmem:v46+s11+$0x0], $0xffff  }
0x49f: {  	v23 =	vmax.f32 v23, v10;
	v42 =	vmul.f32 $1.442695020e+00, v43;
	v43 =	vmax.f32 v49, v43;
	v16 =	vld.idx.msk [tilespmem:v14+s11+$0x0], $0xffff;
	v24 =	vpop (erf)  }
0x4a0: {  	v10 =	vmovc v50;
	v46 =	vmul.f32 $1.442695020e+00, v37;
	v26 =	vmax.f32 v26, v37;
	v34 =	vld.idx.msk [tilespmem:v34+s11+$0x0], $0xffff;
	(erf) = vpow2.f32 v40  }
0x4a1: {  	v37 =	vmul.f32 $1.442695020e+00, v36;
	v23 =	vmax.f32 v23, v36;
	v33 =	vld.idx.msk [tilespmem:v33+s11+$0x0], $0xffff;
	v47 =	vpop (erf);
	(erf) = vpow2.f32 v27  }
0x4a2: {  	v26 =	vmax.f32 v26, v17;
	v40 =	vmul.f32 $1.442695020e+00, v38;
	v38 =	vmax.f32 v25, v38;
	v36 =	vld.idx.msk [tilespmem:v29+s11+$0x0], $0xffff  }
0x4a3: {  	v23 =	vmax.f32 v23, v45;
	v27 =	vmul.f32 $1.442695020e+00, v28;
	v17 =	vld.idx.msk [tilespmem:v41+s11+$0x0], $0xffff;
	(erf) = vpow2.f32 v42;
	v29 =	vpop (erf)  }
0x4a4: {  	v41 =	vmul.f32 $1.442695020e+00, v30;
	v23 =	vmax.f32 v23, v30;
	v25 =	vld.idx.msk [tilespmem:v11+s11+$0x0], $0xffff;
	v42 =	vpop (erf);
	(erf) = vpow2.f32 v46  }
0x4a5: {  	v45 =	vmax.f32 v43, v44;
	v26 =	vmax.f32 v26, v15;
	v44 =	vpop (erf);
	(erf) = vpow2.f32 v27  }
0x4a6: {  	v30 =	vmul.f32 $1.442695020e+00, v16;
	v27 =	vmax.f32 v45, v34;
	v43 =	vpop (erf);
	(erf) = vpow2.f32 v40  }
0x4a7: {  	v45 =	vmax.f32 v38, v28;
	v34 =	vmul.f32 $1.442695020e+00, v34;
	v40 =	vmul.f32 $1.442695020e+00, v33  }
0x4a8: {  	v28 =	vmax.f32 v45, v33;
	v38 =	vmul.f32 $1.442695020e+00, v36;
	v15 =	vmovc v36;
	(erf) = vpow2.f32 v37  }
0x4a9: {  	v33 =	vadd.f32 v44, v35;
	v36 =	vmul.f32 $1.442695020e+00, v17;
	v35 =	vpop (erf);
	(erf) = vpow2.f32 v40  }
0x4aa: {  	v49 =	vadd.f32 v43, v32;
	v40 =	vmul.f32 $1.442695020e+00, v25;
	v32 =	vpop (erf);
	(erf) = vpow2.f32 v34  }
.Ltmp7:
0x4ab: {  	v12 =	vadd.s32 $0x10, v12;
	v11 =	vadd.s32 $0x10, v11;
	v37 =	vadd.f32 v42, v48;
	(pc) =	sbr.rel @p0 .LBB2_13-.Ltmp7, $4  }
0x4ac: {  	v13 =	vadd.s32 $0x10, v13;
	v34 =	vpop (erf);
	(erf) = vpow2.f32 v41  }
0x4ad: {  	v44 =	vadd.s32 $0x8, v31;
	v43 =	vadd.f32 v47, v39;
	v41 =	vadd.f32 v34, v33;
	v42 =	vpop (erf)  }
0x4ae: {  	v14 =	vadd.s32 $0x10, v14;
	v45 =	vadd.s32 $0x8, v18;
	v33 =	vadd.s32 $0xC, v19;
	v39 =	vpop (erf)  }
0x4af: {  	v46 =	vadd.s32 $0x4, v31;
	v34 =	vadd.s32 $0xC, v31;
	v42 =	vadd.f32 v42, v49;
	v31 =	vpop (erf)  }
0x4b0: {  	_ =	sdelay $0x3  }
0x4b1: {  	v47 =	vadd.s32 $0x8, v19;
	v44 =	vld.idx.msk [tilespmem:v44+s11+$0x0], $0xffff  }
0x4b2: {  	v19 =	vadd.s32 $0x4, v19;
	(erf) = vpow2.f32 v38  }
0x4b3: {  	v38 =	vld.idx.msk [tilespmem:v45+s11+$0x0], $0xffff;
	(erf) = vpow2.f32 v40  }
0x4b4: {  	v40 =	vld.idx.msk [tilespmem:v46+s11+$0x0], $0xffff;
	(erf) = vpow2.f32 v36  }
0x4b5: {  	v48 =	vadd.s32 $0x4, v18;
	v21 =	vld.idx.msk [tilespmem:v21+s11+$0x0], $0xffff;
	(erf) = vpow2.f32 v22  }
0x4b6: {  	(erf) = vpow2.f32 v20;
	v22 =	vld.idx.msk [tilespmem:v47+s11+$0x0], $0xffff;
	v20 =	vmul.f32 $1.442695020e+00, v44  }
0x4b7: {  	v19 =	vld.idx.msk [tilespmem:v19+s11+$0x0], $0xffff  }
0x4b8: {  	v55 =	vpop (erf);
	(erf) = vpow2.f32 v30;
	v56 =	vmul.f32 $1.442695020e+00, v38  }
0x4b9: {  	v18 =	vadd.s32 $0xC, v18;
	v57 =	vpop (erf);
	v58 =	vmul.f32 $1.442695020e+00, v40;
	(erf) = vpow2.f32 v20  }
0x4ba: {  	v45 =	vld.idx.msk [tilespmem:v48+s11+$0x0], $0xffff;
	v59 =	vmul.f32 $1.442695020e+00, v21;
	v20 =	vpop (erf);
	(erf) = vpow2.f32 v56  }
0x4bb: {  	v60 =	vpop (erf);
	(erf) = vpow2.f32 v58;
	v61 =	vmul.f32 $1.442695020e+00, v22  }
0x4bc: {  	v33 =	vld.idx.msk [tilespmem:v33+s11+$0x0], $0xffff;
	v31 =	vadd.f32 v31, v43;
	v62 =	vmul.f32 $1.442695020e+00, v19;
	v43 =	vpop (erf);
	(erf) = vpow2.f32 v59  }
0x4bd: {  	v34 =	vld.idx.msk [tilespmem:v34+s11+$0x0], $0xffff;
	v63 =	vpop (erf);
	(erf) = vpow2.f32 v61  }
0x4be: {  	v35 =	vadd.f32 v35, v41;
	v25 =	vmax.f32 v28, v25;
	v18 =	vld.idx.msk [tilespmem:v18+s11+$0x0], $0xffff;
	v50 =	vpop (erf);
	(erf) = vpow2.f32 v62  }
0x4bf: {  	v9 =	vmax.f32 v27, v9;
	v16 =	vmax.f32 v26, v16;
	v49 =	vmul.f32 $1.442695020e+00, v45;
	v51 =	vpop (erf)  }
0x4c0: {  	v10 =	vmax.f32 v23, v10;
	v29 =	vadd.f32 v29, v42;
	v31 =	vadd.f32 v39, v31;
	v53 =	vpop (erf)  }
0x4c1: {  	v36 =	vadd.f32 v55, v37;
	v52 =	vmul.f32 $1.442695020e+00, v33;
	(erf) = vpow2.f32 v49;
	v56 =	vpop (erf)  }
0x4c2: {  	v24 =	vadd.f32 v24, v29;
	v31 =	vadd.f32 v57, v31;
	v54 =	vmul.f32 $1.442695020e+00, v34;
	v57 =	vpop (erf)  }
0x4c3: {  	v32 =	vadd.f32 v32, v36;
	v55 =	vmul.f32 $1.442695020e+00, v18;
	(erf) = vpow2.f32 v52;
	v58 =	vpop (erf)  }
0x4c4: {  	v23 =	vmax.f32 v9, v40;
	v9 =	vmax.f32 v16, v21;
	(erf) = vpow2.f32 v54;
	v59 =	vpop (erf)  }
0x4c5: {  	v16 =	vmax.f32 v25, v19;
	v30 =	vadd.f32 v60, v32;
	(erf) = vpow2.f32 v55;
	v19 =	vpop (erf)  }
0x4c6: {  	v10 =	vmax.f32 v10, v45;
	v60 =	vadd.f32 v63, v31;
	v21 =	vadd.f32 v56, v24;
	v61 =	vpop (erf)  }
0x4c7: {  	v17 =	vmax.f32 v9, v17;
	v20 =	vadd.f32 v20, v35;
	v9 =	vmax.f32 v10, v38;
	v62 =	vpop (erf)  }
0x4c8: {  	v9 =	vmax.f32 v9, v18;
	v18 =	vadd.f32 v19, v21;
	v19 =	vadd.f32 v62, v60  }
0x4c9: {  	v10 =	vadd.f32 v53, v20;
	v20 =	vadd.f32 v51, v30  }
0x4ca: {  	v23 =	vmax.f32 v23, v44;
	v21 =	vpop (erf);
	v19 =	vadd.f32 v61, v19  }
0x4cb: {  	v63 =	vadd.f32 v59, v10;
	v20 =	vadd.f32 v21, v20  }
0x4cc: {  	v10 =	vmax.f32 v17, v15;
	v17 =	vadd.f32 v50, v18;
	v18 =	vpop (erf)  }
0x4cd: {  	v15 =	vmax.f32 v23, v34;
	v21 =	vadd.f32 v57, v63;
	v23 =	vpop (erf);
	v20 =	vadd.f32 v58, v20  }
0x4ce: {  	v22 =	vmax.f32 v16, v22;
	v16 =	vadd.f32 v43, v17;
	v17 =	vadd.f32 v18, v19;
	v19 =	vpop (erf)  }
0x4cf: {  	s1 =	simm.s32 $0x2;
	v18 =	vmax.f32 v22, v33;
	v20 =	vadd.f32 v19, v20;
	v19 =	vadd.f32 v23, v21  }
.LBB2_15:
0x4d0: {  	_ = 	snop  }
0x4d1: {  	v21 =	vld.idx.msk [tilespmem:v13+s11+$0x0], $0xffff  }
0x4d2: {  	v22 =	vld.idx.msk [tilespmem:v11+s11+$0x0], $0xffff  }
0x4d3: {  	v23 =	vld.idx.msk [tilespmem:v14+s11+$0x0], $0xffff  }
0x4d4: {  	v24 =	vld.idx.msk [tilespmem:v12+s11+$0x0], $0xffff;
	_ =	sdelay $0x1  }
0x4d5: {  	v25 =	vmul.f32 $1.442695020e+00, v21  }
0x4d6: {  	v26 =	vmul.f32 $1.442695020e+00, v22  }
0x4d7: {  	v61 =	vmul.f32 $1.442695020e+00, v23;
	(erf) = vpow2.f32 v25  }
0x4d8: {  	v62 =	vmul.f32 $1.442695020e+00, v24;
	(erf) = vpow2.f32 v26  }
0x4d9: {  	(erf) = vpow2.f32 v61  }
0x4da: {  	(erf) = vpow2.f32 v62;
	_ =	sdelay $0x4  }
0x4db: {  	p0 =	sne.s32 s1, $0x1  }
.Ltmp8:
0x4dc: {  	v63 =	vpop (erf);
	(pc) =	sbr.rel @p0 .LBB2_15-.Ltmp8, $4  }
0x4dd: {  	v13 =	vadd.s32 $0x4, v13;
	v11 =	vadd.s32 $0x4, v11;
	v14 =	vadd.s32 $0x4, v14;
	v26 =	vpop (erf)  }
0x4de: {  	v12 =	vadd.s32 $0x4, v12;
	v9 =	vmax.f32 v9, v21;
	v18 =	vmax.f32 v18, v22;
	v27 =	vpop (erf)  }
0x4df: {  	v10 =	vmax.f32 v10, v23;
	v20 =	vadd.f32 v63, v20;
	v17 =	vadd.f32 v26, v17;
	v21 =	vpop (erf)  }
0x4e0: {  	s1 =	sadd.s32 $0xFFFFFFFF, s1;
	v15 =	vmax.f32 v15, v24;
	v16 =	vadd.f32 v27, v16;
	v19 =	vadd.f32 v21, v19  }
0x4e1: {  	v9 =	vmax.f32 v9, v18;
	v10 =	vmax.f32 v10, v15  }
0x4e2: {  	v11 =	vadd.f32 v17, v20;
	v12 =	vadd.f32 v19, v16;
	v10 =	vmax.f32 v9, v10  }
0x4e3: {  	v9 =	vmul.f32 $1.442695020e+00, v10  }
0x4e4: {  	v13 =	vld [tilespmem:s0+$0x10010];
	v11 =	vadd.f32 v12, v11  }
0x4e5: {  	(erf) = vpow2.f32 v9  }
0x4e6: {  	(erf) = vrcp.f32 v11;
	_ =	sdelay $0x2  }
0x4e7: {  	v9 =	vadd.s32 v5, v13;
	_ =	sdelay $0x4  }
0x4e8: {  	v62 =	vld.idx.msk [tilespmem:v9+s11+$0x0], $0xffff;
	v11 =	vpop (erf)  }
0x4e9: {  	v9 =	vpop (erf)  }
0x4ea: {  	v9 =	vmul.f32 v11, v9;
	_ =	sdelay $0x1  }
0x4eb: {  	vm0 =	vgt.f32 v9, $0.0e+00;
	vm1 =	vle.f32 v9, $6.666667010e-02  }
0x4ec: {  	vm2 =	veq.f32 v62, v10;
	vm0 =	vmand vm0, vm1  }
0x4ed: {  	v10 =	vsel vm2, $0x3F800000, v1;
	v11 =	vsel vm0, $0x3F800000, v1  }
0x4ee: {  	vm10 =	vgt.f32 v9, $6.666667010e-02;
	vm11 =	vle.f32 v9, $1.333333400e-01;
	[tilespmem:s12+$0x0] =	vst.add.f32.msk $0xffff, v11;
	v11 =	vnsel vm0, $0x0, v9  }
0x4ef: {  	vm12 =	vmand vm10, vm11;
	[tilespmem:s2+$0x0] =	vst.add.f32.msk $0xffff, v11;
	v11 =	vnsel vm0, $0x0, v10  }
0x4f0: {  	[tilespmem:s3+$0x0] =	vst.add.f32.msk $0xffff, v11;
	v11 =	vsel vm12, $0x3F800000, v1  }
0x4f1: {  	vm13 =	vgt.f32 v9, $1.333333400e-01;
	vm14 =	vle.f32 v9, $2.000000180e-01;
	[tilespmem:s4+$0x0] =	vst.add.f32.msk $0xffff, v11;
	v11 =	vnsel vm12, $0x0, v9  }
0x4f2: {  	vm15 =	vmand vm13, vm14;
	[tilespmem:s5+$0x0] =	vst.add.f32.msk $0xffff, v11;
	v11 =	vnsel vm12, $0x0, v10  }
0x4f3: {  	[tilespmem:s6+$0x0] =	vst.add.f32.msk $0xffff, v11;
	v11 =	vsel vm15, $0x3F800000, v1  }
0x4f4: {  	vm4 =	vgt.f32 v9, $2.000000180e-01;
	vm5 =	vle.f32 v9, $2.666666810e-01;
	[tilespmem:s7+$0x0] =	vst.add.f32.msk $0xffff, v11;
	v11 =	vnsel vm15, $0x0, v9  }
0x4f5: {  	vm6 =	vmand vm4, vm5;
	[tilespmem:s8+$0x0] =	vst.add.f32.msk $0xffff, v11;
	v11 =	vnsel vm15, $0x0, v10  }
0x4f6: {  	[tilespmem:s9+$0x0] =	vst.add.f32.msk $0xffff, v11;
	v11 =	vsel vm6, $0x3F800000, v1  }
0x4f7: {  	vm7 =	vgt.f32 v9, $2.666666810e-01;
	vm8 =	vle.f32 v9, $3.333333430e-01;
	[tilespmem:s10+$0x0] =	vst.add.f32.msk $0xffff, v11;
	v11 =	vnsel vm6, $0x0, v9  }
0x4f8: {  	vm9 =	vmand vm7, vm8;
	[tilespmem:s13+$0x0] =	vst.add.f32.msk $0xffff, v11;
	v11 =	vnsel vm6, $0x0, v10  }
0x4f9: {  	[tilespmem:s14+$0x0] =	vst.add.f32.msk $0xffff, v11;
	v11 =	vsel vm9, $0x3F800000, v1  }
0x4fa: {  	vm10 =	vgt.f32 v9, $3.333333430e-01;
	vm11 =	vle.f32 v9, $4.000000360e-01;
	[tilespmem:s15+$0x0] =	vst.add.f32.msk $0xffff, v11;
	v11 =	vnsel vm9, $0x0, v9  }
0x4fb: {  	vm12 =	vmand vm10, vm11;
	[tilespmem:s16+$0x0] =	vst.add.f32.msk $0xffff, v11;
	v11 =	vnsel vm9, $0x0, v10  }
0x4fc: {  	[tilespmem:s17+$0x0] =	vst.add.f32.msk $0xffff, v11;
	v11 =	vsel vm12, $0x3F800000, v1  }
0x4fd: {  	vm13 =	vgt.f32 v9, $4.000000360e-01;
	vm14 =	vle.f32 v9, $4.666666980e-01;
	[tilespmem:s18+$0x0] =	vst.add.f32.msk $0xffff, v11;
	v11 =	vnsel vm12, $0x0, v9  }
0x4fe: {  	vm15 =	vmand vm13, vm14;
	[tilespmem:s19+$0x0] =	vst.add.f32.msk $0xffff, v11;
	v11 =	vnsel vm12, $0x0, v10  }
0x4ff: {  	[tilespmem:s20+$0x0] =	vst.add.f32.msk $0xffff, v11;
	v11 =	vsel vm15, $0x3F800000, v1  }
0x500: {  	vm4 =	vgt.f32 v9, $4.666666980e-01;
	vm5 =	vle.f32 v9, $5.333333610e-01;
	[tilespmem:s21+$0x0] =	vst.add.f32.msk $0xffff, v11;
	v11 =	vnsel vm15, $0x0, v9  }
0x501: {  	vm6 =	vmand vm4, vm5;
	[tilespmem:s22+$0x0] =	vst.add.f32.msk $0xffff, v11;
	v11 =	vnsel vm15, $0x0, v10  }
0x502: {  	[tilespmem:s23+$0x0] =	vst.add.f32.msk $0xffff, v11;
	v11 =	vsel vm6, $0x3F800000, v1  }
0x503: {  	vm7 =	vgt.f32 v9, $5.333333610e-01;
	vm8 =	vle.f32 v9, $6.000000240e-01;
	[tilespmem:s24+$0x0] =	vst.add.f32.msk $0xffff, v11;
	v11 =	vnsel vm6, $0x0, v9  }
0x504: {  	vm9 =	vmand vm7, vm8;
	[tilespmem:s25+$0x0] =	vst.add.f32.msk $0xffff, v11;
	v11 =	vnsel vm6, $0x0, v10  }
0x505: {  	[tilespmem:s31+$0x0] =	vst.add.f32.msk $0xffff, v11;
	v11 =	vsel vm9, $0x3F800000, v1  }
0x506: {  	vm10 =	vgt.f32 v9, $6.000000240e-01;
	vm11 =	vle.f32 v9, $6.666666860e-01;
	s8 =	simm.s32 $0x10D00;
	[tilespmem:s30+$0x0] =	vst.add.f32.msk $0xffff, v11;
	v11 =	vnsel vm9, $0x0, v9  }
0x507: {  	s9 =	simm.s32 $0x11500;
	vm12 =	vmand vm10, vm11;
	[tilespmem:s8+$0x0] =	vst.add.f32.msk $0xffff, v11;
	v11 =	vnsel vm9, $0x0, v10  }
0x508: {  	s10 =	simm.s32 $0x10580;
	[tilespmem:s9+$0x0] =	vst.add.f32.msk $0xffff, v11;
	v11 =	vsel vm12, $0x3F800000, v1  }
0x509: {  	vm13 =	vgt.f32 v9, $6.666666860e-01;
	vm14 =	vle.f32 v9, $7.333333490e-01;
	s13 =	simm.s32 $0x10D80;
	[tilespmem:s10+$0x0] =	vst.add.f32.msk $0xffff, v11;
	v11 =	vnsel vm12, $0x0, v9  }
0x50a: {  	s14 =	simm.s32 $0x11580;
	vm15 =	vmand vm13, vm14;
	[tilespmem:s13+$0x0] =	vst.add.f32.msk $0xffff, v11;
	v11 =	vnsel vm12, $0x0, v10  }
0x50b: {  	s15 =	simm.s32 $0x10600;
	[tilespmem:s14+$0x0] =	vst.add.f32.msk $0xffff, v11;
	v11 =	vsel vm15, $0x3F800000, v1  }
0x50c: {  	vm4 =	vgt.f32 v9, $7.333333490e-01;
	vm5 =	vle.f32 v9, $8.000000710e-01;
	s16 =	simm.s32 $0x10E00;
	[tilespmem:s15+$0x0] =	vst.add.f32.msk $0xffff, v11;
	v11 =	vnsel vm15, $0x0, v9  }
0x50d: {  	s17 =	simm.s32 $0x11600;
	vm6 =	vmand vm4, vm5;
	[tilespmem:s16+$0x0] =	vst.add.f32.msk $0xffff, v11;
	v11 =	vnsel vm15, $0x0, v10  }
0x50e: {  	s18 =	simm.s32 $0x10680;
	[tilespmem:s17+$0x0] =	vst.add.f32.msk $0xffff, v11;
	v11 =	vsel vm6, $0x3F800000, v1  }
0x50f: {  	vm7 =	vgt.f32 v9, $8.000000710e-01;
	vm8 =	vle.f32 v9, $8.666667340e-01;
	s19 =	simm.s32 $0x10E80;
	[tilespmem:s18+$0x0] =	vst.add.f32.msk $0xffff, v11;
	v11 =	vnsel vm6, $0x0, v9  }
0x510: {  	s20 =	simm.s32 $0x11680;
	vm9 =	vmand vm7, vm8;
	[tilespmem:s19+$0x0] =	vst.add.f32.msk $0xffff, v11;
	v11 =	vnsel vm6, $0x0, v10  }
0x511: {  	s21 =	simm.s32 $0x10700;
	[tilespmem:s20+$0x0] =	vst.add.f32.msk $0xffff, v11;
	v11 =	vsel vm9, $0x3F800000, v1  }
0x512: {  	vm10 =	vgt.f32 v9, $8.666667340e-01;
	vm11 =	vle.f32 v9, $9.333333960e-01;
	s22 =	simm.s32 $0x10F00;
	[tilespmem:s21+$0x0] =	vst.add.f32.msk $0xffff, v11;
	v11 =	vnsel vm9, $0x0, v9  }
0x513: {  	s23 =	simm.s32 $0x11700;
	vm12 =	vmand vm10, vm11;
	[tilespmem:s22+$0x0] =	vst.add.f32.msk $0xffff, v11;
	v11 =	vnsel vm9, $0x0, v10  }
0x514: {  	s24 =	simm.s32 $0x10780;
	[tilespmem:s23+$0x0] =	vst.add.f32.msk $0xffff, v11;
	v11 =	vsel vm12, $0x3F800000, v1  }
0x515: {  	p0 =	sne.s32 s29, $0x1C;
	vm13 =	vgt.f32 v9, $9.333333960e-01;
	vm14 =	vle.f32 v9, $1.000000000e+00;
	s25 =	simm.s32 $0x10F80;
	[tilespmem:s24+$0x0] =	vst.add.f32.msk $0xffff, v11;
	v11 =	vnsel vm12, $0x0, v9  }
.Ltmp9:
0x516: {  	s30 =	simm.s32 $0x11780;
	v63 =	vnsel vm12, $0x0, v10;
	vm15 =	vmand vm13, vm14;
	[tilespmem:s25+$0x0] =	vst.add.f32.msk $0xffff, v11;
	(pc) =	sbr.rel @p0 .LBB2_2-.Ltmp9, $4  }
.Ltmp10:
0x517: {  	s31 =	simm.s32 $0x10800;
	v11 =	vsel vm15, $0x3F800000, v1;
	[tilespmem:s30+$0x0] =	vst.add.f32.msk $0xffff, v63;
	(pc) =	sbr.rel @!p0 .LBB2_17-.Ltmp10, $4  }
0x518: {  	v9 =	vnsel vm15, $0x0, v9;
	[tilespmem:s31+$0x0] =	vst.add.f32.msk $0xffff, v11  }
0x519: {  	[tilespmem:s26+$0x0] =	vst.add.f32.msk $0xffff, v9;
	v9 =	vnsel vm15, $0x0, v10  }
0x51a: {  	[tilespmem:s28+$0x0] =	vst.add.f32.msk $0xffff, v9  }
0x51b: {  	_ = 	snop  }
.LBB2_5:
0x51c: {  	s2 =	simm.s32 $0x10900;
	s3 =	simm.s32 $0x11100;
	s4 =	simm.s32 $0x10180  }
0x51d: {  	s5 =	simm.s32 $0x10980;
	s6 =	simm.s32 $0x11180;
	s7 =	simm.s32 $0x10200  }
0x51e: {  	s8 =	simm.s32 $0x10A00;
	s9 =	simm.s32 $0x11200;
	s10 =	simm.s32 $0x10280  }
.Ltmp11:
0x51f: {  	s13 =	simm.s32 $0x10A80;
	s14 =	simm.s32 $0x11280;
	(pc) =	sbr.rel .LBB2_10-.Ltmp11, $4  }
0x520: {  	s15 =	simm.s32 $0x10300;
	s16 =	simm.s32 $0x10B00;
	s17 =	simm.s32 $0x11300  }
0x521: {  	s18 =	simm.s32 $0x10380;
	s19 =	simm.s32 $0x10B80;
	s20 =	simm.s32 $0x11380  }
0x522: {  	s21 =	simm.s32 $0x10400;
	s22 =	simm.s32 $0x10C00;
	s23 =	simm.s32 $0x11400  }
0x523: {  	v51 =	vmovc v0;
	v52 =	vmovc v2;
	v26 =	vimm.f32 $-Inf;
	v27 =	vimm.f32 $-Inf;
	v21 =	vimm.f32 $-Inf;
	s24 =	simm.s32 $0x10480;
	s25 =	simm.s32 $0x10C80;
	s31 =	simm.s32 $0x11480  }
.LBB2_7:
.Ltmp12:
0x524: {  	(pc) =	sbr.rel .LBB2_10-.Ltmp12, $4  }
0x525: {  	v51 =	vmov v12;
	v12 =	vmov v35;
	s15 =	simm.s32 $0x10300;
	s16 =	simm.s32 $0x10B00  }
0x526: {  	v52 =	vmov v11;
	v11 =	vmov v30;
	s17 =	simm.s32 $0x11300;
	s18 =	simm.s32 $0x10380;
	s19 =	simm.s32 $0x10B80  }
0x527: {  	v18 =	vmov v34;
	s20 =	simm.s32 $0x11380;
	s21 =	simm.s32 $0x10400;
	s22 =	simm.s32 $0x10C00  }
0x528: {  	v49 =	vmovc v23;
	v48 =	vmovc v24;
	v35 =	vmov v19;
	v34 =	vmov v20;
	v30 =	vmov v29;
	s23 =	simm.s32 $0x11400;
	s24 =	simm.s32 $0x10480;
	s25 =	simm.s32 $0x10C80  }
.LBB2_18:
0x529: {  	_ =	sfence.sel $0x180000  }
0x52a: {  	[bflag:$0x0] =	sbarrier.arrive $0xFFFF  }
0x52b: {  	_ =	strace $0x90000047  }
0x52c: {  	s0 =	stileid.u32;
	[bflag:$0x2] =	sbarrier.arrive $0xFFFF  }
0x52d: {  	p0 =	sne.s32 s0, $0x0;
	s0 =	rddreg [dreg:$0x2]  }
0x52e: {  	s0 =	sadd.s32 @!p0 $0x100000, s0  }
0x52f: {  	[sflag:s0] =	ssyncadd.tile.s32 @!p0 $0x1;
	_ =	shalt  }
.Lfunc_end2:
_tile_overlayer_lowered:
.L_overlay_start_2:
0x530: {  	(tag) =	ssettag $0x2  }
0x531: {  	s0 =	rddreg [dreg:$0x0];
	s2 =	stileid.u32  }
0x532: {  	s1 =	rddreg [dreg:$0x1];
	p0 =	sne.s32 s2, $0x0  }
0x533: {  	s3 =	rddreg [dreg:$0x2];
	[bflag:$0x3] =	sbarrier.arrive $0xFFFF;
	s2 =	simm.s32 @!p0 $0x1C05  }
0x534: {  	[timem:s3], [sflag:s2] =	dma.local @!p0 [hbm:s0], s1  }
0x535: {  	s0 =	simm.s32 @!p0 $0x5  }
0x536: {  	_ =	swait.ge @!p0 [sflag:s0], s1  }
0x537: {  	s1 =	ssub.s32 @!p0 $0x0, s1;
	[sflag:s0] =	ssyncset.done @!p0 $0x0  }
0x538: {  	[sflag:s0] =	ssyncadd.s32 @!p0 s1  }
0x539: {  	[bflag:$0x3] =	sbarrier.arrive $0xFFFF  }
0x53a: {  	_ =	shalt  }

</sc_bundles>
